<compile_context>
chip_gen: v7x
topology: tpu7x:2x2x1
jax: 0.10.2.dev20260603
libtpu: 0.0.44.dev20260713+nightly
codegen_flags: <defaults>
</compile_context>

<pallas_src>
import functools

import jax
import jax.numpy as jnp
from jax import lax
from jax.experimental import pallas as pl
from jax.experimental.pallas import tpu as pltpu
from jax.experimental.pallas import tpu_sc as plsc

VOCAB = 1000
D = 1000
DM = 896
DT = 128
N_ROWS = 1024 * 200
B = 1024
L = 200

_info = plsc.get_sparse_core_info()
NC, NS = _info.num_cores, _info.num_subcores
NW = NC * NS
K_PARTS = 4
P_ROWS = N_ROWS // K_PARTS
B_P = B // K_PARTS
ROWS_PER_W = P_ROWS // NW
CH = 40
N_CHUNKS = ROWS_PER_W // CH
T = N_CHUNKS // 2


@functools.partial(
    pl.kernel,
    mesh=plsc.VectorSubcoreMesh(core_axis_name="c", subcore_axis_name="s"),
    out_type=jax.ShapeDtypeStruct((P_ROWS, DM), jnp.float32),
    scratch_types=[
        pltpu.VMEM((CH,), jnp.int32),
        pltpu.VMEM((CH,), jnp.int32),
        pltpu.VMEM((CH, DM), jnp.float32),
        pltpu.VMEM((CH, DM), jnp.float32),
        pltpu.SemaphoreType.DMA,
        pltpu.SemaphoreType.DMA,
        pltpu.SemaphoreType.DMA,
        pltpu.SemaphoreType.DMA,
        pltpu.SemaphoreType.DMA,
        pltpu.SemaphoreType.DMA,
    ],
)
def _gather_rows(idx_hbm, tmain_hbm, out_hbm,
                 ib0, ib1, mb0, mb1, is0, is1, gs0, gs1, os0, os1):
    wid = lax.axis_index("s") * NC + lax.axis_index("c")
    base = wid * ROWS_PER_W
    ib = (ib0, ib1)
    mb = (mb0, mb1)
    isem = (is0, is1)
    gsem = (gs0, gs1)
    osem = (os0, os1)

    def idx_start(b, g):
        pltpu.async_copy(idx_hbm.at[pl.ds(base + g * CH, CH)], ib[b], isem[b])

    def idx_wait(b):
        pltpu.make_async_copy(idx_hbm.at[pl.ds(0, CH)], ib[b], isem[b]).wait()

    def gather_start(b):
        pltpu.async_copy(tmain_hbm.at[ib[b]], mb[b], gsem[b])

    def gather_wait(b):
        pltpu.make_async_copy(tmain_hbm.at[ib[b]], mb[b], gsem[b]).wait()

    def out_start(b, g):
        pltpu.async_copy(mb[b], out_hbm.at[pl.ds(base + g * CH, CH)], osem[b])

    def out_wait(b):
        pltpu.make_async_copy(mb[b], out_hbm.at[pl.ds(0, CH)], osem[b]).wait()

    idx_start(0, 0)
    idx_wait(0)
    gather_start(0)
    idx_start(1, 1)

    def body(t, carry):
        a = 2 * t

        gather_wait(0)
        idx_wait(1)

        @pl.when(t >= 1)
        def _():
            out_wait(1)

        gather_start(1)
        out_start(0, a)

        @pl.when(t < T - 1)
        def _():
            idx_start(0, a + 2)

        gather_wait(1)

        @pl.when(t < T - 1)
        def _():
            idx_wait(0)
            out_wait(0)
            gather_start(0)
            idx_start(1, a + 3)

        out_start(1, a + 1)
        return carry

    lax.fori_loop(0, T, body, 0)

    out_wait(0)
    out_wait(1)


def _transpose_part(k):

    LB = 8

    def body(*refs):
        main_ref, idx_ref, tailt_ref, out_ref = refs[-4:]
        for i in range(LB):
            out_ref[i, :DM, :] = main_ref[:, i, :].T
            row = idx_ref[i, :]
            oh = (lax.broadcasted_iota(jnp.int32, (VOCAB, B_P), 0)
                  == row[None, :]).astype(jnp.float32)
            res = lax.dot_general(
                tailt_ref[...], oh, (((1,), (0,)), ((), ())),
                preferred_element_type=jnp.float32,
                precision=lax.Precision.HIGHEST)
            out_ref[i, DM:D, :] = res[: D - DM, :]

    prev_specs = [] if k == 0 else [pl.BlockSpec(memory_space=pl.ANY)]
    return pl.pallas_call(
        body,
        grid=(L // LB,),
        in_specs=prev_specs + [
            pl.BlockSpec((B_P, LB, DM), lambda l: (0, l, 0)),
            pl.BlockSpec((LB, B_P), lambda l: (l, 0)),
            pl.BlockSpec((DT, VOCAB), lambda l: (0, 0)),
        ],
        out_specs=pl.BlockSpec((LB, D, B_P), lambda l: (l, 0, k)),
        out_shape=jax.ShapeDtypeStruct((L, D, B), jnp.float32),
        input_output_aliases={} if k == 0 else {0: 0},
        compiler_params=pltpu.CompilerParams(
            dimension_semantics=("arbitrary",)),
    )


def kernel(idx, targets, table):
    flat = idx.reshape(N_ROWS)
    table_main = table[:, :DM]
    tail_t = jnp.pad(table[:, DM:].T, ((0, DT - (D - DM)), (0, 0)))
    out3 = None
    for k in range(K_PARTS):
        main = _gather_rows(
            lax.dynamic_slice(flat, (k * P_ROWS,), (P_ROWS,)), table_main)
        main3 = main.reshape(B_P, L, DM)
        idx_t = idx[k * B_P:(k + 1) * B_P, :].T
        if out3 is None:
            out3 = _transpose_part(0)(main3, idx_t, tail_t)
        else:
            out3 = _transpose_part(k)(out3, main3, idx_t, tail_t)
    return jnp.transpose(out3, (2, 0, 1))

# --- scband reference (transcript-rebuilt; emitter-appended) ---
"""Pipeline reference for scband-bigram-language-model-5978594476115 (READ-ONLY COPY).

The authoritative reference and input builder live on the scoring server;
editing this copy changes nothing except your own understanding.
"""

import jax, jax.numpy as jnp
import numpy as np

VOCAB = 1000
B = 1024
L = 200

def setup_inputs(seed: int = 0) -> dict:
    key = jax.random.key(seed)
    k1, k2, k3 = jax.random.split(key, 3)
    idx = jax.random.randint(k1, (B, L), 0, VOCAB, dtype=jnp.int64 if jax.config.jax_enable_x64 else jnp.int32).astype(jnp.int32)
    targets = jax.random.randint(k2, (B, L), 0, VOCAB, dtype=jnp.int32)
    table = jax.random.normal(k3, (VOCAB, VOCAB), dtype=jnp.float32)
    return {"idx": idx, "targets": targets, "table": table}

def reference(idx, targets, table):
    # BigramLanguageModel.forward: logits = token_embedding_table(idx)
    logits = jnp.take(table, idx, axis=0)
    return logits

if __name__ == "__main__":
    import jax
    _d = setup_inputs()
    print(jax.jit(kernel)(*tuple(_d.values())))

</pallas_src>

<mosaic_0001>
#map = affine_map<(d0, d1) -> (0)>
#map1 = affine_map<(d0, d1) -> (0, 0)>
module attributes {stable_mosaic.version = 14 : i64} {
  func.func @_gather_rows(%arg0: i32, %arg1: i32, %arg2: memref<51200xi32, #tpu.memory_space<hbm>>, %arg3: memref<1000x896xf32, #tpu.memory_space<hbm>>, %arg4: memref<51200x896xf32, #tpu.memory_space<hbm>>, %arg5: memref<40xi32, #tpu.memory_space<vmem>>, %arg6: memref<40xi32, #tpu.memory_space<vmem>>, %arg7: memref<40x896xf32, #tpu.memory_space<vmem>>, %arg8: memref<40x896xf32, #tpu.memory_space<vmem>>, %arg9: memref<!tpu.dma_semaphore, #tpu.memory_space<semaphore_mem>>, %arg10: memref<!tpu.dma_semaphore, #tpu.memory_space<semaphore_mem>>, %arg11: memref<!tpu.dma_semaphore, #tpu.memory_space<semaphore_mem>>, %arg12: memref<!tpu.dma_semaphore, #tpu.memory_space<semaphore_mem>>, %arg13: memref<!tpu.dma_semaphore, #tpu.memory_space<semaphore_mem>>, %arg14: memref<!tpu.dma_semaphore, #tpu.memory_space<semaphore_mem>>) attributes {dimension_semantics = [#tpu.dimension_semantics<core_parallel>, #tpu.dimension_semantics<subcore_parallel>], iteration_bounds = array<i64: 2, 16>, scalar_prefetch = 0 : i64, scratch_operands = 10 : i64, tpu.core_type = #tpu.core_type<sc_vector_subcore>, window_params = [{transform_indices = #map}, {transform_indices = #map1}, {transform_indices = #map1}]} {
    %mul3A = arith.constant 2 : i32
    %mul3A_0 = arith.muli %arg1, %mul3A : i32
    %add3A = arith.addi %mul3A_0, %arg0 : i32
    %mul3A_1 = arith.constant 1600 : i32
    %mul3A_2 = arith.muli %add3A, %mul3A_1 : i32
    %add3A_3 = arith.constant 0 : i32
    %add3A_4 = arith.addi %mul3A_2, %add3A_3 : i32
    %dma_start3A = tpu.memref_slice %arg2[%add3A_4] : memref<51200xi32, #tpu.memory_space<hbm>> -> memref<40xi32, #tpu.memory_space<hbm>>
    %dma_start3A_5 = tpu.memref_slice %arg2[%add3A_4] : memref<51200xi32, #tpu.memory_space<hbm>> -> memref<40xi32, #tpu.memory_space<hbm>>
    tpu.enqueue_dma source(%dma_start3A_5 : memref<40xi32, #tpu.memory_space<hbm>>) target(%arg5 : memref<40xi32, #tpu.memory_space<vmem>>) target_semaphore(%arg9 : memref<!tpu.dma_semaphore, #tpu.memory_space<semaphore_mem>>)
    %dma_wait3A = arith.constant 0 : i32
    %dma_wait3A_6 = tpu.memref_slice %arg2[%dma_wait3A] : memref<51200xi32, #tpu.memory_space<hbm>> -> memref<40xi32, #tpu.memory_space<hbm>>
    %dma_wait3A_7 = arith.constant 0 : i32
    %dma_wait3A_8 = tpu.memref_slice %arg2[%dma_wait3A_7] : memref<51200xi32, #tpu.memory_space<hbm>> -> memref<40xi32, #tpu.memory_space<hbm>>
    tpu.wait_dma2 semaphore(%arg9 : memref<!tpu.dma_semaphore, #tpu.memory_space<semaphore_mem>>) src(%dma_wait3A_8 : memref<40xi32, #tpu.memory_space<hbm>>) dst(%arg5 : memref<40xi32, #tpu.memory_space<vmem>>)
    %dma_start3A_9 = arith.constant 0 : i32
    %dma_start3A_10 = arith.constant 0 : i32
    %dma_start3A_11 = tpu.memref_slice %arg3[%dma_start3A_9, %dma_start3A_10] : memref<1000x896xf32, #tpu.memory_space<hbm>> -> memref<1000x896xf32, #tpu.memory_space<hbm>>
    tpu.enqueue_indirect_dma source(%dma_start3A_11 : memref<1000x896xf32, #tpu.memory_space<hbm>>) target(%arg7 : memref<40x896xf32, #tpu.memory_space<vmem>>) offsets(%arg5 : memref<40xi32, #tpu.memory_space<vmem>>) semaphore(%arg11 : memref<!tpu.dma_semaphore, #tpu.memory_space<semaphore_mem>>)
    %add3A_12 = arith.constant 40 : i32
    %add3A_13 = arith.addi %mul3A_2, %add3A_12 : i32
    %dma_start3A_14 = tpu.memref_slice %arg2[%add3A_13] : memref<51200xi32, #tpu.memory_space<hbm>> -> memref<40xi32, #tpu.memory_space<hbm>>
    %dma_start3A_15 = tpu.memref_slice %arg2[%add3A_13] : memref<51200xi32, #tpu.memory_space<hbm>> -> memref<40xi32, #tpu.memory_space<hbm>>
    tpu.enqueue_dma source(%dma_start3A_15 : memref<40xi32, #tpu.memory_space<hbm>>) target(%arg6 : memref<40xi32, #tpu.memory_space<vmem>>) target_semaphore(%arg10 : memref<!tpu.dma_semaphore, #tpu.memory_space<semaphore_mem>>)
    %scan3A = arith.constant 0 : i32
    %scan3A_16 = arith.constant 0 : i32
    %scan3A_17 = arith.constant 20 : i32
    %scan3A_18 = arith.addi %scan3A_16, %scan3A_17 : i32
    %scan3A_19 = arith.constant 1 : i32
    scf.for %scan3A_33 = %scan3A_16 to %scan3A_18 step %scan3A_19  : i32 {
      %mul3A_34 = arith.constant 2 : i32
      %mul3A_35 = arith.muli %mul3A_34, %scan3A_33 : i32
      %dma_wait3A_36 = arith.constant 0 : i32
      %dma_wait3A_37 = arith.constant 0 : i32
      %dma_wait3A_38 = tpu.memref_slice %arg3[%dma_wait3A_36, %dma_wait3A_37] : memref<1000x896xf32, #tpu.memory_space<hbm>> -> memref<1000x896xf32, #tpu.memory_space<hbm>>
      tpu.wait_indirect_dma semaphore(%arg11 : memref<!tpu.dma_semaphore, #tpu.memory_space<semaphore_mem>>) src(%dma_wait3A_38 : memref<1000x896xf32, #tpu.memory_space<hbm>>) dst(%arg7 : memref<40x896xf32, #tpu.memory_space<vmem>>)
      %dma_wait3A_39 = arith.constant 0 : i32
      %dma_wait3A_40 = tpu.memref_slice %arg2[%dma_wait3A_39] : memref<51200xi32, #tpu.memory_space<hbm>> -> memref<40xi32, #tpu.memory_space<hbm>>
      %dma_wait3A_41 = arith.constant 0 : i32
      %dma_wait3A_42 = tpu.memref_slice %arg2[%dma_wait3A_41] : memref<51200xi32, #tpu.memory_space<hbm>> -> memref<40xi32, #tpu.memory_space<hbm>>
      tpu.wait_dma2 semaphore(%arg10 : memref<!tpu.dma_semaphore, #tpu.memory_space<semaphore_mem>>) src(%dma_wait3A_42 : memref<40xi32, #tpu.memory_space<hbm>>) dst(%arg6 : memref<40xi32, #tpu.memory_space<vmem>>)
      %ge3A = arith.constant 1 : i32
      %ge3A_43 = arith.cmpi sge, %scan3A_33, %ge3A : i32
      %convert_element_type3A = arith.extui %ge3A_43 : i1 to i32
      %cond3A = arith.constant 0 : i32
      %cond3A_44 = arith.cmpi ne, %convert_element_type3A, %cond3A : i32
      scf.if %cond3A_44 {
        %dma_wait3A_76 = arith.constant 0 : i32
        %dma_wait3A_77 = arith.constant 0 : i32
        %dma_wait3A_78 = tpu.memref_slice %arg4[%dma_wait3A_76, %dma_wait3A_77] : memref<51200x896xf32, #tpu.memory_space<hbm>> -> memref<40x896xf32, #tpu.memory_space<hbm>>
        %dma_wait3A_79 = arith.constant 0 : i32
        %dma_wait3A_80 = arith.constant 0 : i32
        %dma_wait3A_81 = tpu.memref_slice %arg4[%dma_wait3A_79, %dma_wait3A_80] : memref<51200x896xf32, #tpu.memory_space<hbm>> -> memref<40x896xf32, #tpu.memory_space<hbm>>
        tpu.wait_dma2 semaphore(%arg14 : memref<!tpu.dma_semaphore, #tpu.memory_space<semaphore_mem>>) src(%arg8 : memref<40x896xf32, #tpu.memory_space<vmem>>) dst(%dma_wait3A_81 : memref<40x896xf32, #tpu.memory_space<hbm>>)
      } else {
      }
      %dma_start3A_45 = arith.constant 0 : i32
      %dma_start3A_46 = arith.constant 0 : i32
      %dma_start3A_47 = tpu.memref_slice %arg3[%dma_start3A_45, %dma_start3A_46] : memref<1000x896xf32, #tpu.memory_space<hbm>> -> memref<1000x896xf32, #tpu.memory_space<hbm>>
      tpu.enqueue_indirect_dma source(%dma_start3A_47 : memref<1000x896xf32, #tpu.memory_space<hbm>>) target(%arg8 : memref<40x896xf32, #tpu.memory_space<vmem>>) offsets(%arg6 : memref<40xi32, #tpu.memory_space<vmem>>) semaphore(%arg12 : memref<!tpu.dma_semaphore, #tpu.memory_space<semaphore_mem>>)
      %mul3A_48 = arith.constant 40 : i32
      %mul3A_49 = arith.muli %mul3A_35, %mul3A_48 : i32
      %add3A_50 = arith.addi %mul3A_2, %mul3A_49 : i32
      %dma_start3A_51 = arith.constant 0 : i32
      %dma_start3A_52 = tpu.memref_slice %arg4[%add3A_50, %dma_start3A_51] : memref<51200x896xf32, #tpu.memory_space<hbm>> -> memref<40x896xf32, #tpu.memory_space<hbm>>
      %dma_start3A_53 = arith.constant 0 : i32
      %dma_start3A_54 = tpu.memref_slice %arg4[%add3A_50, %dma_start3A_53] : memref<51200x896xf32, #tpu.memory_space<hbm>> -> memref<40x896xf32, #tpu.memory_space<hbm>>
      tpu.enqueue_dma source(%arg7 : memref<40x896xf32, #tpu.memory_space<vmem>>) target(%dma_start3A_54 : memref<40x896xf32, #tpu.memory_space<hbm>>) target_semaphore(%arg13 : memref<!tpu.dma_semaphore, #tpu.memory_space<semaphore_mem>>)
      %lt3A = arith.constant 19 : i32
      %lt3A_55 = arith.cmpi slt, %scan3A_33, %lt3A : i32
      %convert_element_type3A_56 = arith.extui %lt3A_55 : i1 to i32
      %cond3A_57 = arith.constant 0 : i32
      %cond3A_58 = arith.cmpi ne, %convert_element_type3A_56, %cond3A_57 : i32
      scf.if %cond3A_58 {
        %add3A_76 = arith.constant 2 : i32
        %add3A_77 = arith.addi %mul3A_35, %add3A_76 : i32
        %mul3A_78 = arith.constant 40 : i32
        %mul3A_79 = arith.muli %add3A_77, %mul3A_78 : i32
        %add3A_80 = arith.addi %mul3A_2, %mul3A_79 : i32
        %dma_start3A_81 = tpu.memref_slice %arg2[%add3A_80] : memref<51200xi32, #tpu.memory_space<hbm>> -> memref<40xi32, #tpu.memory_space<hbm>>
        %dma_start3A_82 = tpu.memref_slice %arg2[%add3A_80] : memref<51200xi32, #tpu.memory_space<hbm>> -> memref<40xi32, #tpu.memory_space<hbm>>
        tpu.enqueue_dma source(%dma_start3A_82 : memref<40xi32, #tpu.memory_space<hbm>>) target(%arg5 : memref<40xi32, #tpu.memory_space<vmem>>) target_semaphore(%arg9 : memref<!tpu.dma_semaphore, #tpu.memory_space<semaphore_mem>>)
      } else {
      }
      %dma_wait3A_59 = arith.constant 0 : i32
      %dma_wait3A_60 = arith.constant 0 : i32
      %dma_wait3A_61 = tpu.memref_slice %arg3[%dma_wait3A_59, %dma_wait3A_60] : memref<1000x896xf32, #tpu.memory_space<hbm>> -> memref<1000x896xf32, #tpu.memory_space<hbm>>
      tpu.wait_indirect_dma semaphore(%arg12 : memref<!tpu.dma_semaphore, #tpu.memory_space<semaphore_mem>>) src(%dma_wait3A_61 : memref<1000x896xf32, #tpu.memory_space<hbm>>) dst(%arg8 : memref<40x896xf32, #tpu.memory_space<vmem>>)
      %lt3A_62 = arith.constant 19 : i32
      %lt3A_63 = arith.cmpi slt, %scan3A_33, %lt3A_62 : i32
      %convert_element_type3A_64 = arith.extui %lt3A_63 : i1 to i32
      %cond3A_65 = arith.constant 0 : i32
      %cond3A_66 = arith.cmpi ne, %convert_element_type3A_64, %cond3A_65 : i32
      scf.if %cond3A_66 {
        %dma_wait3A_76 = arith.constant 0 : i32
        %dma_wait3A_77 = tpu.memref_slice %arg2[%dma_wait3A_76] : memref<51200xi32, #tpu.memory_space<hbm>> -> memref<40xi32, #tpu.memory_space<hbm>>
        %dma_wait3A_78 = arith.constant 0 : i32
        %dma_wait3A_79 = tpu.memref_slice %arg2[%dma_wait3A_78] : memref<51200xi32, #tpu.memory_space<hbm>> -> memref<40xi32, #tpu.memory_space<hbm>>
        tpu.wait_dma2 semaphore(%arg9 : memref<!tpu.dma_semaphore, #tpu.memory_space<semaphore_mem>>) src(%dma_wait3A_79 : memref<40xi32, #tpu.memory_space<hbm>>) dst(%arg5 : memref<40xi32, #tpu.memory_space<vmem>>)
        %dma_wait3A_80 = arith.constant 0 : i32
        %dma_wait3A_81 = arith.constant 0 : i32
        %dma_wait3A_82 = tpu.memref_slice %arg4[%dma_wait3A_80, %dma_wait3A_81] : memref<51200x896xf32, #tpu.memory_space<hbm>> -> memref<40x896xf32, #tpu.memory_space<hbm>>
        %dma_wait3A_83 = arith.constant 0 : i32
        %dma_wait3A_84 = arith.constant 0 : i32
        %dma_wait3A_85 = tpu.memref_slice %arg4[%dma_wait3A_83, %dma_wait3A_84] : memref<51200x896xf32, #tpu.memory_space<hbm>> -> memref<40x896xf32, #tpu.memory_space<hbm>>
        tpu.wait_dma2 semaphore(%arg13 : memref<!tpu.dma_semaphore, #tpu.memory_space<semaphore_mem>>) src(%arg7 : memref<40x896xf32, #tpu.memory_space<vmem>>) dst(%dma_wait3A_85 : memref<40x896xf32, #tpu.memory_space<hbm>>)
        %dma_start3A_86 = arith.constant 0 : i32
        %dma_start3A_87 = arith.constant 0 : i32
        %dma_start3A_88 = tpu.memref_slice %arg3[%dma_start3A_86, %dma_start3A_87] : memref<1000x896xf32, #tpu.memory_space<hbm>> -> memref<1000x896xf32, #tpu.memory_space<hbm>>
        tpu.enqueue_indirect_dma source(%dma_start3A_88 : memref<1000x896xf32, #tpu.memory_space<hbm>>) target(%arg7 : memref<40x896xf32, #tpu.memory_space<vmem>>) offsets(%arg5 : memref<40xi32, #tpu.memory_space<vmem>>) semaphore(%arg11 : memref<!tpu.dma_semaphore, #tpu.memory_space<semaphore_mem>>)
        %add3A_89 = arith.constant 3 : i32
        %add3A_90 = arith.addi %mul3A_35, %add3A_89 : i32
        %mul3A_91 = arith.constant 40 : i32
        %mul3A_92 = arith.muli %add3A_90, %mul3A_91 : i32
        %add3A_93 = arith.addi %mul3A_2, %mul3A_92 : i32
        %dma_start3A_94 = tpu.memref_slice %arg2[%add3A_93] : memref<51200xi32, #tpu.memory_space<hbm>> -> memref<40xi32, #tpu.memory_space<hbm>>
        %dma_start3A_95 = tpu.memref_slice %arg2[%add3A_93] : memref<51200xi32, #tpu.memory_space<hbm>> -> memref<40xi32, #tpu.memory_space<hbm>>
        tpu.enqueue_dma source(%dma_start3A_95 : memref<40xi32, #tpu.memory_space<hbm>>) target(%arg6 : memref<40xi32, #tpu.memory_space<vmem>>) target_semaphore(%arg10 : memref<!tpu.dma_semaphore, #tpu.memory_space<semaphore_mem>>)
      } else {
      }
      %add3A_67 = arith.constant 1 : i32
      %add3A_68 = arith.addi %mul3A_35, %add3A_67 : i32
      %mul3A_69 = arith.constant 40 : i32
      %mul3A_70 = arith.muli %add3A_68, %mul3A_69 : i32
      %add3A_71 = arith.addi %mul3A_2, %mul3A_70 : i32
      %dma_start3A_72 = arith.constant 0 : i32
      %dma_start3A_73 = tpu.memref_slice %arg4[%add3A_71, %dma_start3A_72] : memref<51200x896xf32, #tpu.memory_space<hbm>> -> memref<40x896xf32, #tpu.memory_space<hbm>>
      %dma_start3A_74 = arith.constant 0 : i32
      %dma_start3A_75 = tpu.memref_slice %arg4[%add3A_71, %dma_start3A_74] : memref<51200x896xf32, #tpu.memory_space<hbm>> -> memref<40x896xf32, #tpu.memory_space<hbm>>
      tpu.enqueue_dma source(%arg8 : memref<40x896xf32, #tpu.memory_space<vmem>>) target(%dma_start3A_75 : memref<40x896xf32, #tpu.memory_space<hbm>>) target_semaphore(%arg14 : memref<!tpu.dma_semaphore, #tpu.memory_space<semaphore_mem>>)
    }
    %scan3A_20 = arith.constant 20 : i32
    %dma_wait3A_21 = arith.constant 0 : i32
    %dma_wait3A_22 = arith.constant 0 : i32
    %dma_wait3A_23 = tpu.memref_slice %arg4[%dma_wait3A_21, %dma_wait3A_22] : memref<51200x896xf32, #tpu.memory_space<hbm>> -> memref<40x896xf32, #tpu.memory_space<hbm>>
    %dma_wait3A_24 = arith.constant 0 : i32
    %dma_wait3A_25 = arith.constant 0 : i32
    %dma_wait3A_26 = tpu.memref_slice %arg4[%dma_wait3A_24, %dma_wait3A_25] : memref<51200x896xf32, #tpu.memory_space<hbm>> -> memref<40x896xf32, #tpu.memory_space<hbm>>
    tpu.wait_dma2 semaphore(%arg13 : memref<!tpu.dma_semaphore, #tpu.memory_space<semaphore_mem>>) src(%arg7 : memref<40x896xf32, #tpu.memory_space<vmem>>) dst(%dma_wait3A_26 : memref<40x896xf32, #tpu.memory_space<hbm>>)
    %dma_wait3A_27 = arith.constant 0 : i32
    %dma_wait3A_28 = arith.constant 0 : i32
    %dma_wait3A_29 = tpu.memref_slice %arg4[%dma_wait3A_27, %dma_wait3A_28] : memref<51200x896xf32, #tpu.memory_space<hbm>> -> memref<40x896xf32, #tpu.memory_space<hbm>>
    %dma_wait3A_30 = arith.constant 0 : i32
    %dma_wait3A_31 = arith.constant 0 : i32
    %dma_wait3A_32 = tpu.memref_slice %arg4[%dma_wait3A_30, %dma_wait3A_31] : memref<51200x896xf32, #tpu.memory_space<hbm>> -> memref<40x896xf32, #tpu.memory_space<hbm>>
    tpu.wait_dma2 semaphore(%arg14 : memref<!tpu.dma_semaphore, #tpu.memory_space<semaphore_mem>>) src(%arg8 : memref<40x896xf32, #tpu.memory_space<vmem>>) dst(%dma_wait3A_32 : memref<40x896xf32, #tpu.memory_space<hbm>>)
    return
  }
}

#map = affine_map<(d0, d1) -> (0)>
#map1 = affine_map<(d0, d1) -> (0, 0)>
module attributes {stable_mosaic.version = 14 : i64} {
  func.func @_gather_rows(%arg0: i32, %arg1: i32, %arg2: memref<51200xi32, #tpu.memory_space<hbm>>, %arg3: memref<1000x896xf32, #tpu.memory_space<hbm>>, %arg4: memref<51200x896xf32, #tpu.memory_space<hbm>>, %arg5: memref<40xi32, #tpu.memory_space<vmem>>, %arg6: memref<40xi32, #tpu.memory_space<vmem>>, %arg7: memref<40x896xf32, #tpu.memory_space<vmem>>, %arg8: memref<40x896xf32, #tpu.memory_space<vmem>>, %arg9: memref<!tpu.dma_semaphore, #tpu.memory_space<semaphore_mem>>, %arg10: memref<!tpu.dma_semaphore, #tpu.memory_space<semaphore_mem>>, %arg11: memref<!tpu.dma_semaphore, #tpu.memory_space<semaphore_mem>>, %arg12: memref<!tpu.dma_semaphore, #tpu.memory_space<semaphore_mem>>, %arg13: memref<!tpu.dma_semaphore, #tpu.memory_space<semaphore_mem>>, %arg14: memref<!tpu.dma_semaphore, #tpu.memory_space<semaphore_mem>>) attributes {dimension_semantics = [#tpu.dimension_semantics<core_parallel>, #tpu.dimension_semantics<subcore_parallel>], iteration_bounds = array<i64: 2, 16>, scalar_prefetch = 0 : i64, scratch_operands = 10 : i64, tpu.core_type = #tpu.core_type<sc_vector_subcore>, window_params = [{transform_indices = #map}, {transform_indices = #map1}, {transform_indices = #map1}]} {
    %mul3A = arith.constant 2 : i32
    %mul3A_0 = arith.muli %arg1, %mul3A : i32
    %add3A = arith.addi %mul3A_0, %arg0 : i32
    %mul3A_1 = arith.constant 1600 : i32
    %mul3A_2 = arith.muli %add3A, %mul3A_1 : i32
    %add3A_3 = arith.constant 0 : i32
    %add3A_4 = arith.addi %mul3A_2, %add3A_3 : i32
    %dma_start3A = tpu.memref_slice %arg2[%add3A_4] : memref<51200xi32, #tpu.memory_space<hbm>> -> memref<40xi32, #tpu.memory_space<hbm>>
    %dma_start3A_5 = tpu.memref_slice %arg2[%add3A_4] : memref<51200xi32, #tpu.memory_space<hbm>> -> memref<40xi32, #tpu.memory_space<hbm>>
    tpu.enqueue_dma source(%dma_start3A_5 : memref<40xi32, #tpu.memory_space<hbm>>) target(%arg5 : memref<40xi32, #tpu.memory_space<vmem>>) target_semaphore(%arg9 : memref<!tpu.dma_semaphore, #tpu.memory_space<semaphore_mem>>)
    %dma_wait3A = arith.constant 0 : i32
    %dma_wait3A_6 = tpu.memref_slice %arg2[%dma_wait3A] : memref<51200xi32, #tpu.memory_space<hbm>> -> memref<40xi32, #tpu.memory_space<hbm>>
    %dma_wait3A_7 = arith.constant 0 : i32
    %dma_wait3A_8 = tpu.memref_slice %arg2[%dma_wait3A_7] : memref<51200xi32, #tpu.memory_space<hbm>> -> memref<40xi32, #tpu.memory_space<hbm>>
    tpu.wait_dma2 semaphore(%arg9 : memref<!tpu.dma_semaphore, #tpu.memory_space<semaphore_mem>>) src(%dma_wait3A_8 : memref<40xi32, #tpu.memory_space<hbm>>) dst(%arg5 : memref<40xi32, #tpu.memory_space<vmem>>)
    %dma_start3A_9 = arith.constant 0 : i32
    %dma_start3A_10 = arith.constant 0 : i32
    %dma_start3A_11 = tpu.memref_slice %arg3[%dma_start3A_9, %dma_start3A_10] : memref<1000x896xf32, #tpu.memory_space<hbm>> -> memref<1000x896xf32, #tpu.memory_space<hbm>>
    tpu.enqueue_indirect_dma source(%dma_start3A_11 : memref<1000x896xf32, #tpu.memory_space<hbm>>) target(%arg7 : memref<40x896xf32, #tpu.memory_space<vmem>>) offsets(%arg5 : memref<40xi32, #tpu.memory_space<vmem>>) semaphore(%arg11 : memref<!tpu.dma_semaphore, #tpu.memory_space<semaphore_mem>>)
    %add3A_12 = arith.constant 40 : i32
    %add3A_13 = arith.addi %mul3A_2, %add3A_12 : i32
    %dma_start3A_14 = tpu.memref_slice %arg2[%add3A_13] : memref<51200xi32, #tpu.memory_space<hbm>> -> memref<40xi32, #tpu.memory_space<hbm>>
    %dma_start3A_15 = tpu.memref_slice %arg2[%add3A_13] : memref<51200xi32, #tpu.memory_space<hbm>> -> memref<40xi32, #tpu.memory_space<hbm>>
    tpu.enqueue_dma source(%dma_start3A_15 : memref<40xi32, #tpu.memory_space<hbm>>) target(%arg6 : memref<40xi32, #tpu.memory_space<vmem>>) target_semaphore(%arg10 : memref<!tpu.dma_semaphore, #tpu.memory_space<semaphore_mem>>)
    %scan3A = arith.constant 0 : i32
    %scan3A_16 = arith.constant 0 : i32
    %scan3A_17 = arith.constant 20 : i32
    %scan3A_18 = arith.addi %scan3A_16, %scan3A_17 : i32
    %scan3A_19 = arith.constant 1 : i32
    scf.for %scan3A_33 = %scan3A_16 to %scan3A_18 step %scan3A_19  : i32 {
      %mul3A_34 = arith.constant 2 : i32
      %mul3A_35 = arith.muli %mul3A_34, %scan3A_33 : i32
      %dma_wait3A_36 = arith.constant 0 : i32
      %dma_wait3A_37 = arith.constant 0 : i32
      %dma_wait3A_38 = tpu.memref_slice %arg3[%dma_wait3A_36, %dma_wait3A_37] : memref<1000x896xf32, #tpu.memory_space<hbm>> -> memref<1000x896xf32, #tpu.memory_space<hbm>>
      tpu.wait_indirect_dma semaphore(%arg11 : memref<!tpu.dma_semaphore, #tpu.memory_space<semaphore_mem>>) src(%dma_wait3A_38 : memref<1000x896xf32, #tpu.memory_space<hbm>>) dst(%arg7 : memref<40x896xf32, #tpu.memory_space<vmem>>)
      %dma_wait3A_39 = arith.constant 0 : i32
      %dma_wait3A_40 = tpu.memref_slice %arg2[%dma_wait3A_39] : memref<51200xi32, #tpu.memory_space<hbm>> -> memref<40xi32, #tpu.memory_space<hbm>>
      %dma_wait3A_41 = arith.constant 0 : i32
      %dma_wait3A_42 = tpu.memref_slice %arg2[%dma_wait3A_41] : memref<51200xi32, #tpu.memory_space<hbm>> -> memref<40xi32, #tpu.memory_space<hbm>>
      tpu.wait_dma2 semaphore(%arg10 : memref<!tpu.dma_semaphore, #tpu.memory_space<semaphore_mem>>) src(%dma_wait3A_42 : memref<40xi32, #tpu.memory_space<hbm>>) dst(%arg6 : memref<40xi32, #tpu.memory_space<vmem>>)
      %ge3A = arith.constant 1 : i32
      %ge3A_43 = arith.cmpi sge, %scan3A_33, %ge3A : i32
      %convert_element_type3A = arith.extui %ge3A_43 : i1 to i32
      %cond3A = arith.constant 0 : i32
      %cond3A_44 = arith.cmpi ne, %convert_element_type3A, %cond3A : i32
      scf.if %cond3A_44 {
        %dma_wait3A_76 = arith.constant 0 : i32
        %dma_wait3A_77 = arith.constant 0 : i32
        %dma_wait3A_78 = tpu.memref_slice %arg4[%dma_wait3A_76, %dma_wait3A_77] : memref<51200x896xf32, #tpu.memory_space<hbm>> -> memref<40x896xf32, #tpu.memory_space<hbm>>
        %dma_wait3A_79 = arith.constant 0 : i32
        %dma_wait3A_80 = arith.constant 0 : i32
        %dma_wait3A_81 = tpu.memref_slice %arg4[%dma_wait3A_79, %dma_wait3A_80] : memref<51200x896xf32, #tpu.memory_space<hbm>> -> memref<40x896xf32, #tpu.memory_space<hbm>>
        tpu.wait_dma2 semaphore(%arg14 : memref<!tpu.dma_semaphore, #tpu.memory_space<semaphore_mem>>) src(%arg8 : memref<40x896xf32, #tpu.memory_space<vmem>>) dst(%dma_wait3A_81 : memref<40x896xf32, #tpu.memory_space<hbm>>)
      } else {
      }
      %dma_start3A_45 = arith.constant 0 : i32
      %dma_start3A_46 = arith.constant 0 : i32
      %dma_start3A_47 = tpu.memref_slice %arg3[%dma_start3A_45, %dma_start3A_46] : memref<1000x896xf32, #tpu.memory_space<hbm>> -> memref<1000x896xf32, #tpu.memory_space<hbm>>
      tpu.enqueue_indirect_dma source(%dma_start3A_47 : memref<1000x896xf32, #tpu.memory_space<hbm>>) target(%arg8 : memref<40x896xf32, #tpu.memory_space<vmem>>) offsets(%arg6 : memref<40xi32, #tpu.memory_space<vmem>>) semaphore(%arg12 : memref<!tpu.dma_semaphore, #tpu.memory_space<semaphore_mem>>)
      %mul3A_48 = arith.constant 40 : i32
      %mul3A_49 = arith.muli %mul3A_35, %mul3A_48 : i32
      %add3A_50 = arith.addi %mul3A_2, %mul3A_49 : i32
      %dma_start3A_51 = arith.constant 0 : i32
      %dma_start3A_52 = tpu.memref_slice %arg4[%add3A_50, %dma_start3A_51] : memref<51200x896xf32, #tpu.memory_space<hbm>> -> memref<40x896xf32, #tpu.memory_space<hbm>>
      %dma_start3A_53 = arith.constant 0 : i32
      %dma_start3A_54 = tpu.memref_slice %arg4[%add3A_50, %dma_start3A_53] : memref<51200x896xf32, #tpu.memory_space<hbm>> -> memref<40x896xf32, #tpu.memory_space<hbm>>
      tpu.enqueue_dma source(%arg7 : memref<40x896xf32, #tpu.memory_space<vmem>>) target(%dma_start3A_54 : memref<40x896xf32, #tpu.memory_space<hbm>>) target_semaphore(%arg13 : memref<!tpu.dma_semaphore, #tpu.memory_space<semaphore_mem>>)
      %lt3A = arith.constant 19 : i32
      %lt3A_55 = arith.cmpi slt, %scan3A_33, %lt3A : i32
      %convert_element_type3A_56 = arith.extui %lt3A_55 : i1 to i32
      %cond3A_57 = arith.constant 0 : i32
      %cond3A_58 = arith.cmpi ne, %convert_element_type3A_56, %cond3A_57 : i32
      scf.if %cond3A_58 {
        %add3A_76 = arith.constant 2 : i32
        %add3A_77 = arith.addi %mul3A_35, %add3A_76 : i32
        %mul3A_78 = arith.constant 40 : i32
        %mul3A_79 = arith.muli %add3A_77, %mul3A_78 : i32
        %add3A_80 = arith.addi %mul3A_2, %mul3A_79 : i32
        %dma_start3A_81 = tpu.memref_slice %arg2[%add3A_80] : memref<51200xi32, #tpu.memory_space<hbm>> -> memref<40xi32, #tpu.memory_space<hbm>>
        %dma_start3A_82 = tpu.memref_slice %arg2[%add3A_80] : memref<51200xi32, #tpu.memory_space<hbm>> -> memref<40xi32, #tpu.memory_space<hbm>>
        tpu.enqueue_dma source(%dma_start3A_82 : memref<40xi32, #tpu.memory_space<hbm>>) target(%arg5 : memref<40xi32, #tpu.memory_space<vmem>>) target_semaphore(%arg9 : memref<!tpu.dma_semaphore, #tpu.memory_space<semaphore_mem>>)
      } else {
      }
      %dma_wait3A_59 = arith.constant 0 : i32
      %dma_wait3A_60 = arith.constant 0 : i32
      %dma_wait3A_61 = tpu.memref_slice %arg3[%dma_wait3A_59, %dma_wait3A_60] : memref<1000x896xf32, #tpu.memory_space<hbm>> -> memref<1000x896xf32, #tpu.memory_space<hbm>>
      tpu.wait_indirect_dma semaphore(%arg12 : memref<!tpu.dma_semaphore, #tpu.memory_space<semaphore_mem>>) src(%dma_wait3A_61 : memref<1000x896xf32, #tpu.memory_space<hbm>>) dst(%arg8 : memref<40x896xf32, #tpu.memory_space<vmem>>)
      %lt3A_62 = arith.constant 19 : i32
      %lt3A_63 = arith.cmpi slt, %scan3A_33, %lt3A_62 : i32
      %convert_element_type3A_64 = arith.extui %lt3A_63 : i1 to i32
      %cond3A_65 = arith.constant 0 : i32
      %cond3A_66 = arith.cmpi ne, %convert_element_type3A_64, %cond3A_65 : i32
      scf.if %cond3A_66 {
        %dma_wait3A_76 = arith.constant 0 : i32
        %dma_wait3A_77 = tpu.memref_slice %arg2[%dma_wait3A_76] : memref<51200xi32, #tpu.memory_space<hbm>> -> memref<40xi32, #tpu.memory_space<hbm>>
        %dma_wait3A_78 = arith.constant 0 : i32
        %dma_wait3A_79 = tpu.memref_slice %arg2[%dma_wait3A_78] : memref<51200xi32, #tpu.memory_space<hbm>> -> memref<40xi32, #tpu.memory_space<hbm>>
        tpu.wait_dma2 semaphore(%arg9 : memref<!tpu.dma_semaphore, #tpu.memory_space<semaphore_mem>>) src(%dma_wait3A_79 : memref<40xi32, #tpu.memory_space<hbm>>) dst(%arg5 : memref<40xi32, #tpu.memory_space<vmem>>)
        %dma_wait3A_80 = arith.constant 0 : i32
        %dma_wait3A_81 = arith.constant 0 : i32
        %dma_wait3A_82 = tpu.memref_slice %arg4[%dma_wait3A_80, %dma_wait3A_81] : memref<51200x896xf32, #tpu.memory_space<hbm>> -> memref<40x896xf32, #tpu.memory_space<hbm>>
        %dma_wait3A_83 = arith.constant 0 : i32
        %dma_wait3A_84 = arith.constant 0 : i32
        %dma_wait3A_85 = tpu.memref_slice %arg4[%dma_wait3A_83, %dma_wait3A_84] : memref<51200x896xf32, #tpu.memory_space<hbm>> -> memref<40x896xf32, #tpu.memory_space<hbm>>
        tpu.wait_dma2 semaphore(%arg13 : memref<!tpu.dma_semaphore, #tpu.memory_space<semaphore_mem>>) src(%arg7 : memref<40x896xf32, #tpu.memory_space<vmem>>) dst(%dma_wait3A_85 : memref<40x896xf32, #tpu.memory_space<hbm>>)
        %dma_start3A_86 = arith.constant 0 : i32
        %dma_start3A_87 = arith.constant 0 : i32
        %dma_start3A_88 = tpu.memref_slice %arg3[%dma_start3A_86, %dma_start3A_87] : memref<1000x896xf32, #tpu.memory_space<hbm>> -> memref<1000x896xf32, #tpu.memory_space<hbm>>
        tpu.enqueue_indirect_dma source(%dma_start3A_88 : memref<1000x896xf32, #tpu.memory_space<hbm>>) target(%arg7 : memref<40x896xf32, #tpu.memory_space<vmem>>) offsets(%arg5 : memref<40xi32, #tpu.memory_space<vmem>>) semaphore(%arg11 : memref<!tpu.dma_semaphore, #tpu.memory_space<semaphore_mem>>)
        %add3A_89 = arith.constant 3 : i32
        %add3A_90 = arith.addi %mul3A_35, %add3A_89 : i32
        %mul3A_91 = arith.constant 40 : i32
        %mul3A_92 = arith.muli %add3A_90, %mul3A_91 : i32
        %add3A_93 = arith.addi %mul3A_2, %mul3A_92 : i32
        %dma_start3A_94 = tpu.memref_slice %arg2[%add3A_93] : memref<51200xi32, #tpu.memory_space<hbm>> -> memref<40xi32, #tpu.memory_space<hbm>>
        %dma_start3A_95 = tpu.memref_slice %arg2[%add3A_93] : memref<51200xi32, #tpu.memory_space<hbm>> -> memref<40xi32, #tpu.memory_space<hbm>>
        tpu.enqueue_dma source(%dma_start3A_95 : memref<40xi32, #tpu.memory_space<hbm>>) target(%arg6 : memref<40xi32, #tpu.memory_space<vmem>>) target_semaphore(%arg10 : memref<!tpu.dma_semaphore, #tpu.memory_space<semaphore_mem>>)
      } else {
      }
      %add3A_67 = arith.constant 1 : i32
      %add3A_68 = arith.addi %mul3A_35, %add3A_67 : i32
      %mul3A_69 = arith.constant 40 : i32
      %mul3A_70 = arith.muli %add3A_68, %mul3A_69 : i32
      %add3A_71 = arith.addi %mul3A_2, %mul3A_70 : i32
      %dma_start3A_72 = arith.constant 0 : i32
      %dma_start3A_73 = tpu.memref_slice %arg4[%add3A_71, %dma_start3A_72] : memref<51200x896xf32, #tpu.memory_space<hbm>> -> memref<40x896xf32, #tpu.memory_space<hbm>>
      %dma_start3A_74 = arith.constant 0 : i32
      %dma_start3A_75 = tpu.memref_slice %arg4[%add3A_71, %dma_start3A_74] : memref<51200x896xf32, #tpu.memory_space<hbm>> -> memref<40x896xf32, #tpu.memory_space<hbm>>
      tpu.enqueue_dma source(%arg8 : memref<40x896xf32, #tpu.memory_space<vmem>>) target(%dma_start3A_75 : memref<40x896xf32, #tpu.memory_space<hbm>>) target_semaphore(%arg14 : memref<!tpu.dma_semaphore, #tpu.memory_space<semaphore_mem>>)
    }
    %scan3A_20 = arith.constant 20 : i32
    %dma_wait3A_21 = arith.constant 0 : i32
    %dma_wait3A_22 = arith.constant 0 : i32
    %dma_wait3A_23 = tpu.memref_slice %arg4[%dma_wait3A_21, %dma_wait3A_22] : memref<51200x896xf32, #tpu.memory_space<hbm>> -> memref<40x896xf32, #tpu.memory_space<hbm>>
    %dma_wait3A_24 = arith.constant 0 : i32
    %dma_wait3A_25 = arith.constant 0 : i32
    %dma_wait3A_26 = tpu.memref_slice %arg4[%dma_wait3A_24, %dma_wait3A_25] : memref<51200x896xf32, #tpu.memory_space<hbm>> -> memref<40x896xf32, #tpu.memory_space<hbm>>
    tpu.wait_dma2 semaphore(%arg13 : memref<!tpu.dma_semaphore, #tpu.memory_space<semaphore_mem>>) src(%arg7 : memref<40x896xf32, #tpu.memory_space<vmem>>) dst(%dma_wait3A_26 : memref<40x896xf32, #tpu.memory_space<hbm>>)
    %dma_wait3A_27 = arith.constant 0 : i32
    %dma_wait3A_28 = arith.constant 0 : i32
    %dma_wait3A_29 = tpu.memref_slice %arg4[%dma_wait3A_27, %dma_wait3A_28] : memref<51200x896xf32, #tpu.memory_space<hbm>> -> memref<40x896xf32, #tpu.memory_space<hbm>>
    %dma_wait3A_30 = arith.constant 0 : i32
    %dma_wait3A_31 = arith.constant 0 : i32
    %dma_wait3A_32 = tpu.memref_slice %arg4[%dma_wait3A_30, %dma_wait3A_31] : memref<51200x896xf32, #tpu.memory_space<hbm>> -> memref<40x896xf32, #tpu.memory_space<hbm>>
    tpu.wait_dma2 semaphore(%arg14 : memref<!tpu.dma_semaphore, #tpu.memory_space<semaphore_mem>>) src(%arg8 : memref<40x896xf32, #tpu.memory_space<vmem>>) dst(%dma_wait3A_32 : memref<40x896xf32, #tpu.memory_space<hbm>>)
    return
  }
}

#map = affine_map<(d0, d1) -> (0)>
#map1 = affine_map<(d0, d1) -> (0, 0)>
module attributes {stable_mosaic.version = 14 : i64} {
  func.func @_gather_rows(%arg0: i32, %arg1: i32, %arg2: memref<51200xi32, #tpu.memory_space<hbm>>, %arg3: memref<1000x896xf32, #tpu.memory_space<hbm>>, %arg4: memref<51200x896xf32, #tpu.memory_space<hbm>>, %arg5: memref<40xi32, #tpu.memory_space<vmem>>, %arg6: memref<40xi32, #tpu.memory_space<vmem>>, %arg7: memref<40x896xf32, #tpu.memory_space<vmem>>, %arg8: memref<40x896xf32, #tpu.memory_space<vmem>>, %arg9: memref<!tpu.dma_semaphore, #tpu.memory_space<semaphore_mem>>, %arg10: memref<!tpu.dma_semaphore, #tpu.memory_space<semaphore_mem>>, %arg11: memref<!tpu.dma_semaphore, #tpu.memory_space<semaphore_mem>>, %arg12: memref<!tpu.dma_semaphore, #tpu.memory_space<semaphore_mem>>, %arg13: memref<!tpu.dma_semaphore, #tpu.memory_space<semaphore_mem>>, %arg14: memref<!tpu.dma_semaphore, #tpu.memory_space<semaphore_mem>>) attributes {dimension_semantics = [#tpu.dimension_semantics<core_parallel>, #tpu.dimension_semantics<subcore_parallel>], iteration_bounds = array<i64: 2, 16>, scalar_prefetch = 0 : i64, scratch_operands = 10 : i64, tpu.core_type = #tpu.core_type<sc_vector_subcore>, window_params = [{transform_indices = #map}, {transform_indices = #map1}, {transform_indices = #map1}]} {
    %mul3A = arith.constant 2 : i32
    %mul3A_0 = arith.muli %arg1, %mul3A : i32
    %add3A = arith.addi %mul3A_0, %arg0 : i32
    %mul3A_1 = arith.constant 1600 : i32
    %mul3A_2 = arith.muli %add3A, %mul3A_1 : i32
    %add3A_3 = arith.constant 0 : i32
    %add3A_4 = arith.addi %mul3A_2, %add3A_3 : i32
    %dma_start3A = tpu.memref_slice %arg2[%add3A_4] : memref<51200xi32, #tpu.memory_space<hbm>> -> memref<40xi32, #tpu.memory_space<hbm>>
    %dma_start3A_5 = tpu.memref_slice %arg2[%add3A_4] : memref<51200xi32, #tpu.memory_space<hbm>> -> memref<40xi32, #tpu.memory_space<hbm>>
    tpu.enqueue_dma source(%dma_start3A_5 : memref<40xi32, #tpu.memory_space<hbm>>) target(%arg5 : memref<40xi32, #tpu.memory_space<vmem>>) target_semaphore(%arg9 : memref<!tpu.dma_semaphore, #tpu.memory_space<semaphore_mem>>)
    %dma_wait3A = arith.constant 0 : i32
    %dma_wait3A_6 = tpu.memref_slice %arg2[%dma_wait3A] : memref<51200xi32, #tpu.memory_space<hbm>> -> memref<40xi32, #tpu.memory_space<hbm>>
    %dma_wait3A_7 = arith.constant 0 : i32
    %dma_wait3A_8 = tpu.memref_slice %arg2[%dma_wait3A_7] : memref<51200xi32, #tpu.memory_space<hbm>> -> memref<40xi32, #tpu.memory_space<hbm>>
    tpu.wait_dma2 semaphore(%arg9 : memref<!tpu.dma_semaphore, #tpu.memory_space<semaphore_mem>>) src(%dma_wait3A_8 : memref<40xi32, #tpu.memory_space<hbm>>) dst(%arg5 : memref<40xi32, #tpu.memory_space<vmem>>)
    %dma_start3A_9 = arith.constant 0 : i32
    %dma_start3A_10 = arith.constant 0 : i32
    %dma_start3A_11 = tpu.memref_slice %arg3[%dma_start3A_9, %dma_start3A_10] : memref<1000x896xf32, #tpu.memory_space<hbm>> -> memref<1000x896xf32, #tpu.memory_space<hbm>>
    tpu.enqueue_indirect_dma source(%dma_start3A_11 : memref<1000x896xf32, #tpu.memory_space<hbm>>) target(%arg7 : memref<40x896xf32, #tpu.memory_space<vmem>>) offsets(%arg5 : memref<40xi32, #tpu.memory_space<vmem>>) semaphore(%arg11 : memref<!tpu.dma_semaphore, #tpu.memory_space<semaphore_mem>>)
    %add3A_12 = arith.constant 40 : i32
    %add3A_13 = arith.addi %mul3A_2, %add3A_12 : i32
    %dma_start3A_14 = tpu.memref_slice %arg2[%add3A_13] : memref<51200xi32, #tpu.memory_space<hbm>> -> memref<40xi32, #tpu.memory_space<hbm>>
    %dma_start3A_15 = tpu.memref_slice %arg2[%add3A_13] : memref<51200xi32, #tpu.memory_space<hbm>> -> memref<40xi32, #tpu.memory_space<hbm>>
    tpu.enqueue_dma source(%dma_start3A_15 : memref<40xi32, #tpu.memory_space<hbm>>) target(%arg6 : memref<40xi32, #tpu.memory_space<vmem>>) target_semaphore(%arg10 : memref<!tpu.dma_semaphore, #tpu.memory_space<semaphore_mem>>)
    %scan3A = arith.constant 0 : i32
    %scan3A_16 = arith.constant 0 : i32
    %scan3A_17 = arith.constant 20 : i32
    %scan3A_18 = arith.addi %scan3A_16, %scan3A_17 : i32
    %scan3A_19 = arith.constant 1 : i32
    scf.for %scan3A_33 = %scan3A_16 to %scan3A_18 step %scan3A_19  : i32 {
      %mul3A_34 = arith.constant 2 : i32
      %mul3A_35 = arith.muli %mul3A_34, %scan3A_33 : i32
      %dma_wait3A_36 = arith.constant 0 : i32
      %dma_wait3A_37 = arith.constant 0 : i32
      %dma_wait3A_38 = tpu.memref_slice %arg3[%dma_wait3A_36, %dma_wait3A_37] : memref<1000x896xf32, #tpu.memory_space<hbm>> -> memref<1000x896xf32, #tpu.memory_space<hbm>>
      tpu.wait_indirect_dma semaphore(%arg11 : memref<!tpu.dma_semaphore, #tpu.memory_space<semaphore_mem>>) src(%dma_wait3A_38 : memref<1000x896xf32, #tpu.memory_space<hbm>>) dst(%arg7 : memref<40x896xf32, #tpu.memory_space<vmem>>)
      %dma_wait3A_39 = arith.constant 0 : i32
      %dma_wait3A_40 = tpu.memref_slice %arg2[%dma_wait3A_39] : memref<51200xi32, #tpu.memory_space<hbm>> -> memref<40xi32, #tpu.memory_space<hbm>>
      %dma_wait3A_41 = arith.constant 0 : i32
      %dma_wait3A_42 = tpu.memref_slice %arg2[%dma_wait3A_41] : memref<51200xi32, #tpu.memory_space<hbm>> -> memref<40xi32, #tpu.memory_space<hbm>>
      tpu.wait_dma2 semaphore(%arg10 : memref<!tpu.dma_semaphore, #tpu.memory_space<semaphore_mem>>) src(%dma_wait3A_42 : memref<40xi32, #tpu.memory_space<hbm>>) dst(%arg6 : memref<40xi32, #tpu.memory_space<vmem>>)
      %ge3A = arith.constant 1 : i32
      %ge3A_43 = arith.cmpi sge, %scan3A_33, %ge3A : i32
      %convert_element_type3A = arith.extui %ge3A_43 : i1 to i32
      %cond3A = arith.constant 0 : i32
      %cond3A_44 = arith.cmpi ne, %convert_element_type3A, %cond3A : i32
      scf.if %cond3A_44 {
        %dma_wait3A_76 = arith.constant 0 : i32
        %dma_wait3A_77 = arith.constant 0 : i32
        %dma_wait3A_78 = tpu.memref_slice %arg4[%dma_wait3A_76, %dma_wait3A_77] : memref<51200x896xf32, #tpu.memory_space<hbm>> -> memref<40x896xf32, #tpu.memory_space<hbm>>
        %dma_wait3A_79 = arith.constant 0 : i32
        %dma_wait3A_80 = arith.constant 0 : i32
        %dma_wait3A_81 = tpu.memref_slice %arg4[%dma_wait3A_79, %dma_wait3A_80] : memref<51200x896xf32, #tpu.memory_space<hbm>> -> memref<40x896xf32, #tpu.memory_space<hbm>>
        tpu.wait_dma2 semaphore(%arg14 : memref<!tpu.dma_semaphore, #tpu.memory_space<semaphore_mem>>) src(%arg8 : memref<40x896xf32, #tpu.memory_space<vmem>>) dst(%dma_wait3A_81 : memref<40x896xf32, #tpu.memory_space<hbm>>)
      } else {
      }
      %dma_start3A_45 = arith.constant 0 : i32
      %dma_start3A_46 = arith.constant 0 : i32
      %dma_start3A_47 = tpu.memref_slice %arg3[%dma_start3A_45, %dma_start3A_46] : memref<1000x896xf32, #tpu.memory_space<hbm>> -> memref<1000x896xf32, #tpu.memory_space<hbm>>
      tpu.enqueue_indirect_dma source(%dma_start3A_47 : memref<1000x896xf32, #tpu.memory_space<hbm>>) target(%arg8 : memref<40x896xf32, #tpu.memory_space<vmem>>) offsets(%arg6 : memref<40xi32, #tpu.memory_space<vmem>>) semaphore(%arg12 : memref<!tpu.dma_semaphore, #tpu.memory_space<semaphore_mem>>)
      %mul3A_48 = arith.constant 40 : i32
      %mul3A_49 = arith.muli %mul3A_35, %mul3A_48 : i32
      %add3A_50 = arith.addi %mul3A_2, %mul3A_49 : i32
      %dma_start3A_51 = arith.constant 0 : i32
      %dma_start3A_52 = tpu.memref_slice %arg4[%add3A_50, %dma_start3A_51] : memref<51200x896xf32, #tpu.memory_space<hbm>> -> memref<40x896xf32, #tpu.memory_space<hbm>>
      %dma_start3A_53 = arith.constant 0 : i32
      %dma_start3A_54 = tpu.memref_slice %arg4[%add3A_50, %dma_start3A_53] : memref<51200x896xf32, #tpu.memory_space<hbm>> -> memref<40x896xf32, #tpu.memory_space<hbm>>
      tpu.enqueue_dma source(%arg7 : memref<40x896xf32, #tpu.memory_space<vmem>>) target(%dma_start3A_54 : memref<40x896xf32, #tpu.memory_space<hbm>>) target_semaphore(%arg13 : memref<!tpu.dma_semaphore, #tpu.memory_space<semaphore_mem>>)
      %lt3A = arith.constant 19 : i32
      %lt3A_55 = arith.cmpi slt, %scan3A_33, %lt3A : i32
      %convert_element_type3A_56 = arith.extui %lt3A_55 : i1 to i32
      %cond3A_57 = arith.constant 0 : i32
      %cond3A_58 = arith.cmpi ne, %convert_element_type3A_56, %cond3A_57 : i32
      scf.if %cond3A_58 {
        %add3A_76 = arith.constant 2 : i32
        %add3A_77 = arith.addi %mul3A_35, %add3A_76 : i32
        %mul3A_78 = arith.constant 40 : i32
        %mul3A_79 = arith.muli %add3A_77, %mul3A_78 : i32
        %add3A_80 = arith.addi %mul3A_2, %mul3A_79 : i32
        %dma_start3A_81 = tpu.memref_slice %arg2[%add3A_80] : memref<51200xi32, #tpu.memory_space<hbm>> -> memref<40xi32, #tpu.memory_space<hbm>>
        %dma_start3A_82 = tpu.memref_slice %arg2[%add3A_80] : memref<51200xi32, #tpu.memory_space<hbm>> -> memref<40xi32, #tpu.memory_space<hbm>>
        tpu.enqueue_dma source(%dma_start3A_82 : memref<40xi32, #tpu.memory_space<hbm>>) target(%arg5 : memref<40xi32, #tpu.memory_space<vmem>>) target_semaphore(%arg9 : memref<!tpu.dma_semaphore, #tpu.memory_space<semaphore_mem>>)
      } else {
      }
      %dma_wait3A_59 = arith.constant 0 : i32
      %dma_wait3A_60 = arith.constant 0 : i32
      %dma_wait3A_61 = tpu.memref_slice %arg3[%dma_wait3A_59, %dma_wait3A_60] : memref<1000x896xf32, #tpu.memory_space<hbm>> -> memref<1000x896xf32, #tpu.memory_space<hbm>>
      tpu.wait_indirect_dma semaphore(%arg12 : memref<!tpu.dma_semaphore, #tpu.memory_space<semaphore_mem>>) src(%dma_wait3A_61 : memref<1000x896xf32, #tpu.memory_space<hbm>>) dst(%arg8 : memref<40x896xf32, #tpu.memory_space<vmem>>)
      %lt3A_62 = arith.constant 19 : i32
      %lt3A_63 = arith.cmpi slt, %scan3A_33, %lt3A_62 : i32
      %convert_element_type3A_64 = arith.extui %lt3A_63 : i1 to i32
      %cond3A_65 = arith.constant 0 : i32
      %cond3A_66 = arith.cmpi ne, %convert_element_type3A_64, %cond3A_65 : i32
      scf.if %cond3A_66 {
        %dma_wait3A_76 = arith.constant 0 : i32
        %dma_wait3A_77 = tpu.memref_slice %arg2[%dma_wait3A_76] : memref<51200xi32, #tpu.memory_space<hbm>> -> memref<40xi32, #tpu.memory_space<hbm>>
        %dma_wait3A_78 = arith.constant 0 : i32
        %dma_wait3A_79 = tpu.memref_slice %arg2[%dma_wait3A_78] : memref<51200xi32, #tpu.memory_space<hbm>> -> memref<40xi32, #tpu.memory_space<hbm>>
        tpu.wait_dma2 semaphore(%arg9 : memref<!tpu.dma_semaphore, #tpu.memory_space<semaphore_mem>>) src(%dma_wait3A_79 : memref<40xi32, #tpu.memory_space<hbm>>) dst(%arg5 : memref<40xi32, #tpu.memory_space<vmem>>)
        %dma_wait3A_80 = arith.constant 0 : i32
        %dma_wait3A_81 = arith.constant 0 : i32
        %dma_wait3A_82 = tpu.memref_slice %arg4[%dma_wait3A_80, %dma_wait3A_81] : memref<51200x896xf32, #tpu.memory_space<hbm>> -> memref<40x896xf32, #tpu.memory_space<hbm>>
        %dma_wait3A_83 = arith.constant 0 : i32
        %dma_wait3A_84 = arith.constant 0 : i32
        %dma_wait3A_85 = tpu.memref_slice %arg4[%dma_wait3A_83, %dma_wait3A_84] : memref<51200x896xf32, #tpu.memory_space<hbm>> -> memref<40x896xf32, #tpu.memory_space<hbm>>
        tpu.wait_dma2 semaphore(%arg13 : memref<!tpu.dma_semaphore, #tpu.memory_space<semaphore_mem>>) src(%arg7 : memref<40x896xf32, #tpu.memory_space<vmem>>) dst(%dma_wait3A_85 : memref<40x896xf32, #tpu.memory_space<hbm>>)
        %dma_start3A_86 = arith.constant 0 : i32
        %dma_start3A_87 = arith.constant 0 : i32
        %dma_start3A_88 = tpu.memref_slice %arg3[%dma_start3A_86, %dma_start3A_87] : memref<1000x896xf32, #tpu.memory_space<hbm>> -> memref<1000x896xf32, #tpu.memory_space<hbm>>
        tpu.enqueue_indirect_dma source(%dma_start3A_88 : memref<1000x896xf32, #tpu.memory_space<hbm>>) target(%arg7 : memref<40x896xf32, #tpu.memory_space<vmem>>) offsets(%arg5 : memref<40xi32, #tpu.memory_space<vmem>>) semaphore(%arg11 : memref<!tpu.dma_semaphore, #tpu.memory_space<semaphore_mem>>)
        %add3A_89 = arith.constant 3 : i32
        %add3A_90 = arith.addi %mul3A_35, %add3A_89 : i32
        %mul3A_91 = arith.constant 40 : i32
        %mul3A_92 = arith.muli %add3A_90, %mul3A_91 : i32
        %add3A_93 = arith.addi %mul3A_2, %mul3A_92 : i32
        %dma_start3A_94 = tpu.memref_slice %arg2[%add3A_93] : memref<51200xi32, #tpu.memory_space<hbm>> -> memref<40xi32, #tpu.memory_space<hbm>>
        %dma_start3A_95 = tpu.memref_slice %arg2[%add3A_93] : memref<51200xi32, #tpu.memory_space<hbm>> -> memref<40xi32, #tpu.memory_space<hbm>>
        tpu.enqueue_dma source(%dma_start3A_95 : memref<40xi32, #tpu.memory_space<hbm>>) target(%arg6 : memref<40xi32, #tpu.memory_space<vmem>>) target_semaphore(%arg10 : memref<!tpu.dma_semaphore, #tpu.memory_space<semaphore_mem>>)
      } else {
      }
      %add3A_67 = arith.constant 1 : i32
      %add3A_68 = arith.addi %mul3A_35, %add3A_67 : i32
      %mul3A_69 = arith.constant 40 : i32
      %mul3A_70 = arith.muli %add3A_68, %mul3A_69 : i32
      %add3A_71 = arith.addi %mul3A_2, %mul3A_70 : i32
      %dma_start3A_72 = arith.constant 0 : i32
      %dma_start3A_73 = tpu.memref_slice %arg4[%add3A_71, %dma_start3A_72] : memref<51200x896xf32, #tpu.memory_space<hbm>> -> memref<40x896xf32, #tpu.memory_space<hbm>>
      %dma_start3A_74 = arith.constant 0 : i32
      %dma_start3A_75 = tpu.memref_slice %arg4[%add3A_71, %dma_start3A_74] : memref<51200x896xf32, #tpu.memory_space<hbm>> -> memref<40x896xf32, #tpu.memory_space<hbm>>
      tpu.enqueue_dma source(%arg8 : memref<40x896xf32, #tpu.memory_space<vmem>>) target(%dma_start3A_75 : memref<40x896xf32, #tpu.memory_space<hbm>>) target_semaphore(%arg14 : memref<!tpu.dma_semaphore, #tpu.memory_space<semaphore_mem>>)
    }
    %scan3A_20 = arith.constant 20 : i32
    %dma_wait3A_21 = arith.constant 0 : i32
    %dma_wait3A_22 = arith.constant 0 : i32
    %dma_wait3A_23 = tpu.memref_slice %arg4[%dma_wait3A_21, %dma_wait3A_22] : memref<51200x896xf32, #tpu.memory_space<hbm>> -> memref<40x896xf32, #tpu.memory_space<hbm>>
    %dma_wait3A_24 = arith.constant 0 : i32
    %dma_wait3A_25 = arith.constant 0 : i32
    %dma_wait3A_26 = tpu.memref_slice %arg4[%dma_wait3A_24, %dma_wait3A_25] : memref<51200x896xf32, #tpu.memory_space<hbm>> -> memref<40x896xf32, #tpu.memory_space<hbm>>
    tpu.wait_dma2 semaphore(%arg13 : memref<!tpu.dma_semaphore, #tpu.memory_space<semaphore_mem>>) src(%arg7 : memref<40x896xf32, #tpu.memory_space<vmem>>) dst(%dma_wait3A_26 : memref<40x896xf32, #tpu.memory_space<hbm>>)
    %dma_wait3A_27 = arith.constant 0 : i32
    %dma_wait3A_28 = arith.constant 0 : i32
    %dma_wait3A_29 = tpu.memref_slice %arg4[%dma_wait3A_27, %dma_wait3A_28] : memref<51200x896xf32, #tpu.memory_space<hbm>> -> memref<40x896xf32, #tpu.memory_space<hbm>>
    %dma_wait3A_30 = arith.constant 0 : i32
    %dma_wait3A_31 = arith.constant 0 : i32
    %dma_wait3A_32 = tpu.memref_slice %arg4[%dma_wait3A_30, %dma_wait3A_31] : memref<51200x896xf32, #tpu.memory_space<hbm>> -> memref<40x896xf32, #tpu.memory_space<hbm>>
    tpu.wait_dma2 semaphore(%arg14 : memref<!tpu.dma_semaphore, #tpu.memory_space<semaphore_mem>>) src(%arg8 : memref<40x896xf32, #tpu.memory_space<vmem>>) dst(%dma_wait3A_32 : memref<40x896xf32, #tpu.memory_space<hbm>>)
    return
  }
}

#map = affine_map<(d0, d1) -> (0)>
#map1 = affine_map<(d0, d1) -> (0, 0)>
module attributes {stable_mosaic.version = 14 : i64} {
  func.func @_gather_rows(%arg0: i32, %arg1: i32, %arg2: memref<51200xi32, #tpu.memory_space<hbm>>, %arg3: memref<1000x896xf32, #tpu.memory_space<hbm>>, %arg4: memref<51200x896xf32, #tpu.memory_space<hbm>>, %arg5: memref<40xi32, #tpu.memory_space<vmem>>, %arg6: memref<40xi32, #tpu.memory_space<vmem>>, %arg7: memref<40x896xf32, #tpu.memory_space<vmem>>, %arg8: memref<40x896xf32, #tpu.memory_space<vmem>>, %arg9: memref<!tpu.dma_semaphore, #tpu.memory_space<semaphore_mem>>, %arg10: memref<!tpu.dma_semaphore, #tpu.memory_space<semaphore_mem>>, %arg11: memref<!tpu.dma_semaphore, #tpu.memory_space<semaphore_mem>>, %arg12: memref<!tpu.dma_semaphore, #tpu.memory_space<semaphore_mem>>, %arg13: memref<!tpu.dma_semaphore, #tpu.memory_space<semaphore_mem>>, %arg14: memref<!tpu.dma_semaphore, #tpu.memory_space<semaphore_mem>>) attributes {dimension_semantics = [#tpu.dimension_semantics<core_parallel>, #tpu.dimension_semantics<subcore_parallel>], iteration_bounds = array<i64: 2, 16>, scalar_prefetch = 0 : i64, scratch_operands = 10 : i64, tpu.core_type = #tpu.core_type<sc_vector_subcore>, window_params = [{transform_indices = #map}, {transform_indices = #map1}, {transform_indices = #map1}]} {
    %mul3A = arith.constant 2 : i32
    %mul3A_0 = arith.muli %arg1, %mul3A : i32
    %add3A = arith.addi %mul3A_0, %arg0 : i32
    %mul3A_1 = arith.constant 1600 : i32
    %mul3A_2 = arith.muli %add3A, %mul3A_1 : i32
    %add3A_3 = arith.constant 0 : i32
    %add3A_4 = arith.addi %mul3A_2, %add3A_3 : i32
    %dma_start3A = tpu.memref_slice %arg2[%add3A_4] : memref<51200xi32, #tpu.memory_space<hbm>> -> memref<40xi32, #tpu.memory_space<hbm>>
    %dma_start3A_5 = tpu.memref_slice %arg2[%add3A_4] : memref<51200xi32, #tpu.memory_space<hbm>> -> memref<40xi32, #tpu.memory_space<hbm>>
    tpu.enqueue_dma source(%dma_start3A_5 : memref<40xi32, #tpu.memory_space<hbm>>) target(%arg5 : memref<40xi32, #tpu.memory_space<vmem>>) target_semaphore(%arg9 : memref<!tpu.dma_semaphore, #tpu.memory_space<semaphore_mem>>)
    %dma_wait3A = arith.constant 0 : i32
    %dma_wait3A_6 = tpu.memref_slice %arg2[%dma_wait3A] : memref<51200xi32, #tpu.memory_space<hbm>> -> memref<40xi32, #tpu.memory_space<hbm>>
    %dma_wait3A_7 = arith.constant 0 : i32
    %dma_wait3A_8 = tpu.memref_slice %arg2[%dma_wait3A_7] : memref<51200xi32, #tpu.memory_space<hbm>> -> memref<40xi32, #tpu.memory_space<hbm>>
    tpu.wait_dma2 semaphore(%arg9 : memref<!tpu.dma_semaphore, #tpu.memory_space<semaphore_mem>>) src(%dma_wait3A_8 : memref<40xi32, #tpu.memory_space<hbm>>) dst(%arg5 : memref<40xi32, #tpu.memory_space<vmem>>)
    %dma_start3A_9 = arith.constant 0 : i32
    %dma_start3A_10 = arith.constant 0 : i32
    %dma_start3A_11 = tpu.memref_slice %arg3[%dma_start3A_9, %dma_start3A_10] : memref<1000x896xf32, #tpu.memory_space<hbm>> -> memref<1000x896xf32, #tpu.memory_space<hbm>>
    tpu.enqueue_indirect_dma source(%dma_start3A_11 : memref<1000x896xf32, #tpu.memory_space<hbm>>) target(%arg7 : memref<40x896xf32, #tpu.memory_space<vmem>>) offsets(%arg5 : memref<40xi32, #tpu.memory_space<vmem>>) semaphore(%arg11 : memref<!tpu.dma_semaphore, #tpu.memory_space<semaphore_mem>>)
    %add3A_12 = arith.constant 40 : i32
    %add3A_13 = arith.addi %mul3A_2, %add3A_12 : i32
    %dma_start3A_14 = tpu.memref_slice %arg2[%add3A_13] : memref<51200xi32, #tpu.memory_space<hbm>> -> memref<40xi32, #tpu.memory_space<hbm>>
    %dma_start3A_15 = tpu.memref_slice %arg2[%add3A_13] : memref<51200xi32, #tpu.memory_space<hbm>> -> memref<40xi32, #tpu.memory_space<hbm>>
    tpu.enqueue_dma source(%dma_start3A_15 : memref<40xi32, #tpu.memory_space<hbm>>) target(%arg6 : memref<40xi32, #tpu.memory_space<vmem>>) target_semaphore(%arg10 : memref<!tpu.dma_semaphore, #tpu.memory_space<semaphore_mem>>)
    %scan3A = arith.constant 0 : i32
    %scan3A_16 = arith.constant 0 : i32
    %scan3A_17 = arith.constant 20 : i32
    %scan3A_18 = arith.addi %scan3A_16, %scan3A_17 : i32
    %scan3A_19 = arith.constant 1 : i32
    scf.for %scan3A_33 = %scan3A_16 to %scan3A_18 step %scan3A_19  : i32 {
      %mul3A_34 = arith.constant 2 : i32
      %mul3A_35 = arith.muli %mul3A_34, %scan3A_33 : i32
      %dma_wait3A_36 = arith.constant 0 : i32
      %dma_wait3A_37 = arith.constant 0 : i32
      %dma_wait3A_38 = tpu.memref_slice %arg3[%dma_wait3A_36, %dma_wait3A_37] : memref<1000x896xf32, #tpu.memory_space<hbm>> -> memref<1000x896xf32, #tpu.memory_space<hbm>>
      tpu.wait_indirect_dma semaphore(%arg11 : memref<!tpu.dma_semaphore, #tpu.memory_space<semaphore_mem>>) src(%dma_wait3A_38 : memref<1000x896xf32, #tpu.memory_space<hbm>>) dst(%arg7 : memref<40x896xf32, #tpu.memory_space<vmem>>)
      %dma_wait3A_39 = arith.constant 0 : i32
      %dma_wait3A_40 = tpu.memref_slice %arg2[%dma_wait3A_39] : memref<51200xi32, #tpu.memory_space<hbm>> -> memref<40xi32, #tpu.memory_space<hbm>>
      %dma_wait3A_41 = arith.constant 0 : i32
      %dma_wait3A_42 = tpu.memref_slice %arg2[%dma_wait3A_41] : memref<51200xi32, #tpu.memory_space<hbm>> -> memref<40xi32, #tpu.memory_space<hbm>>
      tpu.wait_dma2 semaphore(%arg10 : memref<!tpu.dma_semaphore, #tpu.memory_space<semaphore_mem>>) src(%dma_wait3A_42 : memref<40xi32, #tpu.memory_space<hbm>>) dst(%arg6 : memref<40xi32, #tpu.memory_space<vmem>>)
      %ge3A = arith.constant 1 : i32
      %ge3A_43 = arith.cmpi sge, %scan3A_33, %ge3A : i32
      %convert_element_type3A = arith.extui %ge3A_43 : i1 to i32
      %cond3A = arith.constant 0 : i32
      %cond3A_44 = arith.cmpi ne, %convert_element_type3A, %cond3A : i32
      scf.if %cond3A_44 {
        %dma_wait3A_76 = arith.constant 0 : i32
        %dma_wait3A_77 = arith.constant 0 : i32
        %dma_wait3A_78 = tpu.memref_slice %arg4[%dma_wait3A_76, %dma_wait3A_77] : memref<51200x896xf32, #tpu.memory_space<hbm>> -> memref<40x896xf32, #tpu.memory_space<hbm>>
        %dma_wait3A_79 = arith.constant 0 : i32
        %dma_wait3A_80 = arith.constant 0 : i32
        %dma_wait3A_81 = tpu.memref_slice %arg4[%dma_wait3A_79, %dma_wait3A_80] : memref<51200x896xf32, #tpu.memory_space<hbm>> -> memref<40x896xf32, #tpu.memory_space<hbm>>
        tpu.wait_dma2 semaphore(%arg14 : memref<!tpu.dma_semaphore, #tpu.memory_space<semaphore_mem>>) src(%arg8 : memref<40x896xf32, #tpu.memory_space<vmem>>) dst(%dma_wait3A_81 : memref<40x896xf32, #tpu.memory_space<hbm>>)
      } else {
      }
      %dma_start3A_45 = arith.constant 0 : i32
      %dma_start3A_46 = arith.constant 0 : i32
      %dma_start3A_47 = tpu.memref_slice %arg3[%dma_start3A_45, %dma_start3A_46] : memref<1000x896xf32, #tpu.memory_space<hbm>> -> memref<1000x896xf32, #tpu.memory_space<hbm>>
      tpu.enqueue_indirect_dma source(%dma_start3A_47 : memref<1000x896xf32, #tpu.memory_space<hbm>>) target(%arg8 : memref<40x896xf32, #tpu.memory_space<vmem>>) offsets(%arg6 : memref<40xi32, #tpu.memory_space<vmem>>) semaphore(%arg12 : memref<!tpu.dma_semaphore, #tpu.memory_space<semaphore_mem>>)
      %mul3A_48 = arith.constant 40 : i32
      %mul3A_49 = arith.muli %mul3A_35, %mul3A_48 : i32
      %add3A_50 = arith.addi %mul3A_2, %mul3A_49 : i32
      %dma_start3A_51 = arith.constant 0 : i32
      %dma_start3A_52 = tpu.memref_slice %arg4[%add3A_50, %dma_start3A_51] : memref<51200x896xf32, #tpu.memory_space<hbm>> -> memref<40x896xf32, #tpu.memory_space<hbm>>
      %dma_start3A_53 = arith.constant 0 : i32
      %dma_start3A_54 = tpu.memref_slice %arg4[%add3A_50, %dma_start3A_53] : memref<51200x896xf32, #tpu.memory_space<hbm>> -> memref<40x896xf32, #tpu.memory_space<hbm>>
      tpu.enqueue_dma source(%arg7 : memref<40x896xf32, #tpu.memory_space<vmem>>) target(%dma_start3A_54 : memref<40x896xf32, #tpu.memory_space<hbm>>) target_semaphore(%arg13 : memref<!tpu.dma_semaphore, #tpu.memory_space<semaphore_mem>>)
      %lt3A = arith.constant 19 : i32
      %lt3A_55 = arith.cmpi slt, %scan3A_33, %lt3A : i32
      %convert_element_type3A_56 = arith.extui %lt3A_55 : i1 to i32
      %cond3A_57 = arith.constant 0 : i32
      %cond3A_58 = arith.cmpi ne, %convert_element_type3A_56, %cond3A_57 : i32
      scf.if %cond3A_58 {
        %add3A_76 = arith.constant 2 : i32
        %add3A_77 = arith.addi %mul3A_35, %add3A_76 : i32
        %mul3A_78 = arith.constant 40 : i32
        %mul3A_79 = arith.muli %add3A_77, %mul3A_78 : i32
        %add3A_80 = arith.addi %mul3A_2, %mul3A_79 : i32
        %dma_start3A_81 = tpu.memref_slice %arg2[%add3A_80] : memref<51200xi32, #tpu.memory_space<hbm>> -> memref<40xi32, #tpu.memory_space<hbm>>
        %dma_start3A_82 = tpu.memref_slice %arg2[%add3A_80] : memref<51200xi32, #tpu.memory_space<hbm>> -> memref<40xi32, #tpu.memory_space<hbm>>
        tpu.enqueue_dma source(%dma_start3A_82 : memref<40xi32, #tpu.memory_space<hbm>>) target(%arg5 : memref<40xi32, #tpu.memory_space<vmem>>) target_semaphore(%arg9 : memref<!tpu.dma_semaphore, #tpu.memory_space<semaphore_mem>>)
      } else {
      }
      %dma_wait3A_59 = arith.constant 0 : i32
      %dma_wait3A_60 = arith.constant 0 : i32
      %dma_wait3A_61 = tpu.memref_slice %arg3[%dma_wait3A_59, %dma_wait3A_60] : memref<1000x896xf32, #tpu.memory_space<hbm>> -> memref<1000x896xf32, #tpu.memory_space<hbm>>
      tpu.wait_indirect_dma semaphore(%arg12 : memref<!tpu.dma_semaphore, #tpu.memory_space<semaphore_mem>>) src(%dma_wait3A_61 : memref<1000x896xf32, #tpu.memory_space<hbm>>) dst(%arg8 : memref<40x896xf32, #tpu.memory_space<vmem>>)
      %lt3A_62 = arith.constant 19 : i32
      %lt3A_63 = arith.cmpi slt, %scan3A_33, %lt3A_62 : i32
      %convert_element_type3A_64 = arith.extui %lt3A_63 : i1 to i32
      %cond3A_65 = arith.constant 0 : i32
      %cond3A_66 = arith.cmpi ne, %convert_element_type3A_64, %cond3A_65 : i32
      scf.if %cond3A_66 {
        %dma_wait3A_76 = arith.constant 0 : i32
        %dma_wait3A_77 = tpu.memref_slice %arg2[%dma_wait3A_76] : memref<51200xi32, #tpu.memory_space<hbm>> -> memref<40xi32, #tpu.memory_space<hbm>>
        %dma_wait3A_78 = arith.constant 0 : i32
        %dma_wait3A_79 = tpu.memref_slice %arg2[%dma_wait3A_78] : memref<51200xi32, #tpu.memory_space<hbm>> -> memref<40xi32, #tpu.memory_space<hbm>>
        tpu.wait_dma2 semaphore(%arg9 : memref<!tpu.dma_semaphore, #tpu.memory_space<semaphore_mem>>) src(%dma_wait3A_79 : memref<40xi32, #tpu.memory_space<hbm>>) dst(%arg5 : memref<40xi32, #tpu.memory_space<vmem>>)
        %dma_wait3A_80 = arith.constant 0 : i32
        %dma_wait3A_81 = arith.constant 0 : i32
        %dma_wait3A_82 = tpu.memref_slice %arg4[%dma_wait3A_80, %dma_wait3A_81] : memref<51200x896xf32, #tpu.memory_space<hbm>> -> memref<40x896xf32, #tpu.memory_space<hbm>>
        %dma_wait3A_83 = arith.constant 0 : i32
        %dma_wait3A_84 = arith.constant 0 : i32
        %dma_wait3A_85 = tpu.memref_slice %arg4[%dma_wait3A_83, %dma_wait3A_84] : memref<51200x896xf32, #tpu.memory_space<hbm>> -> memref<40x896xf32, #tpu.memory_space<hbm>>
        tpu.wait_dma2 semaphore(%arg13 : memref<!tpu.dma_semaphore, #tpu.memory_space<semaphore_mem>>) src(%arg7 : memref<40x896xf32, #tpu.memory_space<vmem>>) dst(%dma_wait3A_85 : memref<40x896xf32, #tpu.memory_space<hbm>>)
        %dma_start3A_86 = arith.constant 0 : i32
        %dma_start3A_87 = arith.constant 0 : i32
        %dma_start3A_88 = tpu.memref_slice %arg3[%dma_start3A_86, %dma_start3A_87] : memref<1000x896xf32, #tpu.memory_space<hbm>> -> memref<1000x896xf32, #tpu.memory_space<hbm>>
        tpu.enqueue_indirect_dma source(%dma_start3A_88 : memref<1000x896xf32, #tpu.memory_space<hbm>>) target(%arg7 : memref<40x896xf32, #tpu.memory_space<vmem>>) offsets(%arg5 : memref<40xi32, #tpu.memory_space<vmem>>) semaphore(%arg11 : memref<!tpu.dma_semaphore, #tpu.memory_space<semaphore_mem>>)
        %add3A_89 = arith.constant 3 : i32
        %add3A_90 = arith.addi %mul3A_35, %add3A_89 : i32
        %mul3A_91 = arith.constant 40 : i32
        %mul3A_92 = arith.muli %add3A_90, %mul3A_91 : i32
        %add3A_93 = arith.addi %mul3A_2, %mul3A_92 : i32
        %dma_start3A_94 = tpu.memref_slice %arg2[%add3A_93] : memref<51200xi32, #tpu.memory_space<hbm>> -> memref<40xi32, #tpu.memory_space<hbm>>
        %dma_start3A_95 = tpu.memref_slice %arg2[%add3A_93] : memref<51200xi32, #tpu.memory_space<hbm>> -> memref<40xi32, #tpu.memory_space<hbm>>
        tpu.enqueue_dma source(%dma_start3A_95 : memref<40xi32, #tpu.memory_space<hbm>>) target(%arg6 : memref<40xi32, #tpu.memory_space<vmem>>) target_semaphore(%arg10 : memref<!tpu.dma_semaphore, #tpu.memory_space<semaphore_mem>>)
      } else {
      }
      %add3A_67 = arith.constant 1 : i32
      %add3A_68 = arith.addi %mul3A_35, %add3A_67 : i32
      %mul3A_69 = arith.constant 40 : i32
      %mul3A_70 = arith.muli %add3A_68, %mul3A_69 : i32
      %add3A_71 = arith.addi %mul3A_2, %mul3A_70 : i32
      %dma_start3A_72 = arith.constant 0 : i32
      %dma_start3A_73 = tpu.memref_slice %arg4[%add3A_71, %dma_start3A_72] : memref<51200x896xf32, #tpu.memory_space<hbm>> -> memref<40x896xf32, #tpu.memory_space<hbm>>
      %dma_start3A_74 = arith.constant 0 : i32
      %dma_start3A_75 = tpu.memref_slice %arg4[%add3A_71, %dma_start3A_74] : memref<51200x896xf32, #tpu.memory_space<hbm>> -> memref<40x896xf32, #tpu.memory_space<hbm>>
      tpu.enqueue_dma source(%arg8 : memref<40x896xf32, #tpu.memory_space<vmem>>) target(%dma_start3A_75 : memref<40x896xf32, #tpu.memory_space<hbm>>) target_semaphore(%arg14 : memref<!tpu.dma_semaphore, #tpu.memory_space<semaphore_mem>>)
    }
    %scan3A_20 = arith.constant 20 : i32
    %dma_wait3A_21 = arith.constant 0 : i32
    %dma_wait3A_22 = arith.constant 0 : i32
    %dma_wait3A_23 = tpu.memref_slice %arg4[%dma_wait3A_21, %dma_wait3A_22] : memref<51200x896xf32, #tpu.memory_space<hbm>> -> memref<40x896xf32, #tpu.memory_space<hbm>>
    %dma_wait3A_24 = arith.constant 0 : i32
    %dma_wait3A_25 = arith.constant 0 : i32
    %dma_wait3A_26 = tpu.memref_slice %arg4[%dma_wait3A_24, %dma_wait3A_25] : memref<51200x896xf32, #tpu.memory_space<hbm>> -> memref<40x896xf32, #tpu.memory_space<hbm>>
    tpu.wait_dma2 semaphore(%arg13 : memref<!tpu.dma_semaphore, #tpu.memory_space<semaphore_mem>>) src(%arg7 : memref<40x896xf32, #tpu.memory_space<vmem>>) dst(%dma_wait3A_26 : memref<40x896xf32, #tpu.memory_space<hbm>>)
    %dma_wait3A_27 = arith.constant 0 : i32
    %dma_wait3A_28 = arith.constant 0 : i32
    %dma_wait3A_29 = tpu.memref_slice %arg4[%dma_wait3A_27, %dma_wait3A_28] : memref<51200x896xf32, #tpu.memory_space<hbm>> -> memref<40x896xf32, #tpu.memory_space<hbm>>
    %dma_wait3A_30 = arith.constant 0 : i32
    %dma_wait3A_31 = arith.constant 0 : i32
    %dma_wait3A_32 = tpu.memref_slice %arg4[%dma_wait3A_30, %dma_wait3A_31] : memref<51200x896xf32, #tpu.memory_space<hbm>> -> memref<40x896xf32, #tpu.memory_space<hbm>>
    tpu.wait_dma2 semaphore(%arg14 : memref<!tpu.dma_semaphore, #tpu.memory_space<semaphore_mem>>) src(%arg8 : memref<40x896xf32, #tpu.memory_space<vmem>>) dst(%dma_wait3A_32 : memref<40x896xf32, #tpu.memory_space<hbm>>)
    return
  }
}

module attributes {stable_mosaic.version = 14 : i64} {
  func.func @body(%arg0: i32, %arg1: memref<200x1000x1024xf32, #tpu.memory_space<any>>, %arg2: memref<256x8x896xf32, #tpu.memory_space<vmem>>, %arg3: memref<8x256xi32, #tpu.memory_space<vmem>>, %arg4: memref<128x1000xf32, #tpu.memory_space<vmem>>, %arg5: memref<8x1000x256xf32, #tpu.memory_space<vmem>>) attributes {dimension_semantics = [#tpu.dimension_semantics<arbitrary>], iteration_bounds = array<i64: 25>, scalar_prefetch = 0 : i64, scratch_operands = 0 : i64, tpu.core_type = #tpu.core_type<tc>, window_params = [{}, {transform_indices = @transform_1, window_bounds = array<i64: 256, 8, 896>}, {transform_indices = @transform_2, window_bounds = array<i64: 8, 256>}, {pipeline_mode = #tpu.pipeline_mode<synchronous>, transform_indices = @transform_3, window_bounds = array<i64: 128, 1000>}, {transform_indices = @transform_4, window_bounds = array<i64: 8, 1000, 256>}]} {
    %get3A = arith.constant 0 : index
    %get3A_0 = arith.constant 0 : index
    %get3A_1 = arith.constant 0 : index
    %get3A_2 = vector.load %arg2[%get3A, %get3A_0, %get3A_1] : memref<256x8x896xf32, #tpu.memory_space<vmem>>, vector<256x1x896xf32>
    %get3A_3 = vector.shape_cast %get3A_2 : vector<256x1x896xf32> to vector<256x896xf32>
    %transpose3A = tpu.transpose %get3A_3, [1, 0] : vector<256x896xf32> -> vector<896x256xf32>
    %swap3A = arith.constant 0 : index
    %swap3A_4 = arith.constant 0 : index
    %swap3A_5 = arith.constant 0 : index
    %swap3A_6 = vector.load %arg5[%swap3A, %swap3A_4, %swap3A_5] : memref<8x1000x256xf32, #tpu.memory_space<vmem>>, vector<1x896x256xf32>
    %swap3A_7 = vector.shape_cast %swap3A_6 : vector<1x896x256xf32> to vector<896x256xf32>
    %swap3A_8 = vector.shape_cast %transpose3A : vector<896x256xf32> to vector<1x896x256xf32>
    tpu.vector_store %arg5[%swap3A, %swap3A_4, %swap3A_5], %swap3A_8 {strides = array<i32>} : memref<8x1000x256xf32, #tpu.memory_space<vmem>>, vector<1x896x256xf32>,
    %get3A_9 = arith.constant 0 : index
    %get3A_10 = arith.constant 0 : index
    %get3A_11 = vector.load %arg3[%get3A_9, %get3A_10] : memref<8x256xi32, #tpu.memory_space<vmem>>, vector<1x256xi32>
    %get3A_12 = vector.shape_cast %get3A_11 : vector<1x256xi32> to vector<256xi32>
    %iota3A = tpu.iota {dimensions = array<i32: 0>} : vector<1000x256xi32>
    %broadcast_in_dim3A = vector.shape_cast %get3A_12 : vector<256xi32> to vector<1x256xi32>
    %eq3A = vector.broadcast %broadcast_in_dim3A : vector<1x256xi32> to vector<1000x256xi32>
    %eq3A_13 = arith.cmpi eq, %iota3A, %eq3A : vector<1000x256xi32>
    %convert_element_type3A = arith.extui %eq3A_13 : vector<1000x256xi1> to vector<1000x256xi32>
    %convert_element_type3A_14 = arith.sitofp %convert_element_type3A : vector<1000x256xi32> to vector<1000x256xf32>
    %get3A_15 = arith.constant 0 : index
    %get3A_16 = arith.constant 0 : index
    %get3A_17 = vector.load %arg4[%get3A_15, %get3A_16] : memref<128x1000xf32, #tpu.memory_space<vmem>>, vector<128x1000xf32>
    %dot_general3A = arith.constant dense<0.000000e+00> : vector<128x256xf32>
    %dot_general3A_18 = tpu.matmul %get3A_17, %convert_element_type3A_14, %dot_general3A {dimension_numbers = #tpu.dot_dimension_numbers<[1], [0], [0], [1], [0, 0, 1, 1], [], []>, precision = #tpu.contract_precision<fp32>, transpose_lhs_hint = false} : vector<128x1000xf32>, vector<1000x256xf32>, vector<128x256xf32> -> vector<128x256xf32>
    %slice3A = vector.extract_strided_slice %dot_general3A_18 {offsets = [0, 0], sizes = [104, 256], strides = [1, 1]} : vector<128x256xf32> to vector<104x256xf32>
    %swap3A_19 = arith.constant 0 : index
    %swap3A_20 = arith.constant 896 : index
    %swap3A_21 = arith.constant 0 : index
    %swap3A_22 = vector.load %arg5[%swap3A_19, %swap3A_20, %swap3A_21] : memref<8x1000x256xf32, #tpu.memory_space<vmem>>, vector<1x104x256xf32>
    %swap3A_23 = vector.shape_cast %swap3A_22 : vector<1x104x256xf32> to vector<104x256xf32>
    %swap3A_24 = vector.shape_cast %slice3A : vector<104x256xf32> to vector<1x104x256xf32>
    tpu.vector_store %arg5[%swap3A_19, %swap3A_20, %swap3A_21], %swap3A_24 {strides = array<i32>} : memref<8x1000x256xf32, #tpu.memory_space<vmem>>, vector<1x104x256xf32>,
    %get3A_25 = arith.constant 0 : index
    %get3A_26 = arith.constant 1 : index
    %get3A_27 = arith.constant 0 : index
    %get3A_28 = vector.load %arg2[%get3A_25, %get3A_26, %get3A_27] : memref<256x8x896xf32, #tpu.memory_space<vmem>>, vector<256x1x896xf32>
    %get3A_29 = vector.shape_cast %get3A_28 : vector<256x1x896xf32> to vector<256x896xf32>
    %transpose3A_30 = tpu.transpose %get3A_29, [1, 0] : vector<256x896xf32> -> vector<896x256xf32>
    %swap3A_31 = arith.constant 1 : index
    %swap3A_32 = arith.constant 0 : index
    %swap3A_33 = arith.constant 0 : index
    %swap3A_34 = vector.load %arg5[%swap3A_31, %swap3A_32, %swap3A_33] : memref<8x1000x256xf32, #tpu.memory_space<vmem>>, vector<1x896x256xf32>
    %swap3A_35 = vector.shape_cast %swap3A_34 : vector<1x896x256xf32> to vector<896x256xf32>
    %swap3A_36 = vector.shape_cast %transpose3A_30 : vector<896x256xf32> to vector<1x896x256xf32>
    tpu.vector_store %arg5[%swap3A_31, %swap3A_32, %swap3A_33], %swap3A_36 {strides = array<i32>} : memref<8x1000x256xf32, #tpu.memory_space<vmem>>, vector<1x896x256xf32>,
    %get3A_37 = arith.constant 1 : index
    %get3A_38 = arith.constant 0 : index
    %get3A_39 = vector.load %arg3[%get3A_37, %get3A_38] : memref<8x256xi32, #tpu.memory_space<vmem>>, vector<1x256xi32>
    %get3A_40 = vector.shape_cast %get3A_39 : vector<1x256xi32> to vector<256xi32>
    %iota3A_41 = tpu.iota {dimensions = array<i32: 0>} : vector<1000x256xi32>
    %broadcast_in_dim3A_42 = vector.shape_cast %get3A_40 : vector<256xi32> to vector<1x256xi32>
    %eq3A_43 = vector.broadcast %broadcast_in_dim3A_42 : vector<1x256xi32> to vector<1000x256xi32>
    %eq3A_44 = arith.cmpi eq, %iota3A_41, %eq3A_43 : vector<1000x256xi32>
    %convert_element_type3A_45 = arith.extui %eq3A_44 : vector<1000x256xi1> to vector<1000x256xi32>
    %convert_element_type3A_46 = arith.sitofp %convert_element_type3A_45 : vector<1000x256xi32> to vector<1000x256xf32>
    %get3A_47 = arith.constant 0 : index
    %get3A_48 = arith.constant 0 : index
    %get3A_49 = vector.load %arg4[%get3A_47, %get3A_48] : memref<128x1000xf32, #tpu.memory_space<vmem>>, vector<128x1000xf32>
    %dot_general3A_50 = arith.constant dense<0.000000e+00> : vector<128x256xf32>
    %dot_general3A_51 = tpu.matmul %get3A_49, %convert_element_type3A_46, %dot_general3A_50 {dimension_numbers = #tpu.dot_dimension_numbers<[1], [0], [0], [1], [0, 0, 1, 1], [], []>, precision = #tpu.contract_precision<fp32>, transpose_lhs_hint = false} : vector<128x1000xf32>, vector<1000x256xf32>, vector<128x256xf32> -> vector<128x256xf32>
    %slice3A_52 = vector.extract_strided_slice %dot_general3A_51 {offsets = [0, 0], sizes = [104, 256], strides = [1, 1]} : vector<128x256xf32> to vector<104x256xf32>
    %swap3A_53 = arith.constant 1 : index
    %swap3A_54 = arith.constant 896 : index
    %swap3A_55 = arith.constant 0 : index
    %swap3A_56 = vector.load %arg5[%swap3A_53, %swap3A_54, %swap3A_55] : memref<8x1000x256xf32, #tpu.memory_space<vmem>>, vector<1x104x256xf32>
    %swap3A_57 = vector.shape_cast %swap3A_56 : vector<1x104x256xf32> to vector<104x256xf32>
    %swap3A_58 = vector.shape_cast %slice3A_52 : vector<104x256xf32> to vector<1x104x256xf32>
    tpu.vector_store %arg5[%swap3A_53, %swap3A_54, %swap3A_55], %swap3A_58 {strides = array<i32>} : memref<8x1000x256xf32, #tpu.memory_space<vmem>>, vector<1x104x256xf32>,
    %get3A_59 = arith.constant 0 : index
    %get3A_60 = arith.constant 2 : index
    %get3A_61 = arith.constant 0 : index
    %get3A_62 = vector.load %arg2[%get3A_59, %get3A_60, %get3A_61] : memref<256x8x896xf32, #tpu.memory_space<vmem>>, vector<256x1x896xf32>
    %get3A_63 = vector.shape_cast %get3A_62 : vector<256x1x896xf32> to vector<256x896xf32>
    %transpose3A_64 = tpu.transpose %get3A_63, [1, 0] : vector<256x896xf32> -> vector<896x256xf32>
    %swap3A_65 = arith.constant 2 : index
    %swap3A_66 = arith.constant 0 : index
    %swap3A_67 = arith.constant 0 : index
    %swap3A_68 = vector.load %arg5[%swap3A_65, %swap3A_66, %swap3A_67] : memref<8x1000x256xf32, #tpu.memory_space<vmem>>, vector<1x896x256xf32>
    %swap3A_69 = vector.shape_cast %swap3A_68 : vector<1x896x256xf32> to vector<896x256xf32>
    %swap3A_70 = vector.shape_cast %transpose3A_64 : vector<896x256xf32> to vector<1x896x256xf32>
    tpu.vector_store %arg5[%swap3A_65, %swap3A_66, %swap3A_67], %swap3A_70 {strides = array<i32>} : memref<8x1000x256xf32, #tpu.memory_space<vmem>>, vector<1x896x256xf32>,
    %get3A_71 = arith.constant 2 : index
    %get3A_72 = arith.constant 0 : index
    %get3A_73 = vector.load %arg3[%get3A_71, %get3A_72] : memref<8x256xi32, #tpu.memory_space<vmem>>, vector<1x256xi32>
    %get3A_74 = vector.shape_cast %get3A_73 : vector<1x256xi32> to vector<256xi32>
    %iota3A_75 = tpu.iota {dimensions = array<i32: 0>} : vector<1000x256xi32>
    %broadcast_in_dim3A_76 = vector.shape_cast %get3A_74 : vector<256xi32> to vector<1x256xi32>
    %eq3A_77 = vector.broadcast %broadcast_in_dim3A_76 : vector<1x256xi32> to vector<1000x256xi32>
    %eq3A_78 = arith.cmpi eq, %iota3A_75, %eq3A_77 : vector<1000x256xi32>
    %convert_element_type3A_79 = arith.extui %eq3A_78 : vector<1000x256xi1> to vector<1000x256xi32>
    %convert_element_type3A_80 = arith.sitofp %convert_element_type3A_79 : vector<1000x256xi32> to vector<1000x256xf32>
    %get3A_81 = arith.constant 0 : index
    %get3A_82 = arith.constant 0 : index
    %get3A_83 = vector.load %arg4[%get3A_81, %get3A_82] : memref<128x1000xf32, #tpu.memory_space<vmem>>, vector<128x1000xf32>
    %dot_general3A_84 = arith.constant dense<0.000000e+00> : vector<128x256xf32>
    %dot_general3A_85 = tpu.matmul %get3A_83, %convert_element_type3A_80, %dot_general3A_84 {dimension_numbers = #tpu.dot_dimension_numbers<[1], [0], [0], [1], [0, 0, 1, 1], [], []>, precision = #tpu.contract_precision<fp32>, transpose_lhs_hint = false} : vector<128x1000xf32>, vector<1000x256xf32>, vector<128x256xf32> -> vector<128x256xf32>
    %slice3A_86 = vector.extract_strided_slice %dot_general3A_85 {offsets = [0, 0], sizes = [104, 256], strides = [1, 1]} : vector<128x256xf32> to vector<104x256xf32>
    %swap3A_87 = arith.constant 2 : index
    %swap3A_88 = arith.constant 896 : index
    %swap3A_89 = arith.constant 0 : index
    %swap3A_90 = vector.load %arg5[%swap3A_87, %swap3A_88, %swap3A_89] : memref<8x1000x256xf32, #tpu.memory_space<vmem>>, vector<1x104x256xf32>
    %swap3A_91 = vector.shape_cast %swap3A_90 : vector<1x104x256xf32> to vector<104x256xf32>
    %swap3A_92 = vector.shape_cast %slice3A_86 : vector<104x256xf32> to vector<1x104x256xf32>
    tpu.vector_store %arg5[%swap3A_87, %swap3A_88, %swap3A_89], %swap3A_92 {strides = array<i32>} : memref<8x1000x256xf32, #tpu.memory_space<vmem>>, vector<1x104x256xf32>,
    %get3A_93 = arith.constant 0 : index
    %get3A_94 = arith.constant 3 : index
    %get3A_95 = arith.constant 0 : index
    %get3A_96 = vector.load %arg2[%get3A_93, %get3A_94, %get3A_95] : memref<256x8x896xf32, #tpu.memory_space<vmem>>, vector<256x1x896xf32>
    %get3A_97 = vector.shape_cast %get3A_96 : vector<256x1x896xf32> to vector<256x896xf32>
    %transpose3A_98 = tpu.transpose %get3A_97, [1, 0] : vector<256x896xf32> -> vector<896x256xf32>
    %swap3A_99 = arith.constant 3 : index
    %swap3A_100 = arith.constant 0 : index
    %swap3A_101 = arith.constant 0 : index
    %swap3A_102 = vector.load %arg5[%swap3A_99, %swap3A_100, %swap3A_101] : memref<8x1000x256xf32, #tpu.memory_space<vmem>>, vector<1x896x256xf32>
    %swap3A_103 = vector.shape_cast %swap3A_102 : vector<1x896x256xf32> to vector<896x256xf32>
    %swap3A_104 = vector.shape_cast %transpose3A_98 : vector<896x256xf32> to vector<1x896x256xf32>
    tpu.vector_store %arg5[%swap3A_99, %swap3A_100, %swap3A_101], %swap3A_104 {strides = array<i32>} : memref<8x1000x256xf32, #tpu.memory_space<vmem>>, vector<1x896x256xf32>,
    %get3A_105 = arith.constant 3 : index
    %get3A_106 = arith.constant 0 : index
    %get3A_107 = vector.load %arg3[%get3A_105, %get3A_106] : memref<8x256xi32, #tpu.memory_space<vmem>>, vector<1x256xi32>
    %get3A_108 = vector.shape_cast %get3A_107 : vector<1x256xi32> to vector<256xi32>
    %iota3A_109 = tpu.iota {dimensions = array<i32: 0>} : vector<1000x256xi32>
    %broadcast_in_dim3A_110 = vector.shape_cast %get3A_108 : vector<256xi32> to vector<1x256xi32>
    %eq3A_111 = vector.broadcast %broadcast_in_dim3A_110 : vector<1x256xi32> to vector<1000x256xi32>
    %eq3A_112 = arith.cmpi eq, %iota3A_109, %eq3A_111 : vector<1000x256xi32>
    %convert_element_type3A_113 = arith.extui %eq3A_112 : vector<1000x256xi1> to vector<1000x256xi32>
    %convert_element_type3A_114 = arith.sitofp %convert_element_type3A_113 : vector<1000x256xi32> to vector<1000x256xf32>
    %get3A_115 = arith.constant 0 : index
    %get3A_116 = arith.constant 0 : index
    %get3A_117 = vector.load %arg4[%get3A_115, %get3A_116] : memref<128x1000xf32, #tpu.memory_space<vmem>>, vector<128x1000xf32>
    %dot_general3A_118 = arith.constant dense<0.000000e+00> : vector<128x256xf32>
    %dot_general3A_119 = tpu.matmul %get3A_117, %convert_element_type3A_114, %dot_general3A_118 {dimension_numbers = #tpu.dot_dimension_numbers<[1], [0], [0], [1], [0, 0, 1, 1], [], []>, precision = #tpu.contract_precision<fp32>, transpose_lhs_hint = false} : vector<128x1000xf32>, vector<1000x256xf32>, vector<128x256xf32> -> vector<128x256xf32>
    %slice3A_120 = vector.extract_strided_slice %dot_general3A_119 {offsets = [0, 0], sizes = [104, 256], strides = [1, 1]} : vector<128x256xf32> to vector<104x256xf32>
    %swap3A_121 = arith.constant 3 : index
    %swap3A_122 = arith.constant 896 : index
    %swap3A_123 = arith.constant 0 : index
    %swap3A_124 = vector.load %arg5[%swap3A_121, %swap3A_122, %swap3A_123] : memref<8x1000x256xf32, #tpu.memory_space<vmem>>, vector<1x104x256xf32>
    %swap3A_125 = vector.shape_cast %swap3A_124 : vector<1x104x256xf32> to vector<104x256xf32>
    %swap3A_126 = vector.shape_cast %slice3A_120 : vector<104x256xf32> to vector<1x104x256xf32>
    tpu.vector_store %arg5[%swap3A_121, %swap3A_122, %swap3A_123], %swap3A_126 {strides = array<i32>} : memref<8x1000x256xf32, #tpu.memory_space<vmem>>, vector<1x104x256xf32>,
    %get3A_127 = arith.constant 0 : index
    %get3A_128 = arith.constant 4 : index
    %get3A_129 = arith.constant 0 : index
    %get3A_130 = vector.load %arg2[%get3A_127, %get3A_128, %get3A_129] : memref<256x8x896xf32, #tpu.memory_space<vmem>>, vector<256x1x896xf32>
    %get3A_131 = vector.shape_cast %get3A_130 : vector<256x1x896xf32> to vector<256x896xf32>
    %transpose3A_132 = tpu.transpose %get3A_131, [1, 0] : vector<256x896xf32> -> vector<896x256xf32>
    %swap3A_133 = arith.constant 4 : index
    %swap3A_134 = arith.constant 0 : index
    %swap3A_135 = arith.constant 0 : index
    %swap3A_136 = vector.load %arg5[%swap3A_133, %swap3A_134, %swap3A_135] : memref<8x1000x256xf32, #tpu.memory_space<vmem>>, vector<1x896x256xf32>
    %swap3A_137 = vector.shape_cast %swap3A_136 : vector<1x896x256xf32> to vector<896x256xf32>
    %swap3A_138 = vector.shape_cast %transpose3A_132 : vector<896x256xf32> to vector<1x896x256xf32>
    tpu.vector_store %arg5[%swap3A_133, %swap3A_134, %swap3A_135], %swap3A_138 {strides = array<i32>} : memref<8x1000x256xf32, #tpu.memory_space<vmem>>, vector<1x896x256xf32>,
    %get3A_139 = arith.constant 4 : index
    %get3A_140 = arith.constant 0 : index
    %get3A_141 = vector.load %arg3[%get3A_139, %get3A_140] : memref<8x256xi32, #tpu.memory_space<vmem>>, vector<1x256xi32>
    %get3A_142 = vector.shape_cast %get3A_141 : vector<1x256xi32> to vector<256xi32>
    %iota3A_143 = tpu.iota {dimensions = array<i32: 0>} : vector<1000x256xi32>
    %broadcast_in_dim3A_144 = vector.shape_cast %get3A_142 : vector<256xi32> to vector<1x256xi32>
    %eq3A_145 = vector.broadcast %broadcast_in_dim3A_144 : vector<1x256xi32> to vector<1000x256xi32>
    %eq3A_146 = arith.cmpi eq, %iota3A_143, %eq3A_145 : vector<1000x256xi32>
    %convert_element_type3A_147 = arith.extui %eq3A_146 : vector<1000x256xi1> to vector<1000x256xi32>
    %convert_element_type3A_148 = arith.sitofp %convert_element_type3A_147 : vector<1000x256xi32> to vector<1000x256xf32>
    %get3A_149 = arith.constant 0 : index
    %get3A_150 = arith.constant 0 : index
    %get3A_151 = vector.load %arg4[%get3A_149, %get3A_150] : memref<128x1000xf32, #tpu.memory_space<vmem>>, vector<128x1000xf32>
    %dot_general3A_152 = arith.constant dense<0.000000e+00> : vector<128x256xf32>
    %dot_general3A_153 = tpu.matmul %get3A_151, %convert_element_type3A_148, %dot_general3A_152 {dimension_numbers = #tpu.dot_dimension_numbers<[1], [0], [0], [1], [0, 0, 1, 1], [], []>, precision = #tpu.contract_precision<fp32>, transpose_lhs_hint = false} : vector<128x1000xf32>, vector<1000x256xf32>, vector<128x256xf32> -> vector<128x256xf32>
    %slice3A_154 = vector.extract_strided_slice %dot_general3A_153 {offsets = [0, 0], sizes = [104, 256], strides = [1, 1]} : vector<128x256xf32> to vector<104x256xf32>
    %swap3A_155 = arith.constant 4 : index
    %swap3A_156 = arith.constant 896 : index
    %swap3A_157 = arith.constant 0 : index
    %swap3A_158 = vector.load %arg5[%swap3A_155, %swap3A_156, %swap3A_157] : memref<8x1000x256xf32, #tpu.memory_space<vmem>>, vector<1x104x256xf32>
    %swap3A_159 = vector.shape_cast %swap3A_158 : vector<1x104x256xf32> to vector<104x256xf32>
    %swap3A_160 = vector.shape_cast %slice3A_154 : vector<104x256xf32> to vector<1x104x256xf32>
    tpu.vector_store %arg5[%swap3A_155, %swap3A_156, %swap3A_157], %swap3A_160 {strides = array<i32>} : memref<8x1000x256xf32, #tpu.memory_space<vmem>>, vector<1x104x256xf32>,
    %get3A_161 = arith.constant 0 : index
    %get3A_162 = arith.constant 5 : index
    %get3A_163 = arith.constant 0 : index
    %get3A_164 = vector.load %arg2[%get3A_161, %get3A_162, %get3A_163] : memref<256x8x896xf32, #tpu.memory_space<vmem>>, vector<256x1x896xf32>
    %get3A_165 = vector.shape_cast %get3A_164 : vector<256x1x896xf32> to vector<256x896xf32>
    %transpose3A_166 = tpu.transpose %get3A_165, [1, 0] : vector<256x896xf32> -> vector<896x256xf32>
    %swap3A_167 = arith.constant 5 : index
    %swap3A_168 = arith.constant 0 : index
    %swap3A_169 = arith.constant 0 : index
    %swap3A_170 = vector.load %arg5[%swap3A_167, %swap3A_168, %swap3A_169] : memref<8x1000x256xf32, #tpu.memory_space<vmem>>, vector<1x896x256xf32>
    %swap3A_171 = vector.shape_cast %swap3A_170 : vector<1x896x256xf32> to vector<896x256xf32>
    %swap3A_172 = vector.shape_cast %transpose3A_166 : vector<896x256xf32> to vector<1x896x256xf32>
    tpu.vector_store %arg5[%swap3A_167, %swap3A_168, %swap3A_169], %swap3A_172 {strides = array<i32>} : memref<8x1000x256xf32, #tpu.memory_space<vmem>>, vector<1x896x256xf32>,
    %get3A_173 = arith.constant 5 : index
    %get3A_174 = arith.constant 0 : index
    %get3A_175 = vector.load %arg3[%get3A_173, %get3A_174] : memref<8x256xi32, #tpu.memory_space<vmem>>, vector<1x256xi32>
    %get3A_176 = vector.shape_cast %get3A_175 : vector<1x256xi32> to vector<256xi32>
    %iota3A_177 = tpu.iota {dimensions = array<i32: 0>} : vector<1000x256xi32>
    %broadcast_in_dim3A_178 = vector.shape_cast %get3A_176 : vector<256xi32> to vector<1x256xi32>
    %eq3A_179 = vector.broadcast %broadcast_in_dim3A_178 : vector<1x256xi32> to vector<1000x256xi32>
    %eq3A_180 = arith.cmpi eq, %iota3A_177, %eq3A_179 : vector<1000x256xi32>
    %convert_element_type3A_181 = arith.extui %eq3A_180 : vector<1000x256xi1> to vector<1000x256xi32>
    %convert_element_type3A_182 = arith.sitofp %convert_element_type3A_181 : vector<1000x256xi32> to vector<1000x256xf32>
    %get3A_183 = arith.constant 0 : index
    %get3A_184 = arith.constant 0 : index
    %get3A_185 = vector.load %arg4[%get3A_183, %get3A_184] : memref<128x1000xf32, #tpu.memory_space<vmem>>, vector<128x1000xf32>
    %dot_general3A_186 = arith.constant dense<0.000000e+00> : vector<128x256xf32>
    %dot_general3A_187 = tpu.matmul %get3A_185, %convert_element_type3A_182, %dot_general3A_186 {dimension_numbers = #tpu.dot_dimension_numbers<[1], [0], [0], [1], [0, 0, 1, 1], [], []>, precision = #tpu.contract_precision<fp32>, transpose_lhs_hint = false} : vector<128x1000xf32>, vector<1000x256xf32>, vector<128x256xf32> -> vector<128x256xf32>
    %slice3A_188 = vector.extract_strided_slice %dot_general3A_187 {offsets = [0, 0], sizes = [104, 256], strides = [1, 1]} : vector<128x256xf32> to vector<104x256xf32>
    %swap3A_189 = arith.constant 5 : index
    %swap3A_190 = arith.constant 896 : index
    %swap3A_191 = arith.constant 0 : index
    %swap3A_192 = vector.load %arg5[%swap3A_189, %swap3A_190, %swap3A_191] : memref<8x1000x256xf32, #tpu.memory_space<vmem>>, vector<1x104x256xf32>
    %swap3A_193 = vector.shape_cast %swap3A_192 : vector<1x104x256xf32> to vector<104x256xf32>
    %swap3A_194 = vector.shape_cast %slice3A_188 : vector<104x256xf32> to vector<1x104x256xf32>
    tpu.vector_store %arg5[%swap3A_189, %swap3A_190, %swap3A_191], %swap3A_194 {strides = array<i32>} : memref<8x1000x256xf32, #tpu.memory_space<vmem>>, vector<1x104x256xf32>,
    %get3A_195 = arith.constant 0 : index
    %get3A_196 = arith.constant 6 : index
    %get3A_197 = arith.constant 0 : index
    %get3A_198 = vector.load %arg2[%get3A_195, %get3A_196, %get3A_197] : memref<256x8x896xf32, #tpu.memory_space<vmem>>, vector<256x1x896xf32>
    %get3A_199 = vector.shape_cast %get3A_198 : vector<256x1x896xf32> to vector<256x896xf32>
    %transpose3A_200 = tpu.transpose %get3A_199, [1, 0] : vector<256x896xf32> -> vector<896x256xf32>
    %swap3A_201 = arith.constant 6 : index
    %swap3A_202 = arith.constant 0 : index
    %swap3A_203 = arith.constant 0 : index
    %swap3A_204 = vector.load %arg5[%swap3A_201, %swap3A_202, %swap3A_203] : memref<8x1000x256xf32, #tpu.memory_space<vmem>>, vector<1x896x256xf32>
    %swap3A_205 = vector.shape_cast %swap3A_204 : vector<1x896x256xf32> to vector<896x256xf32>
    %swap3A_206 = vector.shape_cast %transpose3A_200 : vector<896x256xf32> to vector<1x896x256xf32>
    tpu.vector_store %arg5[%swap3A_201, %swap3A_202, %swap3A_203], %swap3A_206 {strides = array<i32>} : memref<8x1000x256xf32, #tpu.memory_space<vmem>>, vector<1x896x256xf32>,
    %get3A_207 = arith.constant 6 : index
    %get3A_208 = arith.constant 0 : index
    %get3A_209 = vector.load %arg3[%get3A_207, %get3A_208] : memref<8x256xi32, #tpu.memory_space<vmem>>, vector<1x256xi32>
    %get3A_210 = vector.shape_cast %get3A_209 : vector<1x256xi32> to vector<256xi32>
    %iota3A_211 = tpu.iota {dimensions = array<i32: 0>} : vector<1000x256xi32>
    %broadcast_in_dim3A_212 = vector.shape_cast %get3A_210 : vector<256xi32> to vector<1x256xi32>
    %eq3A_213 = vector.broadcast %broadcast_in_dim3A_212 : vector<1x256xi32> to vector<1000x256xi32>
    %eq3A_214 = arith.cmpi eq, %iota3A_211, %eq3A_213 : vector<1000x256xi32>
    %convert_element_type3A_215 = arith.extui %eq3A_214 : vector<1000x256xi1> to vector<1000x256xi32>
    %convert_element_type3A_216 = arith.sitofp %convert_element_type3A_215 : vector<1000x256xi32> to vector<1000x256xf32>
    %get3A_217 = arith.constant 0 : index
    %get3A_218 = arith.constant 0 : index
    %get3A_219 = vector.load %arg4[%get3A_217, %get3A_218] : memref<128x1000xf32, #tpu.memory_space<vmem>>, vector<128x1000xf32>
    %dot_general3A_220 = arith.constant dense<0.000000e+00> : vector<128x256xf32>
    %dot_general3A_221 = tpu.matmul %get3A_219, %convert_element_type3A_216, %dot_general3A_220 {dimension_numbers = #tpu.dot_dimension_numbers<[1], [0], [0], [1], [0, 0, 1, 1], [], []>, precision = #tpu.contract_precision<fp32>, transpose_lhs_hint = false} : vector<128x1000xf32>, vector<1000x256xf32>, vector<128x256xf32> -> vector<128x256xf32>
    %slice3A_222 = vector.extract_strided_slice %dot_general3A_221 {offsets = [0, 0], sizes = [104, 256], strides = [1, 1]} : vector<128x256xf32> to vector<104x256xf32>
    %swap3A_223 = arith.constant 6 : index
    %swap3A_224 = arith.constant 896 : index
    %swap3A_225 = arith.constant 0 : index
    %swap3A_226 = vector.load %arg5[%swap3A_223, %swap3A_224, %swap3A_225] : memref<8x1000x256xf32, #tpu.memory_space<vmem>>, vector<1x104x256xf32>
    %swap3A_227 = vector.shape_cast %swap3A_226 : vector<1x104x256xf32> to vector<104x256xf32>
    %swap3A_228 = vector.shape_cast %slice3A_222 : vector<104x256xf32> to vector<1x104x256xf32>
    tpu.vector_store %arg5[%swap3A_223, %swap3A_224, %swap3A_225], %swap3A_228 {strides = array<i32>} : memref<8x1000x256xf32, #tpu.memory_space<vmem>>, vector<1x104x256xf32>,
    %get3A_229 = arith.constant 0 : index
    %get3A_230 = arith.constant 7 : index
    %get3A_231 = arith.constant 0 : index
    %get3A_232 = vector.load %arg2[%get3A_229, %get3A_230, %get3A_231] : memref<256x8x896xf32, #tpu.memory_space<vmem>>, vector<256x1x896xf32>
    %get3A_233 = vector.shape_cast %get3A_232 : vector<256x1x896xf32> to vector<256x896xf32>
    %transpose3A_234 = tpu.transpose %get3A_233, [1, 0] : vector<256x896xf32> -> vector<896x256xf32>
    %swap3A_235 = arith.constant 7 : index
    %swap3A_236 = arith.constant 0 : index
    %swap3A_237 = arith.constant 0 : index
    %swap3A_238 = vector.load %arg5[%swap3A_235, %swap3A_236, %swap3A_237] : memref<8x1000x256xf32, #tpu.memory_space<vmem>>, vector<1x896x256xf32>
    %swap3A_239 = vector.shape_cast %swap3A_238 : vector<1x896x256xf32> to vector<896x256xf32>
    %swap3A_240 = vector.shape_cast %transpose3A_234 : vector<896x256xf32> to vector<1x896x256xf32>
    tpu.vector_store %arg5[%swap3A_235, %swap3A_236, %swap3A_237], %swap3A_240 {strides = array<i32>} : memref<8x1000x256xf32, #tpu.memory_space<vmem>>, vector<1x896x256xf32>,
    %get3A_241 = arith.constant 7 : index
    %get3A_242 = arith.constant 0 : index
    %get3A_243 = vector.load %arg3[%get3A_241, %get3A_242] : memref<8x256xi32, #tpu.memory_space<vmem>>, vector<1x256xi32>
    %get3A_244 = vector.shape_cast %get3A_243 : vector<1x256xi32> to vector<256xi32>
    %iota3A_245 = tpu.iota {dimensions = array<i32: 0>} : vector<1000x256xi32>
    %broadcast_in_dim3A_246 = vector.shape_cast %get3A_244 : vector<256xi32> to vector<1x256xi32>
    %eq3A_247 = vector.broadcast %broadcast_in_dim3A_246 : vector<1x256xi32> to vector<1000x256xi32>
    %eq3A_248 = arith.cmpi eq, %iota3A_245, %eq3A_247 : vector<1000x256xi32>
    %convert_element_type3A_249 = arith.extui %eq3A_248 : vector<1000x256xi1> to vector<1000x256xi32>
    %convert_element_type3A_250 = arith.sitofp %convert_element_type3A_249 : vector<1000x256xi32> to vector<1000x256xf32>
    %get3A_251 = arith.constant 0 : index
    %get3A_252 = arith.constant 0 : index
    %get3A_253 = vector.load %arg4[%get3A_251, %get3A_252] : memref<128x1000xf32, #tpu.memory_space<vmem>>, vector<128x1000xf32>
    %dot_general3A_254 = arith.constant dense<0.000000e+00> : vector<128x256xf32>
    %dot_general3A_255 = tpu.matmul %get3A_253, %convert_element_type3A_250, %dot_general3A_254 {dimension_numbers = #tpu.dot_dimension_numbers<[1], [0], [0], [1], [0, 0, 1, 1], [], []>, precision = #tpu.contract_precision<fp32>, transpose_lhs_hint = false} : vector<128x1000xf32>, vector<1000x256xf32>, vector<128x256xf32> -> vector<128x256xf32>
    %slice3A_256 = vector.extract_strided_slice %dot_general3A_255 {offsets = [0, 0], sizes = [104, 256], strides = [1, 1]} : vector<128x256xf32> to vector<104x256xf32>
    %swap3A_257 = arith.constant 7 : index
    %swap3A_258 = arith.constant 896 : index
    %swap3A_259 = arith.constant 0 : index
    %swap3A_260 = vector.load %arg5[%swap3A_257, %swap3A_258, %swap3A_259] : memref<8x1000x256xf32, #tpu.memory_space<vmem>>, vector<1x104x256xf32>
    %swap3A_261 = vector.shape_cast %swap3A_260 : vector<1x104x256xf32> to vector<104x256xf32>
    %swap3A_262 = vector.shape_cast %slice3A_256 : vector<104x256xf32> to vector<1x104x256xf32>
    tpu.vector_store %arg5[%swap3A_257, %swap3A_258, %swap3A_259], %swap3A_262 {strides = array<i32>} : memref<8x1000x256xf32, #tpu.memory_space<vmem>>, vector<1x104x256xf32>,
    return
  }
  func.func @transform_1(%arg0: i32) -> (i32, i32, i32) {
    %c0_i32 = arith.constant 0 : i32
    %c0_i32_0 = arith.constant 0 : i32
    %c0_i32_1 = arith.constant 0 : i32
    return %c0_i32, %arg0, %c0_i32_0 : i32, i32, i32
  }
  func.func @transform_2(%arg0: i32) -> (i32, i32) {
    %c0_i32 = arith.constant 0 : i32
    %c0_i32_0 = arith.constant 0 : i32
    return %arg0, %c0_i32 : i32, i32
  }
  func.func @transform_3(%arg0: i32) -> (i32, i32) {
    %c0_i32 = arith.constant 0 : i32
    %c0_i32_0 = arith.constant 0 : i32
    %c0_i32_1 = arith.constant 0 : i32
    return %c0_i32, %c0_i32_0 : i32, i32
  }
  func.func @transform_4(%arg0: i32) -> (i32, i32, i32) {
    %c0_i32 = arith.constant 0 : i32
    %c1_i32 = arith.constant 1 : i32
    %c0_i32_0 = arith.constant 0 : i32
    return %arg0, %c0_i32, %c1_i32 : i32, i32, i32
  }
}

module attributes {stable_mosaic.version = 14 : i64} {
  func.func @body(%arg0: i32, %arg1: memref<256x8x896xf32, #tpu.memory_space<vmem>>, %arg2: memref<8x256xi32, #tpu.memory_space<vmem>>, %arg3: memref<128x1000xf32, #tpu.memory_space<vmem>>, %arg4: memref<8x1000x256xf32, #tpu.memory_space<vmem>>) attributes {dimension_semantics = [#tpu.dimension_semantics<arbitrary>], iteration_bounds = array<i64: 25>, scalar_prefetch = 0 : i64, scratch_operands = 0 : i64, tpu.core_type = #tpu.core_type<tc>, window_params = [{transform_indices = @transform_0, window_bounds = array<i64: 256, 8, 896>}, {transform_indices = @transform_1, window_bounds = array<i64: 8, 256>}, {pipeline_mode = #tpu.pipeline_mode<synchronous>, transform_indices = @transform_2, window_bounds = array<i64: 128, 1000>}, {transform_indices = @transform_3, window_bounds = array<i64: 8, 1000, 256>}]} {
    %get3A = arith.constant 0 : index
    %get3A_0 = arith.constant 0 : index
    %get3A_1 = arith.constant 0 : index
    %get3A_2 = vector.load %arg1[%get3A, %get3A_0, %get3A_1] : memref<256x8x896xf32, #tpu.memory_space<vmem>>, vector<256x1x896xf32>
    %get3A_3 = vector.shape_cast %get3A_2 : vector<256x1x896xf32> to vector<256x896xf32>
    %transpose3A = tpu.transpose %get3A_3, [1, 0] : vector<256x896xf32> -> vector<896x256xf32>
    %swap3A = arith.constant 0 : index
    %swap3A_4 = arith.constant 0 : index
    %swap3A_5 = arith.constant 0 : index
    %swap3A_6 = vector.load %arg4[%swap3A, %swap3A_4, %swap3A_5] : memref<8x1000x256xf32, #tpu.memory_space<vmem>>, vector<1x896x256xf32>
    %swap3A_7 = vector.shape_cast %swap3A_6 : vector<1x896x256xf32> to vector<896x256xf32>
    %swap3A_8 = vector.shape_cast %transpose3A : vector<896x256xf32> to vector<1x896x256xf32>
    tpu.vector_store %arg4[%swap3A, %swap3A_4, %swap3A_5], %swap3A_8 {strides = array<i32>} : memref<8x1000x256xf32, #tpu.memory_space<vmem>>, vector<1x896x256xf32>,
    %get3A_9 = arith.constant 0 : index
    %get3A_10 = arith.constant 0 : index
    %get3A_11 = vector.load %arg2[%get3A_9, %get3A_10] : memref<8x256xi32, #tpu.memory_space<vmem>>, vector<1x256xi32>
    %get3A_12 = vector.shape_cast %get3A_11 : vector<1x256xi32> to vector<256xi32>
    %iota3A = tpu.iota {dimensions = array<i32: 0>} : vector<1000x256xi32>
    %broadcast_in_dim3A = vector.shape_cast %get3A_12 : vector<256xi32> to vector<1x256xi32>
    %eq3A = vector.broadcast %broadcast_in_dim3A : vector<1x256xi32> to vector<1000x256xi32>
    %eq3A_13 = arith.cmpi eq, %iota3A, %eq3A : vector<1000x256xi32>
    %convert_element_type3A = arith.extui %eq3A_13 : vector<1000x256xi1> to vector<1000x256xi32>
    %convert_element_type3A_14 = arith.sitofp %convert_element_type3A : vector<1000x256xi32> to vector<1000x256xf32>
    %get3A_15 = arith.constant 0 : index
    %get3A_16 = arith.constant 0 : index
    %get3A_17 = vector.load %arg3[%get3A_15, %get3A_16] : memref<128x1000xf32, #tpu.memory_space<vmem>>, vector<128x1000xf32>
    %dot_general3A = arith.constant dense<0.000000e+00> : vector<128x256xf32>
    %dot_general3A_18 = tpu.matmul %get3A_17, %convert_element_type3A_14, %dot_general3A {dimension_numbers = #tpu.dot_dimension_numbers<[1], [0], [0], [1], [0, 0, 1, 1], [], []>, precision = #tpu.contract_precision<fp32>, transpose_lhs_hint = false} : vector<128x1000xf32>, vector<1000x256xf32>, vector<128x256xf32> -> vector<128x256xf32>
    %slice3A = vector.extract_strided_slice %dot_general3A_18 {offsets = [0, 0], sizes = [104, 256], strides = [1, 1]} : vector<128x256xf32> to vector<104x256xf32>
    %swap3A_19 = arith.constant 0 : index
    %swap3A_20 = arith.constant 896 : index
    %swap3A_21 = arith.constant 0 : index
    %swap3A_22 = vector.load %arg4[%swap3A_19, %swap3A_20, %swap3A_21] : memref<8x1000x256xf32, #tpu.memory_space<vmem>>, vector<1x104x256xf32>
    %swap3A_23 = vector.shape_cast %swap3A_22 : vector<1x104x256xf32> to vector<104x256xf32>
    %swap3A_24 = vector.shape_cast %slice3A : vector<104x256xf32> to vector<1x104x256xf32>
    tpu.vector_store %arg4[%swap3A_19, %swap3A_20, %swap3A_21], %swap3A_24 {strides = array<i32>} : memref<8x1000x256xf32, #tpu.memory_space<vmem>>, vector<1x104x256xf32>,
    %get3A_25 = arith.constant 0 : index
    %get3A_26 = arith.constant 1 : index
    %get3A_27 = arith.constant 0 : index
    %get3A_28 = vector.load %arg1[%get3A_25, %get3A_26, %get3A_27] : memref<256x8x896xf32, #tpu.memory_space<vmem>>, vector<256x1x896xf32>
    %get3A_29 = vector.shape_cast %get3A_28 : vector<256x1x896xf32> to vector<256x896xf32>
    %transpose3A_30 = tpu.transpose %get3A_29, [1, 0] : vector<256x896xf32> -> vector<896x256xf32>
    %swap3A_31 = arith.constant 1 : index
    %swap3A_32 = arith.constant 0 : index
    %swap3A_33 = arith.constant 0 : index
    %swap3A_34 = vector.load %arg4[%swap3A_31, %swap3A_32, %swap3A_33] : memref<8x1000x256xf32, #tpu.memory_space<vmem>>, vector<1x896x256xf32>
    %swap3A_35 = vector.shape_cast %swap3A_34 : vector<1x896x256xf32> to vector<896x256xf32>
    %swap3A_36 = vector.shape_cast %transpose3A_30 : vector<896x256xf32> to vector<1x896x256xf32>
    tpu.vector_store %arg4[%swap3A_31, %swap3A_32, %swap3A_33], %swap3A_36 {strides = array<i32>} : memref<8x1000x256xf32, #tpu.memory_space<vmem>>, vector<1x896x256xf32>,
    %get3A_37 = arith.constant 1 : index
    %get3A_38 = arith.constant 0 : index
    %get3A_39 = vector.load %arg2[%get3A_37, %get3A_38] : memref<8x256xi32, #tpu.memory_space<vmem>>, vector<1x256xi32>
    %get3A_40 = vector.shape_cast %get3A_39 : vector<1x256xi32> to vector<256xi32>
    %iota3A_41 = tpu.iota {dimensions = array<i32: 0>} : vector<1000x256xi32>
    %broadcast_in_dim3A_42 = vector.shape_cast %get3A_40 : vector<256xi32> to vector<1x256xi32>
    %eq3A_43 = vector.broadcast %broadcast_in_dim3A_42 : vector<1x256xi32> to vector<1000x256xi32>
    %eq3A_44 = arith.cmpi eq, %iota3A_41, %eq3A_43 : vector<1000x256xi32>
    %convert_element_type3A_45 = arith.extui %eq3A_44 : vector<1000x256xi1> to vector<1000x256xi32>
    %convert_element_type3A_46 = arith.sitofp %convert_element_type3A_45 : vector<1000x256xi32> to vector<1000x256xf32>
    %get3A_47 = arith.constant 0 : index
    %get3A_48 = arith.constant 0 : index
    %get3A_49 = vector.load %arg3[%get3A_47, %get3A_48] : memref<128x1000xf32, #tpu.memory_space<vmem>>, vector<128x1000xf32>
    %dot_general3A_50 = arith.constant dense<0.000000e+00> : vector<128x256xf32>
    %dot_general3A_51 = tpu.matmul %get3A_49, %convert_element_type3A_46, %dot_general3A_50 {dimension_numbers = #tpu.dot_dimension_numbers<[1], [0], [0], [1], [0, 0, 1, 1], [], []>, precision = #tpu.contract_precision<fp32>, transpose_lhs_hint = false} : vector<128x1000xf32>, vector<1000x256xf32>, vector<128x256xf32> -> vector<128x256xf32>
    %slice3A_52 = vector.extract_strided_slice %dot_general3A_51 {offsets = [0, 0], sizes = [104, 256], strides = [1, 1]} : vector<128x256xf32> to vector<104x256xf32>
    %swap3A_53 = arith.constant 1 : index
    %swap3A_54 = arith.constant 896 : index
    %swap3A_55 = arith.constant 0 : index
    %swap3A_56 = vector.load %arg4[%swap3A_53, %swap3A_54, %swap3A_55] : memref<8x1000x256xf32, #tpu.memory_space<vmem>>, vector<1x104x256xf32>
    %swap3A_57 = vector.shape_cast %swap3A_56 : vector<1x104x256xf32> to vector<104x256xf32>
    %swap3A_58 = vector.shape_cast %slice3A_52 : vector<104x256xf32> to vector<1x104x256xf32>
    tpu.vector_store %arg4[%swap3A_53, %swap3A_54, %swap3A_55], %swap3A_58 {strides = array<i32>} : memref<8x1000x256xf32, #tpu.memory_space<vmem>>, vector<1x104x256xf32>,
    %get3A_59 = arith.constant 0 : index
    %get3A_60 = arith.constant 2 : index
    %get3A_61 = arith.constant 0 : index
    %get3A_62 = vector.load %arg1[%get3A_59, %get3A_60, %get3A_61] : memref<256x8x896xf32, #tpu.memory_space<vmem>>, vector<256x1x896xf32>
    %get3A_63 = vector.shape_cast %get3A_62 : vector<256x1x896xf32> to vector<256x896xf32>
    %transpose3A_64 = tpu.transpose %get3A_63, [1, 0] : vector<256x896xf32> -> vector<896x256xf32>
    %swap3A_65 = arith.constant 2 : index
    %swap3A_66 = arith.constant 0 : index
    %swap3A_67 = arith.constant 0 : index
    %swap3A_68 = vector.load %arg4[%swap3A_65, %swap3A_66, %swap3A_67] : memref<8x1000x256xf32, #tpu.memory_space<vmem>>, vector<1x896x256xf32>
    %swap3A_69 = vector.shape_cast %swap3A_68 : vector<1x896x256xf32> to vector<896x256xf32>
    %swap3A_70 = vector.shape_cast %transpose3A_64 : vector<896x256xf32> to vector<1x896x256xf32>
    tpu.vector_store %arg4[%swap3A_65, %swap3A_66, %swap3A_67], %swap3A_70 {strides = array<i32>} : memref<8x1000x256xf32, #tpu.memory_space<vmem>>, vector<1x896x256xf32>,
    %get3A_71 = arith.constant 2 : index
    %get3A_72 = arith.constant 0 : index
    %get3A_73 = vector.load %arg2[%get3A_71, %get3A_72] : memref<8x256xi32, #tpu.memory_space<vmem>>, vector<1x256xi32>
    %get3A_74 = vector.shape_cast %get3A_73 : vector<1x256xi32> to vector<256xi32>
    %iota3A_75 = tpu.iota {dimensions = array<i32: 0>} : vector<1000x256xi32>
    %broadcast_in_dim3A_76 = vector.shape_cast %get3A_74 : vector<256xi32> to vector<1x256xi32>
    %eq3A_77 = vector.broadcast %broadcast_in_dim3A_76 : vector<1x256xi32> to vector<1000x256xi32>
    %eq3A_78 = arith.cmpi eq, %iota3A_75, %eq3A_77 : vector<1000x256xi32>
    %convert_element_type3A_79 = arith.extui %eq3A_78 : vector<1000x256xi1> to vector<1000x256xi32>
    %convert_element_type3A_80 = arith.sitofp %convert_element_type3A_79 : vector<1000x256xi32> to vector<1000x256xf32>
    %get3A_81 = arith.constant 0 : index
    %get3A_82 = arith.constant 0 : index
    %get3A_83 = vector.load %arg3[%get3A_81, %get3A_82] : memref<128x1000xf32, #tpu.memory_space<vmem>>, vector<128x1000xf32>
    %dot_general3A_84 = arith.constant dense<0.000000e+00> : vector<128x256xf32>
    %dot_general3A_85 = tpu.matmul %get3A_83, %convert_element_type3A_80, %dot_general3A_84 {dimension_numbers = #tpu.dot_dimension_numbers<[1], [0], [0], [1], [0, 0, 1, 1], [], []>, precision = #tpu.contract_precision<fp32>, transpose_lhs_hint = false} : vector<128x1000xf32>, vector<1000x256xf32>, vector<128x256xf32> -> vector<128x256xf32>
    %slice3A_86 = vector.extract_strided_slice %dot_general3A_85 {offsets = [0, 0], sizes = [104, 256], strides = [1, 1]} : vector<128x256xf32> to vector<104x256xf32>
    %swap3A_87 = arith.constant 2 : index
    %swap3A_88 = arith.constant 896 : index
    %swap3A_89 = arith.constant 0 : index
    %swap3A_90 = vector.load %arg4[%swap3A_87, %swap3A_88, %swap3A_89] : memref<8x1000x256xf32, #tpu.memory_space<vmem>>, vector<1x104x256xf32>
    %swap3A_91 = vector.shape_cast %swap3A_90 : vector<1x104x256xf32> to vector<104x256xf32>
    %swap3A_92 = vector.shape_cast %slice3A_86 : vector<104x256xf32> to vector<1x104x256xf32>
    tpu.vector_store %arg4[%swap3A_87, %swap3A_88, %swap3A_89], %swap3A_92 {strides = array<i32>} : memref<8x1000x256xf32, #tpu.memory_space<vmem>>, vector<1x104x256xf32>,
    %get3A_93 = arith.constant 0 : index
    %get3A_94 = arith.constant 3 : index
    %get3A_95 = arith.constant 0 : index
    %get3A_96 = vector.load %arg1[%get3A_93, %get3A_94, %get3A_95] : memref<256x8x896xf32, #tpu.memory_space<vmem>>, vector<256x1x896xf32>
    %get3A_97 = vector.shape_cast %get3A_96 : vector<256x1x896xf32> to vector<256x896xf32>
    %transpose3A_98 = tpu.transpose %get3A_97, [1, 0] : vector<256x896xf32> -> vector<896x256xf32>
    %swap3A_99 = arith.constant 3 : index
    %swap3A_100 = arith.constant 0 : index
    %swap3A_101 = arith.constant 0 : index
    %swap3A_102 = vector.load %arg4[%swap3A_99, %swap3A_100, %swap3A_101] : memref<8x1000x256xf32, #tpu.memory_space<vmem>>, vector<1x896x256xf32>
    %swap3A_103 = vector.shape_cast %swap3A_102 : vector<1x896x256xf32> to vector<896x256xf32>
    %swap3A_104 = vector.shape_cast %transpose3A_98 : vector<896x256xf32> to vector<1x896x256xf32>
    tpu.vector_store %arg4[%swap3A_99, %swap3A_100, %swap3A_101], %swap3A_104 {strides = array<i32>} : memref<8x1000x256xf32, #tpu.memory_space<vmem>>, vector<1x896x256xf32>,
    %get3A_105 = arith.constant 3 : index
    %get3A_106 = arith.constant 0 : index
    %get3A_107 = vector.load %arg2[%get3A_105, %get3A_106] : memref<8x256xi32, #tpu.memory_space<vmem>>, vector<1x256xi32>
    %get3A_108 = vector.shape_cast %get3A_107 : vector<1x256xi32> to vector<256xi32>
    %iota3A_109 = tpu.iota {dimensions = array<i32: 0>} : vector<1000x256xi32>
    %broadcast_in_dim3A_110 = vector.shape_cast %get3A_108 : vector<256xi32> to vector<1x256xi32>
    %eq3A_111 = vector.broadcast %broadcast_in_dim3A_110 : vector<1x256xi32> to vector<1000x256xi32>
    %eq3A_112 = arith.cmpi eq, %iota3A_109, %eq3A_111 : vector<1000x256xi32>
    %convert_element_type3A_113 = arith.extui %eq3A_112 : vector<1000x256xi1> to vector<1000x256xi32>
    %convert_element_type3A_114 = arith.sitofp %convert_element_type3A_113 : vector<1000x256xi32> to vector<1000x256xf32>
    %get3A_115 = arith.constant 0 : index
    %get3A_116 = arith.constant 0 : index
    %get3A_117 = vector.load %arg3[%get3A_115, %get3A_116] : memref<128x1000xf32, #tpu.memory_space<vmem>>, vector<128x1000xf32>
    %dot_general3A_118 = arith.constant dense<0.000000e+00> : vector<128x256xf32>
    %dot_general3A_119 = tpu.matmul %get3A_117, %convert_element_type3A_114, %dot_general3A_118 {dimension_numbers = #tpu.dot_dimension_numbers<[1], [0], [0], [1], [0, 0, 1, 1], [], []>, precision = #tpu.contract_precision<fp32>, transpose_lhs_hint = false} : vector<128x1000xf32>, vector<1000x256xf32>, vector<128x256xf32> -> vector<128x256xf32>
    %slice3A_120 = vector.extract_strided_slice %dot_general3A_119 {offsets = [0, 0], sizes = [104, 256], strides = [1, 1]} : vector<128x256xf32> to vector<104x256xf32>
    %swap3A_121 = arith.constant 3 : index
    %swap3A_122 = arith.constant 896 : index
    %swap3A_123 = arith.constant 0 : index
    %swap3A_124 = vector.load %arg4[%swap3A_121, %swap3A_122, %swap3A_123] : memref<8x1000x256xf32, #tpu.memory_space<vmem>>, vector<1x104x256xf32>
    %swap3A_125 = vector.shape_cast %swap3A_124 : vector<1x104x256xf32> to vector<104x256xf32>
    %swap3A_126 = vector.shape_cast %slice3A_120 : vector<104x256xf32> to vector<1x104x256xf32>
    tpu.vector_store %arg4[%swap3A_121, %swap3A_122, %swap3A_123], %swap3A_126 {strides = array<i32>} : memref<8x1000x256xf32, #tpu.memory_space<vmem>>, vector<1x104x256xf32>,
    %get3A_127 = arith.constant 0 : index
    %get3A_128 = arith.constant 4 : index
    %get3A_129 = arith.constant 0 : index
    %get3A_130 = vector.load %arg1[%get3A_127, %get3A_128, %get3A_129] : memref<256x8x896xf32, #tpu.memory_space<vmem>>, vector<256x1x896xf32>
    %get3A_131 = vector.shape_cast %get3A_130 : vector<256x1x896xf32> to vector<256x896xf32>
    %transpose3A_132 = tpu.transpose %get3A_131, [1, 0] : vector<256x896xf32> -> vector<896x256xf32>
    %swap3A_133 = arith.constant 4 : index
    %swap3A_134 = arith.constant 0 : index
    %swap3A_135 = arith.constant 0 : index
    %swap3A_136 = vector.load %arg4[%swap3A_133, %swap3A_134, %swap3A_135] : memref<8x1000x256xf32, #tpu.memory_space<vmem>>, vector<1x896x256xf32>
    %swap3A_137 = vector.shape_cast %swap3A_136 : vector<1x896x256xf32> to vector<896x256xf32>
    %swap3A_138 = vector.shape_cast %transpose3A_132 : vector<896x256xf32> to vector<1x896x256xf32>
    tpu.vector_store %arg4[%swap3A_133, %swap3A_134, %swap3A_135], %swap3A_138 {strides = array<i32>} : memref<8x1000x256xf32, #tpu.memory_space<vmem>>, vector<1x896x256xf32>,
    %get3A_139 = arith.constant 4 : index
    %get3A_140 = arith.constant 0 : index
    %get3A_141 = vector.load %arg2[%get3A_139, %get3A_140] : memref<8x256xi32, #tpu.memory_space<vmem>>, vector<1x256xi32>
    %get3A_142 = vector.shape_cast %get3A_141 : vector<1x256xi32> to vector<256xi32>
    %iota3A_143 = tpu.iota {dimensions = array<i32: 0>} : vector<1000x256xi32>
    %broadcast_in_dim3A_144 = vector.shape_cast %get3A_142 : vector<256xi32> to vector<1x256xi32>
    %eq3A_145 = vector.broadcast %broadcast_in_dim3A_144 : vector<1x256xi32> to vector<1000x256xi32>
    %eq3A_146 = arith.cmpi eq, %iota3A_143, %eq3A_145 : vector<1000x256xi32>
    %convert_element_type3A_147 = arith.extui %eq3A_146 : vector<1000x256xi1> to vector<1000x256xi32>
    %convert_element_type3A_148 = arith.sitofp %convert_element_type3A_147 : vector<1000x256xi32> to vector<1000x256xf32>
    %get3A_149 = arith.constant 0 : index
    %get3A_150 = arith.constant 0 : index
    %get3A_151 = vector.load %arg3[%get3A_149, %get3A_150] : memref<128x1000xf32, #tpu.memory_space<vmem>>, vector<128x1000xf32>
    %dot_general3A_152 = arith.constant dense<0.000000e+00> : vector<128x256xf32>
    %dot_general3A_153 = tpu.matmul %get3A_151, %convert_element_type3A_148, %dot_general3A_152 {dimension_numbers = #tpu.dot_dimension_numbers<[1], [0], [0], [1], [0, 0, 1, 1], [], []>, precision = #tpu.contract_precision<fp32>, transpose_lhs_hint = false} : vector<128x1000xf32>, vector<1000x256xf32>, vector<128x256xf32> -> vector<128x256xf32>
    %slice3A_154 = vector.extract_strided_slice %dot_general3A_153 {offsets = [0, 0], sizes = [104, 256], strides = [1, 1]} : vector<128x256xf32> to vector<104x256xf32>
    %swap3A_155 = arith.constant 4 : index
    %swap3A_156 = arith.constant 896 : index
    %swap3A_157 = arith.constant 0 : index
    %swap3A_158 = vector.load %arg4[%swap3A_155, %swap3A_156, %swap3A_157] : memref<8x1000x256xf32, #tpu.memory_space<vmem>>, vector<1x104x256xf32>
    %swap3A_159 = vector.shape_cast %swap3A_158 : vector<1x104x256xf32> to vector<104x256xf32>
    %swap3A_160 = vector.shape_cast %slice3A_154 : vector<104x256xf32> to vector<1x104x256xf32>
    tpu.vector_store %arg4[%swap3A_155, %swap3A_156, %swap3A_157], %swap3A_160 {strides = array<i32>} : memref<8x1000x256xf32, #tpu.memory_space<vmem>>, vector<1x104x256xf32>,
    %get3A_161 = arith.constant 0 : index
    %get3A_162 = arith.constant 5 : index
    %get3A_163 = arith.constant 0 : index
    %get3A_164 = vector.load %arg1[%get3A_161, %get3A_162, %get3A_163] : memref<256x8x896xf32, #tpu.memory_space<vmem>>, vector<256x1x896xf32>
    %get3A_165 = vector.shape_cast %get3A_164 : vector<256x1x896xf32> to vector<256x896xf32>
    %transpose3A_166 = tpu.transpose %get3A_165, [1, 0] : vector<256x896xf32> -> vector<896x256xf32>
    %swap3A_167 = arith.constant 5 : index
    %swap3A_168 = arith.constant 0 : index
    %swap3A_169 = arith.constant 0 : index
    %swap3A_170 = vector.load %arg4[%swap3A_167, %swap3A_168, %swap3A_169] : memref<8x1000x256xf32, #tpu.memory_space<vmem>>, vector<1x896x256xf32>
    %swap3A_171 = vector.shape_cast %swap3A_170 : vector<1x896x256xf32> to vector<896x256xf32>
    %swap3A_172 = vector.shape_cast %transpose3A_166 : vector<896x256xf32> to vector<1x896x256xf32>
    tpu.vector_store %arg4[%swap3A_167, %swap3A_168, %swap3A_169], %swap3A_172 {strides = array<i32>} : memref<8x1000x256xf32, #tpu.memory_space<vmem>>, vector<1x896x256xf32>,
    %get3A_173 = arith.constant 5 : index
    %get3A_174 = arith.constant 0 : index
    %get3A_175 = vector.load %arg2[%get3A_173, %get3A_174] : memref<8x256xi32, #tpu.memory_space<vmem>>, vector<1x256xi32>
    %get3A_176 = vector.shape_cast %get3A_175 : vector<1x256xi32> to vector<256xi32>
    %iota3A_177 = tpu.iota {dimensions = array<i32: 0>} : vector<1000x256xi32>
    %broadcast_in_dim3A_178 = vector.shape_cast %get3A_176 : vector<256xi32> to vector<1x256xi32>
    %eq3A_179 = vector.broadcast %broadcast_in_dim3A_178 : vector<1x256xi32> to vector<1000x256xi32>
    %eq3A_180 = arith.cmpi eq, %iota3A_177, %eq3A_179 : vector<1000x256xi32>
    %convert_element_type3A_181 = arith.extui %eq3A_180 : vector<1000x256xi1> to vector<1000x256xi32>
    %convert_element_type3A_182 = arith.sitofp %convert_element_type3A_181 : vector<1000x256xi32> to vector<1000x256xf32>
    %get3A_183 = arith.constant 0 : index
    %get3A_184 = arith.constant 0 : index
    %get3A_185 = vector.load %arg3[%get3A_183, %get3A_184] : memref<128x1000xf32, #tpu.memory_space<vmem>>, vector<128x1000xf32>
    %dot_general3A_186 = arith.constant dense<0.000000e+00> : vector<128x256xf32>
    %dot_general3A_187 = tpu.matmul %get3A_185, %convert_element_type3A_182, %dot_general3A_186 {dimension_numbers = #tpu.dot_dimension_numbers<[1], [0], [0], [1], [0, 0, 1, 1], [], []>, precision = #tpu.contract_precision<fp32>, transpose_lhs_hint = false} : vector<128x1000xf32>, vector<1000x256xf32>, vector<128x256xf32> -> vector<128x256xf32>
    %slice3A_188 = vector.extract_strided_slice %dot_general3A_187 {offsets = [0, 0], sizes = [104, 256], strides = [1, 1]} : vector<128x256xf32> to vector<104x256xf32>
    %swap3A_189 = arith.constant 5 : index
    %swap3A_190 = arith.constant 896 : index
    %swap3A_191 = arith.constant 0 : index
    %swap3A_192 = vector.load %arg4[%swap3A_189, %swap3A_190, %swap3A_191] : memref<8x1000x256xf32, #tpu.memory_space<vmem>>, vector<1x104x256xf32>
    %swap3A_193 = vector.shape_cast %swap3A_192 : vector<1x104x256xf32> to vector<104x256xf32>
    %swap3A_194 = vector.shape_cast %slice3A_188 : vector<104x256xf32> to vector<1x104x256xf32>
    tpu.vector_store %arg4[%swap3A_189, %swap3A_190, %swap3A_191], %swap3A_194 {strides = array<i32>} : memref<8x1000x256xf32, #tpu.memory_space<vmem>>, vector<1x104x256xf32>,
    %get3A_195 = arith.constant 0 : index
    %get3A_196 = arith.constant 6 : index
    %get3A_197 = arith.constant 0 : index
    %get3A_198 = vector.load %arg1[%get3A_195, %get3A_196, %get3A_197] : memref<256x8x896xf32, #tpu.memory_space<vmem>>, vector<256x1x896xf32>
    %get3A_199 = vector.shape_cast %get3A_198 : vector<256x1x896xf32> to vector<256x896xf32>
    %transpose3A_200 = tpu.transpose %get3A_199, [1, 0] : vector<256x896xf32> -> vector<896x256xf32>
    %swap3A_201 = arith.constant 6 : index
    %swap3A_202 = arith.constant 0 : index
    %swap3A_203 = arith.constant 0 : index
    %swap3A_204 = vector.load %arg4[%swap3A_201, %swap3A_202, %swap3A_203] : memref<8x1000x256xf32, #tpu.memory_space<vmem>>, vector<1x896x256xf32>
    %swap3A_205 = vector.shape_cast %swap3A_204 : vector<1x896x256xf32> to vector<896x256xf32>
    %swap3A_206 = vector.shape_cast %transpose3A_200 : vector<896x256xf32> to vector<1x896x256xf32>
    tpu.vector_store %arg4[%swap3A_201, %swap3A_202, %swap3A_203], %swap3A_206 {strides = array<i32>} : memref<8x1000x256xf32, #tpu.memory_space<vmem>>, vector<1x896x256xf32>,
    %get3A_207 = arith.constant 6 : index
    %get3A_208 = arith.constant 0 : index
    %get3A_209 = vector.load %arg2[%get3A_207, %get3A_208] : memref<8x256xi32, #tpu.memory_space<vmem>>, vector<1x256xi32>
    %get3A_210 = vector.shape_cast %get3A_209 : vector<1x256xi32> to vector<256xi32>
    %iota3A_211 = tpu.iota {dimensions = array<i32: 0>} : vector<1000x256xi32>
    %broadcast_in_dim3A_212 = vector.shape_cast %get3A_210 : vector<256xi32> to vector<1x256xi32>
    %eq3A_213 = vector.broadcast %broadcast_in_dim3A_212 : vector<1x256xi32> to vector<1000x256xi32>
    %eq3A_214 = arith.cmpi eq, %iota3A_211, %eq3A_213 : vector<1000x256xi32>
    %convert_element_type3A_215 = arith.extui %eq3A_214 : vector<1000x256xi1> to vector<1000x256xi32>
    %convert_element_type3A_216 = arith.sitofp %convert_element_type3A_215 : vector<1000x256xi32> to vector<1000x256xf32>
    %get3A_217 = arith.constant 0 : index
    %get3A_218 = arith.constant 0 : index
    %get3A_219 = vector.load %arg3[%get3A_217, %get3A_218] : memref<128x1000xf32, #tpu.memory_space<vmem>>, vector<128x1000xf32>
    %dot_general3A_220 = arith.constant dense<0.000000e+00> : vector<128x256xf32>
    %dot_general3A_221 = tpu.matmul %get3A_219, %convert_element_type3A_216, %dot_general3A_220 {dimension_numbers = #tpu.dot_dimension_numbers<[1], [0], [0], [1], [0, 0, 1, 1], [], []>, precision = #tpu.contract_precision<fp32>, transpose_lhs_hint = false} : vector<128x1000xf32>, vector<1000x256xf32>, vector<128x256xf32> -> vector<128x256xf32>
    %slice3A_222 = vector.extract_strided_slice %dot_general3A_221 {offsets = [0, 0], sizes = [104, 256], strides = [1, 1]} : vector<128x256xf32> to vector<104x256xf32>
    %swap3A_223 = arith.constant 6 : index
    %swap3A_224 = arith.constant 896 : index
    %swap3A_225 = arith.constant 0 : index
    %swap3A_226 = vector.load %arg4[%swap3A_223, %swap3A_224, %swap3A_225] : memref<8x1000x256xf32, #tpu.memory_space<vmem>>, vector<1x104x256xf32>
    %swap3A_227 = vector.shape_cast %swap3A_226 : vector<1x104x256xf32> to vector<104x256xf32>
    %swap3A_228 = vector.shape_cast %slice3A_222 : vector<104x256xf32> to vector<1x104x256xf32>
    tpu.vector_store %arg4[%swap3A_223, %swap3A_224, %swap3A_225], %swap3A_228 {strides = array<i32>} : memref<8x1000x256xf32, #tpu.memory_space<vmem>>, vector<1x104x256xf32>,
    %get3A_229 = arith.constant 0 : index
    %get3A_230 = arith.constant 7 : index
    %get3A_231 = arith.constant 0 : index
    %get3A_232 = vector.load %arg1[%get3A_229, %get3A_230, %get3A_231] : memref<256x8x896xf32, #tpu.memory_space<vmem>>, vector<256x1x896xf32>
    %get3A_233 = vector.shape_cast %get3A_232 : vector<256x1x896xf32> to vector<256x896xf32>
    %transpose3A_234 = tpu.transpose %get3A_233, [1, 0] : vector<256x896xf32> -> vector<896x256xf32>
    %swap3A_235 = arith.constant 7 : index
    %swap3A_236 = arith.constant 0 : index
    %swap3A_237 = arith.constant 0 : index
    %swap3A_238 = vector.load %arg4[%swap3A_235, %swap3A_236, %swap3A_237] : memref<8x1000x256xf32, #tpu.memory_space<vmem>>, vector<1x896x256xf32>
    %swap3A_239 = vector.shape_cast %swap3A_238 : vector<1x896x256xf32> to vector<896x256xf32>
    %swap3A_240 = vector.shape_cast %transpose3A_234 : vector<896x256xf32> to vector<1x896x256xf32>
    tpu.vector_store %arg4[%swap3A_235, %swap3A_236, %swap3A_237], %swap3A_240 {strides = array<i32>} : memref<8x1000x256xf32, #tpu.memory_space<vmem>>, vector<1x896x256xf32>,
    %get3A_241 = arith.constant 7 : index
    %get3A_242 = arith.constant 0 : index
    %get3A_243 = vector.load %arg2[%get3A_241, %get3A_242] : memref<8x256xi32, #tpu.memory_space<vmem>>, vector<1x256xi32>
    %get3A_244 = vector.shape_cast %get3A_243 : vector<1x256xi32> to vector<256xi32>
    %iota3A_245 = tpu.iota {dimensions = array<i32: 0>} : vector<1000x256xi32>
    %broadcast_in_dim3A_246 = vector.shape_cast %get3A_244 : vector<256xi32> to vector<1x256xi32>
    %eq3A_247 = vector.broadcast %broadcast_in_dim3A_246 : vector<1x256xi32> to vector<1000x256xi32>
    %eq3A_248 = arith.cmpi eq, %iota3A_245, %eq3A_247 : vector<1000x256xi32>
    %convert_element_type3A_249 = arith.extui %eq3A_248 : vector<1000x256xi1> to vector<1000x256xi32>
    %convert_element_type3A_250 = arith.sitofp %convert_element_type3A_249 : vector<1000x256xi32> to vector<1000x256xf32>
    %get3A_251 = arith.constant 0 : index
    %get3A_252 = arith.constant 0 : index
    %get3A_253 = vector.load %arg3[%get3A_251, %get3A_252] : memref<128x1000xf32, #tpu.memory_space<vmem>>, vector<128x1000xf32>
    %dot_general3A_254 = arith.constant dense<0.000000e+00> : vector<128x256xf32>
    %dot_general3A_255 = tpu.matmul %get3A_253, %convert_element_type3A_250, %dot_general3A_254 {dimension_numbers = #tpu.dot_dimension_numbers<[1], [0], [0], [1], [0, 0, 1, 1], [], []>, precision = #tpu.contract_precision<fp32>, transpose_lhs_hint = false} : vector<128x1000xf32>, vector<1000x256xf32>, vector<128x256xf32> -> vector<128x256xf32>
    %slice3A_256 = vector.extract_strided_slice %dot_general3A_255 {offsets = [0, 0], sizes = [104, 256], strides = [1, 1]} : vector<128x256xf32> to vector<104x256xf32>
    %swap3A_257 = arith.constant 7 : index
    %swap3A_258 = arith.constant 896 : index
    %swap3A_259 = arith.constant 0 : index
    %swap3A_260 = vector.load %arg4[%swap3A_257, %swap3A_258, %swap3A_259] : memref<8x1000x256xf32, #tpu.memory_space<vmem>>, vector<1x104x256xf32>
    %swap3A_261 = vector.shape_cast %swap3A_260 : vector<1x104x256xf32> to vector<104x256xf32>
    %swap3A_262 = vector.shape_cast %slice3A_256 : vector<104x256xf32> to vector<1x104x256xf32>
    tpu.vector_store %arg4[%swap3A_257, %swap3A_258, %swap3A_259], %swap3A_262 {strides = array<i32>} : memref<8x1000x256xf32, #tpu.memory_space<vmem>>, vector<1x104x256xf32>,
    return
  }
  func.func @transform_0(%arg0: i32) -> (i32, i32, i32) {
    %c0_i32 = arith.constant 0 : i32
    %c0_i32_0 = arith.constant 0 : i32
    %c0_i32_1 = arith.constant 0 : i32
    return %c0_i32, %arg0, %c0_i32_0 : i32, i32, i32
  }
  func.func @transform_1(%arg0: i32) -> (i32, i32) {
    %c0_i32 = arith.constant 0 : i32
    %c0_i32_0 = arith.constant 0 : i32
    return %arg0, %c0_i32 : i32, i32
  }
  func.func @transform_2(%arg0: i32) -> (i32, i32) {
    %c0_i32 = arith.constant 0 : i32
    %c0_i32_0 = arith.constant 0 : i32
    %c0_i32_1 = arith.constant 0 : i32
    return %c0_i32, %c0_i32_0 : i32, i32
  }
  func.func @transform_3(%arg0: i32) -> (i32, i32, i32) {
    %c0_i32 = arith.constant 0 : i32
    %c0_i32_0 = arith.constant 0 : i32
    %c0_i32_1 = arith.constant 0 : i32
    return %arg0, %c0_i32, %c0_i32_0 : i32, i32, i32
  }
}

module attributes {stable_mosaic.version = 14 : i64} {
  func.func @body(%arg0: i32, %arg1: memref<200x1000x1024xf32, #tpu.memory_space<any>>, %arg2: memref<256x8x896xf32, #tpu.memory_space<vmem>>, %arg3: memref<8x256xi32, #tpu.memory_space<vmem>>, %arg4: memref<128x1000xf32, #tpu.memory_space<vmem>>, %arg5: memref<8x1000x256xf32, #tpu.memory_space<vmem>>) attributes {dimension_semantics = [#tpu.dimension_semantics<arbitrary>], iteration_bounds = array<i64: 25>, scalar_prefetch = 0 : i64, scratch_operands = 0 : i64, tpu.core_type = #tpu.core_type<tc>, window_params = [{}, {transform_indices = @transform_1, window_bounds = array<i64: 256, 8, 896>}, {transform_indices = @transform_2, window_bounds = array<i64: 8, 256>}, {pipeline_mode = #tpu.pipeline_mode<synchronous>, transform_indices = @transform_3, window_bounds = array<i64: 128, 1000>}, {transform_indices = @transform_4, window_bounds = array<i64: 8, 1000, 256>}]} {
    %get3A = arith.constant 0 : index
    %get3A_0 = arith.constant 0 : index
    %get3A_1 = arith.constant 0 : index
    %get3A_2 = vector.load %arg2[%get3A, %get3A_0, %get3A_1] : memref<256x8x896xf32, #tpu.memory_space<vmem>>, vector<256x1x896xf32>
    %get3A_3 = vector.shape_cast %get3A_2 : vector<256x1x896xf32> to vector<256x896xf32>
    %transpose3A = tpu.transpose %get3A_3, [1, 0] : vector<256x896xf32> -> vector<896x256xf32>
    %swap3A = arith.constant 0 : index
    %swap3A_4 = arith.constant 0 : index
    %swap3A_5 = arith.constant 0 : index
    %swap3A_6 = vector.load %arg5[%swap3A, %swap3A_4, %swap3A_5] : memref<8x1000x256xf32, #tpu.memory_space<vmem>>, vector<1x896x256xf32>
    %swap3A_7 = vector.shape_cast %swap3A_6 : vector<1x896x256xf32> to vector<896x256xf32>
    %swap3A_8 = vector.shape_cast %transpose3A : vector<896x256xf32> to vector<1x896x256xf32>
    tpu.vector_store %arg5[%swap3A, %swap3A_4, %swap3A_5], %swap3A_8 {strides = array<i32>} : memref<8x1000x256xf32, #tpu.memory_space<vmem>>, vector<1x896x256xf32>,
    %get3A_9 = arith.constant 0 : index
    %get3A_10 = arith.constant 0 : index
    %get3A_11 = vector.load %arg3[%get3A_9, %get3A_10] : memref<8x256xi32, #tpu.memory_space<vmem>>, vector<1x256xi32>
    %get3A_12 = vector.shape_cast %get3A_11 : vector<1x256xi32> to vector<256xi32>
    %iota3A = tpu.iota {dimensions = array<i32: 0>} : vector<1000x256xi32>
    %broadcast_in_dim3A = vector.shape_cast %get3A_12 : vector<256xi32> to vector<1x256xi32>
    %eq3A = vector.broadcast %broadcast_in_dim3A : vector<1x256xi32> to vector<1000x256xi32>
    %eq3A_13 = arith.cmpi eq, %iota3A, %eq3A : vector<1000x256xi32>
    %convert_element_type3A = arith.extui %eq3A_13 : vector<1000x256xi1> to vector<1000x256xi32>
    %convert_element_type3A_14 = arith.sitofp %convert_element_type3A : vector<1000x256xi32> to vector<1000x256xf32>
    %get3A_15 = arith.constant 0 : index
    %get3A_16 = arith.constant 0 : index
    %get3A_17 = vector.load %arg4[%get3A_15, %get3A_16] : memref<128x1000xf32, #tpu.memory_space<vmem>>, vector<128x1000xf32>
    %dot_general3A = arith.constant dense<0.000000e+00> : vector<128x256xf32>
    %dot_general3A_18 = tpu.matmul %get3A_17, %convert_element_type3A_14, %dot_general3A {dimension_numbers = #tpu.dot_dimension_numbers<[1], [0], [0], [1], [0, 0, 1, 1], [], []>, precision = #tpu.contract_precision<fp32>, transpose_lhs_hint = false} : vector<128x1000xf32>, vector<1000x256xf32>, vector<128x256xf32> -> vector<128x256xf32>
    %slice3A = vector.extract_strided_slice %dot_general3A_18 {offsets = [0, 0], sizes = [104, 256], strides = [1, 1]} : vector<128x256xf32> to vector<104x256xf32>
    %swap3A_19 = arith.constant 0 : index
    %swap3A_20 = arith.constant 896 : index
    %swap3A_21 = arith.constant 0 : index
    %swap3A_22 = vector.load %arg5[%swap3A_19, %swap3A_20, %swap3A_21] : memref<8x1000x256xf32, #tpu.memory_space<vmem>>, vector<1x104x256xf32>
    %swap3A_23 = vector.shape_cast %swap3A_22 : vector<1x104x256xf32> to vector<104x256xf32>
    %swap3A_24 = vector.shape_cast %slice3A : vector<104x256xf32> to vector<1x104x256xf32>
    tpu.vector_store %arg5[%swap3A_19, %swap3A_20, %swap3A_21], %swap3A_24 {strides = array<i32>} : memref<8x1000x256xf32, #tpu.memory_space<vmem>>, vector<1x104x256xf32>,
    %get3A_25 = arith.constant 0 : index
    %get3A_26 = arith.constant 1 : index
    %get3A_27 = arith.constant 0 : index
    %get3A_28 = vector.load %arg2[%get3A_25, %get3A_26, %get3A_27] : memref<256x8x896xf32, #tpu.memory_space<vmem>>, vector<256x1x896xf32>
    %get3A_29 = vector.shape_cast %get3A_28 : vector<256x1x896xf32> to vector<256x896xf32>
    %transpose3A_30 = tpu.transpose %get3A_29, [1, 0] : vector<256x896xf32> -> vector<896x256xf32>
    %swap3A_31 = arith.constant 1 : index
    %swap3A_32 = arith.constant 0 : index
    %swap3A_33 = arith.constant 0 : index
    %swap3A_34 = vector.load %arg5[%swap3A_31, %swap3A_32, %swap3A_33] : memref<8x1000x256xf32, #tpu.memory_space<vmem>>, vector<1x896x256xf32>
    %swap3A_35 = vector.shape_cast %swap3A_34 : vector<1x896x256xf32> to vector<896x256xf32>
    %swap3A_36 = vector.shape_cast %transpose3A_30 : vector<896x256xf32> to vector<1x896x256xf32>
    tpu.vector_store %arg5[%swap3A_31, %swap3A_32, %swap3A_33], %swap3A_36 {strides = array<i32>} : memref<8x1000x256xf32, #tpu.memory_space<vmem>>, vector<1x896x256xf32>,
    %get3A_37 = arith.constant 1 : index
    %get3A_38 = arith.constant 0 : index
    %get3A_39 = vector.load %arg3[%get3A_37, %get3A_38] : memref<8x256xi32, #tpu.memory_space<vmem>>, vector<1x256xi32>
    %get3A_40 = vector.shape_cast %get3A_39 : vector<1x256xi32> to vector<256xi32>
    %iota3A_41 = tpu.iota {dimensions = array<i32: 0>} : vector<1000x256xi32>
    %broadcast_in_dim3A_42 = vector.shape_cast %get3A_40 : vector<256xi32> to vector<1x256xi32>
    %eq3A_43 = vector.broadcast %broadcast_in_dim3A_42 : vector<1x256xi32> to vector<1000x256xi32>
    %eq3A_44 = arith.cmpi eq, %iota3A_41, %eq3A_43 : vector<1000x256xi32>
    %convert_element_type3A_45 = arith.extui %eq3A_44 : vector<1000x256xi1> to vector<1000x256xi32>
    %convert_element_type3A_46 = arith.sitofp %convert_element_type3A_45 : vector<1000x256xi32> to vector<1000x256xf32>
    %get3A_47 = arith.constant 0 : index
    %get3A_48 = arith.constant 0 : index
    %get3A_49 = vector.load %arg4[%get3A_47, %get3A_48] : memref<128x1000xf32, #tpu.memory_space<vmem>>, vector<128x1000xf32>
    %dot_general3A_50 = arith.constant dense<0.000000e+00> : vector<128x256xf32>
    %dot_general3A_51 = tpu.matmul %get3A_49, %convert_element_type3A_46, %dot_general3A_50 {dimension_numbers = #tpu.dot_dimension_numbers<[1], [0], [0], [1], [0, 0, 1, 1], [], []>, precision = #tpu.contract_precision<fp32>, transpose_lhs_hint = false} : vector<128x1000xf32>, vector<1000x256xf32>, vector<128x256xf32> -> vector<128x256xf32>
    %slice3A_52 = vector.extract_strided_slice %dot_general3A_51 {offsets = [0, 0], sizes = [104, 256], strides = [1, 1]} : vector<128x256xf32> to vector<104x256xf32>
    %swap3A_53 = arith.constant 1 : index
    %swap3A_54 = arith.constant 896 : index
    %swap3A_55 = arith.constant 0 : index
    %swap3A_56 = vector.load %arg5[%swap3A_53, %swap3A_54, %swap3A_55] : memref<8x1000x256xf32, #tpu.memory_space<vmem>>, vector<1x104x256xf32>
    %swap3A_57 = vector.shape_cast %swap3A_56 : vector<1x104x256xf32> to vector<104x256xf32>
    %swap3A_58 = vector.shape_cast %slice3A_52 : vector<104x256xf32> to vector<1x104x256xf32>
    tpu.vector_store %arg5[%swap3A_53, %swap3A_54, %swap3A_55], %swap3A_58 {strides = array<i32>} : memref<8x1000x256xf32, #tpu.memory_space<vmem>>, vector<1x104x256xf32>,
    %get3A_59 = arith.constant 0 : index
    %get3A_60 = arith.constant 2 : index
    %get3A_61 = arith.constant 0 : index
    %get3A_62 = vector.load %arg2[%get3A_59, %get3A_60, %get3A_61] : memref<256x8x896xf32, #tpu.memory_space<vmem>>, vector<256x1x896xf32>
    %get3A_63 = vector.shape_cast %get3A_62 : vector<256x1x896xf32> to vector<256x896xf32>
    %transpose3A_64 = tpu.transpose %get3A_63, [1, 0] : vector<256x896xf32> -> vector<896x256xf32>
    %swap3A_65 = arith.constant 2 : index
    %swap3A_66 = arith.constant 0 : index
    %swap3A_67 = arith.constant 0 : index
    %swap3A_68 = vector.load %arg5[%swap3A_65, %swap3A_66, %swap3A_67] : memref<8x1000x256xf32, #tpu.memory_space<vmem>>, vector<1x896x256xf32>
    %swap3A_69 = vector.shape_cast %swap3A_68 : vector<1x896x256xf32> to vector<896x256xf32>
    %swap3A_70 = vector.shape_cast %transpose3A_64 : vector<896x256xf32> to vector<1x896x256xf32>
    tpu.vector_store %arg5[%swap3A_65, %swap3A_66, %swap3A_67], %swap3A_70 {strides = array<i32>} : memref<8x1000x256xf32, #tpu.memory_space<vmem>>, vector<1x896x256xf32>,
    %get3A_71 = arith.constant 2 : index
    %get3A_72 = arith.constant 0 : index
    %get3A_73 = vector.load %arg3[%get3A_71, %get3A_72] : memref<8x256xi32, #tpu.memory_space<vmem>>, vector<1x256xi32>
    %get3A_74 = vector.shape_cast %get3A_73 : vector<1x256xi32> to vector<256xi32>
    %iota3A_75 = tpu.iota {dimensions = array<i32: 0>} : vector<1000x256xi32>
    %broadcast_in_dim3A_76 = vector.shape_cast %get3A_74 : vector<256xi32> to vector<1x256xi32>
    %eq3A_77 = vector.broadcast %broadcast_in_dim3A_76 : vector<1x256xi32> to vector<1000x256xi32>
    %eq3A_78 = arith.cmpi eq, %iota3A_75, %eq3A_77 : vector<1000x256xi32>
    %convert_element_type3A_79 = arith.extui %eq3A_78 : vector<1000x256xi1> to vector<1000x256xi32>
    %convert_element_type3A_80 = arith.sitofp %convert_element_type3A_79 : vector<1000x256xi32> to vector<1000x256xf32>
    %get3A_81 = arith.constant 0 : index
    %get3A_82 = arith.constant 0 : index
    %get3A_83 = vector.load %arg4[%get3A_81, %get3A_82] : memref<128x1000xf32, #tpu.memory_space<vmem>>, vector<128x1000xf32>
    %dot_general3A_84 = arith.constant dense<0.000000e+00> : vector<128x256xf32>
    %dot_general3A_85 = tpu.matmul %get3A_83, %convert_element_type3A_80, %dot_general3A_84 {dimension_numbers = #tpu.dot_dimension_numbers<[1], [0], [0], [1], [0, 0, 1, 1], [], []>, precision = #tpu.contract_precision<fp32>, transpose_lhs_hint = false} : vector<128x1000xf32>, vector<1000x256xf32>, vector<128x256xf32> -> vector<128x256xf32>
    %slice3A_86 = vector.extract_strided_slice %dot_general3A_85 {offsets = [0, 0], sizes = [104, 256], strides = [1, 1]} : vector<128x256xf32> to vector<104x256xf32>
    %swap3A_87 = arith.constant 2 : index
    %swap3A_88 = arith.constant 896 : index
    %swap3A_89 = arith.constant 0 : index
    %swap3A_90 = vector.load %arg5[%swap3A_87, %swap3A_88, %swap3A_89] : memref<8x1000x256xf32, #tpu.memory_space<vmem>>, vector<1x104x256xf32>
    %swap3A_91 = vector.shape_cast %swap3A_90 : vector<1x104x256xf32> to vector<104x256xf32>
    %swap3A_92 = vector.shape_cast %slice3A_86 : vector<104x256xf32> to vector<1x104x256xf32>
    tpu.vector_store %arg5[%swap3A_87, %swap3A_88, %swap3A_89], %swap3A_92 {strides = array<i32>} : memref<8x1000x256xf32, #tpu.memory_space<vmem>>, vector<1x104x256xf32>,
    %get3A_93 = arith.constant 0 : index
    %get3A_94 = arith.constant 3 : index
    %get3A_95 = arith.constant 0 : index
    %get3A_96 = vector.load %arg2[%get3A_93, %get3A_94, %get3A_95] : memref<256x8x896xf32, #tpu.memory_space<vmem>>, vector<256x1x896xf32>
    %get3A_97 = vector.shape_cast %get3A_96 : vector<256x1x896xf32> to vector<256x896xf32>
    %transpose3A_98 = tpu.transpose %get3A_97, [1, 0] : vector<256x896xf32> -> vector<896x256xf32>
    %swap3A_99 = arith.constant 3 : index
    %swap3A_100 = arith.constant 0 : index
    %swap3A_101 = arith.constant 0 : index
    %swap3A_102 = vector.load %arg5[%swap3A_99, %swap3A_100, %swap3A_101] : memref<8x1000x256xf32, #tpu.memory_space<vmem>>, vector<1x896x256xf32>
    %swap3A_103 = vector.shape_cast %swap3A_102 : vector<1x896x256xf32> to vector<896x256xf32>
    %swap3A_104 = vector.shape_cast %transpose3A_98 : vector<896x256xf32> to vector<1x896x256xf32>
    tpu.vector_store %arg5[%swap3A_99, %swap3A_100, %swap3A_101], %swap3A_104 {strides = array<i32>} : memref<8x1000x256xf32, #tpu.memory_space<vmem>>, vector<1x896x256xf32>,
    %get3A_105 = arith.constant 3 : index
    %get3A_106 = arith.constant 0 : index
    %get3A_107 = vector.load %arg3[%get3A_105, %get3A_106] : memref<8x256xi32, #tpu.memory_space<vmem>>, vector<1x256xi32>
    %get3A_108 = vector.shape_cast %get3A_107 : vector<1x256xi32> to vector<256xi32>
    %iota3A_109 = tpu.iota {dimensions = array<i32: 0>} : vector<1000x256xi32>
    %broadcast_in_dim3A_110 = vector.shape_cast %get3A_108 : vector<256xi32> to vector<1x256xi32>
    %eq3A_111 = vector.broadcast %broadcast_in_dim3A_110 : vector<1x256xi32> to vector<1000x256xi32>
    %eq3A_112 = arith.cmpi eq, %iota3A_109, %eq3A_111 : vector<1000x256xi32>
    %convert_element_type3A_113 = arith.extui %eq3A_112 : vector<1000x256xi1> to vector<1000x256xi32>
    %convert_element_type3A_114 = arith.sitofp %convert_element_type3A_113 : vector<1000x256xi32> to vector<1000x256xf32>
    %get3A_115 = arith.constant 0 : index
    %get3A_116 = arith.constant 0 : index
    %get3A_117 = vector.load %arg4[%get3A_115, %get3A_116] : memref<128x1000xf32, #tpu.memory_space<vmem>>, vector<128x1000xf32>
    %dot_general3A_118 = arith.constant dense<0.000000e+00> : vector<128x256xf32>
    %dot_general3A_119 = tpu.matmul %get3A_117, %convert_element_type3A_114, %dot_general3A_118 {dimension_numbers = #tpu.dot_dimension_numbers<[1], [0], [0], [1], [0, 0, 1, 1], [], []>, precision = #tpu.contract_precision<fp32>, transpose_lhs_hint = false} : vector<128x1000xf32>, vector<1000x256xf32>, vector<128x256xf32> -> vector<128x256xf32>
    %slice3A_120 = vector.extract_strided_slice %dot_general3A_119 {offsets = [0, 0], sizes = [104, 256], strides = [1, 1]} : vector<128x256xf32> to vector<104x256xf32>
    %swap3A_121 = arith.constant 3 : index
    %swap3A_122 = arith.constant 896 : index
    %swap3A_123 = arith.constant 0 : index
    %swap3A_124 = vector.load %arg5[%swap3A_121, %swap3A_122, %swap3A_123] : memref<8x1000x256xf32, #tpu.memory_space<vmem>>, vector<1x104x256xf32>
    %swap3A_125 = vector.shape_cast %swap3A_124 : vector<1x104x256xf32> to vector<104x256xf32>
    %swap3A_126 = vector.shape_cast %slice3A_120 : vector<104x256xf32> to vector<1x104x256xf32>
    tpu.vector_store %arg5[%swap3A_121, %swap3A_122, %swap3A_123], %swap3A_126 {strides = array<i32>} : memref<8x1000x256xf32, #tpu.memory_space<vmem>>, vector<1x104x256xf32>,
    %get3A_127 = arith.constant 0 : index
    %get3A_128 = arith.constant 4 : index
    %get3A_129 = arith.constant 0 : index
    %get3A_130 = vector.load %arg2[%get3A_127, %get3A_128, %get3A_129] : memref<256x8x896xf32, #tpu.memory_space<vmem>>, vector<256x1x896xf32>
    %get3A_131 = vector.shape_cast %get3A_130 : vector<256x1x896xf32> to vector<256x896xf32>
    %transpose3A_132 = tpu.transpose %get3A_131, [1, 0] : vector<256x896xf32> -> vector<896x256xf32>
    %swap3A_133 = arith.constant 4 : index
    %swap3A_134 = arith.constant 0 : index
    %swap3A_135 = arith.constant 0 : index
    %swap3A_136 = vector.load %arg5[%swap3A_133, %swap3A_134, %swap3A_135] : memref<8x1000x256xf32, #tpu.memory_space<vmem>>, vector<1x896x256xf32>
    %swap3A_137 = vector.shape_cast %swap3A_136 : vector<1x896x256xf32> to vector<896x256xf32>
    %swap3A_138 = vector.shape_cast %transpose3A_132 : vector<896x256xf32> to vector<1x896x256xf32>
    tpu.vector_store %arg5[%swap3A_133, %swap3A_134, %swap3A_135], %swap3A_138 {strides = array<i32>} : memref<8x1000x256xf32, #tpu.memory_space<vmem>>, vector<1x896x256xf32>,
    %get3A_139 = arith.constant 4 : index
    %get3A_140 = arith.constant 0 : index
    %get3A_141 = vector.load %arg3[%get3A_139, %get3A_140] : memref<8x256xi32, #tpu.memory_space<vmem>>, vector<1x256xi32>
    %get3A_142 = vector.shape_cast %get3A_141 : vector<1x256xi32> to vector<256xi32>
    %iota3A_143 = tpu.iota {dimensions = array<i32: 0>} : vector<1000x256xi32>
    %broadcast_in_dim3A_144 = vector.shape_cast %get3A_142 : vector<256xi32> to vector<1x256xi32>
    %eq3A_145 = vector.broadcast %broadcast_in_dim3A_144 : vector<1x256xi32> to vector<1000x256xi32>
    %eq3A_146 = arith.cmpi eq, %iota3A_143, %eq3A_145 : vector<1000x256xi32>
    %convert_element_type3A_147 = arith.extui %eq3A_146 : vector<1000x256xi1> to vector<1000x256xi32>
    %convert_element_type3A_148 = arith.sitofp %convert_element_type3A_147 : vector<1000x256xi32> to vector<1000x256xf32>
    %get3A_149 = arith.constant 0 : index
    %get3A_150 = arith.constant 0 : index
    %get3A_151 = vector.load %arg4[%get3A_149, %get3A_150] : memref<128x1000xf32, #tpu.memory_space<vmem>>, vector<128x1000xf32>
    %dot_general3A_152 = arith.constant dense<0.000000e+00> : vector<128x256xf32>
    %dot_general3A_153 = tpu.matmul %get3A_151, %convert_element_type3A_148, %dot_general3A_152 {dimension_numbers = #tpu.dot_dimension_numbers<[1], [0], [0], [1], [0, 0, 1, 1], [], []>, precision = #tpu.contract_precision<fp32>, transpose_lhs_hint = false} : vector<128x1000xf32>, vector<1000x256xf32>, vector<128x256xf32> -> vector<128x256xf32>
    %slice3A_154 = vector.extract_strided_slice %dot_general3A_153 {offsets = [0, 0], sizes = [104, 256], strides = [1, 1]} : vector<128x256xf32> to vector<104x256xf32>
    %swap3A_155 = arith.constant 4 : index
    %swap3A_156 = arith.constant 896 : index
    %swap3A_157 = arith.constant 0 : index
    %swap3A_158 = vector.load %arg5[%swap3A_155, %swap3A_156, %swap3A_157] : memref<8x1000x256xf32, #tpu.memory_space<vmem>>, vector<1x104x256xf32>
    %swap3A_159 = vector.shape_cast %swap3A_158 : vector<1x104x256xf32> to vector<104x256xf32>
    %swap3A_160 = vector.shape_cast %slice3A_154 : vector<104x256xf32> to vector<1x104x256xf32>
    tpu.vector_store %arg5[%swap3A_155, %swap3A_156, %swap3A_157], %swap3A_160 {strides = array<i32>} : memref<8x1000x256xf32, #tpu.memory_space<vmem>>, vector<1x104x256xf32>,
    %get3A_161 = arith.constant 0 : index
    %get3A_162 = arith.constant 5 : index
    %get3A_163 = arith.constant 0 : index
    %get3A_164 = vector.load %arg2[%get3A_161, %get3A_162, %get3A_163] : memref<256x8x896xf32, #tpu.memory_space<vmem>>, vector<256x1x896xf32>
    %get3A_165 = vector.shape_cast %get3A_164 : vector<256x1x896xf32> to vector<256x896xf32>
    %transpose3A_166 = tpu.transpose %get3A_165, [1, 0] : vector<256x896xf32> -> vector<896x256xf32>
    %swap3A_167 = arith.constant 5 : index
    %swap3A_168 = arith.constant 0 : index
    %swap3A_169 = arith.constant 0 : index
    %swap3A_170 = vector.load %arg5[%swap3A_167, %swap3A_168, %swap3A_169] : memref<8x1000x256xf32, #tpu.memory_space<vmem>>, vector<1x896x256xf32>
    %swap3A_171 = vector.shape_cast %swap3A_170 : vector<1x896x256xf32> to vector<896x256xf32>
    %swap3A_172 = vector.shape_cast %transpose3A_166 : vector<896x256xf32> to vector<1x896x256xf32>
    tpu.vector_store %arg5[%swap3A_167, %swap3A_168, %swap3A_169], %swap3A_172 {strides = array<i32>} : memref<8x1000x256xf32, #tpu.memory_space<vmem>>, vector<1x896x256xf32>,
    %get3A_173 = arith.constant 5 : index
    %get3A_174 = arith.constant 0 : index
    %get3A_175 = vector.load %arg3[%get3A_173, %get3A_174] : memref<8x256xi32, #tpu.memory_space<vmem>>, vector<1x256xi32>
    %get3A_176 = vector.shape_cast %get3A_175 : vector<1x256xi32> to vector<256xi32>
    %iota3A_177 = tpu.iota {dimensions = array<i32: 0>} : vector<1000x256xi32>
    %broadcast_in_dim3A_178 = vector.shape_cast %get3A_176 : vector<256xi32> to vector<1x256xi32>
    %eq3A_179 = vector.broadcast %broadcast_in_dim3A_178 : vector<1x256xi32> to vector<1000x256xi32>
    %eq3A_180 = arith.cmpi eq, %iota3A_177, %eq3A_179 : vector<1000x256xi32>
    %convert_element_type3A_181 = arith.extui %eq3A_180 : vector<1000x256xi1> to vector<1000x256xi32>
    %convert_element_type3A_182 = arith.sitofp %convert_element_type3A_181 : vector<1000x256xi32> to vector<1000x256xf32>
    %get3A_183 = arith.constant 0 : index
    %get3A_184 = arith.constant 0 : index
    %get3A_185 = vector.load %arg4[%get3A_183, %get3A_184] : memref<128x1000xf32, #tpu.memory_space<vmem>>, vector<128x1000xf32>
    %dot_general3A_186 = arith.constant dense<0.000000e+00> : vector<128x256xf32>
    %dot_general3A_187 = tpu.matmul %get3A_185, %convert_element_type3A_182, %dot_general3A_186 {dimension_numbers = #tpu.dot_dimension_numbers<[1], [0], [0], [1], [0, 0, 1, 1], [], []>, precision = #tpu.contract_precision<fp32>, transpose_lhs_hint = false} : vector<128x1000xf32>, vector<1000x256xf32>, vector<128x256xf32> -> vector<128x256xf32>
    %slice3A_188 = vector.extract_strided_slice %dot_general3A_187 {offsets = [0, 0], sizes = [104, 256], strides = [1, 1]} : vector<128x256xf32> to vector<104x256xf32>
    %swap3A_189 = arith.constant 5 : index
    %swap3A_190 = arith.constant 896 : index
    %swap3A_191 = arith.constant 0 : index
    %swap3A_192 = vector.load %arg5[%swap3A_189, %swap3A_190, %swap3A_191] : memref<8x1000x256xf32, #tpu.memory_space<vmem>>, vector<1x104x256xf32>
    %swap3A_193 = vector.shape_cast %swap3A_192 : vector<1x104x256xf32> to vector<104x256xf32>
    %swap3A_194 = vector.shape_cast %slice3A_188 : vector<104x256xf32> to vector<1x104x256xf32>
    tpu.vector_store %arg5[%swap3A_189, %swap3A_190, %swap3A_191], %swap3A_194 {strides = array<i32>} : memref<8x1000x256xf32, #tpu.memory_space<vmem>>, vector<1x104x256xf32>,
    %get3A_195 = arith.constant 0 : index
    %get3A_196 = arith.constant 6 : index
    %get3A_197 = arith.constant 0 : index
    %get3A_198 = vector.load %arg2[%get3A_195, %get3A_196, %get3A_197] : memref<256x8x896xf32, #tpu.memory_space<vmem>>, vector<256x1x896xf32>
    %get3A_199 = vector.shape_cast %get3A_198 : vector<256x1x896xf32> to vector<256x896xf32>
    %transpose3A_200 = tpu.transpose %get3A_199, [1, 0] : vector<256x896xf32> -> vector<896x256xf32>
    %swap3A_201 = arith.constant 6 : index
    %swap3A_202 = arith.constant 0 : index
    %swap3A_203 = arith.constant 0 : index
    %swap3A_204 = vector.load %arg5[%swap3A_201, %swap3A_202, %swap3A_203] : memref<8x1000x256xf32, #tpu.memory_space<vmem>>, vector<1x896x256xf32>
    %swap3A_205 = vector.shape_cast %swap3A_204 : vector<1x896x256xf32> to vector<896x256xf32>
    %swap3A_206 = vector.shape_cast %transpose3A_200 : vector<896x256xf32> to vector<1x896x256xf32>
    tpu.vector_store %arg5[%swap3A_201, %swap3A_202, %swap3A_203], %swap3A_206 {strides = array<i32>} : memref<8x1000x256xf32, #tpu.memory_space<vmem>>, vector<1x896x256xf32>,
    %get3A_207 = arith.constant 6 : index
    %get3A_208 = arith.constant 0 : index
    %get3A_209 = vector.load %arg3[%get3A_207, %get3A_208] : memref<8x256xi32, #tpu.memory_space<vmem>>, vector<1x256xi32>
    %get3A_210 = vector.shape_cast %get3A_209 : vector<1x256xi32> to vector<256xi32>
    %iota3A_211 = tpu.iota {dimensions = array<i32: 0>} : vector<1000x256xi32>
    %broadcast_in_dim3A_212 = vector.shape_cast %get3A_210 : vector<256xi32> to vector<1x256xi32>
    %eq3A_213 = vector.broadcast %broadcast_in_dim3A_212 : vector<1x256xi32> to vector<1000x256xi32>
    %eq3A_214 = arith.cmpi eq, %iota3A_211, %eq3A_213 : vector<1000x256xi32>
    %convert_element_type3A_215 = arith.extui %eq3A_214 : vector<1000x256xi1> to vector<1000x256xi32>
    %convert_element_type3A_216 = arith.sitofp %convert_element_type3A_215 : vector<1000x256xi32> to vector<1000x256xf32>
    %get3A_217 = arith.constant 0 : index
    %get3A_218 = arith.constant 0 : index
    %get3A_219 = vector.load %arg4[%get3A_217, %get3A_218] : memref<128x1000xf32, #tpu.memory_space<vmem>>, vector<128x1000xf32>
    %dot_general3A_220 = arith.constant dense<0.000000e+00> : vector<128x256xf32>
    %dot_general3A_221 = tpu.matmul %get3A_219, %convert_element_type3A_216, %dot_general3A_220 {dimension_numbers = #tpu.dot_dimension_numbers<[1], [0], [0], [1], [0, 0, 1, 1], [], []>, precision = #tpu.contract_precision<fp32>, transpose_lhs_hint = false} : vector<128x1000xf32>, vector<1000x256xf32>, vector<128x256xf32> -> vector<128x256xf32>
    %slice3A_222 = vector.extract_strided_slice %dot_general3A_221 {offsets = [0, 0], sizes = [104, 256], strides = [1, 1]} : vector<128x256xf32> to vector<104x256xf32>
    %swap3A_223 = arith.constant 6 : index
    %swap3A_224 = arith.constant 896 : index
    %swap3A_225 = arith.constant 0 : index
    %swap3A_226 = vector.load %arg5[%swap3A_223, %swap3A_224, %swap3A_225] : memref<8x1000x256xf32, #tpu.memory_space<vmem>>, vector<1x104x256xf32>
    %swap3A_227 = vector.shape_cast %swap3A_226 : vector<1x104x256xf32> to vector<104x256xf32>
    %swap3A_228 = vector.shape_cast %slice3A_222 : vector<104x256xf32> to vector<1x104x256xf32>
    tpu.vector_store %arg5[%swap3A_223, %swap3A_224, %swap3A_225], %swap3A_228 {strides = array<i32>} : memref<8x1000x256xf32, #tpu.memory_space<vmem>>, vector<1x104x256xf32>,
    %get3A_229 = arith.constant 0 : index
    %get3A_230 = arith.constant 7 : index
    %get3A_231 = arith.constant 0 : index
    %get3A_232 = vector.load %arg2[%get3A_229, %get3A_230, %get3A_231] : memref<256x8x896xf32, #tpu.memory_space<vmem>>, vector<256x1x896xf32>
    %get3A_233 = vector.shape_cast %get3A_232 : vector<256x1x896xf32> to vector<256x896xf32>
    %transpose3A_234 = tpu.transpose %get3A_233, [1, 0] : vector<256x896xf32> -> vector<896x256xf32>
    %swap3A_235 = arith.constant 7 : index
    %swap3A_236 = arith.constant 0 : index
    %swap3A_237 = arith.constant 0 : index
    %swap3A_238 = vector.load %arg5[%swap3A_235, %swap3A_236, %swap3A_237] : memref<8x1000x256xf32, #tpu.memory_space<vmem>>, vector<1x896x256xf32>
    %swap3A_239 = vector.shape_cast %swap3A_238 : vector<1x896x256xf32> to vector<896x256xf32>
    %swap3A_240 = vector.shape_cast %transpose3A_234 : vector<896x256xf32> to vector<1x896x256xf32>
    tpu.vector_store %arg5[%swap3A_235, %swap3A_236, %swap3A_237], %swap3A_240 {strides = array<i32>} : memref<8x1000x256xf32, #tpu.memory_space<vmem>>, vector<1x896x256xf32>,
    %get3A_241 = arith.constant 7 : index
    %get3A_242 = arith.constant 0 : index
    %get3A_243 = vector.load %arg3[%get3A_241, %get3A_242] : memref<8x256xi32, #tpu.memory_space<vmem>>, vector<1x256xi32>
    %get3A_244 = vector.shape_cast %get3A_243 : vector<1x256xi32> to vector<256xi32>
    %iota3A_245 = tpu.iota {dimensions = array<i32: 0>} : vector<1000x256xi32>
    %broadcast_in_dim3A_246 = vector.shape_cast %get3A_244 : vector<256xi32> to vector<1x256xi32>
    %eq3A_247 = vector.broadcast %broadcast_in_dim3A_246 : vector<1x256xi32> to vector<1000x256xi32>
    %eq3A_248 = arith.cmpi eq, %iota3A_245, %eq3A_247 : vector<1000x256xi32>
    %convert_element_type3A_249 = arith.extui %eq3A_248 : vector<1000x256xi1> to vector<1000x256xi32>
    %convert_element_type3A_250 = arith.sitofp %convert_element_type3A_249 : vector<1000x256xi32> to vector<1000x256xf32>
    %get3A_251 = arith.constant 0 : index
    %get3A_252 = arith.constant 0 : index
    %get3A_253 = vector.load %arg4[%get3A_251, %get3A_252] : memref<128x1000xf32, #tpu.memory_space<vmem>>, vector<128x1000xf32>
    %dot_general3A_254 = arith.constant dense<0.000000e+00> : vector<128x256xf32>
    %dot_general3A_255 = tpu.matmul %get3A_253, %convert_element_type3A_250, %dot_general3A_254 {dimension_numbers = #tpu.dot_dimension_numbers<[1], [0], [0], [1], [0, 0, 1, 1], [], []>, precision = #tpu.contract_precision<fp32>, transpose_lhs_hint = false} : vector<128x1000xf32>, vector<1000x256xf32>, vector<128x256xf32> -> vector<128x256xf32>
    %slice3A_256 = vector.extract_strided_slice %dot_general3A_255 {offsets = [0, 0], sizes = [104, 256], strides = [1, 1]} : vector<128x256xf32> to vector<104x256xf32>
    %swap3A_257 = arith.constant 7 : index
    %swap3A_258 = arith.constant 896 : index
    %swap3A_259 = arith.constant 0 : index
    %swap3A_260 = vector.load %arg5[%swap3A_257, %swap3A_258, %swap3A_259] : memref<8x1000x256xf32, #tpu.memory_space<vmem>>, vector<1x104x256xf32>
    %swap3A_261 = vector.shape_cast %swap3A_260 : vector<1x104x256xf32> to vector<104x256xf32>
    %swap3A_262 = vector.shape_cast %slice3A_256 : vector<104x256xf32> to vector<1x104x256xf32>
    tpu.vector_store %arg5[%swap3A_257, %swap3A_258, %swap3A_259], %swap3A_262 {strides = array<i32>} : memref<8x1000x256xf32, #tpu.memory_space<vmem>>, vector<1x104x256xf32>,
    return
  }
  func.func @transform_1(%arg0: i32) -> (i32, i32, i32) {
    %c0_i32 = arith.constant 0 : i32
    %c0_i32_0 = arith.constant 0 : i32
    %c0_i32_1 = arith.constant 0 : i32
    return %c0_i32, %arg0, %c0_i32_0 : i32, i32, i32
  }
  func.func @transform_2(%arg0: i32) -> (i32, i32) {
    %c0_i32 = arith.constant 0 : i32
    %c0_i32_0 = arith.constant 0 : i32
    return %arg0, %c0_i32 : i32, i32
  }
  func.func @transform_3(%arg0: i32) -> (i32, i32) {
    %c0_i32 = arith.constant 0 : i32
    %c0_i32_0 = arith.constant 0 : i32
    %c0_i32_1 = arith.constant 0 : i32
    return %c0_i32, %c0_i32_0 : i32, i32
  }
  func.func @transform_4(%arg0: i32) -> (i32, i32, i32) {
    %c0_i32 = arith.constant 0 : i32
    %c2_i32 = arith.constant 2 : i32
    %c0_i32_0 = arith.constant 0 : i32
    return %arg0, %c0_i32, %c2_i32 : i32, i32, i32
  }
}

module attributes {stable_mosaic.version = 14 : i64} {
  func.func @body(%arg0: i32, %arg1: memref<200x1000x1024xf32, #tpu.memory_space<any>>, %arg2: memref<256x8x896xf32, #tpu.memory_space<vmem>>, %arg3: memref<8x256xi32, #tpu.memory_space<vmem>>, %arg4: memref<128x1000xf32, #tpu.memory_space<vmem>>, %arg5: memref<8x1000x256xf32, #tpu.memory_space<vmem>>) attributes {dimension_semantics = [#tpu.dimension_semantics<arbitrary>], iteration_bounds = array<i64: 25>, scalar_prefetch = 0 : i64, scratch_operands = 0 : i64, tpu.core_type = #tpu.core_type<tc>, window_params = [{}, {transform_indices = @transform_1, window_bounds = array<i64: 256, 8, 896>}, {transform_indices = @transform_2, window_bounds = array<i64: 8, 256>}, {pipeline_mode = #tpu.pipeline_mode<synchronous>, transform_indices = @transform_3, window_bounds = array<i64: 128, 1000>}, {transform_indices = @transform_4, window_bounds = array<i64: 8, 1000, 256>}]} {
    %get3A = arith.constant 0 : index
    %get3A_0 = arith.constant 0 : index
    %get3A_1 = arith.constant 0 : index
    %get3A_2 = vector.load %arg2[%get3A, %get3A_0, %get3A_1] : memref<256x8x896xf32, #tpu.memory_space<vmem>>, vector<256x1x896xf32>
    %get3A_3 = vector.shape_cast %get3A_2 : vector<256x1x896xf32> to vector<256x896xf32>
    %transpose3A = tpu.transpose %get3A_3, [1, 0] : vector<256x896xf32> -> vector<896x256xf32>
    %swap3A = arith.constant 0 : index
    %swap3A_4 = arith.constant 0 : index
    %swap3A_5 = arith.constant 0 : index
    %swap3A_6 = vector.load %arg5[%swap3A, %swap3A_4, %swap3A_5] : memref<8x1000x256xf32, #tpu.memory_space<vmem>>, vector<1x896x256xf32>
    %swap3A_7 = vector.shape_cast %swap3A_6 : vector<1x896x256xf32> to vector<896x256xf32>
    %swap3A_8 = vector.shape_cast %transpose3A : vector<896x256xf32> to vector<1x896x256xf32>
    tpu.vector_store %arg5[%swap3A, %swap3A_4, %swap3A_5], %swap3A_8 {strides = array<i32>} : memref<8x1000x256xf32, #tpu.memory_space<vmem>>, vector<1x896x256xf32>,
    %get3A_9 = arith.constant 0 : index
    %get3A_10 = arith.constant 0 : index
    %get3A_11 = vector.load %arg3[%get3A_9, %get3A_10] : memref<8x256xi32, #tpu.memory_space<vmem>>, vector<1x256xi32>
    %get3A_12 = vector.shape_cast %get3A_11 : vector<1x256xi32> to vector<256xi32>
    %iota3A = tpu.iota {dimensions = array<i32: 0>} : vector<1000x256xi32>
    %broadcast_in_dim3A = vector.shape_cast %get3A_12 : vector<256xi32> to vector<1x256xi32>
    %eq3A = vector.broadcast %broadcast_in_dim3A : vector<1x256xi32> to vector<1000x256xi32>
    %eq3A_13 = arith.cmpi eq, %iota3A, %eq3A : vector<1000x256xi32>
    %convert_element_type3A = arith.extui %eq3A_13 : vector<1000x256xi1> to vector<1000x256xi32>
    %convert_element_type3A_14 = arith.sitofp %convert_element_type3A : vector<1000x256xi32> to vector<1000x256xf32>
    %get3A_15 = arith.constant 0 : index
    %get3A_16 = arith.constant 0 : index
    %get3A_17 = vector.load %arg4[%get3A_15, %get3A_16] : memref<128x1000xf32, #tpu.memory_space<vmem>>, vector<128x1000xf32>
    %dot_general3A = arith.constant dense<0.000000e+00> : vector<128x256xf32>
    %dot_general3A_18 = tpu.matmul %get3A_17, %convert_element_type3A_14, %dot_general3A {dimension_numbers = #tpu.dot_dimension_numbers<[1], [0], [0], [1], [0, 0, 1, 1], [], []>, precision = #tpu.contract_precision<fp32>, transpose_lhs_hint = false} : vector<128x1000xf32>, vector<1000x256xf32>, vector<128x256xf32> -> vector<128x256xf32>
    %slice3A = vector.extract_strided_slice %dot_general3A_18 {offsets = [0, 0], sizes = [104, 256], strides = [1, 1]} : vector<128x256xf32> to vector<104x256xf32>
    %swap3A_19 = arith.constant 0 : index
    %swap3A_20 = arith.constant 896 : index
    %swap3A_21 = arith.constant 0 : index
    %swap3A_22 = vector.load %arg5[%swap3A_19, %swap3A_20, %swap3A_21] : memref<8x1000x256xf32, #tpu.memory_space<vmem>>, vector<1x104x256xf32>
    %swap3A_23 = vector.shape_cast %swap3A_22 : vector<1x104x256xf32> to vector<104x256xf32>
    %swap3A_24 = vector.shape_cast %slice3A : vector<104x256xf32> to vector<1x104x256xf32>
    tpu.vector_store %arg5[%swap3A_19, %swap3A_20, %swap3A_21], %swap3A_24 {strides = array<i32>} : memref<8x1000x256xf32, #tpu.memory_space<vmem>>, vector<1x104x256xf32>,
    %get3A_25 = arith.constant 0 : index
    %get3A_26 = arith.constant 1 : index
    %get3A_27 = arith.constant 0 : index
    %get3A_28 = vector.load %arg2[%get3A_25, %get3A_26, %get3A_27] : memref<256x8x896xf32, #tpu.memory_space<vmem>>, vector<256x1x896xf32>
    %get3A_29 = vector.shape_cast %get3A_28 : vector<256x1x896xf32> to vector<256x896xf32>
    %transpose3A_30 = tpu.transpose %get3A_29, [1, 0] : vector<256x896xf32> -> vector<896x256xf32>
    %swap3A_31 = arith.constant 1 : index
    %swap3A_32 = arith.constant 0 : index
    %swap3A_33 = arith.constant 0 : index
    %swap3A_34 = vector.load %arg5[%swap3A_31, %swap3A_32, %swap3A_33] : memref<8x1000x256xf32, #tpu.memory_space<vmem>>, vector<1x896x256xf32>
    %swap3A_35 = vector.shape_cast %swap3A_34 : vector<1x896x256xf32> to vector<896x256xf32>
    %swap3A_36 = vector.shape_cast %transpose3A_30 : vector<896x256xf32> to vector<1x896x256xf32>
    tpu.vector_store %arg5[%swap3A_31, %swap3A_32, %swap3A_33], %swap3A_36 {strides = array<i32>} : memref<8x1000x256xf32, #tpu.memory_space<vmem>>, vector<1x896x256xf32>,
    %get3A_37 = arith.constant 1 : index
    %get3A_38 = arith.constant 0 : index
    %get3A_39 = vector.load %arg3[%get3A_37, %get3A_38] : memref<8x256xi32, #tpu.memory_space<vmem>>, vector<1x256xi32>
    %get3A_40 = vector.shape_cast %get3A_39 : vector<1x256xi32> to vector<256xi32>
    %iota3A_41 = tpu.iota {dimensions = array<i32: 0>} : vector<1000x256xi32>
    %broadcast_in_dim3A_42 = vector.shape_cast %get3A_40 : vector<256xi32> to vector<1x256xi32>
    %eq3A_43 = vector.broadcast %broadcast_in_dim3A_42 : vector<1x256xi32> to vector<1000x256xi32>
    %eq3A_44 = arith.cmpi eq, %iota3A_41, %eq3A_43 : vector<1000x256xi32>
    %convert_element_type3A_45 = arith.extui %eq3A_44 : vector<1000x256xi1> to vector<1000x256xi32>
    %convert_element_type3A_46 = arith.sitofp %convert_element_type3A_45 : vector<1000x256xi32> to vector<1000x256xf32>
    %get3A_47 = arith.constant 0 : index
    %get3A_48 = arith.constant 0 : index
    %get3A_49 = vector.load %arg4[%get3A_47, %get3A_48] : memref<128x1000xf32, #tpu.memory_space<vmem>>, vector<128x1000xf32>
    %dot_general3A_50 = arith.constant dense<0.000000e+00> : vector<128x256xf32>
    %dot_general3A_51 = tpu.matmul %get3A_49, %convert_element_type3A_46, %dot_general3A_50 {dimension_numbers = #tpu.dot_dimension_numbers<[1], [0], [0], [1], [0, 0, 1, 1], [], []>, precision = #tpu.contract_precision<fp32>, transpose_lhs_hint = false} : vector<128x1000xf32>, vector<1000x256xf32>, vector<128x256xf32> -> vector<128x256xf32>
    %slice3A_52 = vector.extract_strided_slice %dot_general3A_51 {offsets = [0, 0], sizes = [104, 256], strides = [1, 1]} : vector<128x256xf32> to vector<104x256xf32>
    %swap3A_53 = arith.constant 1 : index
    %swap3A_54 = arith.constant 896 : index
    %swap3A_55 = arith.constant 0 : index
    %swap3A_56 = vector.load %arg5[%swap3A_53, %swap3A_54, %swap3A_55] : memref<8x1000x256xf32, #tpu.memory_space<vmem>>, vector<1x104x256xf32>
    %swap3A_57 = vector.shape_cast %swap3A_56 : vector<1x104x256xf32> to vector<104x256xf32>
    %swap3A_58 = vector.shape_cast %slice3A_52 : vector<104x256xf32> to vector<1x104x256xf32>
    tpu.vector_store %arg5[%swap3A_53, %swap3A_54, %swap3A_55], %swap3A_58 {strides = array<i32>} : memref<8x1000x256xf32, #tpu.memory_space<vmem>>, vector<1x104x256xf32>,
    %get3A_59 = arith.constant 0 : index
    %get3A_60 = arith.constant 2 : index
    %get3A_61 = arith.constant 0 : index
    %get3A_62 = vector.load %arg2[%get3A_59, %get3A_60, %get3A_61] : memref<256x8x896xf32, #tpu.memory_space<vmem>>, vector<256x1x896xf32>
    %get3A_63 = vector.shape_cast %get3A_62 : vector<256x1x896xf32> to vector<256x896xf32>
    %transpose3A_64 = tpu.transpose %get3A_63, [1, 0] : vector<256x896xf32> -> vector<896x256xf32>
    %swap3A_65 = arith.constant 2 : index
    %swap3A_66 = arith.constant 0 : index
    %swap3A_67 = arith.constant 0 : index
    %swap3A_68 = vector.load %arg5[%swap3A_65, %swap3A_66, %swap3A_67] : memref<8x1000x256xf32, #tpu.memory_space<vmem>>, vector<1x896x256xf32>
    %swap3A_69 = vector.shape_cast %swap3A_68 : vector<1x896x256xf32> to vector<896x256xf32>
    %swap3A_70 = vector.shape_cast %transpose3A_64 : vector<896x256xf32> to vector<1x896x256xf32>
    tpu.vector_store %arg5[%swap3A_65, %swap3A_66, %swap3A_67], %swap3A_70 {strides = array<i32>} : memref<8x1000x256xf32, #tpu.memory_space<vmem>>, vector<1x896x256xf32>,
    %get3A_71 = arith.constant 2 : index
    %get3A_72 = arith.constant 0 : index
    %get3A_73 = vector.load %arg3[%get3A_71, %get3A_72] : memref<8x256xi32, #tpu.memory_space<vmem>>, vector<1x256xi32>
    %get3A_74 = vector.shape_cast %get3A_73 : vector<1x256xi32> to vector<256xi32>
    %iota3A_75 = tpu.iota {dimensions = array<i32: 0>} : vector<1000x256xi32>
    %broadcast_in_dim3A_76 = vector.shape_cast %get3A_74 : vector<256xi32> to vector<1x256xi32>
    %eq3A_77 = vector.broadcast %broadcast_in_dim3A_76 : vector<1x256xi32> to vector<1000x256xi32>
    %eq3A_78 = arith.cmpi eq, %iota3A_75, %eq3A_77 : vector<1000x256xi32>
    %convert_element_type3A_79 = arith.extui %eq3A_78 : vector<1000x256xi1> to vector<1000x256xi32>
    %convert_element_type3A_80 = arith.sitofp %convert_element_type3A_79 : vector<1000x256xi32> to vector<1000x256xf32>
    %get3A_81 = arith.constant 0 : index
    %get3A_82 = arith.constant 0 : index
    %get3A_83 = vector.load %arg4[%get3A_81, %get3A_82] : memref<128x1000xf32, #tpu.memory_space<vmem>>, vector<128x1000xf32>
    %dot_general3A_84 = arith.constant dense<0.000000e+00> : vector<128x256xf32>
    %dot_general3A_85 = tpu.matmul %get3A_83, %convert_element_type3A_80, %dot_general3A_84 {dimension_numbers = #tpu.dot_dimension_numbers<[1], [0], [0], [1], [0, 0, 1, 1], [], []>, precision = #tpu.contract_precision<fp32>, transpose_lhs_hint = false} : vector<128x1000xf32>, vector<1000x256xf32>, vector<128x256xf32> -> vector<128x256xf32>
    %slice3A_86 = vector.extract_strided_slice %dot_general3A_85 {offsets = [0, 0], sizes = [104, 256], strides = [1, 1]} : vector<128x256xf32> to vector<104x256xf32>
    %swap3A_87 = arith.constant 2 : index
    %swap3A_88 = arith.constant 896 : index
    %swap3A_89 = arith.constant 0 : index
    %swap3A_90 = vector.load %arg5[%swap3A_87, %swap3A_88, %swap3A_89] : memref<8x1000x256xf32, #tpu.memory_space<vmem>>, vector<1x104x256xf32>
    %swap3A_91 = vector.shape_cast %swap3A_90 : vector<1x104x256xf32> to vector<104x256xf32>
    %swap3A_92 = vector.shape_cast %slice3A_86 : vector<104x256xf32> to vector<1x104x256xf32>
    tpu.vector_store %arg5[%swap3A_87, %swap3A_88, %swap3A_89], %swap3A_92 {strides = array<i32>} : memref<8x1000x256xf32, #tpu.memory_space<vmem>>, vector<1x104x256xf32>,
    %get3A_93 = arith.constant 0 : index
    %get3A_94 = arith.constant 3 : index
    %get3A_95 = arith.constant 0 : index
    %get3A_96 = vector.load %arg2[%get3A_93, %get3A_94, %get3A_95] : memref<256x8x896xf32, #tpu.memory_space<vmem>>, vector<256x1x896xf32>
    %get3A_97 = vector.shape_cast %get3A_96 : vector<256x1x896xf32> to vector<256x896xf32>
    %transpose3A_98 = tpu.transpose %get3A_97, [1, 0] : vector<256x896xf32> -> vector<896x256xf32>
    %swap3A_99 = arith.constant 3 : index
    %swap3A_100 = arith.constant 0 : index
    %swap3A_101 = arith.constant 0 : index
    %swap3A_102 = vector.load %arg5[%swap3A_99, %swap3A_100, %swap3A_101] : memref<8x1000x256xf32, #tpu.memory_space<vmem>>, vector<1x896x256xf32>
    %swap3A_103 = vector.shape_cast %swap3A_102 : vector<1x896x256xf32> to vector<896x256xf32>
    %swap3A_104 = vector.shape_cast %transpose3A_98 : vector<896x256xf32> to vector<1x896x256xf32>
    tpu.vector_store %arg5[%swap3A_99, %swap3A_100, %swap3A_101], %swap3A_104 {strides = array<i32>} : memref<8x1000x256xf32, #tpu.memory_space<vmem>>, vector<1x896x256xf32>,
    %get3A_105 = arith.constant 3 : index
    %get3A_106 = arith.constant 0 : index
    %get3A_107 = vector.load %arg3[%get3A_105, %get3A_106] : memref<8x256xi32, #tpu.memory_space<vmem>>, vector<1x256xi32>
    %get3A_108 = vector.shape_cast %get3A_107 : vector<1x256xi32> to vector<256xi32>
    %iota3A_109 = tpu.iota {dimensions = array<i32: 0>} : vector<1000x256xi32>
    %broadcast_in_dim3A_110 = vector.shape_cast %get3A_108 : vector<256xi32> to vector<1x256xi32>
    %eq3A_111 = vector.broadcast %broadcast_in_dim3A_110 : vector<1x256xi32> to vector<1000x256xi32>
    %eq3A_112 = arith.cmpi eq, %iota3A_109, %eq3A_111 : vector<1000x256xi32>
    %convert_element_type3A_113 = arith.extui %eq3A_112 : vector<1000x256xi1> to vector<1000x256xi32>
    %convert_element_type3A_114 = arith.sitofp %convert_element_type3A_113 : vector<1000x256xi32> to vector<1000x256xf32>
    %get3A_115 = arith.constant 0 : index
    %get3A_116 = arith.constant 0 : index
    %get3A_117 = vector.load %arg4[%get3A_115, %get3A_116] : memref<128x1000xf32, #tpu.memory_space<vmem>>, vector<128x1000xf32>
    %dot_general3A_118 = arith.constant dense<0.000000e+00> : vector<128x256xf32>
    %dot_general3A_119 = tpu.matmul %get3A_117, %convert_element_type3A_114, %dot_general3A_118 {dimension_numbers = #tpu.dot_dimension_numbers<[1], [0], [0], [1], [0, 0, 1, 1], [], []>, precision = #tpu.contract_precision<fp32>, transpose_lhs_hint = false} : vector<128x1000xf32>, vector<1000x256xf32>, vector<128x256xf32> -> vector<128x256xf32>
    %slice3A_120 = vector.extract_strided_slice %dot_general3A_119 {offsets = [0, 0], sizes = [104, 256], strides = [1, 1]} : vector<128x256xf32> to vector<104x256xf32>
    %swap3A_121 = arith.constant 3 : index
    %swap3A_122 = arith.constant 896 : index
    %swap3A_123 = arith.constant 0 : index
    %swap3A_124 = vector.load %arg5[%swap3A_121, %swap3A_122, %swap3A_123] : memref<8x1000x256xf32, #tpu.memory_space<vmem>>, vector<1x104x256xf32>
    %swap3A_125 = vector.shape_cast %swap3A_124 : vector<1x104x256xf32> to vector<104x256xf32>
    %swap3A_126 = vector.shape_cast %slice3A_120 : vector<104x256xf32> to vector<1x104x256xf32>
    tpu.vector_store %arg5[%swap3A_121, %swap3A_122, %swap3A_123], %swap3A_126 {strides = array<i32>} : memref<8x1000x256xf32, #tpu.memory_space<vmem>>, vector<1x104x256xf32>,
    %get3A_127 = arith.constant 0 : index
    %get3A_128 = arith.constant 4 : index
    %get3A_129 = arith.constant 0 : index
    %get3A_130 = vector.load %arg2[%get3A_127, %get3A_128, %get3A_129] : memref<256x8x896xf32, #tpu.memory_space<vmem>>, vector<256x1x896xf32>
    %get3A_131 = vector.shape_cast %get3A_130 : vector<256x1x896xf32> to vector<256x896xf32>
    %transpose3A_132 = tpu.transpose %get3A_131, [1, 0] : vector<256x896xf32> -> vector<896x256xf32>
    %swap3A_133 = arith.constant 4 : index
    %swap3A_134 = arith.constant 0 : index
    %swap3A_135 = arith.constant 0 : index
    %swap3A_136 = vector.load %arg5[%swap3A_133, %swap3A_134, %swap3A_135] : memref<8x1000x256xf32, #tpu.memory_space<vmem>>, vector<1x896x256xf32>
    %swap3A_137 = vector.shape_cast %swap3A_136 : vector<1x896x256xf32> to vector<896x256xf32>
    %swap3A_138 = vector.shape_cast %transpose3A_132 : vector<896x256xf32> to vector<1x896x256xf32>
    tpu.vector_store %arg5[%swap3A_133, %swap3A_134, %swap3A_135], %swap3A_138 {strides = array<i32>} : memref<8x1000x256xf32, #tpu.memory_space<vmem>>, vector<1x896x256xf32>,
    %get3A_139 = arith.constant 4 : index
    %get3A_140 = arith.constant 0 : index
    %get3A_141 = vector.load %arg3[%get3A_139, %get3A_140] : memref<8x256xi32, #tpu.memory_space<vmem>>, vector<1x256xi32>
    %get3A_142 = vector.shape_cast %get3A_141 : vector<1x256xi32> to vector<256xi32>
    %iota3A_143 = tpu.iota {dimensions = array<i32: 0>} : vector<1000x256xi32>
    %broadcast_in_dim3A_144 = vector.shape_cast %get3A_142 : vector<256xi32> to vector<1x256xi32>
    %eq3A_145 = vector.broadcast %broadcast_in_dim3A_144 : vector<1x256xi32> to vector<1000x256xi32>
    %eq3A_146 = arith.cmpi eq, %iota3A_143, %eq3A_145 : vector<1000x256xi32>
    %convert_element_type3A_147 = arith.extui %eq3A_146 : vector<1000x256xi1> to vector<1000x256xi32>
    %convert_element_type3A_148 = arith.sitofp %convert_element_type3A_147 : vector<1000x256xi32> to vector<1000x256xf32>
    %get3A_149 = arith.constant 0 : index
    %get3A_150 = arith.constant 0 : index
    %get3A_151 = vector.load %arg4[%get3A_149, %get3A_150] : memref<128x1000xf32, #tpu.memory_space<vmem>>, vector<128x1000xf32>
    %dot_general3A_152 = arith.constant dense<0.000000e+00> : vector<128x256xf32>
    %dot_general3A_153 = tpu.matmul %get3A_151, %convert_element_type3A_148, %dot_general3A_152 {dimension_numbers = #tpu.dot_dimension_numbers<[1], [0], [0], [1], [0, 0, 1, 1], [], []>, precision = #tpu.contract_precision<fp32>, transpose_lhs_hint = false} : vector<128x1000xf32>, vector<1000x256xf32>, vector<128x256xf32> -> vector<128x256xf32>
    %slice3A_154 = vector.extract_strided_slice %dot_general3A_153 {offsets = [0, 0], sizes = [104, 256], strides = [1, 1]} : vector<128x256xf32> to vector<104x256xf32>
    %swap3A_155 = arith.constant 4 : index
    %swap3A_156 = arith.constant 896 : index
    %swap3A_157 = arith.constant 0 : index
    %swap3A_158 = vector.load %arg5[%swap3A_155, %swap3A_156, %swap3A_157] : memref<8x1000x256xf32, #tpu.memory_space<vmem>>, vector<1x104x256xf32>
    %swap3A_159 = vector.shape_cast %swap3A_158 : vector<1x104x256xf32> to vector<104x256xf32>
    %swap3A_160 = vector.shape_cast %slice3A_154 : vector<104x256xf32> to vector<1x104x256xf32>
    tpu.vector_store %arg5[%swap3A_155, %swap3A_156, %swap3A_157], %swap3A_160 {strides = array<i32>} : memref<8x1000x256xf32, #tpu.memory_space<vmem>>, vector<1x104x256xf32>,
    %get3A_161 = arith.constant 0 : index
    %get3A_162 = arith.constant 5 : index
    %get3A_163 = arith.constant 0 : index
    %get3A_164 = vector.load %arg2[%get3A_161, %get3A_162, %get3A_163] : memref<256x8x896xf32, #tpu.memory_space<vmem>>, vector<256x1x896xf32>
    %get3A_165 = vector.shape_cast %get3A_164 : vector<256x1x896xf32> to vector<256x896xf32>
    %transpose3A_166 = tpu.transpose %get3A_165, [1, 0] : vector<256x896xf32> -> vector<896x256xf32>
    %swap3A_167 = arith.constant 5 : index
    %swap3A_168 = arith.constant 0 : index
    %swap3A_169 = arith.constant 0 : index
    %swap3A_170 = vector.load %arg5[%swap3A_167, %swap3A_168, %swap3A_169] : memref<8x1000x256xf32, #tpu.memory_space<vmem>>, vector<1x896x256xf32>
    %swap3A_171 = vector.shape_cast %swap3A_170 : vector<1x896x256xf32> to vector<896x256xf32>
    %swap3A_172 = vector.shape_cast %transpose3A_166 : vector<896x256xf32> to vector<1x896x256xf32>
    tpu.vector_store %arg5[%swap3A_167, %swap3A_168, %swap3A_169], %swap3A_172 {strides = array<i32>} : memref<8x1000x256xf32, #tpu.memory_space<vmem>>, vector<1x896x256xf32>,
    %get3A_173 = arith.constant 5 : index
    %get3A_174 = arith.constant 0 : index
    %get3A_175 = vector.load %arg3[%get3A_173, %get3A_174] : memref<8x256xi32, #tpu.memory_space<vmem>>, vector<1x256xi32>
    %get3A_176 = vector.shape_cast %get3A_175 : vector<1x256xi32> to vector<256xi32>
    %iota3A_177 = tpu.iota {dimensions = array<i32: 0>} : vector<1000x256xi32>
    %broadcast_in_dim3A_178 = vector.shape_cast %get3A_176 : vector<256xi32> to vector<1x256xi32>
    %eq3A_179 = vector.broadcast %broadcast_in_dim3A_178 : vector<1x256xi32> to vector<1000x256xi32>
    %eq3A_180 = arith.cmpi eq, %iota3A_177, %eq3A_179 : vector<1000x256xi32>
    %convert_element_type3A_181 = arith.extui %eq3A_180 : vector<1000x256xi1> to vector<1000x256xi32>
    %convert_element_type3A_182 = arith.sitofp %convert_element_type3A_181 : vector<1000x256xi32> to vector<1000x256xf32>
    %get3A_183 = arith.constant 0 : index
    %get3A_184 = arith.constant 0 : index
    %get3A_185 = vector.load %arg4[%get3A_183, %get3A_184] : memref<128x1000xf32, #tpu.memory_space<vmem>>, vector<128x1000xf32>
    %dot_general3A_186 = arith.constant dense<0.000000e+00> : vector<128x256xf32>
    %dot_general3A_187 = tpu.matmul %get3A_185, %convert_element_type3A_182, %dot_general3A_186 {dimension_numbers = #tpu.dot_dimension_numbers<[1], [0], [0], [1], [0, 0, 1, 1], [], []>, precision = #tpu.contract_precision<fp32>, transpose_lhs_hint = false} : vector<128x1000xf32>, vector<1000x256xf32>, vector<128x256xf32> -> vector<128x256xf32>
    %slice3A_188 = vector.extract_strided_slice %dot_general3A_187 {offsets = [0, 0], sizes = [104, 256], strides = [1, 1]} : vector<128x256xf32> to vector<104x256xf32>
    %swap3A_189 = arith.constant 5 : index
    %swap3A_190 = arith.constant 896 : index
    %swap3A_191 = arith.constant 0 : index
    %swap3A_192 = vector.load %arg5[%swap3A_189, %swap3A_190, %swap3A_191] : memref<8x1000x256xf32, #tpu.memory_space<vmem>>, vector<1x104x256xf32>
    %swap3A_193 = vector.shape_cast %swap3A_192 : vector<1x104x256xf32> to vector<104x256xf32>
    %swap3A_194 = vector.shape_cast %slice3A_188 : vector<104x256xf32> to vector<1x104x256xf32>
    tpu.vector_store %arg5[%swap3A_189, %swap3A_190, %swap3A_191], %swap3A_194 {strides = array<i32>} : memref<8x1000x256xf32, #tpu.memory_space<vmem>>, vector<1x104x256xf32>,
    %get3A_195 = arith.constant 0 : index
    %get3A_196 = arith.constant 6 : index
    %get3A_197 = arith.constant 0 : index
    %get3A_198 = vector.load %arg2[%get3A_195, %get3A_196, %get3A_197] : memref<256x8x896xf32, #tpu.memory_space<vmem>>, vector<256x1x896xf32>
    %get3A_199 = vector.shape_cast %get3A_198 : vector<256x1x896xf32> to vector<256x896xf32>
    %transpose3A_200 = tpu.transpose %get3A_199, [1, 0] : vector<256x896xf32> -> vector<896x256xf32>
    %swap3A_201 = arith.constant 6 : index
    %swap3A_202 = arith.constant 0 : index
    %swap3A_203 = arith.constant 0 : index
    %swap3A_204 = vector.load %arg5[%swap3A_201, %swap3A_202, %swap3A_203] : memref<8x1000x256xf32, #tpu.memory_space<vmem>>, vector<1x896x256xf32>
    %swap3A_205 = vector.shape_cast %swap3A_204 : vector<1x896x256xf32> to vector<896x256xf32>
    %swap3A_206 = vector.shape_cast %transpose3A_200 : vector<896x256xf32> to vector<1x896x256xf32>
    tpu.vector_store %arg5[%swap3A_201, %swap3A_202, %swap3A_203], %swap3A_206 {strides = array<i32>} : memref<8x1000x256xf32, #tpu.memory_space<vmem>>, vector<1x896x256xf32>,
    %get3A_207 = arith.constant 6 : index
    %get3A_208 = arith.constant 0 : index
    %get3A_209 = vector.load %arg3[%get3A_207, %get3A_208] : memref<8x256xi32, #tpu.memory_space<vmem>>, vector<1x256xi32>
    %get3A_210 = vector.shape_cast %get3A_209 : vector<1x256xi32> to vector<256xi32>
    %iota3A_211 = tpu.iota {dimensions = array<i32: 0>} : vector<1000x256xi32>
    %broadcast_in_dim3A_212 = vector.shape_cast %get3A_210 : vector<256xi32> to vector<1x256xi32>
    %eq3A_213 = vector.broadcast %broadcast_in_dim3A_212 : vector<1x256xi32> to vector<1000x256xi32>
    %eq3A_214 = arith.cmpi eq, %iota3A_211, %eq3A_213 : vector<1000x256xi32>
    %convert_element_type3A_215 = arith.extui %eq3A_214 : vector<1000x256xi1> to vector<1000x256xi32>
    %convert_element_type3A_216 = arith.sitofp %convert_element_type3A_215 : vector<1000x256xi32> to vector<1000x256xf32>
    %get3A_217 = arith.constant 0 : index
    %get3A_218 = arith.constant 0 : index
    %get3A_219 = vector.load %arg4[%get3A_217, %get3A_218] : memref<128x1000xf32, #tpu.memory_space<vmem>>, vector<128x1000xf32>
    %dot_general3A_220 = arith.constant dense<0.000000e+00> : vector<128x256xf32>
    %dot_general3A_221 = tpu.matmul %get3A_219, %convert_element_type3A_216, %dot_general3A_220 {dimension_numbers = #tpu.dot_dimension_numbers<[1], [0], [0], [1], [0, 0, 1, 1], [], []>, precision = #tpu.contract_precision<fp32>, transpose_lhs_hint = false} : vector<128x1000xf32>, vector<1000x256xf32>, vector<128x256xf32> -> vector<128x256xf32>
    %slice3A_222 = vector.extract_strided_slice %dot_general3A_221 {offsets = [0, 0], sizes = [104, 256], strides = [1, 1]} : vector<128x256xf32> to vector<104x256xf32>
    %swap3A_223 = arith.constant 6 : index
    %swap3A_224 = arith.constant 896 : index
    %swap3A_225 = arith.constant 0 : index
    %swap3A_226 = vector.load %arg5[%swap3A_223, %swap3A_224, %swap3A_225] : memref<8x1000x256xf32, #tpu.memory_space<vmem>>, vector<1x104x256xf32>
    %swap3A_227 = vector.shape_cast %swap3A_226 : vector<1x104x256xf32> to vector<104x256xf32>
    %swap3A_228 = vector.shape_cast %slice3A_222 : vector<104x256xf32> to vector<1x104x256xf32>
    tpu.vector_store %arg5[%swap3A_223, %swap3A_224, %swap3A_225], %swap3A_228 {strides = array<i32>} : memref<8x1000x256xf32, #tpu.memory_space<vmem>>, vector<1x104x256xf32>,
    %get3A_229 = arith.constant 0 : index
    %get3A_230 = arith.constant 7 : index
    %get3A_231 = arith.constant 0 : index
    %get3A_232 = vector.load %arg2[%get3A_229, %get3A_230, %get3A_231] : memref<256x8x896xf32, #tpu.memory_space<vmem>>, vector<256x1x896xf32>
    %get3A_233 = vector.shape_cast %get3A_232 : vector<256x1x896xf32> to vector<256x896xf32>
    %transpose3A_234 = tpu.transpose %get3A_233, [1, 0] : vector<256x896xf32> -> vector<896x256xf32>
    %swap3A_235 = arith.constant 7 : index
    %swap3A_236 = arith.constant 0 : index
    %swap3A_237 = arith.constant 0 : index
    %swap3A_238 = vector.load %arg5[%swap3A_235, %swap3A_236, %swap3A_237] : memref<8x1000x256xf32, #tpu.memory_space<vmem>>, vector<1x896x256xf32>
    %swap3A_239 = vector.shape_cast %swap3A_238 : vector<1x896x256xf32> to vector<896x256xf32>
    %swap3A_240 = vector.shape_cast %transpose3A_234 : vector<896x256xf32> to vector<1x896x256xf32>
    tpu.vector_store %arg5[%swap3A_235, %swap3A_236, %swap3A_237], %swap3A_240 {strides = array<i32>} : memref<8x1000x256xf32, #tpu.memory_space<vmem>>, vector<1x896x256xf32>,
    %get3A_241 = arith.constant 7 : index
    %get3A_242 = arith.constant 0 : index
    %get3A_243 = vector.load %arg3[%get3A_241, %get3A_242] : memref<8x256xi32, #tpu.memory_space<vmem>>, vector<1x256xi32>
    %get3A_244 = vector.shape_cast %get3A_243 : vector<1x256xi32> to vector<256xi32>
    %iota3A_245 = tpu.iota {dimensions = array<i32: 0>} : vector<1000x256xi32>
    %broadcast_in_dim3A_246 = vector.shape_cast %get3A_244 : vector<256xi32> to vector<1x256xi32>
    %eq3A_247 = vector.broadcast %broadcast_in_dim3A_246 : vector<1x256xi32> to vector<1000x256xi32>
    %eq3A_248 = arith.cmpi eq, %iota3A_245, %eq3A_247 : vector<1000x256xi32>
    %convert_element_type3A_249 = arith.extui %eq3A_248 : vector<1000x256xi1> to vector<1000x256xi32>
    %convert_element_type3A_250 = arith.sitofp %convert_element_type3A_249 : vector<1000x256xi32> to vector<1000x256xf32>
    %get3A_251 = arith.constant 0 : index
    %get3A_252 = arith.constant 0 : index
    %get3A_253 = vector.load %arg4[%get3A_251, %get3A_252] : memref<128x1000xf32, #tpu.memory_space<vmem>>, vector<128x1000xf32>
    %dot_general3A_254 = arith.constant dense<0.000000e+00> : vector<128x256xf32>
    %dot_general3A_255 = tpu.matmul %get3A_253, %convert_element_type3A_250, %dot_general3A_254 {dimension_numbers = #tpu.dot_dimension_numbers<[1], [0], [0], [1], [0, 0, 1, 1], [], []>, precision = #tpu.contract_precision<fp32>, transpose_lhs_hint = false} : vector<128x1000xf32>, vector<1000x256xf32>, vector<128x256xf32> -> vector<128x256xf32>
    %slice3A_256 = vector.extract_strided_slice %dot_general3A_255 {offsets = [0, 0], sizes = [104, 256], strides = [1, 1]} : vector<128x256xf32> to vector<104x256xf32>
    %swap3A_257 = arith.constant 7 : index
    %swap3A_258 = arith.constant 896 : index
    %swap3A_259 = arith.constant 0 : index
    %swap3A_260 = vector.load %arg5[%swap3A_257, %swap3A_258, %swap3A_259] : memref<8x1000x256xf32, #tpu.memory_space<vmem>>, vector<1x104x256xf32>
    %swap3A_261 = vector.shape_cast %swap3A_260 : vector<1x104x256xf32> to vector<104x256xf32>
    %swap3A_262 = vector.shape_cast %slice3A_256 : vector<104x256xf32> to vector<1x104x256xf32>
    tpu.vector_store %arg5[%swap3A_257, %swap3A_258, %swap3A_259], %swap3A_262 {strides = array<i32>} : memref<8x1000x256xf32, #tpu.memory_space<vmem>>, vector<1x104x256xf32>,
    return
  }
  func.func @transform_1(%arg0: i32) -> (i32, i32, i32) {
    %c0_i32 = arith.constant 0 : i32
    %c0_i32_0 = arith.constant 0 : i32
    %c0_i32_1 = arith.constant 0 : i32
    return %c0_i32, %arg0, %c0_i32_0 : i32, i32, i32
  }
  func.func @transform_2(%arg0: i32) -> (i32, i32) {
    %c0_i32 = arith.constant 0 : i32
    %c0_i32_0 = arith.constant 0 : i32
    return %arg0, %c0_i32 : i32, i32
  }
  func.func @transform_3(%arg0: i32) -> (i32, i32) {
    %c0_i32 = arith.constant 0 : i32
    %c0_i32_0 = arith.constant 0 : i32
    %c0_i32_1 = arith.constant 0 : i32
    return %c0_i32, %c0_i32_0 : i32, i32
  }
  func.func @transform_4(%arg0: i32) -> (i32, i32, i32) {
    %c0_i32 = arith.constant 0 : i32
    %c3_i32 = arith.constant 3 : i32
    %c0_i32_0 = arith.constant 0 : i32
    return %arg0, %c0_i32, %c3_i32 : i32, i32, i32
  }
}

</mosaic_0001>

<sc_bundles>
// kernel: kernel.10.cloned.1.call-start
scs
__scs_entry_jumppad:
0x0: {  	(pc) =	sbr.rel $0x88, $3  }
0x1: {  	(tag) =	ssettag $0x0;
	lr =	simm.s32 $0x1  }
0x2: {  	[smem:$0x3F9F] =	sst lr;
	_ =	strace $0xD0000000  }
0x3: {  	_ = 	snop  }
0x4: {  	_ = 	snop  }
0x5: {  	_ = 	snop  }
0x6: {  	_ = 	snop  }
0x7: {  	_ = 	snop  }
__scs_overlays_trampoline_lowered:
0x8: {  	[smem:$0x3FAE] =	sst s0  }
0x9: {  	[smem:$0x3FAF] =	sst s1  }
0xa: {  	[smem:$0x3FB0] =	sst s2  }
0xb: {  	[smem:$0x3FB1] =	sst s3  }
0xc: {  	[smem:$0x3FB2] =	sst s4  }
0xd: {  	[smem:$0x3FB3] =	sst s5  }
0xe: {  	[smem:$0x3FB4] =	sst s6  }
0xf: {  	[smem:$0x3FB5] =	sst s7  }
0x10: {  	[smem:$0x3FB6] =	sst s8  }
0x11: {  	[smem:$0x3FB7] =	sst s9;
	s0 =	simm.s32 @!p0 $0x0  }
0x12: {  	s1 =	sld [smem:$0x3F9D];
	s0 =	simm.s32 @p0 $0x1  }
0x13: {  	[smem:$0x3FB8] =	sst s0;
	s0 =	simm.s32 @!p1 $0x0  }
0x14: {  	s2 =	sld [smem:$0x3F9C];
	s0 =	simm.s32 @p1 $0x1  }
0x15: {  	[smem:$0x3FB9] =	sst s0;
	s0 =	simm.s32 @!p2 $0x0  }
0x16: {  	s3 =	sld [smem:$0x3FDB];
	s0 =	simm.s32 @p2 $0x1  }
0x17: {  	s4 =	simm.s32 $0x1BF5;
	[smem:$0x3FBB] =	sst s0  }
0x18: {  	s0 =	sld [smem:$0x3F9E];
	_ =	swait.ge [sflag:s4], $0x0  }
0x19: {  	s7 =	sld [smem:$0x3F9F]  }
0x1a: {  	s8 =	sadd.s32 $0xFFFFE003, lr  }
0x1b: {  	s9 =	sadd.s32 $0xFFFFFEF7, lr;
	s5 =	simm.s32 $0xFFFFFFFF;
	p2 =	slt.u32 s8, $0xFFFFF086  }
0x1c: {  	p1 =	slt.u32 s9, $0xF7A;
	s5 =	simm.s32 @!p2 $0x0  }
0x1d: {  	s5 =	simm.s32 @p1 $0x1;
	p0 =	seq.s32 s7, s2  }
0x1e: {  	s7 =	smul.u32 @!p0 $0xF7A, s2;
	p2 =	seq.s32 @!p0 s5, $0x0  }
0x1f: {  	s9 =	smul.u32 $0xF7A, s1;
	s8 =	simm.s32 @!p0 $0x1BF5;
	p2 =	por !p2, p0  }
0x20: {  	[sflag:s8] =	ssyncset.s32 @!p0 $0xFFFFF086;
	s6 =	sadd.s32 @!p0 s3, s7;
	s7 =	simm.s32 @!p0 $0x108  }
0x21: {  	s3 =	sadd.s32 s3, s9;
	s6 =	sadd.s32 @!p0 $0x88, s6;
	s7 =	simm.s32 @p2 $0x1082  }
0x22: {  	[simem:s7], [sflag:s8] =	dma.local @!p0 [hbm:s6], $0xF7A  }
0x23: {  	s9 =	sor.u32 $0xD0000000, s2;
	s6 =	simm.s32 $0x108;
	_ =	swait.ge @!p0 [sflag:s8], $0x0  }
0x24: {  	s3 =	sadd.s32 $0x88, s3;
	s6 =	simm.s32 @!p1 $0x1082;
	[sflag:s4] =	ssyncset.s32 $0xFFFFF086  }
0x25: {  	[simem:s6], [sflag:s4] =	dma.local [hbm:s3], $0xF7A  }
0x26: {  	[smem:$0x3F9F] =	sst s1;
	(tag) =	ssettag s2;
	_ =	strace s9  }
0x27: {  	s1 =	sld [smem:$0x3FAF]  }
0x28: {  	s2 =	sld [smem:$0x3FB0]  }
0x29: {  	s4 =	sld [smem:$0x3FB2]  }
0x2a: {  	p0 =	seq.s32 s5, $0x0;
	s5 =	sld [smem:$0x3FB3]  }
0x2b: {  	s6 =	sld [smem:$0x3FB4]  }
0x2c: {  	s7 =	sld [smem:$0x3FB5]  }
0x2d: {  	s3 =	simm.s32 $0x108;
	s8 =	sld [smem:$0x3FB6]  }
0x2e: {  	s3 =	simm.s32 @!p0 $0x1082;
	s9 =	sld [smem:$0x3FB7]  }
0x2f: {  	lr =	sadd.s32 s0, s3;
	s0 =	sld [smem:$0x3FAE]  }
0x30: {  	s3 =	sld [smem:$0x3FB1]  }
0x31: {  	[smem:$0x3FBA] =	sst s10  }
0x32: {  	s10 =	sld [smem:$0x3FB8];
	_ =	sdelay $0x3  }
0x33: {  	p0 =	seq.s32 s10, $0x1;
	s10 =	sld [smem:$0x3FBA];
	_ =	sdelay $0x3  }
0x34: {  	[smem:$0x3FBA] =	sst s10  }
0x35: {  	s10 =	sld [smem:$0x3FB9];
	_ =	sdelay $0x3  }
0x36: {  	p1 =	seq.s32 s10, $0x1;
	s10 =	sld [smem:$0x3FBA];
	_ =	sdelay $0x3  }
0x37: {  	[smem:$0x3FBA] =	sst s10  }
0x38: {  	s10 =	sld [smem:$0x3FBB]  }
0x39: {  	_ = 	snop;
	(pc) =	sbr.ind lr, $3  }
0x3a: {  	_ = 	snop  }
0x3b: {  	_ = 	snop  }
0x3c: {  	p2 =	seq.s32 s10, $0x1;
	s10 =	sld [smem:$0x3FBA]  }
0x3d: {  	_ =	shalt  }
0x3e: {  	_ =	shalt  }
0x3f: {  	_ =	shalt  }
0x40: {  	_ =	shalt  }
0x41: {  	_ =	shalt  }
0x42: {  	_ =	shalt  }
0x43: {  	_ =	shalt  }
0x44: {  	_ =	shalt  }
0x45: {  	_ =	shalt  }
0x46: {  	_ =	shalt  }
0x47: {  	_ =	shalt  }
0x48: {  	_ =	shalt  }
0x49: {  	_ =	shalt  }
0x4a: {  	_ =	shalt  }
0x4b: {  	_ =	shalt  }
0x4c: {  	_ =	shalt  }
0x4d: {  	_ =	shalt  }
0x4e: {  	_ =	shalt  }
0x4f: {  	_ =	shalt  }
0x50: {  	_ =	shalt  }
0x51: {  	_ =	shalt  }
0x52: {  	_ =	shalt  }
0x53: {  	_ =	shalt  }
0x54: {  	_ =	shalt  }
0x55: {  	_ =	shalt  }
0x56: {  	_ =	shalt  }
0x57: {  	_ =	shalt  }
0x58: {  	_ =	shalt  }
0x59: {  	_ =	shalt  }
0x5a: {  	_ =	shalt  }
0x5b: {  	_ =	shalt  }
0x5c: {  	_ =	shalt  }
0x5d: {  	_ =	shalt  }
0x5e: {  	_ =	shalt  }
0x5f: {  	_ =	shalt  }
0x60: {  	_ =	shalt  }
0x61: {  	_ =	shalt  }
0x62: {  	_ =	shalt  }
0x63: {  	_ =	shalt  }
0x64: {  	_ =	shalt  }
0x65: {  	_ =	shalt  }
0x66: {  	_ =	shalt  }
0x67: {  	_ =	shalt  }
0x68: {  	_ =	shalt  }
0x69: {  	_ =	shalt  }
0x6a: {  	_ =	shalt  }
0x6b: {  	_ =	shalt  }
0x6c: {  	_ =	shalt  }
0x6d: {  	_ =	shalt  }
0x6e: {  	_ =	shalt  }
0x6f: {  	_ =	shalt  }
0x70: {  	_ =	shalt  }
0x71: {  	_ =	shalt  }
0x72: {  	_ =	shalt  }
0x73: {  	_ =	shalt  }
0x74: {  	_ =	shalt  }
0x75: {  	_ =	shalt  }
0x76: {  	_ =	shalt  }
0x77: {  	_ =	shalt  }
0x78: {  	_ =	shalt  }
0x79: {  	_ =	shalt  }
0x7a: {  	_ =	shalt  }
0x7b: {  	_ =	shalt  }
0x7c: {  	_ =	shalt  }
0x7d: {  	_ =	shalt  }
0x7e: {  	_ =	shalt  }
0x7f: {  	_ =	shalt  }
0x80: {  	_ =	shalt  }
0x81: {  	_ =	shalt  }
0x82: {  	_ =	shalt  }
0x83: {  	_ =	shalt  }
0x84: {  	_ =	shalt  }
0x85: {  	_ =	shalt  }
0x86: {  	_ =	shalt  }
0x87: {  	_ =	shalt  }
.Lfunc_end0:
.L_simem_size_0:
called_computation_lowered:
.L_overlay_start_0:
0x88: {  	s2 =	sld [smem:$0x3FD9]  }
0x89: {  	s3 =	sld [smem:$0x3FFE];
	_ =	sdelay $0x1  }
0x8a: {  	s1 =	srdreg.scid  }
0x8b: {  	s0 =	sand.u32 $0x1, s1  }
0x8c: {  	s16 =	sshll.u32 s0, $0xA;
	s2 =	sadd.s32 s3, s2  }
0x8d: {  	s2 =	sadd.s32 s2, s16  }
0x8e: {  	[smem:$0x3FC6] =	sst s2  }
0x8f: {  	_ = 	snop  }
0x90: {  	(tm) =	ssettm $0x1  }
0x91: {  	s17 =	sld [smem:$0x3FFB];
	_ =	sdelay $0x3  }
0x92: {  	_ =	strace s17  }
0x93: {  	s2 =	sld [smem:$0x3FFC];
	_ =	sdelay $0x3  }
0x94: {  	_ =	strace s2  }
0x95: {  	s2 =	sld [smem:$0x3FFD];
	_ =	sdelay $0x3  }
0x96: {  	_ =	strace s2  }
0x97: {  	_ =	strace $0x8FFFFFFF  }
0x98: {  	s18 =	sld [smem:$0x3FDB];
	_ =	sdelay $0x1  }
0x99: {  	s19 =	simm.s32 $_scs_section_size  }
0x9a: {  	s4 =	simm.s32 $_size__tile_overlayer_lowered;
	s5 =	simm.s32 $_tile_overlayer_lowered  }
0x9b: {  	s22 =	simm.s32 $0x1BFF;
	s21 =	sshll.u32 s5, $0x1;
	s2 =	sadd.s32 s19, s18  }
0x9c: {  	s6 =	simm.s32 $0x0;
	s20 =	sshll.u32 s4, $0x1;
	s4 =	sadd.s32 s21, s2  }
0x9d: {  	[timem:s6], [sflag:s22] =	dma.local [hbm:s4], s20  }
0x9e: {  	_ =	swait.ge [sflag:s22], s20  }
0x9f: {  	s3 =	ssub.s32 $0x0, s20;
	[sflag:s22] =	ssyncset.done $0x0  }
0xa0: {  	[sflag:s22] =	ssyncadd.s32 s3;
	_ =	sdelay $0x1  }
0xa1: {  	s23 =	simm.s32 $0x1B8B  }
0xa2: {  	_ =	swait.ge [sflag:s23], $0x1  }
0xa3: {  	[sflag:s23] =	ssyncset.done $0x0  }
0xa4: {  	s25 =	simm.s32 $0x1B8E;
	s24 =	sld [smem:$0x3FFE];
	[sflag:s23] =	ssyncadd.s32 $0xFFFFFFFF  }
0xa5: {  	s26 =	simm.s32 $execute0_lowered;
	[smem:$0x3FD2] =	sst s25  }
0xa6: {  	s4 =	sshll.u32 s26, $0x1;
	_ =	strace $0x80000046;
	[dreg:$0x1] =	wrdreg $0xFFFFFFFF  }
0xa7: {  	s28 =	simm.s32 $_size_execute0_lowered;
	s2 =	sadd.s32 s2, s4;
	[dreg:$0x0] =	wrdreg $0x0  }
0xa8: {  	s4 =	sshll.u32 s28, $0x1;
	[dreg:$0x2] =	wrdreg s2  }
0xa9: {  	[dreg:$0x3] =	wrdreg s4  }
0xaa: {  	[dreg:$0x4] =	wrdreg $0xC0  }
0xab: {  	_ =	task [dreg:s6], $0x5FFFF  }
0xac: {  	[dreg:$0x1] =	wrdreg $0xFFFFFFFF  }
0xad: {  	[dreg:$0x0] =	wrdreg $0x60  }
0xae: {  	[dreg:$0x2] =	wrdreg s24  }
0xaf: {  	[dreg:$0x3] =	wrdreg $0x9  }
0xb0: {  	_ =	task.clear_ibuf [dreg:s6], $0x4FFFF;
	_ =	strace $0x90000046  }
0xb1: {  	s29 =	simm.s32 $0x9;
	_ =	strace $0x80000048  }
0xb2: {  	_ =	swait.ge [sflag:s29], $0x1  }
0xb3: {  	[sflag:s29] =	ssyncadd.s32 $0xFFFFFFFF  }
0xb4: {  	_ =	strace $0x90000048  }
0xb5: {  	_ =	sfence  }
0xb6: {  	s30 =	sld [smem:$0x0];
	_ =	sdelay $0x2  }
0xb7: {  	s31 =	sshll.u32 s1, $0xD;
	s1 =	sshrl.u32 s1, $0x2  }
0xb8: {  	s3 =	sand.u32 $0x4000, s31;
	s1 =	sadd.s32 s1, s30  }
0xb9: {  	s0 =	sor.u32 s3, s0;
	s1 =	sshll.u32 s1, $0x11  }
0xba: {  	s0 =	sor.u32 s1, s0  }
0xbb: {  	s0 =	sadd.s32 $0x8F2B, s0  }
0xbc: {  	[sflag:s0] =	ssyncadd.remote.s32 $0x1  }
0xbd: {  	_ =	sfence.sel $0xFFFF  }
0xbe: {  	[dreg:$0x0] =	wrdreg $0xFFFFFFFF;
	(pc) =	sbr.abs _section_cstart, $3  }
0xbf: {  	[dreg:$0x1] =	wrdreg $0xFFFFFFFF  }
0xc0: {  	_ =	task.clear_ibuf [dreg:s6], $0x2FFFF;
	_ =	strace $0x9FFFFFFF  }
0xc1: {  	(tm) =	ssettm $0x7FFFFFFF  }
tec
execute0_lowered:
.L_overlay_start_1:
0x0: {  	(tag) =	ssettag $0x1  }
0x1: {  	s0 =	srdreg.scid;
	s4 =	stileid.u32  }
0x2: {  	s3 =	rddreg [dreg:$0x0];
	s2 =	simm.s32 $0x0;
	s15 =	simm.s32 $0x1  }
0x3: {  	s16 =	simm.s32 $0x100;
	s13 =	simm.s32 $0x3;
	s17 =	simm.s32 $0x2  }
0x4: {  	s18 =	simm.s32 $0x8D00;
	s28 =	simm.s32 $0xCD00;
	s29 =	simm.s32 $0xD500  }
0x5: {  	s30 =	simm.s32 $0xDD00;
	s31 =	simm.s32 $0xE100;
	s19 =	simm.s32 $0x4  }
0x6: {  	s20 =	simm.s32 $0x5;
	s0 =	sand.u32 $0x1, s0;
	s1 =	sshll.u32 s4, $0x1  }
0x7: {  	[smem:$0x7FF] =	sst s2;
	s5 =	smul.u32 $0xC80, s4;
	s12 =	sadd.s32 $0x7000, s3  }
0x8: {  	s4 =	sadd.s32 $0x8A00, s3;
	s9 =	sadd.s32 $0x24000, s3;
	s8 =	sadd.s32 $0x8D00, s3  }
0x9: {  	s1 =	sor.u32 s0, s1;
	s6 =	smul.u32 $0x640, s0;
	s0 =	ssub.s32 $0x2, s0  }
0xa: {  	_ =	strace $0x80000047;
	s1 =	smul.u32 $0x640, s1;
	s7 =	sshrl.u32 s0, $0x1  }
0xb: {  	[dreg:$0x2] =	wrdreg s12;
	s5 =	sadd.s32 s6, s5;
	s0 =	ssub.s32 s0, s7  }
0xc: {  	s6 =	sadd.s32 $0x8B00, s3;
	s7 =	sadd.s32 $0x8C00, s3;
	s1 =	sshrl.u32 s1, $0x3  }
0xd: {  	s22 =	sor.u32 $0x28, s5;
	s23 =	sshrl.u32 s5, $0x3;
	s24 =	sadd.s32 $0x78, s5  }
0xe: {  	s0 =	smax.u32 s0, $0x1;
	s26 =	sadd.s32 $0x50, s5;
	s5 =	simm.s32 $0xFD00  }
0xf: {  	s10 =	sadd.s32 s12, s1;
	s1 =	sshrl.u32 s22, $0x3;
	[dreg:$0x5] =	wrdreg s0  }
0x10: {  	s3 =	smul.u32 $0x380, s23;
	s25 =	sshrl.u32 s24, $0x3;
	[dreg:$0x7] =	wrdreg s26  }
0x11: {  	s26 =	simm.s32 $0xC500;
	s23 =	simm.s32 $0x0;
	s1 =	smul.u32 $0x380, s1  }
.Ltmp0:
0x12: {  	[dreg:$0x3] =	wrdreg s10;
	s10 =	sadd.s32 $0x5, s10;
	(pc) =	sbr.rel .LBB2_1-.Ltmp0, $4  }
0x13: {  	s0 =	sadd.s32 s25, s12;
	s25 =	simm.s32 $0x9500;
	[dreg:$0x4] =	wrdreg s10  }
0x14: {  	v2 =	vlaneseq.u32;
	s12 =	simm.s32 $0x10D00;
	[dreg:$0x6] =	wrdreg s0;
	s14 =	sadd.s32 s3, s9  }
0x15: {  	vm0 =	vmmov $0xffff;
	vm1 =	vmmov $0xff;
	v1 =	vshrl.u32 v2, $0x3;
	s0 =	simm.s32 $0xF100;
	s10 =	simm.s32 $0x10500;
	s3 =	simm.s32 $0x11500  }
0x16: {  	v0 =	vand.u32 $0x7, v2;
	v2 =	vor.u32 $0x8, v2;
	v1 =	vmul.u32 $0x8, v1;
	s11 =	sadd.s32 s1, s9;
	s1 =	simm.s32 $0xE900;
	s9 =	simm.s32 $0xF900  }
.LBB2_6:
0x17: {  	_ =	swait.ge [sflag:s20], $0x8C00  }
0x18: {  	[sflag:s20] =	ssyncset.done $0x0  }
0x19: {  	s22 =	simm.s32 $0x6;
	[sflag:s20] =	ssyncadd.s32 $0xFFFF7400  }
0x1a: {  	_ =	swait.ge [sflag:s22], $0x8C00  }
0x1b: {  	s23 =	rddreg [dreg:$0x8]  }
0x1c: {  	s21 =	rddreg [dreg:$0x5];
	s23 =	sadd.s32 $0x1, s23  }
0x1d: {  	p0 =	sne.s32 s23, s21  }
.Ltmp1:
0x1e: {  	_ = 	snop;
	(pc) =	sbr.rel @!p0 .LBB2_7-.Ltmp1, $3  }
0x1f: {  	_ =	sdelay $0x1  }
0x20: {  	[sflag:s22] =	ssyncset.done $0x0  }
0x21: {  	[sflag:s22] =	ssyncadd.s32 $0xFFFF7400  }
.LBB2_1:
0x22: {  	[dreg:$0x8] =	wrdreg s23  }
0x23: {  	s21 =	rddreg [dreg:$0x3]  }
0x24: {  	[tilespmem:s2], [sflag:$0x1] =	stream.linear.gather [hbm4b:s21+s2], $0x28, $0x38;
	[tilespmem:$0x11900] =	vst v63  }
0x25: {  	_ =	swait.ge [sflag:s15], $0x28  }
0x26: {  	[sflag:s15] =	ssyncset.done $0x0  }
0x27: {  	[sflag:s15] =	ssyncadd.s32 $0xFFFFFFD8  }
0x28: {  	v3 =	vld [tilespmem:$0x0];
	_ =	sdelay $0x4  }
0x29: {  	v4 =	vshrl.u32 v3, $0x3  }
0x2a: {  	v4 =	vmul.u32 $0x38, v4  }
0x2b: {  	v3 =	vand.u32 $0x7, v3  }
0x2c: {  	v3 =	vor.u32 v3, v4  }
0x2d: {  	v4 =	vperm.xlane v3, v0;
	_ =	sdelay $0x1  }
0x2e: {  	v4 =	vadd.s32 v1, v4;
	_ =	sdelay $0x4  }
0x2f: {  	[tilespmem:s16], [sflag:$0x3] =	stream.indirect_vreg.gather [hbm4b:s4+s2], $0x80, v4, vm0, $0xb8;
	[tilespmem:$0x11900] =	vst v63  }
0x30: {  	s23 =	simm.s32 $0x900;
	v3 =	vperm.xlane v3, v2  }
0x31: {  	[tilespmem:s23], [sflag:$0x3] =	stream.indirect_vreg.gather [hbm4b:s6+s2], $0x80, v4, vm0, $0xb8;
	[tilespmem:$0x11900] =	vst v63  }
0x32: {  	s24 =	simm.s32 $0x1100;
	v3 =	vadd.s32 v1, v3  }
0x33: {  	[tilespmem:s24], [sflag:$0x3] =	stream.indirect_vreg.gather [hbm4b:s7+s2], $0x80, v4, vm0, $0xb8;
	[tilespmem:$0x11900] =	vst v63  }
0x34: {  	s22 =	simm.s32 $0x1900  }
0x35: {  	[tilespmem:s22], [sflag:$0x3] =	stream.indirect_vreg.gather [hbm4b:s8+s2], $0x80, v4, vm1, $0xb8;
	[tilespmem:$0x11900] =	vst v63  }
0x36: {  	s23 =	simm.s32 $0x1D00  }
0x37: {  	[tilespmem:s23], [sflag:$0x3] =	stream.indirect_vreg.gather [hbm4b:s4+s2], $0x80, v3, vm0, $0xb8;
	[tilespmem:$0x11900] =	vst v63  }
0x38: {  	s24 =	simm.s32 $0x2500  }
0x39: {  	[tilespmem:s24], [sflag:$0x3] =	stream.indirect_vreg.gather [hbm4b:s6+s2], $0x80, v3, vm0, $0xb8;
	[tilespmem:$0x11900] =	vst v63  }
0x3a: {  	s22 =	simm.s32 $0x2D00  }
0x3b: {  	[tilespmem:s22], [sflag:$0x3] =	stream.indirect_vreg.gather [hbm4b:s7+s2], $0x80, v3, vm0, $0xb8;
	[tilespmem:$0x11900] =	vst v63  }
0x3c: {  	s23 =	simm.s32 $0x3500  }
0x3d: {  	[tilespmem:s23], [sflag:$0x3] =	stream.indirect_vreg.gather [hbm4b:s8+s2], $0x80, v3, vm1, $0xb8;
	[tilespmem:$0x11900] =	vst v63  }
0x3e: {  	v3 =	vld [tilespmem:$0x10];
	_ =	sdelay $0x4  }
0x3f: {  	v62 =	vshrl.u32 v3, $0x3  }
0x40: {  	v4 =	vmul.u32 $0x38, v62  }
0x41: {  	v3 =	vand.u32 $0x7, v3  }
0x42: {  	v3 =	vor.u32 v3, v4  }
0x43: {  	v4 =	vperm.xlane v3, v0;
	_ =	sdelay $0x1  }
0x44: {  	v4 =	vadd.s32 v1, v4;
	_ =	sdelay $0x3  }
0x45: {  	s24 =	simm.s32 $0x3900  }
0x46: {  	[tilespmem:s24], [sflag:$0x3] =	stream.indirect_vreg.gather [hbm4b:s4+s2], $0x80, v4, vm0, $0xb8;
	[tilespmem:$0x11900] =	vst v63  }
0x47: {  	s22 =	simm.s32 $0x4100;
	v3 =	vperm.xlane v3, v2  }
0x48: {  	[tilespmem:s22], [sflag:$0x3] =	stream.indirect_vreg.gather [hbm4b:s6+s2], $0x80, v4, vm0, $0xb8;
	[tilespmem:$0x11900] =	vst v63  }
0x49: {  	s23 =	simm.s32 $0x4900;
	v3 =	vadd.s32 v1, v3  }
0x4a: {  	[tilespmem:s23], [sflag:$0x3] =	stream.indirect_vreg.gather [hbm4b:s7+s2], $0x80, v4, vm0, $0xb8;
	[tilespmem:$0x11900] =	vst v63  }
0x4b: {  	s24 =	simm.s32 $0x5100  }
0x4c: {  	[tilespmem:s24], [sflag:$0x3] =	stream.indirect_vreg.gather [hbm4b:s8+s2], $0x80, v4, vm1, $0xb8;
	[tilespmem:$0x11900] =	vst v63  }
0x4d: {  	s22 =	simm.s32 $0x5500  }
0x4e: {  	[tilespmem:s22], [sflag:$0x3] =	stream.indirect_vreg.gather [hbm4b:s4+s2], $0x80, v3, vm0, $0xb8;
	[tilespmem:$0x11900] =	vst v63  }
0x4f: {  	s23 =	simm.s32 $0x5D00  }
0x50: {  	[tilespmem:s23], [sflag:$0x3] =	stream.indirect_vreg.gather [hbm4b:s6+s2], $0x80, v3, vm0, $0xb8;
	[tilespmem:$0x11900] =	vst v63  }
0x51: {  	s24 =	simm.s32 $0x6500  }
0x52: {  	[tilespmem:s24], [sflag:$0x3] =	stream.indirect_vreg.gather [hbm4b:s7+s2], $0x80, v3, vm0, $0xb8;
	[tilespmem:$0x11900] =	vst v63  }
0x53: {  	s22 =	simm.s32 $0x6D00  }
0x54: {  	[tilespmem:s22], [sflag:$0x3] =	stream.indirect_vreg.gather [hbm4b:s8+s2], $0x80, v3, vm1, $0xb8;
	[tilespmem:$0x11900] =	vst v63  }
0x55: {  	v3 =	vld.msk [tilespmem:$0x20], $0xff;
	_ =	sdelay $0x4  }
0x56: {  	v63 =	vshrl.u32 v3, $0x3  }
0x57: {  	v4 =	vmul.u32 $0x38, v63  }
0x58: {  	v3 =	vand.u32 $0x7, v3  }
0x59: {  	v3 =	vor.u32 v3, v4  }
0x5a: {  	v3 =	vperm.xlane v3, v0;
	_ =	sdelay $0x1  }
0x5b: {  	v3 =	vadd.s32 v1, v3;
	_ =	sdelay $0x3  }
0x5c: {  	s23 =	simm.s32 $0x7100  }
0x5d: {  	[tilespmem:s23], [sflag:$0x3] =	stream.indirect_vreg.gather [hbm4b:s4+s2], $0x80, v3, vm0, $0xb8;
	[tilespmem:$0x11900] =	vst v63  }
0x5e: {  	s24 =	simm.s32 $0x7900  }
0x5f: {  	[tilespmem:s24], [sflag:$0x3] =	stream.indirect_vreg.gather [hbm4b:s6+s2], $0x80, v3, vm0, $0xb8;
	[tilespmem:$0x11900] =	vst v63  }
0x60: {  	s22 =	simm.s32 $0x8100  }
0x61: {  	[tilespmem:s22], [sflag:$0x3] =	stream.indirect_vreg.gather [hbm4b:s7+s2], $0x80, v3, vm0, $0xb8;
	[tilespmem:$0x11900] =	vst v63  }
.Ltmp2:
0x62: {  	s21 =	rddreg [dreg:$0x7];
	s23 =	simm.s32 $0x8900;
	(pc) =	sbr.rel .LBB2_2-.Ltmp2, $4  }
0x63: {  	[tilespmem:s23], [sflag:$0x3] =	stream.indirect_vreg.gather [hbm4b:s8+s2], $0x80, v3, vm1, $0xb8;
	[tilespmem:$0x11900] =	vst v63  }
0x64: {  	s24 =	rddreg [dreg:$0x4];
	s22 =	simm.s32 $0x80  }
0x65: {  	[tilespmem:s22], [sflag:$0x2] =	stream.linear.gather [hbm4b:s24+s2], $0x28, $0x38;
	[tilespmem:$0x11900] =	vst v63  }
0x66: {  	s23 =	simm.s32 $0x0;
	s22 =	rddreg [dreg:$0x6]  }
.LBB2_4:
0x67: {  	_ =	swait.ge [sflag:s19], $0x8C00  }
0x68: {  	[sflag:s19] =	ssyncset.done $0x0  }
0x69: {  	[sflag:s19] =	ssyncadd.s32 $0xFFFF7400  }
.LBB2_5:
0x6a: {  	s24 =	sadd.s32 s23, s11;
	s23 =	sadd.s32 $0x2300, s23  }
0x6b: {  	p0 =	sne.s32 s23, $0x2BC00  }
.Ltmp3:
0x6c: {  	_ = 	snop;
	(pc) =	sbr.rel @!p0 .LBB2_6-.Ltmp3, $3  }
0x6d: {  	_ =	sdelay $0x1  }
0x6e: {  	s22 =	sadd.s32 $0xA, s22;
	s21 =	sadd.s32 $0x50, s21  }
0x6f: {  	[hbm4b:s24+s2] =	stream.linear.scatter [tilespmem:s18], [sflag:$0x6], $0x8C00, $0x38;
	[tilespmem:$0x11900] =	vst v63  }
.LBB2_2:
0x70: {  	_ =	swait.ge [sflag:s13], $0x8C00  }
0x71: {  	[sflag:s13] =	ssyncset.done $0x0  }
0x72: {  	[sflag:s13] =	ssyncadd.s32 $0xFFFF7400  }
0x73: {  	_ =	swait.ge [sflag:s17], $0x28  }
0x74: {  	p0 =	seq.s32 s23, $0x0;
	[sflag:s17] =	ssyncset.done $0x0  }
0x75: {  	s24 =	simm.s32 @!p0 $0x6;
	[sflag:s17] =	ssyncadd.s32 $0xFFFFFFD8  }
0x76: {  	_ =	swait.ge @!p0 [sflag:s24], $0x8C00  }
0x77: {  	[sflag:s24] =	ssyncset.done @!p0 $0x0  }
0x78: {  	[sflag:s24] =	ssyncadd.s32 @!p0 $0xFFFF7400  }
0x79: {  	v3 =	vld [tilespmem:$0x80];
	_ =	sdelay $0x4  }
0x7a: {  	v4 =	vshrl.u32 v3, $0x3  }
0x7b: {  	v4 =	vmul.u32 $0x38, v4  }
0x7c: {  	v3 =	vand.u32 $0x7, v3  }
0x7d: {  	v3 =	vor.u32 v3, v4  }
0x7e: {  	v4 =	vperm.xlane v3, v0;
	_ =	sdelay $0x1  }
0x7f: {  	v4 =	vadd.s32 v1, v4;
	_ =	sdelay $0x4  }
0x80: {  	[tilespmem:s18], [sflag:$0x4] =	stream.indirect_vreg.gather [hbm4b:s4+s2], $0x80, v4, vm0, $0xb8;
	[tilespmem:$0x11900] =	vst v63  }
0x81: {  	v3 =	vperm.xlane v3, v2  }
0x82: {  	[tilespmem:s25], [sflag:$0x4] =	stream.indirect_vreg.gather [hbm4b:s6+s2], $0x80, v4, vm0, $0xb8;
	[tilespmem:$0x11900] =	vst v63  }
0x83: {  	s24 =	simm.s32 $0x9D00;
	v3 =	vadd.s32 v1, v3  }
0x84: {  	[tilespmem:s24], [sflag:$0x4] =	stream.indirect_vreg.gather [hbm4b:s7+s2], $0x80, v4, vm0, $0xb8;
	[tilespmem:$0x11900] =	vst v63  }
0x85: {  	s24 =	simm.s32 $0xA500  }
0x86: {  	[tilespmem:s24], [sflag:$0x4] =	stream.indirect_vreg.gather [hbm4b:s8+s2], $0x80, v4, vm1, $0xb8;
	[tilespmem:$0x11900] =	vst v63  }
0x87: {  	s24 =	simm.s32 $0xA900  }
0x88: {  	[tilespmem:s24], [sflag:$0x4] =	stream.indirect_vreg.gather [hbm4b:s4+s2], $0x80, v3, vm0, $0xb8;
	[tilespmem:$0x11900] =	vst v63  }
0x89: {  	s24 =	simm.s32 $0xB100  }
0x8a: {  	[tilespmem:s24], [sflag:$0x4] =	stream.indirect_vreg.gather [hbm4b:s6+s2], $0x80, v3, vm0, $0xb8;
	[tilespmem:$0x11900] =	vst v63  }
0x8b: {  	s24 =	simm.s32 $0xB900  }
0x8c: {  	[tilespmem:s24], [sflag:$0x4] =	stream.indirect_vreg.gather [hbm4b:s7+s2], $0x80, v3, vm0, $0xb8;
	[tilespmem:$0x11900] =	vst v63  }
0x8d: {  	s24 =	simm.s32 $0xC100  }
0x8e: {  	[tilespmem:s24], [sflag:$0x4] =	stream.indirect_vreg.gather [hbm4b:s8+s2], $0x80, v3, vm1, $0xb8;
	[tilespmem:$0x11900] =	vst v63  }
0x8f: {  	v3 =	vld [tilespmem:$0x90];
	_ =	sdelay $0x4  }
0x90: {  	v62 =	vshrl.u32 v3, $0x3  }
0x91: {  	v4 =	vmul.u32 $0x38, v62  }
0x92: {  	v3 =	vand.u32 $0x7, v3  }
0x93: {  	v3 =	vor.u32 v3, v4  }
0x94: {  	v4 =	vperm.xlane v3, v0;
	_ =	sdelay $0x1  }
0x95: {  	v4 =	vadd.s32 v1, v4;
	_ =	sdelay $0x4  }
0x96: {  	[tilespmem:s26], [sflag:$0x4] =	stream.indirect_vreg.gather [hbm4b:s4+s2], $0x80, v4, vm0, $0xb8;
	[tilespmem:$0x11900] =	vst v63  }
0x97: {  	v3 =	vperm.xlane v3, v2  }
0x98: {  	[tilespmem:s28], [sflag:$0x4] =	stream.indirect_vreg.gather [hbm4b:s6+s2], $0x80, v4, vm0, $0xb8;
	[tilespmem:$0x11900] =	vst v63  }
0x99: {  	v3 =	vadd.s32 v1, v3  }
0x9a: {  	[tilespmem:s29], [sflag:$0x4] =	stream.indirect_vreg.gather [hbm4b:s7+s2], $0x80, v4, vm0, $0xb8;
	[tilespmem:$0x11900] =	vst v63  }
0x9b: {  	_ = 	snop  }
0x9c: {  	[tilespmem:s30], [sflag:$0x4] =	stream.indirect_vreg.gather [hbm4b:s8+s2], $0x80, v4, vm1, $0xb8;
	[tilespmem:$0x11900] =	vst v63  }
0x9d: {  	_ = 	snop  }
0x9e: {  	[tilespmem:s31], [sflag:$0x4] =	stream.indirect_vreg.gather [hbm4b:s4+s2], $0x80, v3, vm0, $0xb8;
	[tilespmem:$0x11900] =	vst v63  }
0x9f: {  	_ = 	snop  }
0xa0: {  	[tilespmem:s1], [sflag:$0x4] =	stream.indirect_vreg.gather [hbm4b:s6+s2], $0x80, v3, vm0, $0xb8;
	[tilespmem:$0x11900] =	vst v63  }
0xa1: {  	_ = 	snop  }
0xa2: {  	[tilespmem:s0], [sflag:$0x4] =	stream.indirect_vreg.gather [hbm4b:s7+s2], $0x80, v3, vm0, $0xb8;
	[tilespmem:$0x11900] =	vst v63  }
0xa3: {  	_ = 	snop  }
0xa4: {  	[tilespmem:s9], [sflag:$0x4] =	stream.indirect_vreg.gather [hbm4b:s8+s2], $0x80, v3, vm1, $0xb8;
	[tilespmem:$0x11900] =	vst v63  }
0xa5: {  	v3 =	vld.msk [tilespmem:$0xA0], $0xff;
	_ =	sdelay $0x4  }
0xa6: {  	v63 =	vshrl.u32 v3, $0x3  }
0xa7: {  	v4 =	vmul.u32 $0x38, v63  }
0xa8: {  	v3 =	vand.u32 $0x7, v3  }
0xa9: {  	v3 =	vor.u32 v3, v4  }
0xaa: {  	v3 =	vperm.xlane v3, v0;
	_ =	sdelay $0x1  }
0xab: {  	v3 =	vadd.s32 v1, v3;
	_ =	sdelay $0x4  }
0xac: {  	[tilespmem:s5], [sflag:$0x4] =	stream.indirect_vreg.gather [hbm4b:s4+s2], $0x80, v3, vm0, $0xb8;
	[tilespmem:$0x11900] =	vst v63  }
0xad: {  	_ = 	snop  }
0xae: {  	[tilespmem:s10], [sflag:$0x4] =	stream.indirect_vreg.gather [hbm4b:s6+s2], $0x80, v3, vm0, $0xb8;
	[tilespmem:$0x11900] =	vst v63  }
0xaf: {  	p0 =	seq.s32 s23, $0x29900  }
0xb0: {  	[tilespmem:s12], [sflag:$0x4] =	stream.indirect_vreg.gather [hbm4b:s7+s2], $0x80, v3, vm0, $0xb8;
	[tilespmem:$0x11900] =	vst v63  }
.Ltmp4:
0xb1: {  	_ = 	snop;
	(pc) =	sbr.rel @p0 .LBB2_4-.Ltmp4, $4  }
0xb2: {  	_ = 	snop  }
0xb3: {  	[tilespmem:s3], [sflag:$0x4] =	stream.indirect_vreg.gather [hbm4b:s8+s2], $0x80, v3, vm1, $0xb8;
	[tilespmem:$0x11900] =	vst v63  }
0xb4: {  	s24 =	sadd.s32 s23, s14  }
0xb5: {  	[hbm4b:s24+s2] =	stream.linear.scatter [tilespmem:s16], [sflag:$0x5], $0x8C00, $0x38;
	[tilespmem:$0x11900] =	vst v63  }
0xb6: {  	s24 =	sshrl.u32 s21, $0x3;
	s25 =	rddreg [dreg:$0x2]  }
0xb7: {  	s24 =	sadd.s32 s25, s24  }
0xb8: {  	[tilespmem:s2], [sflag:$0x1] =	stream.linear.gather [hbm4b:s24+s2], $0x28, $0x38;
	[tilespmem:$0x11900] =	vst v63  }
0xb9: {  	_ =	swait.ge [sflag:s19], $0x8C00  }
0xba: {  	[sflag:s19] =	ssyncset.done $0x0  }
0xbb: {  	[sflag:s19] =	ssyncadd.s32 $0xFFFF7400  }
0xbc: {  	_ =	swait.ge [sflag:s15], $0x28  }
0xbd: {  	[sflag:s15] =	ssyncset.done $0x0  }
0xbe: {  	[sflag:s15] =	ssyncadd.s32 $0xFFFFFFD8  }
0xbf: {  	_ =	swait.ge [sflag:s20], $0x8C00  }
0xc0: {  	[sflag:s20] =	ssyncset.done $0x0  }
0xc1: {  	[sflag:s20] =	ssyncadd.s32 $0xFFFF7400  }
0xc2: {  	v3 =	vld [tilespmem:$0x0];
	_ =	sdelay $0x4  }
0xc3: {  	v4 =	vshrl.u32 v3, $0x3  }
0xc4: {  	v4 =	vmul.u32 $0x38, v4  }
0xc5: {  	v3 =	vand.u32 $0x7, v3  }
0xc6: {  	v3 =	vor.u32 v3, v4  }
0xc7: {  	v4 =	vperm.xlane v3, v0;
	_ =	sdelay $0x1  }
0xc8: {  	v4 =	vadd.s32 v1, v4;
	_ =	sdelay $0x4  }
0xc9: {  	[tilespmem:s16], [sflag:$0x3] =	stream.indirect_vreg.gather [hbm4b:s4+s2], $0x80, v4, vm0, $0xb8;
	[tilespmem:$0x11900] =	vst v63  }
0xca: {  	s24 =	simm.s32 $0x900;
	v3 =	vperm.xlane v3, v2  }
0xcb: {  	[tilespmem:s24], [sflag:$0x3] =	stream.indirect_vreg.gather [hbm4b:s6+s2], $0x80, v4, vm0, $0xb8;
	[tilespmem:$0x11900] =	vst v63  }
0xcc: {  	v3 =	vadd.s32 v1, v3;
	s24 =	simm.s32 $0x1100  }
0xcd: {  	[tilespmem:s24], [sflag:$0x3] =	stream.indirect_vreg.gather [hbm4b:s7+s2], $0x80, v4, vm0, $0xb8;
	[tilespmem:$0x11900] =	vst v63  }
0xce: {  	s24 =	simm.s32 $0x1900  }
0xcf: {  	[tilespmem:s24], [sflag:$0x3] =	stream.indirect_vreg.gather [hbm4b:s8+s2], $0x80, v4, vm1, $0xb8;
	[tilespmem:$0x11900] =	vst v63  }
0xd0: {  	s24 =	simm.s32 $0x1D00  }
0xd1: {  	[tilespmem:s24], [sflag:$0x3] =	stream.indirect_vreg.gather [hbm4b:s4+s2], $0x80, v3, vm0, $0xb8;
	[tilespmem:$0x11900] =	vst v63  }
0xd2: {  	s24 =	simm.s32 $0x2500  }
0xd3: {  	[tilespmem:s24], [sflag:$0x3] =	stream.indirect_vreg.gather [hbm4b:s6+s2], $0x80, v3, vm0, $0xb8;
	[tilespmem:$0x11900] =	vst v63  }
0xd4: {  	s24 =	simm.s32 $0x2D00  }
0xd5: {  	[tilespmem:s24], [sflag:$0x3] =	stream.indirect_vreg.gather [hbm4b:s7+s2], $0x80, v3, vm0, $0xb8;
	[tilespmem:$0x11900] =	vst v63  }
0xd6: {  	s24 =	simm.s32 $0x3500  }
0xd7: {  	[tilespmem:s24], [sflag:$0x3] =	stream.indirect_vreg.gather [hbm4b:s8+s2], $0x80, v3, vm1, $0xb8;
	[tilespmem:$0x11900] =	vst v63  }
0xd8: {  	v3 =	vld [tilespmem:$0x10];
	_ =	sdelay $0x4  }
0xd9: {  	v62 =	vshrl.u32 v3, $0x3  }
0xda: {  	v4 =	vmul.u32 $0x38, v62  }
0xdb: {  	v3 =	vand.u32 $0x7, v3  }
0xdc: {  	v3 =	vor.u32 v3, v4  }
0xdd: {  	v4 =	vperm.xlane v3, v0;
	_ =	sdelay $0x1  }
0xde: {  	v4 =	vadd.s32 v1, v4;
	_ =	sdelay $0x3  }
0xdf: {  	s24 =	simm.s32 $0x3900  }
0xe0: {  	[tilespmem:s24], [sflag:$0x3] =	stream.indirect_vreg.gather [hbm4b:s4+s2], $0x80, v4, vm0, $0xb8;
	[tilespmem:$0x11900] =	vst v63  }
0xe1: {  	v3 =	vperm.xlane v3, v2;
	s24 =	simm.s32 $0x4100  }
0xe2: {  	[tilespmem:s24], [sflag:$0x3] =	stream.indirect_vreg.gather [hbm4b:s6+s2], $0x80, v4, vm0, $0xb8;
	[tilespmem:$0x11900] =	vst v63  }
0xe3: {  	v3 =	vadd.s32 v1, v3;
	s24 =	simm.s32 $0x4900  }
0xe4: {  	[tilespmem:s24], [sflag:$0x3] =	stream.indirect_vreg.gather [hbm4b:s7+s2], $0x80, v4, vm0, $0xb8;
	[tilespmem:$0x11900] =	vst v63  }
0xe5: {  	s24 =	simm.s32 $0x5100  }
0xe6: {  	[tilespmem:s24], [sflag:$0x3] =	stream.indirect_vreg.gather [hbm4b:s8+s2], $0x80, v4, vm1, $0xb8;
	[tilespmem:$0x11900] =	vst v63  }
0xe7: {  	s24 =	simm.s32 $0x5500  }
0xe8: {  	[tilespmem:s24], [sflag:$0x3] =	stream.indirect_vreg.gather [hbm4b:s4+s2], $0x80, v3, vm0, $0xb8;
	[tilespmem:$0x11900] =	vst v63  }
0xe9: {  	s24 =	simm.s32 $0x5D00  }
0xea: {  	[tilespmem:s24], [sflag:$0x3] =	stream.indirect_vreg.gather [hbm4b:s6+s2], $0x80, v3, vm0, $0xb8;
	[tilespmem:$0x11900] =	vst v63  }
0xeb: {  	s24 =	simm.s32 $0x6500  }
0xec: {  	[tilespmem:s24], [sflag:$0x3] =	stream.indirect_vreg.gather [hbm4b:s7+s2], $0x80, v3, vm0, $0xb8;
	[tilespmem:$0x11900] =	vst v63  }
0xed: {  	s24 =	simm.s32 $0x6D00  }
0xee: {  	[tilespmem:s24], [sflag:$0x3] =	stream.indirect_vreg.gather [hbm4b:s8+s2], $0x80, v3, vm1, $0xb8;
	[tilespmem:$0x11900] =	vst v63  }
0xef: {  	v3 =	vld.msk [tilespmem:$0x20], $0xff;
	_ =	sdelay $0x4  }
0xf0: {  	v63 =	vshrl.u32 v3, $0x3  }
0xf1: {  	v4 =	vmul.u32 $0x38, v63  }
0xf2: {  	v3 =	vand.u32 $0x7, v3  }
0xf3: {  	v3 =	vor.u32 v3, v4  }
0xf4: {  	v3 =	vperm.xlane v3, v0;
	_ =	sdelay $0x1  }
0xf5: {  	v3 =	vadd.s32 v1, v3;
	_ =	sdelay $0x3  }
0xf6: {  	s24 =	simm.s32 $0x7100  }
0xf7: {  	[tilespmem:s24], [sflag:$0x3] =	stream.indirect_vreg.gather [hbm4b:s4+s2], $0x80, v3, vm0, $0xb8;
	[tilespmem:$0x11900] =	vst v63  }
0xf8: {  	s24 =	simm.s32 $0x7900  }
0xf9: {  	[tilespmem:s24], [sflag:$0x3] =	stream.indirect_vreg.gather [hbm4b:s6+s2], $0x80, v3, vm0, $0xb8;
	[tilespmem:$0x11900] =	vst v63  }
0xfa: {  	s24 =	simm.s32 $0x8100  }
0xfb: {  	[tilespmem:s24], [sflag:$0x3] =	stream.indirect_vreg.gather [hbm4b:s7+s2], $0x80, v3, vm0, $0xb8;
	[tilespmem:$0x11900] =	vst v63  }
.Ltmp5:
0xfc: {  	_ = 	snop;
	(pc) =	sbr.rel .LBB2_5-.Ltmp5, $4  }
0xfd: {  	s24 =	simm.s32 $0x8900  }
0xfe: {  	[tilespmem:s24], [sflag:$0x3] =	stream.indirect_vreg.gather [hbm4b:s8+s2], $0x80, v3, vm1, $0xb8;
	[tilespmem:$0x11900] =	vst v63  }
0xff: {  	s25 =	simm.s32 $0x9500;
	s24 =	simm.s32 $0x80  }
0x100: {  	[tilespmem:s24], [sflag:$0x2] =	stream.linear.gather [hbm4b:s22+s2], $0x28, $0x38;
	[tilespmem:$0x11900] =	vst v63  }
.LBB2_7:
0x101: {  	_ =	sfence.sel $0x180000  }
0x102: {  	[bflag:$0x0] =	sbarrier.arrive $0xFFFF  }
0x103: {  	_ =	strace $0x90000047  }
0x104: {  	s0 =	stileid.u32;
	[bflag:$0x2] =	sbarrier.arrive $0xFFFF  }
0x105: {  	p0 =	sne.s32 s0, $0x0;
	s0 =	rddreg [dreg:$0x1]  }
0x106: {  	s0 =	sadd.s32 @!p0 $0x100000, s0  }
0x107: {  	[sflag:s0] =	ssyncadd.tile.s32 @!p0 $0x1;
	_ =	shalt  }
.Lfunc_end2:
_tile_overlayer_lowered:
.L_overlay_start_2:
0x108: {  	(tag) =	ssettag $0x2  }
0x109: {  	s0 =	rddreg [dreg:$0x0];
	s2 =	stileid.u32  }
0x10a: {  	s1 =	rddreg [dreg:$0x1];
	p0 =	sne.s32 s2, $0x0  }
0x10b: {  	s3 =	rddreg [dreg:$0x2];
	[bflag:$0x3] =	sbarrier.arrive $0xFFFF;
	s2 =	simm.s32 @!p0 $0x1C07  }
0x10c: {  	[timem:s3], [sflag:s2] =	dma.local @!p0 [hbm:s0], s1  }
0x10d: {  	s0 =	simm.s32 @!p0 $0x7  }
0x10e: {  	_ =	swait.ge @!p0 [sflag:s0], s1  }
0x10f: {  	s1 =	ssub.s32 @!p0 $0x0, s1;
	[sflag:s0] =	ssyncset.done @!p0 $0x0  }
0x110: {  	[sflag:s0] =	ssyncadd.s32 @!p0 s1  }
0x111: {  	[bflag:$0x3] =	sbarrier.arrive $0xFFFF  }
0x112: {  	_ =	shalt  }

// kernel: kernel.13.cloned.1.call-start
scs
__scs_entry_jumppad:
0x0: {  	(pc) =	sbr.rel $0x88, $3  }
0x1: {  	(tag) =	ssettag $0x0;
	lr =	simm.s32 $0x1  }
0x2: {  	[smem:$0x3F9F] =	sst lr;
	_ =	strace $0xD0000000  }
0x3: {  	_ = 	snop  }
0x4: {  	_ = 	snop  }
0x5: {  	_ = 	snop  }
0x6: {  	_ = 	snop  }
0x7: {  	_ = 	snop  }
__scs_overlays_trampoline_lowered:
0x8: {  	[smem:$0x3FAE] =	sst s0  }
0x9: {  	[smem:$0x3FAF] =	sst s1  }
0xa: {  	[smem:$0x3FB0] =	sst s2  }
0xb: {  	[smem:$0x3FB1] =	sst s3  }
0xc: {  	[smem:$0x3FB2] =	sst s4  }
0xd: {  	[smem:$0x3FB3] =	sst s5  }
0xe: {  	[smem:$0x3FB4] =	sst s6  }
0xf: {  	[smem:$0x3FB5] =	sst s7  }
0x10: {  	[smem:$0x3FB6] =	sst s8  }
0x11: {  	[smem:$0x3FB7] =	sst s9;
	s0 =	simm.s32 @!p0 $0x0  }
0x12: {  	s1 =	sld [smem:$0x3F9D];
	s0 =	simm.s32 @p0 $0x1  }
0x13: {  	[smem:$0x3FB8] =	sst s0;
	s0 =	simm.s32 @!p1 $0x0  }
0x14: {  	s2 =	sld [smem:$0x3F9C];
	s0 =	simm.s32 @p1 $0x1  }
0x15: {  	[smem:$0x3FB9] =	sst s0;
	s0 =	simm.s32 @!p2 $0x0  }
0x16: {  	s3 =	sld [smem:$0x3FDB];
	s0 =	simm.s32 @p2 $0x1  }
0x17: {  	s4 =	simm.s32 $0x1BF5;
	[smem:$0x3FBB] =	sst s0  }
0x18: {  	s0 =	sld [smem:$0x3F9E];
	_ =	swait.ge [sflag:s4], $0x0  }
0x19: {  	s7 =	sld [smem:$0x3F9F]  }
0x1a: {  	s8 =	sadd.s32 $0xFFFFE003, lr  }
0x1b: {  	s9 =	sadd.s32 $0xFFFFFEF7, lr;
	s5 =	simm.s32 $0xFFFFFFFF;
	p2 =	slt.u32 s8, $0xFFFFF086  }
0x1c: {  	p1 =	slt.u32 s9, $0xF7A;
	s5 =	simm.s32 @!p2 $0x0  }
0x1d: {  	s5 =	simm.s32 @p1 $0x1;
	p0 =	seq.s32 s7, s2  }
0x1e: {  	s7 =	smul.u32 @!p0 $0xF7A, s2;
	p2 =	seq.s32 @!p0 s5, $0x0  }
0x1f: {  	s9 =	smul.u32 $0xF7A, s1;
	s8 =	simm.s32 @!p0 $0x1BF5;
	p2 =	por !p2, p0  }
0x20: {  	[sflag:s8] =	ssyncset.s32 @!p0 $0xFFFFF086;
	s6 =	sadd.s32 @!p0 s3, s7;
	s7 =	simm.s32 @!p0 $0x108  }
0x21: {  	s3 =	sadd.s32 s3, s9;
	s6 =	sadd.s32 @!p0 $0x88, s6;
	s7 =	simm.s32 @p2 $0x1082  }
0x22: {  	[simem:s7], [sflag:s8] =	dma.local @!p0 [hbm:s6], $0xF7A  }
0x23: {  	s9 =	sor.u32 $0xD0000000, s2;
	s6 =	simm.s32 $0x108;
	_ =	swait.ge @!p0 [sflag:s8], $0x0  }
0x24: {  	s3 =	sadd.s32 $0x88, s3;
	s6 =	simm.s32 @!p1 $0x1082;
	[sflag:s4] =	ssyncset.s32 $0xFFFFF086  }
0x25: {  	[simem:s6], [sflag:s4] =	dma.local [hbm:s3], $0xF7A  }
0x26: {  	[smem:$0x3F9F] =	sst s1;
	(tag) =	ssettag s2;
	_ =	strace s9  }
0x27: {  	s1 =	sld [smem:$0x3FAF]  }
0x28: {  	s2 =	sld [smem:$0x3FB0]  }
0x29: {  	s4 =	sld [smem:$0x3FB2]  }
0x2a: {  	p0 =	seq.s32 s5, $0x0;
	s5 =	sld [smem:$0x3FB3]  }
0x2b: {  	s6 =	sld [smem:$0x3FB4]  }
0x2c: {  	s7 =	sld [smem:$0x3FB5]  }
0x2d: {  	s3 =	simm.s32 $0x108;
	s8 =	sld [smem:$0x3FB6]  }
0x2e: {  	s3 =	simm.s32 @!p0 $0x1082;
	s9 =	sld [smem:$0x3FB7]  }
0x2f: {  	lr =	sadd.s32 s0, s3;
	s0 =	sld [smem:$0x3FAE]  }
0x30: {  	s3 =	sld [smem:$0x3FB1]  }
0x31: {  	[smem:$0x3FBA] =	sst s10  }
0x32: {  	s10 =	sld [smem:$0x3FB8];
	_ =	sdelay $0x3  }
0x33: {  	p0 =	seq.s32 s10, $0x1;
	s10 =	sld [smem:$0x3FBA];
	_ =	sdelay $0x3  }
0x34: {  	[smem:$0x3FBA] =	sst s10  }
0x35: {  	s10 =	sld [smem:$0x3FB9];
	_ =	sdelay $0x3  }
0x36: {  	p1 =	seq.s32 s10, $0x1;
	s10 =	sld [smem:$0x3FBA];
	_ =	sdelay $0x3  }
0x37: {  	[smem:$0x3FBA] =	sst s10  }
0x38: {  	s10 =	sld [smem:$0x3FBB]  }
0x39: {  	_ = 	snop;
	(pc) =	sbr.ind lr, $3  }
0x3a: {  	_ = 	snop  }
0x3b: {  	_ = 	snop  }
0x3c: {  	p2 =	seq.s32 s10, $0x1;
	s10 =	sld [smem:$0x3FBA]  }
0x3d: {  	_ =	shalt  }
0x3e: {  	_ =	shalt  }
0x3f: {  	_ =	shalt  }
0x40: {  	_ =	shalt  }
0x41: {  	_ =	shalt  }
0x42: {  	_ =	shalt  }
0x43: {  	_ =	shalt  }
0x44: {  	_ =	shalt  }
0x45: {  	_ =	shalt  }
0x46: {  	_ =	shalt  }
0x47: {  	_ =	shalt  }
0x48: {  	_ =	shalt  }
0x49: {  	_ =	shalt  }
0x4a: {  	_ =	shalt  }
0x4b: {  	_ =	shalt  }
0x4c: {  	_ =	shalt  }
0x4d: {  	_ =	shalt  }
0x4e: {  	_ =	shalt  }
0x4f: {  	_ =	shalt  }
0x50: {  	_ =	shalt  }
0x51: {  	_ =	shalt  }
0x52: {  	_ =	shalt  }
0x53: {  	_ =	shalt  }
0x54: {  	_ =	shalt  }
0x55: {  	_ =	shalt  }
0x56: {  	_ =	shalt  }
0x57: {  	_ =	shalt  }
0x58: {  	_ =	shalt  }
0x59: {  	_ =	shalt  }
0x5a: {  	_ =	shalt  }
0x5b: {  	_ =	shalt  }
0x5c: {  	_ =	shalt  }
0x5d: {  	_ =	shalt  }
0x5e: {  	_ =	shalt  }
0x5f: {  	_ =	shalt  }
0x60: {  	_ =	shalt  }
0x61: {  	_ =	shalt  }
0x62: {  	_ =	shalt  }
0x63: {  	_ =	shalt  }
0x64: {  	_ =	shalt  }
0x65: {  	_ =	shalt  }
0x66: {  	_ =	shalt  }
0x67: {  	_ =	shalt  }
0x68: {  	_ =	shalt  }
0x69: {  	_ =	shalt  }
0x6a: {  	_ =	shalt  }
0x6b: {  	_ =	shalt  }
0x6c: {  	_ =	shalt  }
0x6d: {  	_ =	shalt  }
0x6e: {  	_ =	shalt  }
0x6f: {  	_ =	shalt  }
0x70: {  	_ =	shalt  }
0x71: {  	_ =	shalt  }
0x72: {  	_ =	shalt  }
0x73: {  	_ =	shalt  }
0x74: {  	_ =	shalt  }
0x75: {  	_ =	shalt  }
0x76: {  	_ =	shalt  }
0x77: {  	_ =	shalt  }
0x78: {  	_ =	shalt  }
0x79: {  	_ =	shalt  }
0x7a: {  	_ =	shalt  }
0x7b: {  	_ =	shalt  }
0x7c: {  	_ =	shalt  }
0x7d: {  	_ =	shalt  }
0x7e: {  	_ =	shalt  }
0x7f: {  	_ =	shalt  }
0x80: {  	_ =	shalt  }
0x81: {  	_ =	shalt  }
0x82: {  	_ =	shalt  }
0x83: {  	_ =	shalt  }
0x84: {  	_ =	shalt  }
0x85: {  	_ =	shalt  }
0x86: {  	_ =	shalt  }
0x87: {  	_ =	shalt  }
.Lfunc_end0:
.L_simem_size_0:
called_computation.1_lowered:
.L_overlay_start_0:
0x88: {  	s2 =	sld [smem:$0x3FD9]  }
0x89: {  	s3 =	sld [smem:$0x3FFE];
	_ =	sdelay $0x1  }
0x8a: {  	s1 =	srdreg.scid  }
0x8b: {  	s0 =	sand.u32 $0x1, s1  }
0x8c: {  	s17 =	sshll.u32 s0, $0xA;
	s2 =	sadd.s32 s3, s2  }
0x8d: {  	s2 =	sadd.s32 s2, s17  }
0x8e: {  	[smem:$0x3FC6] =	sst s2  }
0x8f: {  	_ = 	snop  }
0x90: {  	(tm) =	ssettm $0x1  }
0x91: {  	s18 =	sld [smem:$0x3FFB];
	_ =	sdelay $0x3  }
0x92: {  	_ =	strace s18  }
0x93: {  	s2 =	sld [smem:$0x3FFC];
	_ =	sdelay $0x3  }
0x94: {  	_ =	strace s2  }
0x95: {  	s2 =	sld [smem:$0x3FFD];
	_ =	sdelay $0x3  }
0x96: {  	_ =	strace s2  }
0x97: {  	_ =	strace $0x8FFFFFFF  }
0x98: {  	s19 =	sld [smem:$0x3FDB];
	_ =	sdelay $0x1  }
0x99: {  	s20 =	simm.s32 $_scs_section_size  }
0x9a: {  	s4 =	simm.s32 $_size__tile_overlayer_lowered;
	s5 =	simm.s32 $_tile_overlayer_lowered  }
0x9b: {  	s6 =	simm.s32 $0x1BFF;
	s21 =	sshll.u32 s5, $0x1;
	s3 =	sadd.s32 s20, s19  }
0x9c: {  	s22 =	simm.s32 $0x0;
	s4 =	sshll.u32 s4, $0x1;
	s5 =	sadd.s32 s21, s3  }
0x9d: {  	[timem:s22], [sflag:s6] =	dma.local [hbm:s5], s4  }
0x9e: {  	_ =	swait.ge [sflag:s6], s4  }
0x9f: {  	s4 =	ssub.s32 $0x0, s4;
	[sflag:s6] =	ssyncset.done $0x0  }
0xa0: {  	[sflag:s6] =	ssyncadd.s32 s4;
	_ =	sdelay $0x1  }
0xa1: {  	s23 =	simm.s32 $0x1B8B  }
0xa2: {  	_ =	swait.ge [sflag:s23], $0x1  }
0xa3: {  	[sflag:s23] =	ssyncset.done $0x0  }
0xa4: {  	[sflag:s23] =	ssyncadd.s32 $0xFFFFFFFF  }
0xa5: {  	s4 =	sld [smem:$0x0]  }
0xa6: {  	s5 =	sand.u32 $0xFFFFFFFE, s1  }
0xa7: {  	p0 =	sne.s32 s1, s5  }
0xa8: {  	s5 =	sshll.u32 @p0 s5, $0xE  }
0xa9: {  	s5 =	sadd.s32 @p0 $0x11B8D, s5;
	s6 =	sshll.u32 @p0 s4, $0x11  }
0xaa: {  	s5 =	sor.u32 @p0 s6, s5  }
0xab: {  	[sflag:s5] =	ssyncadd.remote.s32 @p0 $0x1;
	_ =	sdelay $0x1  }
0xac: {  	s5 =	simm.s32 @p0 $0x1B8D  }
0xad: {  	_ =	swait.eq @p0 [sflag:s5], $0x1  }
0xae: {  	[sflag:s5] =	ssyncadd.s32 @p0 $0xFFFFFFFF  }
0xaf: {  	s6 =	sshll.u32 @!p0 s1, $0xE  }
0xb0: {  	s6 =	sor.u32 @!p0 $0x4000, s6;
	s5 =	simm.s32 @!p0 $0x1B8D  }
0xb1: {  	s4 =	sshll.u32 @!p0 s4, $0x11;
	s6 =	sadd.s32 @!p0 $0x11B8D, s6;
	_ =	swait.eq @!p0 [sflag:s5], $0x1  }
0xb2: {  	s4 =	sor.u32 @!p0 s4, s6;
	[sflag:s5] =	ssyncadd.s32 @!p0 $0xFFFFFFFF  }
0xb3: {  	s25 =	simm.s32 $0x1B8E;
	s24 =	sld [smem:$0x3FFE];
	[sflag:s4] =	ssyncadd.remote.s32 @!p0 $0x1  }
0xb4: {  	s26 =	simm.s32 $execute0_lowered;
	[smem:$0x3FD2] =	sst s25  }
0xb5: {  	s5 =	sshll.u32 s26, $0x1;
	_ =	strace $0x80000049;
	[dreg:$0x1] =	wrdreg $0xFFFFFFFF  }
0xb6: {  	s28 =	simm.s32 $_size_execute0_lowered;
	s3 =	sadd.s32 s3, s5;
	[dreg:$0x0] =	wrdreg $0x0  }
0xb7: {  	s5 =	sshll.u32 s28, $0x1;
	[dreg:$0x2] =	wrdreg s3  }
0xb8: {  	[dreg:$0x3] =	wrdreg s5  }
0xb9: {  	[dreg:$0x4] =	wrdreg $0xC0  }
0xba: {  	_ =	task [dreg:s22], $0x5FFFF  }
0xbb: {  	[dreg:$0x1] =	wrdreg $0xFFFFFFFF  }
0xbc: {  	[dreg:$0x0] =	wrdreg $0x60  }
0xbd: {  	[dreg:$0x2] =	wrdreg s24  }
0xbe: {  	[dreg:$0x3] =	wrdreg $0xA  }
0xbf: {  	_ =	task.clear_ibuf [dreg:s22], $0x4FFFF;
	_ =	strace $0x90000049  }
0xc0: {  	s29 =	simm.s32 $0xA;
	_ =	strace $0x8000004B  }
0xc1: {  	_ =	swait.ge [sflag:s29], $0x1  }
0xc2: {  	[sflag:s29] =	ssyncadd.s32 $0xFFFFFFFF  }
0xc3: {  	_ =	strace $0x9000004B  }
0xc4: {  	_ =	sfence  }
0xc5: {  	s30 =	sld [smem:$0x0];
	_ =	sdelay $0x2  }
0xc6: {  	s31 =	sshll.u32 s1, $0xD;
	s1 =	sshrl.u32 s1, $0x2  }
0xc7: {  	s4 =	sand.u32 $0x4000, s31;
	s1 =	sadd.s32 s1, s30  }
0xc8: {  	s0 =	sor.u32 s4, s0;
	s1 =	sshll.u32 s1, $0x11  }
0xc9: {  	s0 =	sor.u32 s1, s0  }
0xca: {  	s0 =	sadd.s32 $0x8F2B, s0  }
0xcb: {  	[sflag:s0] =	ssyncadd.remote.s32 $0x1  }
0xcc: {  	_ =	sfence.sel $0xFFFF  }
0xcd: {  	[dreg:$0x0] =	wrdreg $0xFFFFFFFF;
	(pc) =	sbr.abs _section_cstart, $3  }
0xce: {  	[dreg:$0x1] =	wrdreg $0xFFFFFFFF  }
0xcf: {  	_ =	task.clear_ibuf [dreg:s22], $0x2FFFF;
	_ =	strace $0x9FFFFFFF  }
0xd0: {  	(tm) =	ssettm $0x7FFFFFFF  }
0xd1: {  	_ =	shalt  }
tec
execute0_lowered:
.L_overlay_start_1:
0x0: {  	(tag) =	ssettag $0x1  }
0x1: {  	s0 =	srdreg.scid;
	s4 =	stileid.u32  }
0x2: {  	s3 =	rddreg [dreg:$0x0];
	s2 =	simm.s32 $0x0;
	s15 =	simm.s32 $0x1  }
0x3: {  	s16 =	simm.s32 $0x100;
	s13 =	simm.s32 $0x3;
	s17 =	simm.s32 $0x2  }
0x4: {  	s18 =	simm.s32 $0x8D00;
	s28 =	simm.s32 $0xCD00;
	s29 =	simm.s32 $0xD500  }
0x5: {  	s30 =	simm.s32 $0xDD00;
	s31 =	simm.s32 $0xE100;
	s19 =	simm.s32 $0x4  }
0x6: {  	s20 =	simm.s32 $0x5;
	s0 =	sand.u32 $0x1, s0;
	s1 =	sshll.u32 s4, $0x1  }
0x7: {  	[smem:$0x7FF] =	sst s2;
	s5 =	smul.u32 $0xC80, s4;
	s12 =	sadd.s32 $0x59C000, s3  }
0x8: {  	s4 =	sadd.s32 $0x8A00, s3;
	s9 =	sadd.s32 $0x5A0E00, s3;
	s8 =	sadd.s32 $0x8D00, s3  }
0x9: {  	s1 =	sor.u32 s0, s1;
	s6 =	smul.u32 $0x640, s0;
	s0 =	ssub.s32 $0x2, s0  }
0xa: {  	_ =	strace $0x8000004A;
	s1 =	smul.u32 $0x640, s1;
	s7 =	sshrl.u32 s0, $0x1  }
0xb: {  	[dreg:$0x2] =	wrdreg s12;
	s5 =	sadd.s32 s6, s5;
	s0 =	ssub.s32 s0, s7  }
0xc: {  	s6 =	sadd.s32 $0x8B00, s3;
	s7 =	sadd.s32 $0x8C00, s3;
	s1 =	sshrl.u32 s1, $0x3  }
0xd: {  	s22 =	sor.u32 $0x28, s5;
	s23 =	sshrl.u32 s5, $0x3;
	s24 =	sadd.s32 $0x78, s5  }
0xe: {  	s0 =	smax.u32 s0, $0x1;
	s26 =	sadd.s32 $0x50, s5;
	s5 =	simm.s32 $0xFD00  }
0xf: {  	s10 =	sadd.s32 s12, s1;
	s1 =	sshrl.u32 s22, $0x3;
	[dreg:$0x5] =	wrdreg s0  }
0x10: {  	s3 =	smul.u32 $0x380, s23;
	s25 =	sshrl.u32 s24, $0x3;
	[dreg:$0x7] =	wrdreg s26  }
0x11: {  	s26 =	simm.s32 $0xC500;
	s23 =	simm.s32 $0x0;
	s1 =	smul.u32 $0x380, s1  }
.Ltmp0:
0x12: {  	[dreg:$0x3] =	wrdreg s10;
	s10 =	sadd.s32 $0x5, s10;
	(pc) =	sbr.rel .LBB2_1-.Ltmp0, $4  }
0x13: {  	s0 =	sadd.s32 s25, s12;
	s25 =	simm.s32 $0x9500;
	[dreg:$0x4] =	wrdreg s10  }
0x14: {  	v2 =	vlaneseq.u32;
	s12 =	simm.s32 $0x10D00;
	[dreg:$0x6] =	wrdreg s0;
	s14 =	sadd.s32 s3, s9  }
0x15: {  	vm0 =	vmmov $0xffff;
	vm1 =	vmmov $0xff;
	v1 =	vshrl.u32 v2, $0x3;
	s0 =	simm.s32 $0xF100;
	s10 =	simm.s32 $0x10500;
	s3 =	simm.s32 $0x11500  }
0x16: {  	v0 =	vand.u32 $0x7, v2;
	v2 =	vor.u32 $0x8, v2;
	v1 =	vmul.u32 $0x8, v1;
	s11 =	sadd.s32 s1, s9;
	s1 =	simm.s32 $0xE900;
	s9 =	simm.s32 $0xF900  }
.LBB2_6:
0x17: {  	_ =	swait.ge [sflag:s20], $0x8C00  }
0x18: {  	[sflag:s20] =	ssyncset.done $0x0  }
0x19: {  	s22 =	simm.s32 $0x6;
	[sflag:s20] =	ssyncadd.s32 $0xFFFF7400  }
0x1a: {  	_ =	swait.ge [sflag:s22], $0x8C00  }
0x1b: {  	s23 =	rddreg [dreg:$0x8]  }
0x1c: {  	s21 =	rddreg [dreg:$0x5];
	s23 =	sadd.s32 $0x1, s23  }
0x1d: {  	p0 =	sne.s32 s23, s21  }
.Ltmp1:
0x1e: {  	_ = 	snop;
	(pc) =	sbr.rel @!p0 .LBB2_7-.Ltmp1, $3  }
0x1f: {  	_ =	sdelay $0x1  }
0x20: {  	[sflag:s22] =	ssyncset.done $0x0  }
0x21: {  	[sflag:s22] =	ssyncadd.s32 $0xFFFF7400  }
.LBB2_1:
0x22: {  	[dreg:$0x8] =	wrdreg s23  }
0x23: {  	s21 =	rddreg [dreg:$0x3]  }
0x24: {  	[tilespmem:s2], [sflag:$0x1] =	stream.linear.gather [hbm4b:s21+s2], $0x28, $0x38;
	[tilespmem:$0x11900] =	vst v63  }
0x25: {  	_ =	swait.ge [sflag:s15], $0x28  }
0x26: {  	[sflag:s15] =	ssyncset.done $0x0  }
0x27: {  	[sflag:s15] =	ssyncadd.s32 $0xFFFFFFD8  }
0x28: {  	v3 =	vld [tilespmem:$0x0];
	_ =	sdelay $0x4  }
0x29: {  	v4 =	vshrl.u32 v3, $0x3  }
0x2a: {  	v4 =	vmul.u32 $0x38, v4  }
0x2b: {  	v3 =	vand.u32 $0x7, v3  }
0x2c: {  	v3 =	vor.u32 v3, v4  }
0x2d: {  	v4 =	vperm.xlane v3, v0;
	_ =	sdelay $0x1  }
0x2e: {  	v4 =	vadd.s32 v1, v4;
	_ =	sdelay $0x4  }
0x2f: {  	[tilespmem:s16], [sflag:$0x3] =	stream.indirect_vreg.gather [hbm4b:s4+s2], $0x80, v4, vm0, $0xb8;
	[tilespmem:$0x11900] =	vst v63  }
0x30: {  	s23 =	simm.s32 $0x900;
	v3 =	vperm.xlane v3, v2  }
0x31: {  	[tilespmem:s23], [sflag:$0x3] =	stream.indirect_vreg.gather [hbm4b:s6+s2], $0x80, v4, vm0, $0xb8;
	[tilespmem:$0x11900] =	vst v63  }
0x32: {  	s24 =	simm.s32 $0x1100;
	v3 =	vadd.s32 v1, v3  }
0x33: {  	[tilespmem:s24], [sflag:$0x3] =	stream.indirect_vreg.gather [hbm4b:s7+s2], $0x80, v4, vm0, $0xb8;
	[tilespmem:$0x11900] =	vst v63  }
0x34: {  	s22 =	simm.s32 $0x1900  }
0x35: {  	[tilespmem:s22], [sflag:$0x3] =	stream.indirect_vreg.gather [hbm4b:s8+s2], $0x80, v4, vm1, $0xb8;
	[tilespmem:$0x11900] =	vst v63  }
0x36: {  	s23 =	simm.s32 $0x1D00  }
0x37: {  	[tilespmem:s23], [sflag:$0x3] =	stream.indirect_vreg.gather [hbm4b:s4+s2], $0x80, v3, vm0, $0xb8;
	[tilespmem:$0x11900] =	vst v63  }
0x38: {  	s24 =	simm.s32 $0x2500  }
0x39: {  	[tilespmem:s24], [sflag:$0x3] =	stream.indirect_vreg.gather [hbm4b:s6+s2], $0x80, v3, vm0, $0xb8;
	[tilespmem:$0x11900] =	vst v63  }
0x3a: {  	s22 =	simm.s32 $0x2D00  }
0x3b: {  	[tilespmem:s22], [sflag:$0x3] =	stream.indirect_vreg.gather [hbm4b:s7+s2], $0x80, v3, vm0, $0xb8;
	[tilespmem:$0x11900] =	vst v63  }
0x3c: {  	s23 =	simm.s32 $0x3500  }
0x3d: {  	[tilespmem:s23], [sflag:$0x3] =	stream.indirect_vreg.gather [hbm4b:s8+s2], $0x80, v3, vm1, $0xb8;
	[tilespmem:$0x11900] =	vst v63  }
0x3e: {  	v3 =	vld [tilespmem:$0x10];
	_ =	sdelay $0x4  }
0x3f: {  	v62 =	vshrl.u32 v3, $0x3  }
0x40: {  	v4 =	vmul.u32 $0x38, v62  }
0x41: {  	v3 =	vand.u32 $0x7, v3  }
0x42: {  	v3 =	vor.u32 v3, v4  }
0x43: {  	v4 =	vperm.xlane v3, v0;
	_ =	sdelay $0x1  }
0x44: {  	v4 =	vadd.s32 v1, v4;
	_ =	sdelay $0x3  }
0x45: {  	s24 =	simm.s32 $0x3900  }
0x46: {  	[tilespmem:s24], [sflag:$0x3] =	stream.indirect_vreg.gather [hbm4b:s4+s2], $0x80, v4, vm0, $0xb8;
	[tilespmem:$0x11900] =	vst v63  }
0x47: {  	s22 =	simm.s32 $0x4100;
	v3 =	vperm.xlane v3, v2  }
0x48: {  	[tilespmem:s22], [sflag:$0x3] =	stream.indirect_vreg.gather [hbm4b:s6+s2], $0x80, v4, vm0, $0xb8;
	[tilespmem:$0x11900] =	vst v63  }
0x49: {  	s23 =	simm.s32 $0x4900;
	v3 =	vadd.s32 v1, v3  }
0x4a: {  	[tilespmem:s23], [sflag:$0x3] =	stream.indirect_vreg.gather [hbm4b:s7+s2], $0x80, v4, vm0, $0xb8;
	[tilespmem:$0x11900] =	vst v63  }
0x4b: {  	s24 =	simm.s32 $0x5100  }
0x4c: {  	[tilespmem:s24], [sflag:$0x3] =	stream.indirect_vreg.gather [hbm4b:s8+s2], $0x80, v4, vm1, $0xb8;
	[tilespmem:$0x11900] =	vst v63  }
0x4d: {  	s22 =	simm.s32 $0x5500  }
0x4e: {  	[tilespmem:s22], [sflag:$0x3] =	stream.indirect_vreg.gather [hbm4b:s4+s2], $0x80, v3, vm0, $0xb8;
	[tilespmem:$0x11900] =	vst v63  }
0x4f: {  	s23 =	simm.s32 $0x5D00  }
0x50: {  	[tilespmem:s23], [sflag:$0x3] =	stream.indirect_vreg.gather [hbm4b:s6+s2], $0x80, v3, vm0, $0xb8;
	[tilespmem:$0x11900] =	vst v63  }
0x51: {  	s24 =	simm.s32 $0x6500  }
0x52: {  	[tilespmem:s24], [sflag:$0x3] =	stream.indirect_vreg.gather [hbm4b:s7+s2], $0x80, v3, vm0, $0xb8;
	[tilespmem:$0x11900] =	vst v63  }
0x53: {  	s22 =	simm.s32 $0x6D00  }
0x54: {  	[tilespmem:s22], [sflag:$0x3] =	stream.indirect_vreg.gather [hbm4b:s8+s2], $0x80, v3, vm1, $0xb8;
	[tilespmem:$0x11900] =	vst v63  }
0x55: {  	v3 =	vld.msk [tilespmem:$0x20], $0xff;
	_ =	sdelay $0x4  }
0x56: {  	v63 =	vshrl.u32 v3, $0x3  }
0x57: {  	v4 =	vmul.u32 $0x38, v63  }
0x58: {  	v3 =	vand.u32 $0x7, v3  }
0x59: {  	v3 =	vor.u32 v3, v4  }
0x5a: {  	v3 =	vperm.xlane v3, v0;
	_ =	sdelay $0x1  }
0x5b: {  	v3 =	vadd.s32 v1, v3;
	_ =	sdelay $0x3  }
0x5c: {  	s23 =	simm.s32 $0x7100  }
0x5d: {  	[tilespmem:s23], [sflag:$0x3] =	stream.indirect_vreg.gather [hbm4b:s4+s2], $0x80, v3, vm0, $0xb8;
	[tilespmem:$0x11900] =	vst v63  }
0x5e: {  	s24 =	simm.s32 $0x7900  }
0x5f: {  	[tilespmem:s24], [sflag:$0x3] =	stream.indirect_vreg.gather [hbm4b:s6+s2], $0x80, v3, vm0, $0xb8;
	[tilespmem:$0x11900] =	vst v63  }
0x60: {  	s22 =	simm.s32 $0x8100  }
0x61: {  	[tilespmem:s22], [sflag:$0x3] =	stream.indirect_vreg.gather [hbm4b:s7+s2], $0x80, v3, vm0, $0xb8;
	[tilespmem:$0x11900] =	vst v63  }
.Ltmp2:
0x62: {  	s21 =	rddreg [dreg:$0x7];
	s23 =	simm.s32 $0x8900;
	(pc) =	sbr.rel .LBB2_2-.Ltmp2, $4  }
0x63: {  	[tilespmem:s23], [sflag:$0x3] =	stream.indirect_vreg.gather [hbm4b:s8+s2], $0x80, v3, vm1, $0xb8;
	[tilespmem:$0x11900] =	vst v63  }
0x64: {  	s24 =	rddreg [dreg:$0x4];
	s22 =	simm.s32 $0x80  }
0x65: {  	[tilespmem:s22], [sflag:$0x2] =	stream.linear.gather [hbm4b:s24+s2], $0x28, $0x38;
	[tilespmem:$0x11900] =	vst v63  }
0x66: {  	s23 =	simm.s32 $0x0;
	s22 =	rddreg [dreg:$0x6]  }
.LBB2_4:
0x67: {  	_ =	swait.ge [sflag:s19], $0x8C00  }
0x68: {  	[sflag:s19] =	ssyncset.done $0x0  }
0x69: {  	[sflag:s19] =	ssyncadd.s32 $0xFFFF7400  }
.LBB2_5:
0x6a: {  	s24 =	sadd.s32 s23, s11;
	s23 =	sadd.s32 $0x2300, s23  }
0x6b: {  	p0 =	sne.s32 s23, $0x2BC00  }
.Ltmp3:
0x6c: {  	_ = 	snop;
	(pc) =	sbr.rel @!p0 .LBB2_6-.Ltmp3, $3  }
0x6d: {  	_ =	sdelay $0x1  }
0x6e: {  	s22 =	sadd.s32 $0xA, s22;
	s21 =	sadd.s32 $0x50, s21  }
0x6f: {  	[hbm4b:s24+s2] =	stream.linear.scatter [tilespmem:s18], [sflag:$0x6], $0x8C00, $0x38;
	[tilespmem:$0x11900] =	vst v63  }
.LBB2_2:
0x70: {  	_ =	swait.ge [sflag:s13], $0x8C00  }
0x71: {  	[sflag:s13] =	ssyncset.done $0x0  }
0x72: {  	[sflag:s13] =	ssyncadd.s32 $0xFFFF7400  }
0x73: {  	_ =	swait.ge [sflag:s17], $0x28  }
0x74: {  	p0 =	seq.s32 s23, $0x0;
	[sflag:s17] =	ssyncset.done $0x0  }
0x75: {  	s24 =	simm.s32 @!p0 $0x6;
	[sflag:s17] =	ssyncadd.s32 $0xFFFFFFD8  }
0x76: {  	_ =	swait.ge @!p0 [sflag:s24], $0x8C00  }
0x77: {  	[sflag:s24] =	ssyncset.done @!p0 $0x0  }
0x78: {  	[sflag:s24] =	ssyncadd.s32 @!p0 $0xFFFF7400  }
0x79: {  	v3 =	vld [tilespmem:$0x80];
	_ =	sdelay $0x4  }
0x7a: {  	v4 =	vshrl.u32 v3, $0x3  }
0x7b: {  	v4 =	vmul.u32 $0x38, v4  }
0x7c: {  	v3 =	vand.u32 $0x7, v3  }
0x7d: {  	v3 =	vor.u32 v3, v4  }
0x7e: {  	v4 =	vperm.xlane v3, v0;
	_ =	sdelay $0x1  }
0x7f: {  	v4 =	vadd.s32 v1, v4;
	_ =	sdelay $0x4  }
0x80: {  	[tilespmem:s18], [sflag:$0x4] =	stream.indirect_vreg.gather [hbm4b:s4+s2], $0x80, v4, vm0, $0xb8;
	[tilespmem:$0x11900] =	vst v63  }
0x81: {  	v3 =	vperm.xlane v3, v2  }
0x82: {  	[tilespmem:s25], [sflag:$0x4] =	stream.indirect_vreg.gather [hbm4b:s6+s2], $0x80, v4, vm0, $0xb8;
	[tilespmem:$0x11900] =	vst v63  }
0x83: {  	s24 =	simm.s32 $0x9D00;
	v3 =	vadd.s32 v1, v3  }
0x84: {  	[tilespmem:s24], [sflag:$0x4] =	stream.indirect_vreg.gather [hbm4b:s7+s2], $0x80, v4, vm0, $0xb8;
	[tilespmem:$0x11900] =	vst v63  }
0x85: {  	s24 =	simm.s32 $0xA500  }
0x86: {  	[tilespmem:s24], [sflag:$0x4] =	stream.indirect_vreg.gather [hbm4b:s8+s2], $0x80, v4, vm1, $0xb8;
	[tilespmem:$0x11900] =	vst v63  }
0x87: {  	s24 =	simm.s32 $0xA900  }
0x88: {  	[tilespmem:s24], [sflag:$0x4] =	stream.indirect_vreg.gather [hbm4b:s4+s2], $0x80, v3, vm0, $0xb8;
	[tilespmem:$0x11900] =	vst v63  }
0x89: {  	s24 =	simm.s32 $0xB100  }
0x8a: {  	[tilespmem:s24], [sflag:$0x4] =	stream.indirect_vreg.gather [hbm4b:s6+s2], $0x80, v3, vm0, $0xb8;
	[tilespmem:$0x11900] =	vst v63  }
0x8b: {  	s24 =	simm.s32 $0xB900  }
0x8c: {  	[tilespmem:s24], [sflag:$0x4] =	stream.indirect_vreg.gather [hbm4b:s7+s2], $0x80, v3, vm0, $0xb8;
	[tilespmem:$0x11900] =	vst v63  }
0x8d: {  	s24 =	simm.s32 $0xC100  }
0x8e: {  	[tilespmem:s24], [sflag:$0x4] =	stream.indirect_vreg.gather [hbm4b:s8+s2], $0x80, v3, vm1, $0xb8;
	[tilespmem:$0x11900] =	vst v63  }
0x8f: {  	v3 =	vld [tilespmem:$0x90];
	_ =	sdelay $0x4  }
0x90: {  	v62 =	vshrl.u32 v3, $0x3  }
0x91: {  	v4 =	vmul.u32 $0x38, v62  }
0x92: {  	v3 =	vand.u32 $0x7, v3  }
0x93: {  	v3 =	vor.u32 v3, v4  }
0x94: {  	v4 =	vperm.xlane v3, v0;
	_ =	sdelay $0x1  }
0x95: {  	v4 =	vadd.s32 v1, v4;
	_ =	sdelay $0x4  }
0x96: {  	[tilespmem:s26], [sflag:$0x4] =	stream.indirect_vreg.gather [hbm4b:s4+s2], $0x80, v4, vm0, $0xb8;
	[tilespmem:$0x11900] =	vst v63  }
0x97: {  	v3 =	vperm.xlane v3, v2  }
0x98: {  	[tilespmem:s28], [sflag:$0x4] =	stream.indirect_vreg.gather [hbm4b:s6+s2], $0x80, v4, vm0, $0xb8;
	[tilespmem:$0x11900] =	vst v63  }
0x99: {  	v3 =	vadd.s32 v1, v3  }
0x9a: {  	[tilespmem:s29], [sflag:$0x4] =	stream.indirect_vreg.gather [hbm4b:s7+s2], $0x80, v4, vm0, $0xb8;
	[tilespmem:$0x11900] =	vst v63  }
0x9b: {  	_ = 	snop  }
0x9c: {  	[tilespmem:s30], [sflag:$0x4] =	stream.indirect_vreg.gather [hbm4b:s8+s2], $0x80, v4, vm1, $0xb8;
	[tilespmem:$0x11900] =	vst v63  }
0x9d: {  	_ = 	snop  }
0x9e: {  	[tilespmem:s31], [sflag:$0x4] =	stream.indirect_vreg.gather [hbm4b:s4+s2], $0x80, v3, vm0, $0xb8;
	[tilespmem:$0x11900] =	vst v63  }
0x9f: {  	_ = 	snop  }
0xa0: {  	[tilespmem:s1], [sflag:$0x4] =	stream.indirect_vreg.gather [hbm4b:s6+s2], $0x80, v3, vm0, $0xb8;
	[tilespmem:$0x11900] =	vst v63  }
0xa1: {  	_ = 	snop  }
0xa2: {  	[tilespmem:s0], [sflag:$0x4] =	stream.indirect_vreg.gather [hbm4b:s7+s2], $0x80, v3, vm0, $0xb8;
	[tilespmem:$0x11900] =	vst v63  }
0xa3: {  	_ = 	snop  }
0xa4: {  	[tilespmem:s9], [sflag:$0x4] =	stream.indirect_vreg.gather [hbm4b:s8+s2], $0x80, v3, vm1, $0xb8;
	[tilespmem:$0x11900] =	vst v63  }
0xa5: {  	v3 =	vld.msk [tilespmem:$0xA0], $0xff;
	_ =	sdelay $0x4  }
0xa6: {  	v63 =	vshrl.u32 v3, $0x3  }
0xa7: {  	v4 =	vmul.u32 $0x38, v63  }
0xa8: {  	v3 =	vand.u32 $0x7, v3  }
0xa9: {  	v3 =	vor.u32 v3, v4  }
0xaa: {  	v3 =	vperm.xlane v3, v0;
	_ =	sdelay $0x1  }
0xab: {  	v3 =	vadd.s32 v1, v3;
	_ =	sdelay $0x4  }
0xac: {  	[tilespmem:s5], [sflag:$0x4] =	stream.indirect_vreg.gather [hbm4b:s4+s2], $0x80, v3, vm0, $0xb8;
	[tilespmem:$0x11900] =	vst v63  }
0xad: {  	_ = 	snop  }
0xae: {  	[tilespmem:s10], [sflag:$0x4] =	stream.indirect_vreg.gather [hbm4b:s6+s2], $0x80, v3, vm0, $0xb8;
	[tilespmem:$0x11900] =	vst v63  }
0xaf: {  	p0 =	seq.s32 s23, $0x29900  }
0xb0: {  	[tilespmem:s12], [sflag:$0x4] =	stream.indirect_vreg.gather [hbm4b:s7+s2], $0x80, v3, vm0, $0xb8;
	[tilespmem:$0x11900] =	vst v63  }
.Ltmp4:
0xb1: {  	_ = 	snop;
	(pc) =	sbr.rel @p0 .LBB2_4-.Ltmp4, $4  }
0xb2: {  	_ = 	snop  }
0xb3: {  	[tilespmem:s3], [sflag:$0x4] =	stream.indirect_vreg.gather [hbm4b:s8+s2], $0x80, v3, vm1, $0xb8;
	[tilespmem:$0x11900] =	vst v63  }
0xb4: {  	s24 =	sadd.s32 s23, s14  }
0xb5: {  	[hbm4b:s24+s2] =	stream.linear.scatter [tilespmem:s16], [sflag:$0x5], $0x8C00, $0x38;
	[tilespmem:$0x11900] =	vst v63  }
0xb6: {  	s24 =	sshrl.u32 s21, $0x3;
	s25 =	rddreg [dreg:$0x2]  }
0xb7: {  	s24 =	sadd.s32 s25, s24  }
0xb8: {  	[tilespmem:s2], [sflag:$0x1] =	stream.linear.gather [hbm4b:s24+s2], $0x28, $0x38;
	[tilespmem:$0x11900] =	vst v63  }
0xb9: {  	_ =	swait.ge [sflag:s19], $0x8C00  }
0xba: {  	[sflag:s19] =	ssyncset.done $0x0  }
0xbb: {  	[sflag:s19] =	ssyncadd.s32 $0xFFFF7400  }
0xbc: {  	_ =	swait.ge [sflag:s15], $0x28  }
0xbd: {  	[sflag:s15] =	ssyncset.done $0x0  }
0xbe: {  	[sflag:s15] =	ssyncadd.s32 $0xFFFFFFD8  }
0xbf: {  	_ =	swait.ge [sflag:s20], $0x8C00  }
0xc0: {  	[sflag:s20] =	ssyncset.done $0x0  }
0xc1: {  	[sflag:s20] =	ssyncadd.s32 $0xFFFF7400  }
0xc2: {  	v3 =	vld [tilespmem:$0x0];
	_ =	sdelay $0x4  }
0xc3: {  	v4 =	vshrl.u32 v3, $0x3  }
0xc4: {  	v4 =	vmul.u32 $0x38, v4  }
0xc5: {  	v3 =	vand.u32 $0x7, v3  }
0xc6: {  	v3 =	vor.u32 v3, v4  }
0xc7: {  	v4 =	vperm.xlane v3, v0;
	_ =	sdelay $0x1  }
0xc8: {  	v4 =	vadd.s32 v1, v4;
	_ =	sdelay $0x4  }
0xc9: {  	[tilespmem:s16], [sflag:$0x3] =	stream.indirect_vreg.gather [hbm4b:s4+s2], $0x80, v4, vm0, $0xb8;
	[tilespmem:$0x11900] =	vst v63  }
0xca: {  	s24 =	simm.s32 $0x900;
	v3 =	vperm.xlane v3, v2  }
0xcb: {  	[tilespmem:s24], [sflag:$0x3] =	stream.indirect_vreg.gather [hbm4b:s6+s2], $0x80, v4, vm0, $0xb8;
	[tilespmem:$0x11900] =	vst v63  }
0xcc: {  	v3 =	vadd.s32 v1, v3;
	s24 =	simm.s32 $0x1100  }
0xcd: {  	[tilespmem:s24], [sflag:$0x3] =	stream.indirect_vreg.gather [hbm4b:s7+s2], $0x80, v4, vm0, $0xb8;
	[tilespmem:$0x11900] =	vst v63  }
0xce: {  	s24 =	simm.s32 $0x1900  }
0xcf: {  	[tilespmem:s24], [sflag:$0x3] =	stream.indirect_vreg.gather [hbm4b:s8+s2], $0x80, v4, vm1, $0xb8;
	[tilespmem:$0x11900] =	vst v63  }
0xd0: {  	s24 =	simm.s32 $0x1D00  }
0xd1: {  	[tilespmem:s24], [sflag:$0x3] =	stream.indirect_vreg.gather [hbm4b:s4+s2], $0x80, v3, vm0, $0xb8;
	[tilespmem:$0x11900] =	vst v63  }
0xd2: {  	s24 =	simm.s32 $0x2500  }
0xd3: {  	[tilespmem:s24], [sflag:$0x3] =	stream.indirect_vreg.gather [hbm4b:s6+s2], $0x80, v3, vm0, $0xb8;
	[tilespmem:$0x11900] =	vst v63  }
0xd4: {  	s24 =	simm.s32 $0x2D00  }
0xd5: {  	[tilespmem:s24], [sflag:$0x3] =	stream.indirect_vreg.gather [hbm4b:s7+s2], $0x80, v3, vm0, $0xb8;
	[tilespmem:$0x11900] =	vst v63  }
0xd6: {  	s24 =	simm.s32 $0x3500  }
0xd7: {  	[tilespmem:s24], [sflag:$0x3] =	stream.indirect_vreg.gather [hbm4b:s8+s2], $0x80, v3, vm1, $0xb8;
	[tilespmem:$0x11900] =	vst v63  }
0xd8: {  	v3 =	vld [tilespmem:$0x10];
	_ =	sdelay $0x4  }
0xd9: {  	v62 =	vshrl.u32 v3, $0x3  }
0xda: {  	v4 =	vmul.u32 $0x38, v62  }
0xdb: {  	v3 =	vand.u32 $0x7, v3  }
0xdc: {  	v3 =	vor.u32 v3, v4  }
0xdd: {  	v4 =	vperm.xlane v3, v0;
	_ =	sdelay $0x1  }
0xde: {  	v4 =	vadd.s32 v1, v4;
	_ =	sdelay $0x3  }
0xdf: {  	s24 =	simm.s32 $0x3900  }
0xe0: {  	[tilespmem:s24], [sflag:$0x3] =	stream.indirect_vreg.gather [hbm4b:s4+s2], $0x80, v4, vm0, $0xb8;
	[tilespmem:$0x11900] =	vst v63  }
0xe1: {  	v3 =	vperm.xlane v3, v2;
	s24 =	simm.s32 $0x4100  }
0xe2: {  	[tilespmem:s24], [sflag:$0x3] =	stream.indirect_vreg.gather [hbm4b:s6+s2], $0x80, v4, vm0, $0xb8;
	[tilespmem:$0x11900] =	vst v63  }
0xe3: {  	v3 =	vadd.s32 v1, v3;
	s24 =	simm.s32 $0x4900  }
0xe4: {  	[tilespmem:s24], [sflag:$0x3] =	stream.indirect_vreg.gather [hbm4b:s7+s2], $0x80, v4, vm0, $0xb8;
	[tilespmem:$0x11900] =	vst v63  }
0xe5: {  	s24 =	simm.s32 $0x5100  }
0xe6: {  	[tilespmem:s24], [sflag:$0x3] =	stream.indirect_vreg.gather [hbm4b:s8+s2], $0x80, v4, vm1, $0xb8;
	[tilespmem:$0x11900] =	vst v63  }
0xe7: {  	s24 =	simm.s32 $0x5500  }
0xe8: {  	[tilespmem:s24], [sflag:$0x3] =	stream.indirect_vreg.gather [hbm4b:s4+s2], $0x80, v3, vm0, $0xb8;
	[tilespmem:$0x11900] =	vst v63  }
0xe9: {  	s24 =	simm.s32 $0x5D00  }
0xea: {  	[tilespmem:s24], [sflag:$0x3] =	stream.indirect_vreg.gather [hbm4b:s6+s2], $0x80, v3, vm0, $0xb8;
	[tilespmem:$0x11900] =	vst v63  }
0xeb: {  	s24 =	simm.s32 $0x6500  }
0xec: {  	[tilespmem:s24], [sflag:$0x3] =	stream.indirect_vreg.gather [hbm4b:s7+s2], $0x80, v3, vm0, $0xb8;
	[tilespmem:$0x11900] =	vst v63  }
0xed: {  	s24 =	simm.s32 $0x6D00  }
0xee: {  	[tilespmem:s24], [sflag:$0x3] =	stream.indirect_vreg.gather [hbm4b:s8+s2], $0x80, v3, vm1, $0xb8;
	[tilespmem:$0x11900] =	vst v63  }
0xef: {  	v3 =	vld.msk [tilespmem:$0x20], $0xff;
	_ =	sdelay $0x4  }
0xf0: {  	v63 =	vshrl.u32 v3, $0x3  }
0xf1: {  	v4 =	vmul.u32 $0x38, v63  }
0xf2: {  	v3 =	vand.u32 $0x7, v3  }
0xf3: {  	v3 =	vor.u32 v3, v4  }
0xf4: {  	v3 =	vperm.xlane v3, v0;
	_ =	sdelay $0x1  }
0xf5: {  	v3 =	vadd.s32 v1, v3;
	_ =	sdelay $0x3  }
0xf6: {  	s24 =	simm.s32 $0x7100  }
0xf7: {  	[tilespmem:s24], [sflag:$0x3] =	stream.indirect_vreg.gather [hbm4b:s4+s2], $0x80, v3, vm0, $0xb8;
	[tilespmem:$0x11900] =	vst v63  }
0xf8: {  	s24 =	simm.s32 $0x7900  }
0xf9: {  	[tilespmem:s24], [sflag:$0x3] =	stream.indirect_vreg.gather [hbm4b:s6+s2], $0x80, v3, vm0, $0xb8;
	[tilespmem:$0x11900] =	vst v63  }
0xfa: {  	s24 =	simm.s32 $0x8100  }
0xfb: {  	[tilespmem:s24], [sflag:$0x3] =	stream.indirect_vreg.gather [hbm4b:s7+s2], $0x80, v3, vm0, $0xb8;
	[tilespmem:$0x11900] =	vst v63  }
.Ltmp5:
0xfc: {  	_ = 	snop;
	(pc) =	sbr.rel .LBB2_5-.Ltmp5, $4  }
0xfd: {  	s24 =	simm.s32 $0x8900  }
0xfe: {  	[tilespmem:s24], [sflag:$0x3] =	stream.indirect_vreg.gather [hbm4b:s8+s2], $0x80, v3, vm1, $0xb8;
	[tilespmem:$0x11900] =	vst v63  }
0xff: {  	s25 =	simm.s32 $0x9500;
	s24 =	simm.s32 $0x80  }
0x100: {  	[tilespmem:s24], [sflag:$0x2] =	stream.linear.gather [hbm4b:s22+s2], $0x28, $0x38;
	[tilespmem:$0x11900] =	vst v63  }
.LBB2_7:
0x101: {  	_ =	sfence.sel $0x180000  }
0x102: {  	[bflag:$0x0] =	sbarrier.arrive $0xFFFF  }
0x103: {  	_ =	strace $0x9000004A  }
0x104: {  	s0 =	stileid.u32;
	[bflag:$0x2] =	sbarrier.arrive $0xFFFF  }
0x105: {  	p0 =	sne.s32 s0, $0x0;
	s0 =	rddreg [dreg:$0x1]  }
0x106: {  	s0 =	sadd.s32 @!p0 $0x100000, s0  }
0x107: {  	[sflag:s0] =	ssyncadd.tile.s32 @!p0 $0x1;
	_ =	shalt  }
.Lfunc_end2:
_tile_overlayer_lowered:
.L_overlay_start_2:
0x108: {  	(tag) =	ssettag $0x2  }
0x109: {  	s0 =	rddreg [dreg:$0x0];
	s2 =	stileid.u32  }
0x10a: {  	s1 =	rddreg [dreg:$0x1];
	p0 =	sne.s32 s2, $0x0  }
0x10b: {  	s3 =	rddreg [dreg:$0x2];
	[bflag:$0x3] =	sbarrier.arrive $0xFFFF;
	s2 =	simm.s32 @!p0 $0x1C07  }
0x10c: {  	[timem:s3], [sflag:s2] =	dma.local @!p0 [hbm:s0], s1  }
0x10d: {  	s0 =	simm.s32 @!p0 $0x7  }
0x10e: {  	_ =	swait.ge @!p0 [sflag:s0], s1  }
0x10f: {  	s1 =	ssub.s32 @!p0 $0x0, s1;
	[sflag:s0] =	ssyncset.done @!p0 $0x0  }
0x110: {  	[sflag:s0] =	ssyncadd.s32 @!p0 s1  }
0x111: {  	[bflag:$0x3] =	sbarrier.arrive $0xFFFF  }
0x112: {  	_ =	shalt  }

// kernel: kernel.16.cloned.1.call-start
scs
__scs_entry_jumppad:
0x0: {  	(pc) =	sbr.rel $0x88, $3  }
0x1: {  	(tag) =	ssettag $0x0;
	lr =	simm.s32 $0x1  }
0x2: {  	[smem:$0x3F9F] =	sst lr;
	_ =	strace $0xD0000000  }
0x3: {  	_ = 	snop  }
0x4: {  	_ = 	snop  }
0x5: {  	_ = 	snop  }
0x6: {  	_ = 	snop  }
0x7: {  	_ = 	snop  }
__scs_overlays_trampoline_lowered:
0x8: {  	[smem:$0x3FAE] =	sst s0  }
0x9: {  	[smem:$0x3FAF] =	sst s1  }
0xa: {  	[smem:$0x3FB0] =	sst s2  }
0xb: {  	[smem:$0x3FB1] =	sst s3  }
0xc: {  	[smem:$0x3FB2] =	sst s4  }
0xd: {  	[smem:$0x3FB3] =	sst s5  }
0xe: {  	[smem:$0x3FB4] =	sst s6  }
0xf: {  	[smem:$0x3FB5] =	sst s7  }
0x10: {  	[smem:$0x3FB6] =	sst s8  }
0x11: {  	[smem:$0x3FB7] =	sst s9;
	s0 =	simm.s32 @!p0 $0x0  }
0x12: {  	s1 =	sld [smem:$0x3F9D];
	s0 =	simm.s32 @p0 $0x1  }
0x13: {  	[smem:$0x3FB8] =	sst s0;
	s0 =	simm.s32 @!p1 $0x0  }
0x14: {  	s2 =	sld [smem:$0x3F9C];
	s0 =	simm.s32 @p1 $0x1  }
0x15: {  	[smem:$0x3FB9] =	sst s0;
	s0 =	simm.s32 @!p2 $0x0  }
0x16: {  	s3 =	sld [smem:$0x3FDB];
	s0 =	simm.s32 @p2 $0x1  }
0x17: {  	s4 =	simm.s32 $0x1BF5;
	[smem:$0x3FBB] =	sst s0  }
0x18: {  	s0 =	sld [smem:$0x3F9E];
	_ =	swait.ge [sflag:s4], $0x0  }
0x19: {  	s7 =	sld [smem:$0x3F9F]  }
0x1a: {  	s8 =	sadd.s32 $0xFFFFE003, lr  }
0x1b: {  	s9 =	sadd.s32 $0xFFFFFEF7, lr;
	s5 =	simm.s32 $0xFFFFFFFF;
	p2 =	slt.u32 s8, $0xFFFFF086  }
0x1c: {  	p1 =	slt.u32 s9, $0xF7A;
	s5 =	simm.s32 @!p2 $0x0  }
0x1d: {  	s5 =	simm.s32 @p1 $0x1;
	p0 =	seq.s32 s7, s2  }
0x1e: {  	s7 =	smul.u32 @!p0 $0xF7A, s2;
	p2 =	seq.s32 @!p0 s5, $0x0  }
0x1f: {  	s9 =	smul.u32 $0xF7A, s1;
	s8 =	simm.s32 @!p0 $0x1BF5;
	p2 =	por !p2, p0  }
0x20: {  	[sflag:s8] =	ssyncset.s32 @!p0 $0xFFFFF086;
	s6 =	sadd.s32 @!p0 s3, s7;
	s7 =	simm.s32 @!p0 $0x108  }
0x21: {  	s3 =	sadd.s32 s3, s9;
	s6 =	sadd.s32 @!p0 $0x88, s6;
	s7 =	simm.s32 @p2 $0x1082  }
0x22: {  	[simem:s7], [sflag:s8] =	dma.local @!p0 [hbm:s6], $0xF7A  }
0x23: {  	s9 =	sor.u32 $0xD0000000, s2;
	s6 =	simm.s32 $0x108;
	_ =	swait.ge @!p0 [sflag:s8], $0x0  }
0x24: {  	s3 =	sadd.s32 $0x88, s3;
	s6 =	simm.s32 @!p1 $0x1082;
	[sflag:s4] =	ssyncset.s32 $0xFFFFF086  }
0x25: {  	[simem:s6], [sflag:s4] =	dma.local [hbm:s3], $0xF7A  }
0x26: {  	[smem:$0x3F9F] =	sst s1;
	(tag) =	ssettag s2;
	_ =	strace s9  }
0x27: {  	s1 =	sld [smem:$0x3FAF]  }
0x28: {  	s2 =	sld [smem:$0x3FB0]  }
0x29: {  	s4 =	sld [smem:$0x3FB2]  }
0x2a: {  	p0 =	seq.s32 s5, $0x0;
	s5 =	sld [smem:$0x3FB3]  }
0x2b: {  	s6 =	sld [smem:$0x3FB4]  }
0x2c: {  	s7 =	sld [smem:$0x3FB5]  }
0x2d: {  	s3 =	simm.s32 $0x108;
	s8 =	sld [smem:$0x3FB6]  }
0x2e: {  	s3 =	simm.s32 @!p0 $0x1082;
	s9 =	sld [smem:$0x3FB7]  }
0x2f: {  	lr =	sadd.s32 s0, s3;
	s0 =	sld [smem:$0x3FAE]  }
0x30: {  	s3 =	sld [smem:$0x3FB1]  }
0x31: {  	[smem:$0x3FBA] =	sst s10  }
0x32: {  	s10 =	sld [smem:$0x3FB8];
	_ =	sdelay $0x3  }
0x33: {  	p0 =	seq.s32 s10, $0x1;
	s10 =	sld [smem:$0x3FBA];
	_ =	sdelay $0x3  }
0x34: {  	[smem:$0x3FBA] =	sst s10  }
0x35: {  	s10 =	sld [smem:$0x3FB9];
	_ =	sdelay $0x3  }
0x36: {  	p1 =	seq.s32 s10, $0x1;
	s10 =	sld [smem:$0x3FBA];
	_ =	sdelay $0x3  }
0x37: {  	[smem:$0x3FBA] =	sst s10  }
0x38: {  	s10 =	sld [smem:$0x3FBB]  }
0x39: {  	_ = 	snop;
	(pc) =	sbr.ind lr, $3  }
0x3a: {  	_ = 	snop  }
0x3b: {  	_ = 	snop  }
0x3c: {  	p2 =	seq.s32 s10, $0x1;
	s10 =	sld [smem:$0x3FBA]  }
0x3d: {  	_ =	shalt  }
0x3e: {  	_ =	shalt  }
0x3f: {  	_ =	shalt  }
0x40: {  	_ =	shalt  }
0x41: {  	_ =	shalt  }
0x42: {  	_ =	shalt  }
0x43: {  	_ =	shalt  }
0x44: {  	_ =	shalt  }
0x45: {  	_ =	shalt  }
0x46: {  	_ =	shalt  }
0x47: {  	_ =	shalt  }
0x48: {  	_ =	shalt  }
0x49: {  	_ =	shalt  }
0x4a: {  	_ =	shalt  }
0x4b: {  	_ =	shalt  }
0x4c: {  	_ =	shalt  }
0x4d: {  	_ =	shalt  }
0x4e: {  	_ =	shalt  }
0x4f: {  	_ =	shalt  }
0x50: {  	_ =	shalt  }
0x51: {  	_ =	shalt  }
0x52: {  	_ =	shalt  }
0x53: {  	_ =	shalt  }
0x54: {  	_ =	shalt  }
0x55: {  	_ =	shalt  }
0x56: {  	_ =	shalt  }
0x57: {  	_ =	shalt  }
0x58: {  	_ =	shalt  }
0x59: {  	_ =	shalt  }
0x5a: {  	_ =	shalt  }
0x5b: {  	_ =	shalt  }
0x5c: {  	_ =	shalt  }
0x5d: {  	_ =	shalt  }
0x5e: {  	_ =	shalt  }
0x5f: {  	_ =	shalt  }
0x60: {  	_ =	shalt  }
0x61: {  	_ =	shalt  }
0x62: {  	_ =	shalt  }
0x63: {  	_ =	shalt  }
0x64: {  	_ =	shalt  }
0x65: {  	_ =	shalt  }
0x66: {  	_ =	shalt  }
0x67: {  	_ =	shalt  }
0x68: {  	_ =	shalt  }
0x69: {  	_ =	shalt  }
0x6a: {  	_ =	shalt  }
0x6b: {  	_ =	shalt  }
0x6c: {  	_ =	shalt  }
0x6d: {  	_ =	shalt  }
0x6e: {  	_ =	shalt  }
0x6f: {  	_ =	shalt  }
0x70: {  	_ =	shalt  }
0x71: {  	_ =	shalt  }
0x72: {  	_ =	shalt  }
0x73: {  	_ =	shalt  }
0x74: {  	_ =	shalt  }
0x75: {  	_ =	shalt  }
0x76: {  	_ =	shalt  }
0x77: {  	_ =	shalt  }
0x78: {  	_ =	shalt  }
0x79: {  	_ =	shalt  }
0x7a: {  	_ =	shalt  }
0x7b: {  	_ =	shalt  }
0x7c: {  	_ =	shalt  }
0x7d: {  	_ =	shalt  }
0x7e: {  	_ =	shalt  }
0x7f: {  	_ =	shalt  }
0x80: {  	_ =	shalt  }
0x81: {  	_ =	shalt  }
0x82: {  	_ =	shalt  }
0x83: {  	_ =	shalt  }
0x84: {  	_ =	shalt  }
0x85: {  	_ =	shalt  }
0x86: {  	_ =	shalt  }
0x87: {  	_ =	shalt  }
.Lfunc_end0:
.L_simem_size_0:
called_computation.2_lowered:
.L_overlay_start_0:
0x88: {  	s2 =	sld [smem:$0x3FD9]  }
0x89: {  	s3 =	sld [smem:$0x3FFE];
	_ =	sdelay $0x1  }
0x8a: {  	s1 =	srdreg.scid  }
0x8b: {  	s0 =	sand.u32 $0x1, s1  }
0x8c: {  	s17 =	sshll.u32 s0, $0xA;
	s2 =	sadd.s32 s3, s2  }
0x8d: {  	s2 =	sadd.s32 s2, s17  }
0x8e: {  	[smem:$0x3FC6] =	sst s2  }
0x8f: {  	_ = 	snop  }
0x90: {  	(tm) =	ssettm $0x1  }
0x91: {  	s18 =	sld [smem:$0x3FFB];
	_ =	sdelay $0x3  }
0x92: {  	_ =	strace s18  }
0x93: {  	s2 =	sld [smem:$0x3FFC];
	_ =	sdelay $0x3  }
0x94: {  	_ =	strace s2  }
0x95: {  	s2 =	sld [smem:$0x3FFD];
	_ =	sdelay $0x3  }
0x96: {  	_ =	strace s2  }
0x97: {  	_ =	strace $0x8FFFFFFF  }
0x98: {  	s19 =	sld [smem:$0x3FDB];
	_ =	sdelay $0x1  }
0x99: {  	s20 =	simm.s32 $_scs_section_size  }
0x9a: {  	s4 =	simm.s32 $_size__tile_overlayer_lowered;
	s5 =	simm.s32 $_tile_overlayer_lowered  }
0x9b: {  	s6 =	simm.s32 $0x1BFF;
	s21 =	sshll.u32 s5, $0x1;
	s3 =	sadd.s32 s20, s19  }
0x9c: {  	s22 =	simm.s32 $0x0;
	s4 =	sshll.u32 s4, $0x1;
	s5 =	sadd.s32 s21, s3  }
0x9d: {  	[timem:s22], [sflag:s6] =	dma.local [hbm:s5], s4  }
0x9e: {  	_ =	swait.ge [sflag:s6], s4  }
0x9f: {  	s4 =	ssub.s32 $0x0, s4;
	[sflag:s6] =	ssyncset.done $0x0  }
0xa0: {  	[sflag:s6] =	ssyncadd.s32 s4;
	_ =	sdelay $0x1  }
0xa1: {  	s23 =	simm.s32 $0x1B8B  }
0xa2: {  	_ =	swait.ge [sflag:s23], $0x1  }
0xa3: {  	[sflag:s23] =	ssyncset.done $0x0  }
0xa4: {  	[sflag:s23] =	ssyncadd.s32 $0xFFFFFFFF  }
0xa5: {  	s4 =	sld [smem:$0x0]  }
0xa6: {  	s5 =	sand.u32 $0xFFFFFFFE, s1  }
0xa7: {  	p0 =	sne.s32 s1, s5  }
0xa8: {  	s5 =	sshll.u32 @p0 s5, $0xE  }
0xa9: {  	s5 =	sadd.s32 @p0 $0x11B8D, s5;
	s6 =	sshll.u32 @p0 s4, $0x11  }
0xaa: {  	s5 =	sor.u32 @p0 s6, s5  }
0xab: {  	[sflag:s5] =	ssyncadd.remote.s32 @p0 $0x1;
	_ =	sdelay $0x1  }
0xac: {  	s5 =	simm.s32 @p0 $0x1B8D  }
0xad: {  	_ =	swait.eq @p0 [sflag:s5], $0x1  }
0xae: {  	[sflag:s5] =	ssyncadd.s32 @p0 $0xFFFFFFFF  }
0xaf: {  	s6 =	sshll.u32 @!p0 s1, $0xE  }
0xb0: {  	s6 =	sor.u32 @!p0 $0x4000, s6;
	s5 =	simm.s32 @!p0 $0x1B8D  }
0xb1: {  	s4 =	sshll.u32 @!p0 s4, $0x11;
	s6 =	sadd.s32 @!p0 $0x11B8D, s6;
	_ =	swait.eq @!p0 [sflag:s5], $0x1  }
0xb2: {  	s4 =	sor.u32 @!p0 s4, s6;
	[sflag:s5] =	ssyncadd.s32 @!p0 $0xFFFFFFFF  }
0xb3: {  	s25 =	simm.s32 $0x1B8E;
	s24 =	sld [smem:$0x3FFE];
	[sflag:s4] =	ssyncadd.remote.s32 @!p0 $0x1  }
0xb4: {  	s26 =	simm.s32 $execute0_lowered;
	[smem:$0x3FD2] =	sst s25  }
0xb5: {  	s5 =	sshll.u32 s26, $0x1;
	_ =	strace $0x8000004C;
	[dreg:$0x1] =	wrdreg $0xFFFFFFFF  }
0xb6: {  	s28 =	simm.s32 $_size_execute0_lowered;
	s3 =	sadd.s32 s3, s5;
	[dreg:$0x0] =	wrdreg $0x0  }
0xb7: {  	s5 =	sshll.u32 s28, $0x1;
	[dreg:$0x2] =	wrdreg s3  }
0xb8: {  	[dreg:$0x3] =	wrdreg s5  }
0xb9: {  	[dreg:$0x4] =	wrdreg $0xC0  }
0xba: {  	_ =	task [dreg:s22], $0x5FFFF  }
0xbb: {  	[dreg:$0x1] =	wrdreg $0xFFFFFFFF  }
0xbc: {  	[dreg:$0x0] =	wrdreg $0x60  }
0xbd: {  	[dreg:$0x2] =	wrdreg s24  }
0xbe: {  	[dreg:$0x3] =	wrdreg $0xB  }
0xbf: {  	_ =	task.clear_ibuf [dreg:s22], $0x4FFFF;
	_ =	strace $0x9000004C  }
0xc0: {  	s29 =	simm.s32 $0xB;
	_ =	strace $0x8000004E  }
0xc1: {  	_ =	swait.ge [sflag:s29], $0x1  }
0xc2: {  	[sflag:s29] =	ssyncadd.s32 $0xFFFFFFFF  }
0xc3: {  	_ =	strace $0x9000004E  }
0xc4: {  	_ =	sfence  }
0xc5: {  	s30 =	sld [smem:$0x0];
	_ =	sdelay $0x2  }
0xc6: {  	s31 =	sshll.u32 s1, $0xD;
	s1 =	sshrl.u32 s1, $0x2  }
0xc7: {  	s4 =	sand.u32 $0x4000, s31;
	s1 =	sadd.s32 s1, s30  }
0xc8: {  	s0 =	sor.u32 s4, s0;
	s1 =	sshll.u32 s1, $0x11  }
0xc9: {  	s0 =	sor.u32 s1, s0  }
0xca: {  	s0 =	sadd.s32 $0x8F2B, s0  }
0xcb: {  	[sflag:s0] =	ssyncadd.remote.s32 $0x1  }
0xcc: {  	_ =	sfence.sel $0xFFFF  }
0xcd: {  	[dreg:$0x0] =	wrdreg $0xFFFFFFFF;
	(pc) =	sbr.abs _section_cstart, $3  }
0xce: {  	[dreg:$0x1] =	wrdreg $0xFFFFFFFF  }
0xcf: {  	_ =	task.clear_ibuf [dreg:s22], $0x2FFFF;
	_ =	strace $0x9FFFFFFF  }
0xd0: {  	(tm) =	ssettm $0x7FFFFFFF  }
0xd1: {  	_ =	shalt  }
tec
execute0_lowered:
.L_overlay_start_1:
0x0: {  	(tag) =	ssettag $0x1  }
0x1: {  	s0 =	srdreg.scid;
	s4 =	stileid.u32  }
0x2: {  	s1 =	rddreg [dreg:$0x0];
	s2 =	simm.s32 $0x0;
	s15 =	simm.s32 $0x1  }
0x3: {  	s16 =	simm.s32 $0x100;
	s13 =	simm.s32 $0x3;
	s17 =	simm.s32 $0x2  }
0x4: {  	s18 =	simm.s32 $0x8D00;
	s28 =	simm.s32 $0xCD00;
	s29 =	simm.s32 $0xD500  }
0x5: {  	s30 =	simm.s32 $0xDD00;
	s31 =	simm.s32 $0xE100;
	s19 =	simm.s32 $0x4  }
0x6: {  	s20 =	simm.s32 $0x5;
	s0 =	sand.u32 $0x1, s0;
	s3 =	sshll.u32 s4, $0x1  }
0x7: {  	[smem:$0x7FF] =	sst s2;
	s5 =	smul.u32 $0xC80, s4;
	s12 =	sadd.s32 $0x59DA00, s1  }
0x8: {  	s4 =	sadd.s32 $0x8A00, s1;
	s9 =	sadd.s32 $0xB18E00, s1;
	s8 =	sadd.s32 $0x8D00, s1  }
0x9: {  	s3 =	sor.u32 s0, s3;
	s6 =	smul.u32 $0x640, s0;
	s0 =	ssub.s32 $0x2, s0  }
0xa: {  	_ =	strace $0x8000004D;
	[dreg:$0x2] =	wrdreg s12;
	s7 =	sshrl.u32 s0, $0x1  }
0xb: {  	s3 =	smul.u32 $0x640, s3;
	s5 =	sadd.s32 s6, s5;
	s0 =	ssub.s32 s0, s7  }
0xc: {  	s6 =	sadd.s32 $0x8B00, s1;
	s7 =	sadd.s32 $0x8C00, s1;
	s1 =	simm.s32 $0xE900  }
0xd: {  	s3 =	sshrl.u32 s3, $0x3;
	s21 =	sor.u32 $0x28, s5;
	s23 =	sshrl.u32 s5, $0x3  }
0xe: {  	s24 =	sadd.s32 $0x78, s5;
	s0 =	smax.u32 s0, $0x1;
	s26 =	sadd.s32 $0x50, s5  }
0xf: {  	s5 =	simm.s32 $0xFD00;
	s10 =	sadd.s32 s12, s3;
	s3 =	sshrl.u32 s21, $0x3  }
0x10: {  	[dreg:$0x5] =	wrdreg s0;
	s25 =	sshrl.u32 s24, $0x3;
	s22 =	smul.u32 $0x380, s3  }
0x11: {  	[dreg:$0x7] =	wrdreg s26;
	s26 =	simm.s32 $0xC500;
	s3 =	smul.u32 $0x380, s23  }
.Ltmp0:
0x12: {  	[dreg:$0x3] =	wrdreg s10;
	s10 =	sadd.s32 $0x5, s10;
	(pc) =	sbr.rel .LBB2_1-.Ltmp0, $4  }
0x13: {  	s0 =	sadd.s32 s25, s12;
	s25 =	simm.s32 $0x9500;
	[dreg:$0x4] =	wrdreg s10  }
0x14: {  	v2 =	vlaneseq.u32;
	s12 =	simm.s32 $0x10D00;
	s23 =	simm.s32 $0x0;
	[dreg:$0x6] =	wrdreg s0  }
0x15: {  	vm0 =	vmmov $0xffff;
	vm1 =	vmmov $0xff;
	v1 =	vshrl.u32 v2, $0x3;
	s0 =	simm.s32 $0xF100;
	s10 =	simm.s32 $0x10500;
	s11 =	sadd.s32 s22, s9  }
0x16: {  	v0 =	vand.u32 $0x7, v2;
	v2 =	vor.u32 $0x8, v2;
	v1 =	vmul.u32 $0x8, v1;
	s14 =	sadd.s32 s3, s9;
	s9 =	simm.s32 $0xF900;
	s3 =	simm.s32 $0x11500  }
.LBB2_6:
0x17: {  	_ =	swait.ge [sflag:s20], $0x8C00  }
0x18: {  	[sflag:s20] =	ssyncset.done $0x0  }
0x19: {  	s22 =	simm.s32 $0x6;
	[sflag:s20] =	ssyncadd.s32 $0xFFFF7400  }
0x1a: {  	_ =	swait.ge [sflag:s22], $0x8C00  }
0x1b: {  	s23 =	rddreg [dreg:$0x8]  }
0x1c: {  	s21 =	rddreg [dreg:$0x5];
	s23 =	sadd.s32 $0x1, s23  }
0x1d: {  	p0 =	sne.s32 s23, s21  }
.Ltmp1:
0x1e: {  	_ = 	snop;
	(pc) =	sbr.rel @!p0 .LBB2_7-.Ltmp1, $3  }
0x1f: {  	_ =	sdelay $0x1  }
0x20: {  	[sflag:s22] =	ssyncset.done $0x0  }
0x21: {  	[sflag:s22] =	ssyncadd.s32 $0xFFFF7400  }
.LBB2_1:
0x22: {  	[dreg:$0x8] =	wrdreg s23  }
0x23: {  	s21 =	rddreg [dreg:$0x3]  }
0x24: {  	[tilespmem:s2], [sflag:$0x1] =	stream.linear.gather [hbm4b:s21+s2], $0x28, $0x38;
	[tilespmem:$0x11900] =	vst v63  }
0x25: {  	_ =	swait.ge [sflag:s15], $0x28  }
0x26: {  	[sflag:s15] =	ssyncset.done $0x0  }
0x27: {  	[sflag:s15] =	ssyncadd.s32 $0xFFFFFFD8  }
0x28: {  	v3 =	vld [tilespmem:$0x0];
	_ =	sdelay $0x4  }
0x29: {  	v4 =	vshrl.u32 v3, $0x3  }
0x2a: {  	v4 =	vmul.u32 $0x38, v4  }
0x2b: {  	v3 =	vand.u32 $0x7, v3  }
0x2c: {  	v3 =	vor.u32 v3, v4  }
0x2d: {  	v4 =	vperm.xlane v3, v0;
	_ =	sdelay $0x1  }
0x2e: {  	v4 =	vadd.s32 v1, v4;
	_ =	sdelay $0x4  }
0x2f: {  	[tilespmem:s16], [sflag:$0x3] =	stream.indirect_vreg.gather [hbm4b:s4+s2], $0x80, v4, vm0, $0xb8;
	[tilespmem:$0x11900] =	vst v63  }
0x30: {  	s23 =	simm.s32 $0x900;
	v3 =	vperm.xlane v3, v2  }
0x31: {  	[tilespmem:s23], [sflag:$0x3] =	stream.indirect_vreg.gather [hbm4b:s6+s2], $0x80, v4, vm0, $0xb8;
	[tilespmem:$0x11900] =	vst v63  }
0x32: {  	s24 =	simm.s32 $0x1100;
	v3 =	vadd.s32 v1, v3  }
0x33: {  	[tilespmem:s24], [sflag:$0x3] =	stream.indirect_vreg.gather [hbm4b:s7+s2], $0x80, v4, vm0, $0xb8;
	[tilespmem:$0x11900] =	vst v63  }
0x34: {  	s22 =	simm.s32 $0x1900  }
0x35: {  	[tilespmem:s22], [sflag:$0x3] =	stream.indirect_vreg.gather [hbm4b:s8+s2], $0x80, v4, vm1, $0xb8;
	[tilespmem:$0x11900] =	vst v63  }
0x36: {  	s23 =	simm.s32 $0x1D00  }
0x37: {  	[tilespmem:s23], [sflag:$0x3] =	stream.indirect_vreg.gather [hbm4b:s4+s2], $0x80, v3, vm0, $0xb8;
	[tilespmem:$0x11900] =	vst v63  }
0x38: {  	s24 =	simm.s32 $0x2500  }
0x39: {  	[tilespmem:s24], [sflag:$0x3] =	stream.indirect_vreg.gather [hbm4b:s6+s2], $0x80, v3, vm0, $0xb8;
	[tilespmem:$0x11900] =	vst v63  }
0x3a: {  	s22 =	simm.s32 $0x2D00  }
0x3b: {  	[tilespmem:s22], [sflag:$0x3] =	stream.indirect_vreg.gather [hbm4b:s7+s2], $0x80, v3, vm0, $0xb8;
	[tilespmem:$0x11900] =	vst v63  }
0x3c: {  	s23 =	simm.s32 $0x3500  }
0x3d: {  	[tilespmem:s23], [sflag:$0x3] =	stream.indirect_vreg.gather [hbm4b:s8+s2], $0x80, v3, vm1, $0xb8;
	[tilespmem:$0x11900] =	vst v63  }
0x3e: {  	v3 =	vld [tilespmem:$0x10];
	_ =	sdelay $0x4  }
0x3f: {  	v62 =	vshrl.u32 v3, $0x3  }
0x40: {  	v4 =	vmul.u32 $0x38, v62  }
0x41: {  	v3 =	vand.u32 $0x7, v3  }
0x42: {  	v3 =	vor.u32 v3, v4  }
0x43: {  	v4 =	vperm.xlane v3, v0;
	_ =	sdelay $0x1  }
0x44: {  	v4 =	vadd.s32 v1, v4;
	_ =	sdelay $0x3  }
0x45: {  	s24 =	simm.s32 $0x3900  }
0x46: {  	[tilespmem:s24], [sflag:$0x3] =	stream.indirect_vreg.gather [hbm4b:s4+s2], $0x80, v4, vm0, $0xb8;
	[tilespmem:$0x11900] =	vst v63  }
0x47: {  	s22 =	simm.s32 $0x4100;
	v3 =	vperm.xlane v3, v2  }
0x48: {  	[tilespmem:s22], [sflag:$0x3] =	stream.indirect_vreg.gather [hbm4b:s6+s2], $0x80, v4, vm0, $0xb8;
	[tilespmem:$0x11900] =	vst v63  }
0x49: {  	s23 =	simm.s32 $0x4900;
	v3 =	vadd.s32 v1, v3  }
0x4a: {  	[tilespmem:s23], [sflag:$0x3] =	stream.indirect_vreg.gather [hbm4b:s7+s2], $0x80, v4, vm0, $0xb8;
	[tilespmem:$0x11900] =	vst v63  }
0x4b: {  	s24 =	simm.s32 $0x5100  }
0x4c: {  	[tilespmem:s24], [sflag:$0x3] =	stream.indirect_vreg.gather [hbm4b:s8+s2], $0x80, v4, vm1, $0xb8;
	[tilespmem:$0x11900] =	vst v63  }
0x4d: {  	s22 =	simm.s32 $0x5500  }
0x4e: {  	[tilespmem:s22], [sflag:$0x3] =	stream.indirect_vreg.gather [hbm4b:s4+s2], $0x80, v3, vm0, $0xb8;
	[tilespmem:$0x11900] =	vst v63  }
0x4f: {  	s23 =	simm.s32 $0x5D00  }
0x50: {  	[tilespmem:s23], [sflag:$0x3] =	stream.indirect_vreg.gather [hbm4b:s6+s2], $0x80, v3, vm0, $0xb8;
	[tilespmem:$0x11900] =	vst v63  }
0x51: {  	s24 =	simm.s32 $0x6500  }
0x52: {  	[tilespmem:s24], [sflag:$0x3] =	stream.indirect_vreg.gather [hbm4b:s7+s2], $0x80, v3, vm0, $0xb8;
	[tilespmem:$0x11900] =	vst v63  }
0x53: {  	s22 =	simm.s32 $0x6D00  }
0x54: {  	[tilespmem:s22], [sflag:$0x3] =	stream.indirect_vreg.gather [hbm4b:s8+s2], $0x80, v3, vm1, $0xb8;
	[tilespmem:$0x11900] =	vst v63  }
0x55: {  	v3 =	vld.msk [tilespmem:$0x20], $0xff;
	_ =	sdelay $0x4  }
0x56: {  	v63 =	vshrl.u32 v3, $0x3  }
0x57: {  	v4 =	vmul.u32 $0x38, v63  }
0x58: {  	v3 =	vand.u32 $0x7, v3  }
0x59: {  	v3 =	vor.u32 v3, v4  }
0x5a: {  	v3 =	vperm.xlane v3, v0;
	_ =	sdelay $0x1  }
0x5b: {  	v3 =	vadd.s32 v1, v3;
	_ =	sdelay $0x3  }
0x5c: {  	s23 =	simm.s32 $0x7100  }
0x5d: {  	[tilespmem:s23], [sflag:$0x3] =	stream.indirect_vreg.gather [hbm4b:s4+s2], $0x80, v3, vm0, $0xb8;
	[tilespmem:$0x11900] =	vst v63  }
0x5e: {  	s24 =	simm.s32 $0x7900  }
0x5f: {  	[tilespmem:s24], [sflag:$0x3] =	stream.indirect_vreg.gather [hbm4b:s6+s2], $0x80, v3, vm0, $0xb8;
	[tilespmem:$0x11900] =	vst v63  }
0x60: {  	s22 =	simm.s32 $0x8100  }
0x61: {  	[tilespmem:s22], [sflag:$0x3] =	stream.indirect_vreg.gather [hbm4b:s7+s2], $0x80, v3, vm0, $0xb8;
	[tilespmem:$0x11900] =	vst v63  }
.Ltmp2:
0x62: {  	s21 =	rddreg [dreg:$0x7];
	s23 =	simm.s32 $0x8900;
	(pc) =	sbr.rel .LBB2_2-.Ltmp2, $4  }
0x63: {  	[tilespmem:s23], [sflag:$0x3] =	stream.indirect_vreg.gather [hbm4b:s8+s2], $0x80, v3, vm1, $0xb8;
	[tilespmem:$0x11900] =	vst v63  }
0x64: {  	s24 =	rddreg [dreg:$0x4];
	s22 =	simm.s32 $0x80  }
0x65: {  	[tilespmem:s22], [sflag:$0x2] =	stream.linear.gather [hbm4b:s24+s2], $0x28, $0x38;
	[tilespmem:$0x11900] =	vst v63  }
0x66: {  	s23 =	simm.s32 $0x0;
	s22 =	rddreg [dreg:$0x6]  }
.LBB2_4:
0x67: {  	_ =	swait.ge [sflag:s19], $0x8C00  }
0x68: {  	[sflag:s19] =	ssyncset.done $0x0  }
0x69: {  	[sflag:s19] =	ssyncadd.s32 $0xFFFF7400  }
.LBB2_5:
0x6a: {  	s24 =	sadd.s32 s23, s11;
	s23 =	sadd.s32 $0x2300, s23  }
0x6b: {  	p0 =	sne.s32 s23, $0x2BC00  }
.Ltmp3:
0x6c: {  	_ = 	snop;
	(pc) =	sbr.rel @!p0 .LBB2_6-.Ltmp3, $3  }
0x6d: {  	_ =	sdelay $0x1  }
0x6e: {  	s22 =	sadd.s32 $0xA, s22;
	s21 =	sadd.s32 $0x50, s21  }
0x6f: {  	[hbm4b:s24+s2] =	stream.linear.scatter [tilespmem:s18], [sflag:$0x6], $0x8C00, $0x38;
	[tilespmem:$0x11900] =	vst v63  }
.LBB2_2:
0x70: {  	_ =	swait.ge [sflag:s13], $0x8C00  }
0x71: {  	[sflag:s13] =	ssyncset.done $0x0  }
0x72: {  	[sflag:s13] =	ssyncadd.s32 $0xFFFF7400  }
0x73: {  	_ =	swait.ge [sflag:s17], $0x28  }
0x74: {  	p0 =	seq.s32 s23, $0x0;
	[sflag:s17] =	ssyncset.done $0x0  }
0x75: {  	s24 =	simm.s32 @!p0 $0x6;
	[sflag:s17] =	ssyncadd.s32 $0xFFFFFFD8  }
0x76: {  	_ =	swait.ge @!p0 [sflag:s24], $0x8C00  }
0x77: {  	[sflag:s24] =	ssyncset.done @!p0 $0x0  }
0x78: {  	[sflag:s24] =	ssyncadd.s32 @!p0 $0xFFFF7400  }
0x79: {  	v3 =	vld [tilespmem:$0x80];
	_ =	sdelay $0x4  }
0x7a: {  	v4 =	vshrl.u32 v3, $0x3  }
0x7b: {  	v4 =	vmul.u32 $0x38, v4  }
0x7c: {  	v3 =	vand.u32 $0x7, v3  }
0x7d: {  	v3 =	vor.u32 v3, v4  }
0x7e: {  	v4 =	vperm.xlane v3, v0;
	_ =	sdelay $0x1  }
0x7f: {  	v4 =	vadd.s32 v1, v4;
	_ =	sdelay $0x4  }
0x80: {  	[tilespmem:s18], [sflag:$0x4] =	stream.indirect_vreg.gather [hbm4b:s4+s2], $0x80, v4, vm0, $0xb8;
	[tilespmem:$0x11900] =	vst v63  }
0x81: {  	v3 =	vperm.xlane v3, v2  }
0x82: {  	[tilespmem:s25], [sflag:$0x4] =	stream.indirect_vreg.gather [hbm4b:s6+s2], $0x80, v4, vm0, $0xb8;
	[tilespmem:$0x11900] =	vst v63  }
0x83: {  	s24 =	simm.s32 $0x9D00;
	v3 =	vadd.s32 v1, v3  }
0x84: {  	[tilespmem:s24], [sflag:$0x4] =	stream.indirect_vreg.gather [hbm4b:s7+s2], $0x80, v4, vm0, $0xb8;
	[tilespmem:$0x11900] =	vst v63  }
0x85: {  	s24 =	simm.s32 $0xA500  }
0x86: {  	[tilespmem:s24], [sflag:$0x4] =	stream.indirect_vreg.gather [hbm4b:s8+s2], $0x80, v4, vm1, $0xb8;
	[tilespmem:$0x11900] =	vst v63  }
0x87: {  	s24 =	simm.s32 $0xA900  }
0x88: {  	[tilespmem:s24], [sflag:$0x4] =	stream.indirect_vreg.gather [hbm4b:s4+s2], $0x80, v3, vm0, $0xb8;
	[tilespmem:$0x11900] =	vst v63  }
0x89: {  	s24 =	simm.s32 $0xB100  }
0x8a: {  	[tilespmem:s24], [sflag:$0x4] =	stream.indirect_vreg.gather [hbm4b:s6+s2], $0x80, v3, vm0, $0xb8;
	[tilespmem:$0x11900] =	vst v63  }
0x8b: {  	s24 =	simm.s32 $0xB900  }
0x8c: {  	[tilespmem:s24], [sflag:$0x4] =	stream.indirect_vreg.gather [hbm4b:s7+s2], $0x80, v3, vm0, $0xb8;
	[tilespmem:$0x11900] =	vst v63  }
0x8d: {  	s24 =	simm.s32 $0xC100  }
0x8e: {  	[tilespmem:s24], [sflag:$0x4] =	stream.indirect_vreg.gather [hbm4b:s8+s2], $0x80, v3, vm1, $0xb8;
	[tilespmem:$0x11900] =	vst v63  }
0x8f: {  	v3 =	vld [tilespmem:$0x90];
	_ =	sdelay $0x4  }
0x90: {  	v62 =	vshrl.u32 v3, $0x3  }
0x91: {  	v4 =	vmul.u32 $0x38, v62  }
0x92: {  	v3 =	vand.u32 $0x7, v3  }
0x93: {  	v3 =	vor.u32 v3, v4  }
0x94: {  	v4 =	vperm.xlane v3, v0;
	_ =	sdelay $0x1  }
0x95: {  	v4 =	vadd.s32 v1, v4;
	_ =	sdelay $0x4  }
0x96: {  	[tilespmem:s26], [sflag:$0x4] =	stream.indirect_vreg.gather [hbm4b:s4+s2], $0x80, v4, vm0, $0xb8;
	[tilespmem:$0x11900] =	vst v63  }
0x97: {  	v3 =	vperm.xlane v3, v2  }
0x98: {  	[tilespmem:s28], [sflag:$0x4] =	stream.indirect_vreg.gather [hbm4b:s6+s2], $0x80, v4, vm0, $0xb8;
	[tilespmem:$0x11900] =	vst v63  }
0x99: {  	v3 =	vadd.s32 v1, v3  }
0x9a: {  	[tilespmem:s29], [sflag:$0x4] =	stream.indirect_vreg.gather [hbm4b:s7+s2], $0x80, v4, vm0, $0xb8;
	[tilespmem:$0x11900] =	vst v63  }
0x9b: {  	_ = 	snop  }
0x9c: {  	[tilespmem:s30], [sflag:$0x4] =	stream.indirect_vreg.gather [hbm4b:s8+s2], $0x80, v4, vm1, $0xb8;
	[tilespmem:$0x11900] =	vst v63  }
0x9d: {  	_ = 	snop  }
0x9e: {  	[tilespmem:s31], [sflag:$0x4] =	stream.indirect_vreg.gather [hbm4b:s4+s2], $0x80, v3, vm0, $0xb8;
	[tilespmem:$0x11900] =	vst v63  }
0x9f: {  	_ = 	snop  }
0xa0: {  	[tilespmem:s1], [sflag:$0x4] =	stream.indirect_vreg.gather [hbm4b:s6+s2], $0x80, v3, vm0, $0xb8;
	[tilespmem:$0x11900] =	vst v63  }
0xa1: {  	_ = 	snop  }
0xa2: {  	[tilespmem:s0], [sflag:$0x4] =	stream.indirect_vreg.gather [hbm4b:s7+s2], $0x80, v3, vm0, $0xb8;
	[tilespmem:$0x11900] =	vst v63  }
0xa3: {  	_ = 	snop  }
0xa4: {  	[tilespmem:s9], [sflag:$0x4] =	stream.indirect_vreg.gather [hbm4b:s8+s2], $0x80, v3, vm1, $0xb8;
	[tilespmem:$0x11900] =	vst v63  }
0xa5: {  	v3 =	vld.msk [tilespmem:$0xA0], $0xff;
	_ =	sdelay $0x4  }
0xa6: {  	v63 =	vshrl.u32 v3, $0x3  }
0xa7: {  	v4 =	vmul.u32 $0x38, v63  }
0xa8: {  	v3 =	vand.u32 $0x7, v3  }
0xa9: {  	v3 =	vor.u32 v3, v4  }
0xaa: {  	v3 =	vperm.xlane v3, v0;
	_ =	sdelay $0x1  }
0xab: {  	v3 =	vadd.s32 v1, v3;
	_ =	sdelay $0x4  }
0xac: {  	[tilespmem:s5], [sflag:$0x4] =	stream.indirect_vreg.gather [hbm4b:s4+s2], $0x80, v3, vm0, $0xb8;
	[tilespmem:$0x11900] =	vst v63  }
0xad: {  	_ = 	snop  }
0xae: {  	[tilespmem:s10], [sflag:$0x4] =	stream.indirect_vreg.gather [hbm4b:s6+s2], $0x80, v3, vm0, $0xb8;
	[tilespmem:$0x11900] =	vst v63  }
0xaf: {  	p0 =	seq.s32 s23, $0x29900  }
0xb0: {  	[tilespmem:s12], [sflag:$0x4] =	stream.indirect_vreg.gather [hbm4b:s7+s2], $0x80, v3, vm0, $0xb8;
	[tilespmem:$0x11900] =	vst v63  }
.Ltmp4:
0xb1: {  	_ = 	snop;
	(pc) =	sbr.rel @p0 .LBB2_4-.Ltmp4, $4  }
0xb2: {  	_ = 	snop  }
0xb3: {  	[tilespmem:s3], [sflag:$0x4] =	stream.indirect_vreg.gather [hbm4b:s8+s2], $0x80, v3, vm1, $0xb8;
	[tilespmem:$0x11900] =	vst v63  }
0xb4: {  	s24 =	sadd.s32 s23, s14  }
0xb5: {  	[hbm4b:s24+s2] =	stream.linear.scatter [tilespmem:s16], [sflag:$0x5], $0x8C00, $0x38;
	[tilespmem:$0x11900] =	vst v63  }
0xb6: {  	s24 =	sshrl.u32 s21, $0x3;
	s25 =	rddreg [dreg:$0x2]  }
0xb7: {  	s24 =	sadd.s32 s25, s24  }
0xb8: {  	[tilespmem:s2], [sflag:$0x1] =	stream.linear.gather [hbm4b:s24+s2], $0x28, $0x38;
	[tilespmem:$0x11900] =	vst v63  }
0xb9: {  	_ =	swait.ge [sflag:s19], $0x8C00  }
0xba: {  	[sflag:s19] =	ssyncset.done $0x0  }
0xbb: {  	[sflag:s19] =	ssyncadd.s32 $0xFFFF7400  }
0xbc: {  	_ =	swait.ge [sflag:s15], $0x28  }
0xbd: {  	[sflag:s15] =	ssyncset.done $0x0  }
0xbe: {  	[sflag:s15] =	ssyncadd.s32 $0xFFFFFFD8  }
0xbf: {  	_ =	swait.ge [sflag:s20], $0x8C00  }
0xc0: {  	[sflag:s20] =	ssyncset.done $0x0  }
0xc1: {  	[sflag:s20] =	ssyncadd.s32 $0xFFFF7400  }
0xc2: {  	v3 =	vld [tilespmem:$0x0];
	_ =	sdelay $0x4  }
0xc3: {  	v4 =	vshrl.u32 v3, $0x3  }
0xc4: {  	v4 =	vmul.u32 $0x38, v4  }
0xc5: {  	v3 =	vand.u32 $0x7, v3  }
0xc6: {  	v3 =	vor.u32 v3, v4  }
0xc7: {  	v4 =	vperm.xlane v3, v0;
	_ =	sdelay $0x1  }
0xc8: {  	v4 =	vadd.s32 v1, v4;
	_ =	sdelay $0x4  }
0xc9: {  	[tilespmem:s16], [sflag:$0x3] =	stream.indirect_vreg.gather [hbm4b:s4+s2], $0x80, v4, vm0, $0xb8;
	[tilespmem:$0x11900] =	vst v63  }
0xca: {  	s24 =	simm.s32 $0x900;
	v3 =	vperm.xlane v3, v2  }
0xcb: {  	[tilespmem:s24], [sflag:$0x3] =	stream.indirect_vreg.gather [hbm4b:s6+s2], $0x80, v4, vm0, $0xb8;
	[tilespmem:$0x11900] =	vst v63  }
0xcc: {  	v3 =	vadd.s32 v1, v3;
	s24 =	simm.s32 $0x1100  }
0xcd: {  	[tilespmem:s24], [sflag:$0x3] =	stream.indirect_vreg.gather [hbm4b:s7+s2], $0x80, v4, vm0, $0xb8;
	[tilespmem:$0x11900] =	vst v63  }
0xce: {  	s24 =	simm.s32 $0x1900  }
0xcf: {  	[tilespmem:s24], [sflag:$0x3] =	stream.indirect_vreg.gather [hbm4b:s8+s2], $0x80, v4, vm1, $0xb8;
	[tilespmem:$0x11900] =	vst v63  }
0xd0: {  	s24 =	simm.s32 $0x1D00  }
0xd1: {  	[tilespmem:s24], [sflag:$0x3] =	stream.indirect_vreg.gather [hbm4b:s4+s2], $0x80, v3, vm0, $0xb8;
	[tilespmem:$0x11900] =	vst v63  }
0xd2: {  	s24 =	simm.s32 $0x2500  }
0xd3: {  	[tilespmem:s24], [sflag:$0x3] =	stream.indirect_vreg.gather [hbm4b:s6+s2], $0x80, v3, vm0, $0xb8;
	[tilespmem:$0x11900] =	vst v63  }
0xd4: {  	s24 =	simm.s32 $0x2D00  }
0xd5: {  	[tilespmem:s24], [sflag:$0x3] =	stream.indirect_vreg.gather [hbm4b:s7+s2], $0x80, v3, vm0, $0xb8;
	[tilespmem:$0x11900] =	vst v63  }
0xd6: {  	s24 =	simm.s32 $0x3500  }
0xd7: {  	[tilespmem:s24], [sflag:$0x3] =	stream.indirect_vreg.gather [hbm4b:s8+s2], $0x80, v3, vm1, $0xb8;
	[tilespmem:$0x11900] =	vst v63  }
0xd8: {  	v3 =	vld [tilespmem:$0x10];
	_ =	sdelay $0x4  }
0xd9: {  	v62 =	vshrl.u32 v3, $0x3  }
0xda: {  	v4 =	vmul.u32 $0x38, v62  }
0xdb: {  	v3 =	vand.u32 $0x7, v3  }
0xdc: {  	v3 =	vor.u32 v3, v4  }
0xdd: {  	v4 =	vperm.xlane v3, v0;
	_ =	sdelay $0x1  }
0xde: {  	v4 =	vadd.s32 v1, v4;
	_ =	sdelay $0x3  }
0xdf: {  	s24 =	simm.s32 $0x3900  }
0xe0: {  	[tilespmem:s24], [sflag:$0x3] =	stream.indirect_vreg.gather [hbm4b:s4+s2], $0x80, v4, vm0, $0xb8;
	[tilespmem:$0x11900] =	vst v63  }
0xe1: {  	v3 =	vperm.xlane v3, v2;
	s24 =	simm.s32 $0x4100  }
0xe2: {  	[tilespmem:s24], [sflag:$0x3] =	stream.indirect_vreg.gather [hbm4b:s6+s2], $0x80, v4, vm0, $0xb8;
	[tilespmem:$0x11900] =	vst v63  }
0xe3: {  	v3 =	vadd.s32 v1, v3;
	s24 =	simm.s32 $0x4900  }
0xe4: {  	[tilespmem:s24], [sflag:$0x3] =	stream.indirect_vreg.gather [hbm4b:s7+s2], $0x80, v4, vm0, $0xb8;
	[tilespmem:$0x11900] =	vst v63  }
0xe5: {  	s24 =	simm.s32 $0x5100  }
0xe6: {  	[tilespmem:s24], [sflag:$0x3] =	stream.indirect_vreg.gather [hbm4b:s8+s2], $0x80, v4, vm1, $0xb8;
	[tilespmem:$0x11900] =	vst v63  }
0xe7: {  	s24 =	simm.s32 $0x5500  }
0xe8: {  	[tilespmem:s24], [sflag:$0x3] =	stream.indirect_vreg.gather [hbm4b:s4+s2], $0x80, v3, vm0, $0xb8;
	[tilespmem:$0x11900] =	vst v63  }
0xe9: {  	s24 =	simm.s32 $0x5D00  }
0xea: {  	[tilespmem:s24], [sflag:$0x3] =	stream.indirect_vreg.gather [hbm4b:s6+s2], $0x80, v3, vm0, $0xb8;
	[tilespmem:$0x11900] =	vst v63  }
0xeb: {  	s24 =	simm.s32 $0x6500  }
0xec: {  	[tilespmem:s24], [sflag:$0x3] =	stream.indirect_vreg.gather [hbm4b:s7+s2], $0x80, v3, vm0, $0xb8;
	[tilespmem:$0x11900] =	vst v63  }
0xed: {  	s24 =	simm.s32 $0x6D00  }
0xee: {  	[tilespmem:s24], [sflag:$0x3] =	stream.indirect_vreg.gather [hbm4b:s8+s2], $0x80, v3, vm1, $0xb8;
	[tilespmem:$0x11900] =	vst v63  }
0xef: {  	v3 =	vld.msk [tilespmem:$0x20], $0xff;
	_ =	sdelay $0x4  }
0xf0: {  	v63 =	vshrl.u32 v3, $0x3  }
0xf1: {  	v4 =	vmul.u32 $0x38, v63  }
0xf2: {  	v3 =	vand.u32 $0x7, v3  }
0xf3: {  	v3 =	vor.u32 v3, v4  }
0xf4: {  	v3 =	vperm.xlane v3, v0;
	_ =	sdelay $0x1  }
0xf5: {  	v3 =	vadd.s32 v1, v3;
	_ =	sdelay $0x3  }
0xf6: {  	s24 =	simm.s32 $0x7100  }
0xf7: {  	[tilespmem:s24], [sflag:$0x3] =	stream.indirect_vreg.gather [hbm4b:s4+s2], $0x80, v3, vm0, $0xb8;
	[tilespmem:$0x11900] =	vst v63  }
0xf8: {  	s24 =	simm.s32 $0x7900  }
0xf9: {  	[tilespmem:s24], [sflag:$0x3] =	stream.indirect_vreg.gather [hbm4b:s6+s2], $0x80, v3, vm0, $0xb8;
	[tilespmem:$0x11900] =	vst v63  }
0xfa: {  	s24 =	simm.s32 $0x8100  }
0xfb: {  	[tilespmem:s24], [sflag:$0x3] =	stream.indirect_vreg.gather [hbm4b:s7+s2], $0x80, v3, vm0, $0xb8;
	[tilespmem:$0x11900] =	vst v63  }
.Ltmp5:
0xfc: {  	_ = 	snop;
	(pc) =	sbr.rel .LBB2_5-.Ltmp5, $4  }
0xfd: {  	s24 =	simm.s32 $0x8900  }
0xfe: {  	[tilespmem:s24], [sflag:$0x3] =	stream.indirect_vreg.gather [hbm4b:s8+s2], $0x80, v3, vm1, $0xb8;
	[tilespmem:$0x11900] =	vst v63  }
0xff: {  	s25 =	simm.s32 $0x9500;
	s24 =	simm.s32 $0x80  }
0x100: {  	[tilespmem:s24], [sflag:$0x2] =	stream.linear.gather [hbm4b:s22+s2], $0x28, $0x38;
	[tilespmem:$0x11900] =	vst v63  }
.LBB2_7:
0x101: {  	_ =	sfence.sel $0x180000  }
0x102: {  	[bflag:$0x0] =	sbarrier.arrive $0xFFFF  }
0x103: {  	_ =	strace $0x9000004D  }
0x104: {  	s0 =	stileid.u32;
	[bflag:$0x2] =	sbarrier.arrive $0xFFFF  }
0x105: {  	p0 =	sne.s32 s0, $0x0;
	s0 =	rddreg [dreg:$0x1]  }
0x106: {  	s0 =	sadd.s32 @!p0 $0x100000, s0  }
0x107: {  	[sflag:s0] =	ssyncadd.tile.s32 @!p0 $0x1;
	_ =	shalt  }
.Lfunc_end2:
_tile_overlayer_lowered:
.L_overlay_start_2:
0x108: {  	(tag) =	ssettag $0x2  }
0x109: {  	s0 =	rddreg [dreg:$0x0];
	s2 =	stileid.u32  }
0x10a: {  	s1 =	rddreg [dreg:$0x1];
	p0 =	sne.s32 s2, $0x0  }
0x10b: {  	s3 =	rddreg [dreg:$0x2];
	[bflag:$0x3] =	sbarrier.arrive $0xFFFF;
	s2 =	simm.s32 @!p0 $0x1C07  }
0x10c: {  	[timem:s3], [sflag:s2] =	dma.local @!p0 [hbm:s0], s1  }
0x10d: {  	s0 =	simm.s32 @!p0 $0x7  }
0x10e: {  	_ =	swait.ge @!p0 [sflag:s0], s1  }
0x10f: {  	s1 =	ssub.s32 @!p0 $0x0, s1;
	[sflag:s0] =	ssyncset.done @!p0 $0x0  }
0x110: {  	[sflag:s0] =	ssyncadd.s32 @!p0 s1  }
0x111: {  	[bflag:$0x3] =	sbarrier.arrive $0xFFFF  }
0x112: {  	_ =	shalt  }

// kernel: kernel.19.cloned.1.call-start
scs
__scs_entry_jumppad:
0x0: {  	(pc) =	sbr.rel $0x88, $3  }
0x1: {  	(tag) =	ssettag $0x0;
	lr =	simm.s32 $0x1  }
0x2: {  	[smem:$0x3F9F] =	sst lr;
	_ =	strace $0xD0000000  }
0x3: {  	_ = 	snop  }
0x4: {  	_ = 	snop  }
0x5: {  	_ = 	snop  }
0x6: {  	_ = 	snop  }
0x7: {  	_ = 	snop  }
__scs_overlays_trampoline_lowered:
0x8: {  	[smem:$0x3FAE] =	sst s0  }
0x9: {  	[smem:$0x3FAF] =	sst s1  }
0xa: {  	[smem:$0x3FB0] =	sst s2  }
0xb: {  	[smem:$0x3FB1] =	sst s3  }
0xc: {  	[smem:$0x3FB2] =	sst s4  }
0xd: {  	[smem:$0x3FB3] =	sst s5  }
0xe: {  	[smem:$0x3FB4] =	sst s6  }
0xf: {  	[smem:$0x3FB5] =	sst s7  }
0x10: {  	[smem:$0x3FB6] =	sst s8  }
0x11: {  	[smem:$0x3FB7] =	sst s9;
	s0 =	simm.s32 @!p0 $0x0  }
0x12: {  	s1 =	sld [smem:$0x3F9D];
	s0 =	simm.s32 @p0 $0x1  }
0x13: {  	[smem:$0x3FB8] =	sst s0;
	s0 =	simm.s32 @!p1 $0x0  }
0x14: {  	s2 =	sld [smem:$0x3F9C];
	s0 =	simm.s32 @p1 $0x1  }
0x15: {  	[smem:$0x3FB9] =	sst s0;
	s0 =	simm.s32 @!p2 $0x0  }
0x16: {  	s3 =	sld [smem:$0x3FDB];
	s0 =	simm.s32 @p2 $0x1  }
0x17: {  	s4 =	simm.s32 $0x1BF5;
	[smem:$0x3FBB] =	sst s0  }
0x18: {  	s0 =	sld [smem:$0x3F9E];
	_ =	swait.ge [sflag:s4], $0x0  }
0x19: {  	s7 =	sld [smem:$0x3F9F]  }
0x1a: {  	s8 =	sadd.s32 $0xFFFFE003, lr  }
0x1b: {  	s9 =	sadd.s32 $0xFFFFFEF7, lr;
	s5 =	simm.s32 $0xFFFFFFFF;
	p2 =	slt.u32 s8, $0xFFFFF086  }
0x1c: {  	p1 =	slt.u32 s9, $0xF7A;
	s5 =	simm.s32 @!p2 $0x0  }
0x1d: {  	s5 =	simm.s32 @p1 $0x1;
	p0 =	seq.s32 s7, s2  }
0x1e: {  	s7 =	smul.u32 @!p0 $0xF7A, s2;
	p2 =	seq.s32 @!p0 s5, $0x0  }
0x1f: {  	s9 =	smul.u32 $0xF7A, s1;
	s8 =	simm.s32 @!p0 $0x1BF5;
	p2 =	por !p2, p0  }
0x20: {  	[sflag:s8] =	ssyncset.s32 @!p0 $0xFFFFF086;
	s6 =	sadd.s32 @!p0 s3, s7;
	s7 =	simm.s32 @!p0 $0x108  }
0x21: {  	s3 =	sadd.s32 s3, s9;
	s6 =	sadd.s32 @!p0 $0x88, s6;
	s7 =	simm.s32 @p2 $0x1082  }
0x22: {  	[simem:s7], [sflag:s8] =	dma.local @!p0 [hbm:s6], $0xF7A  }
0x23: {  	s9 =	sor.u32 $0xD0000000, s2;
	s6 =	simm.s32 $0x108;
	_ =	swait.ge @!p0 [sflag:s8], $0x0  }
0x24: {  	s3 =	sadd.s32 $0x88, s3;
	s6 =	simm.s32 @!p1 $0x1082;
	[sflag:s4] =	ssyncset.s32 $0xFFFFF086  }
0x25: {  	[simem:s6], [sflag:s4] =	dma.local [hbm:s3], $0xF7A  }
0x26: {  	[smem:$0x3F9F] =	sst s1;
	(tag) =	ssettag s2;
	_ =	strace s9  }
0x27: {  	s1 =	sld [smem:$0x3FAF]  }
0x28: {  	s2 =	sld [smem:$0x3FB0]  }
0x29: {  	s4 =	sld [smem:$0x3FB2]  }
0x2a: {  	p0 =	seq.s32 s5, $0x0;
	s5 =	sld [smem:$0x3FB3]  }
0x2b: {  	s6 =	sld [smem:$0x3FB4]  }
0x2c: {  	s7 =	sld [smem:$0x3FB5]  }
0x2d: {  	s3 =	simm.s32 $0x108;
	s8 =	sld [smem:$0x3FB6]  }
0x2e: {  	s3 =	simm.s32 @!p0 $0x1082;
	s9 =	sld [smem:$0x3FB7]  }
0x2f: {  	lr =	sadd.s32 s0, s3;
	s0 =	sld [smem:$0x3FAE]  }
0x30: {  	s3 =	sld [smem:$0x3FB1]  }
0x31: {  	[smem:$0x3FBA] =	sst s10  }
0x32: {  	s10 =	sld [smem:$0x3FB8];
	_ =	sdelay $0x3  }
0x33: {  	p0 =	seq.s32 s10, $0x1;
	s10 =	sld [smem:$0x3FBA];
	_ =	sdelay $0x3  }
0x34: {  	[smem:$0x3FBA] =	sst s10  }
0x35: {  	s10 =	sld [smem:$0x3FB9];
	_ =	sdelay $0x3  }
0x36: {  	p1 =	seq.s32 s10, $0x1;
	s10 =	sld [smem:$0x3FBA];
	_ =	sdelay $0x3  }
0x37: {  	[smem:$0x3FBA] =	sst s10  }
0x38: {  	s10 =	sld [smem:$0x3FBB]  }
0x39: {  	_ = 	snop;
	(pc) =	sbr.ind lr, $3  }
0x3a: {  	_ = 	snop  }
0x3b: {  	_ = 	snop  }
0x3c: {  	p2 =	seq.s32 s10, $0x1;
	s10 =	sld [smem:$0x3FBA]  }
0x3d: {  	_ =	shalt  }
0x3e: {  	_ =	shalt  }
0x3f: {  	_ =	shalt  }
0x40: {  	_ =	shalt  }
0x41: {  	_ =	shalt  }
0x42: {  	_ =	shalt  }
0x43: {  	_ =	shalt  }
0x44: {  	_ =	shalt  }
0x45: {  	_ =	shalt  }
0x46: {  	_ =	shalt  }
0x47: {  	_ =	shalt  }
0x48: {  	_ =	shalt  }
0x49: {  	_ =	shalt  }
0x4a: {  	_ =	shalt  }
0x4b: {  	_ =	shalt  }
0x4c: {  	_ =	shalt  }
0x4d: {  	_ =	shalt  }
0x4e: {  	_ =	shalt  }
0x4f: {  	_ =	shalt  }
0x50: {  	_ =	shalt  }
0x51: {  	_ =	shalt  }
0x52: {  	_ =	shalt  }
0x53: {  	_ =	shalt  }
0x54: {  	_ =	shalt  }
0x55: {  	_ =	shalt  }
0x56: {  	_ =	shalt  }
0x57: {  	_ =	shalt  }
0x58: {  	_ =	shalt  }
0x59: {  	_ =	shalt  }
0x5a: {  	_ =	shalt  }
0x5b: {  	_ =	shalt  }
0x5c: {  	_ =	shalt  }
0x5d: {  	_ =	shalt  }
0x5e: {  	_ =	shalt  }
0x5f: {  	_ =	shalt  }
0x60: {  	_ =	shalt  }
0x61: {  	_ =	shalt  }
0x62: {  	_ =	shalt  }
0x63: {  	_ =	shalt  }
0x64: {  	_ =	shalt  }
0x65: {  	_ =	shalt  }
0x66: {  	_ =	shalt  }
0x67: {  	_ =	shalt  }
0x68: {  	_ =	shalt  }
0x69: {  	_ =	shalt  }
0x6a: {  	_ =	shalt  }
0x6b: {  	_ =	shalt  }
0x6c: {  	_ =	shalt  }
0x6d: {  	_ =	shalt  }
0x6e: {  	_ =	shalt  }
0x6f: {  	_ =	shalt  }
0x70: {  	_ =	shalt  }
0x71: {  	_ =	shalt  }
0x72: {  	_ =	shalt  }
0x73: {  	_ =	shalt  }
0x74: {  	_ =	shalt  }
0x75: {  	_ =	shalt  }
0x76: {  	_ =	shalt  }
0x77: {  	_ =	shalt  }
0x78: {  	_ =	shalt  }
0x79: {  	_ =	shalt  }
0x7a: {  	_ =	shalt  }
0x7b: {  	_ =	shalt  }
0x7c: {  	_ =	shalt  }
0x7d: {  	_ =	shalt  }
0x7e: {  	_ =	shalt  }
0x7f: {  	_ =	shalt  }
0x80: {  	_ =	shalt  }
0x81: {  	_ =	shalt  }
0x82: {  	_ =	shalt  }
0x83: {  	_ =	shalt  }
0x84: {  	_ =	shalt  }
0x85: {  	_ =	shalt  }
0x86: {  	_ =	shalt  }
0x87: {  	_ =	shalt  }
.Lfunc_end0:
.L_simem_size_0:
called_computation.3_lowered:
.L_overlay_start_0:
0x88: {  	s2 =	sld [smem:$0x3FD9]  }
0x89: {  	s3 =	sld [smem:$0x3FFE];
	_ =	sdelay $0x1  }
0x8a: {  	s1 =	srdreg.scid  }
0x8b: {  	s0 =	sand.u32 $0x1, s1  }
0x8c: {  	s17 =	sshll.u32 s0, $0xA;
	s2 =	sadd.s32 s3, s2  }
0x8d: {  	s2 =	sadd.s32 s2, s17  }
0x8e: {  	[smem:$0x3FC6] =	sst s2  }
0x8f: {  	_ = 	snop  }
0x90: {  	(tm) =	ssettm $0x1  }
0x91: {  	s18 =	sld [smem:$0x3FFB];
	_ =	sdelay $0x3  }
0x92: {  	_ =	strace s18  }
0x93: {  	s2 =	sld [smem:$0x3FFC];
	_ =	sdelay $0x3  }
0x94: {  	_ =	strace s2  }
0x95: {  	s2 =	sld [smem:$0x3FFD];
	_ =	sdelay $0x3  }
0x96: {  	_ =	strace s2  }
0x97: {  	_ =	strace $0x8FFFFFFF  }
0x98: {  	s19 =	sld [smem:$0x3FDB];
	_ =	sdelay $0x1  }
0x99: {  	s20 =	simm.s32 $_scs_section_size  }
0x9a: {  	s4 =	simm.s32 $_size__tile_overlayer_lowered;
	s5 =	simm.s32 $_tile_overlayer_lowered  }
0x9b: {  	s6 =	simm.s32 $0x1BFF;
	s21 =	sshll.u32 s5, $0x1;
	s3 =	sadd.s32 s20, s19  }
0x9c: {  	s22 =	simm.s32 $0x0;
	s4 =	sshll.u32 s4, $0x1;
	s5 =	sadd.s32 s21, s3  }
0x9d: {  	[timem:s22], [sflag:s6] =	dma.local [hbm:s5], s4  }
0x9e: {  	_ =	swait.ge [sflag:s6], s4  }
0x9f: {  	s4 =	ssub.s32 $0x0, s4;
	[sflag:s6] =	ssyncset.done $0x0  }
0xa0: {  	[sflag:s6] =	ssyncadd.s32 s4;
	_ =	sdelay $0x1  }
0xa1: {  	s23 =	simm.s32 $0x1B8B  }
0xa2: {  	_ =	swait.ge [sflag:s23], $0x1  }
0xa3: {  	[sflag:s23] =	ssyncset.done $0x0  }
0xa4: {  	[sflag:s23] =	ssyncadd.s32 $0xFFFFFFFF  }
0xa5: {  	s4 =	sld [smem:$0x0]  }
0xa6: {  	s5 =	sand.u32 $0xFFFFFFFE, s1  }
0xa7: {  	p0 =	sne.s32 s1, s5  }
0xa8: {  	s5 =	sshll.u32 @p0 s5, $0xE  }
0xa9: {  	s5 =	sadd.s32 @p0 $0x11B8D, s5;
	s6 =	sshll.u32 @p0 s4, $0x11  }
0xaa: {  	s5 =	sor.u32 @p0 s6, s5  }
0xab: {  	[sflag:s5] =	ssyncadd.remote.s32 @p0 $0x1;
	_ =	sdelay $0x1  }
0xac: {  	s5 =	simm.s32 @p0 $0x1B8D  }
0xad: {  	_ =	swait.eq @p0 [sflag:s5], $0x1  }
0xae: {  	[sflag:s5] =	ssyncadd.s32 @p0 $0xFFFFFFFF  }
0xaf: {  	s6 =	sshll.u32 @!p0 s1, $0xE  }
0xb0: {  	s6 =	sor.u32 @!p0 $0x4000, s6;
	s5 =	simm.s32 @!p0 $0x1B8D  }
0xb1: {  	s4 =	sshll.u32 @!p0 s4, $0x11;
	s6 =	sadd.s32 @!p0 $0x11B8D, s6;
	_ =	swait.eq @!p0 [sflag:s5], $0x1  }
0xb2: {  	s4 =	sor.u32 @!p0 s4, s6;
	[sflag:s5] =	ssyncadd.s32 @!p0 $0xFFFFFFFF  }
0xb3: {  	s25 =	simm.s32 $0x1B8E;
	s24 =	sld [smem:$0x3FFE];
	[sflag:s4] =	ssyncadd.remote.s32 @!p0 $0x1  }
0xb4: {  	s26 =	simm.s32 $execute0_lowered;
	[smem:$0x3FD2] =	sst s25  }
0xb5: {  	s5 =	sshll.u32 s26, $0x1;
	_ =	strace $0x8000004F;
	[dreg:$0x1] =	wrdreg $0xFFFFFFFF  }
0xb6: {  	s28 =	simm.s32 $_size_execute0_lowered;
	s3 =	sadd.s32 s3, s5;
	[dreg:$0x0] =	wrdreg $0x0  }
0xb7: {  	s5 =	sshll.u32 s28, $0x1;
	[dreg:$0x2] =	wrdreg s3  }
0xb8: {  	[dreg:$0x3] =	wrdreg s5  }
0xb9: {  	[dreg:$0x4] =	wrdreg $0xC0  }
0xba: {  	_ =	task [dreg:s22], $0x5FFFF  }
0xbb: {  	[dreg:$0x1] =	wrdreg $0xFFFFFFFF  }
0xbc: {  	[dreg:$0x0] =	wrdreg $0x60  }
0xbd: {  	[dreg:$0x2] =	wrdreg s24  }
0xbe: {  	[dreg:$0x3] =	wrdreg $0xC  }
0xbf: {  	_ =	task.clear_ibuf [dreg:s22], $0x4FFFF;
	_ =	strace $0x9000004F  }
0xc0: {  	s29 =	simm.s32 $0xC;
	_ =	strace $0x80000051  }
0xc1: {  	_ =	swait.ge [sflag:s29], $0x1  }
0xc2: {  	[sflag:s29] =	ssyncadd.s32 $0xFFFFFFFF  }
0xc3: {  	_ =	strace $0x90000051  }
0xc4: {  	_ =	sfence  }
0xc5: {  	s30 =	sld [smem:$0x0];
	_ =	sdelay $0x2  }
0xc6: {  	s31 =	sshll.u32 s1, $0xD;
	s1 =	sshrl.u32 s1, $0x2  }
0xc7: {  	s4 =	sand.u32 $0x4000, s31;
	s1 =	sadd.s32 s1, s30  }
0xc8: {  	s0 =	sor.u32 s4, s0;
	s1 =	sshll.u32 s1, $0x11  }
0xc9: {  	s0 =	sor.u32 s1, s0  }
0xca: {  	s0 =	sadd.s32 $0x8F2B, s0  }
0xcb: {  	[sflag:s0] =	ssyncadd.remote.s32 $0x1  }
0xcc: {  	_ =	sfence.sel $0xFFFF  }
0xcd: {  	[dreg:$0x0] =	wrdreg $0xFFFFFFFF;
	(pc) =	sbr.abs _section_cstart, $3  }
0xce: {  	[dreg:$0x1] =	wrdreg $0xFFFFFFFF  }
0xcf: {  	_ =	task.clear_ibuf [dreg:s22], $0x2FFFF;
	_ =	strace $0x9FFFFFFF  }
0xd0: {  	(tm) =	ssettm $0x7FFFFFFF  }
0xd1: {  	_ =	shalt  }
tec
execute0_lowered:
.L_overlay_start_1:
0x0: {  	(tag) =	ssettag $0x1  }
0x1: {  	s0 =	srdreg.scid;
	s4 =	stileid.u32  }
0x2: {  	s1 =	rddreg [dreg:$0x0];
	s2 =	simm.s32 $0x0;
	s15 =	simm.s32 $0x1  }
0x3: {  	s16 =	simm.s32 $0x100;
	s13 =	simm.s32 $0x3;
	s17 =	simm.s32 $0x2  }
0x4: {  	s18 =	simm.s32 $0x8D00;
	s28 =	simm.s32 $0xCD00;
	s29 =	simm.s32 $0xD500  }
0x5: {  	s30 =	simm.s32 $0xDD00;
	s31 =	simm.s32 $0xE100;
	s19 =	simm.s32 $0x4  }
0x6: {  	s20 =	simm.s32 $0x5;
	s0 =	sand.u32 $0x1, s0;
	s3 =	sshll.u32 s4, $0x1  }
0x7: {  	[smem:$0x7FF] =	sst s2;
	s5 =	smul.u32 $0xC80, s4;
	s12 =	sadd.s32 $0x59F400, s1  }
0x8: {  	s4 =	sadd.s32 $0x8A00, s1;
	s9 =	sadd.s32 $0x1090E00, s1;
	s8 =	sadd.s32 $0x8D00, s1  }
0x9: {  	s3 =	sor.u32 s0, s3;
	s6 =	smul.u32 $0x640, s0;
	s0 =	ssub.s32 $0x2, s0  }
0xa: {  	_ =	strace $0x80000050;
	[dreg:$0x2] =	wrdreg s12;
	s7 =	sshrl.u32 s0, $0x1  }
0xb: {  	s3 =	smul.u32 $0x640, s3;
	s5 =	sadd.s32 s6, s5;
	s0 =	ssub.s32 s0, s7  }
0xc: {  	s6 =	sadd.s32 $0x8B00, s1;
	s7 =	sadd.s32 $0x8C00, s1;
	s1 =	simm.s32 $0xE900  }
0xd: {  	s3 =	sshrl.u32 s3, $0x3;
	s21 =	sor.u32 $0x28, s5;
	s23 =	sshrl.u32 s5, $0x3  }
0xe: {  	s24 =	sadd.s32 $0x78, s5;
	s0 =	smax.u32 s0, $0x1;
	s26 =	sadd.s32 $0x50, s5  }
0xf: {  	s5 =	simm.s32 $0xFD00;
	s10 =	sadd.s32 s12, s3;
	s3 =	sshrl.u32 s21, $0x3  }
0x10: {  	[dreg:$0x5] =	wrdreg s0;
	s25 =	sshrl.u32 s24, $0x3;
	s22 =	smul.u32 $0x380, s3  }
0x11: {  	[dreg:$0x7] =	wrdreg s26;
	s26 =	simm.s32 $0xC500;
	s3 =	smul.u32 $0x380, s23  }
.Ltmp0:
0x12: {  	[dreg:$0x3] =	wrdreg s10;
	s10 =	sadd.s32 $0x5, s10;
	(pc) =	sbr.rel .LBB2_1-.Ltmp0, $4  }
0x13: {  	s0 =	sadd.s32 s25, s12;
	s25 =	simm.s32 $0x9500;
	[dreg:$0x4] =	wrdreg s10  }
0x14: {  	v2 =	vlaneseq.u32;
	s12 =	simm.s32 $0x10D00;
	s23 =	simm.s32 $0x0;
	[dreg:$0x6] =	wrdreg s0  }
0x15: {  	vm0 =	vmmov $0xffff;
	vm1 =	vmmov $0xff;
	v1 =	vshrl.u32 v2, $0x3;
	s0 =	simm.s32 $0xF100;
	s10 =	simm.s32 $0x10500;
	s11 =	sadd.s32 s22, s9  }
0x16: {  	v0 =	vand.u32 $0x7, v2;
	v2 =	vor.u32 $0x8, v2;
	v1 =	vmul.u32 $0x8, v1;
	s14 =	sadd.s32 s3, s9;
	s9 =	simm.s32 $0xF900;
	s3 =	simm.s32 $0x11500  }
.LBB2_6:
0x17: {  	_ =	swait.ge [sflag:s20], $0x8C00  }
0x18: {  	[sflag:s20] =	ssyncset.done $0x0  }
0x19: {  	s22 =	simm.s32 $0x6;
	[sflag:s20] =	ssyncadd.s32 $0xFFFF7400  }
0x1a: {  	_ =	swait.ge [sflag:s22], $0x8C00  }
0x1b: {  	s23 =	rddreg [dreg:$0x8]  }
0x1c: {  	s21 =	rddreg [dreg:$0x5];
	s23 =	sadd.s32 $0x1, s23  }
0x1d: {  	p0 =	sne.s32 s23, s21  }
.Ltmp1:
0x1e: {  	_ = 	snop;
	(pc) =	sbr.rel @!p0 .LBB2_7-.Ltmp1, $3  }
0x1f: {  	_ =	sdelay $0x1  }
0x20: {  	[sflag:s22] =	ssyncset.done $0x0  }
0x21: {  	[sflag:s22] =	ssyncadd.s32 $0xFFFF7400  }
.LBB2_1:
0x22: {  	[dreg:$0x8] =	wrdreg s23  }
0x23: {  	s21 =	rddreg [dreg:$0x3]  }
0x24: {  	[tilespmem:s2], [sflag:$0x1] =	stream.linear.gather [hbm4b:s21+s2], $0x28, $0x38;
	[tilespmem:$0x11900] =	vst v63  }
0x25: {  	_ =	swait.ge [sflag:s15], $0x28  }
0x26: {  	[sflag:s15] =	ssyncset.done $0x0  }
0x27: {  	[sflag:s15] =	ssyncadd.s32 $0xFFFFFFD8  }
0x28: {  	v3 =	vld [tilespmem:$0x0];
	_ =	sdelay $0x4  }
0x29: {  	v4 =	vshrl.u32 v3, $0x3  }
0x2a: {  	v4 =	vmul.u32 $0x38, v4  }
0x2b: {  	v3 =	vand.u32 $0x7, v3  }
0x2c: {  	v3 =	vor.u32 v3, v4  }
0x2d: {  	v4 =	vperm.xlane v3, v0;
	_ =	sdelay $0x1  }
0x2e: {  	v4 =	vadd.s32 v1, v4;
	_ =	sdelay $0x4  }
0x2f: {  	[tilespmem:s16], [sflag:$0x3] =	stream.indirect_vreg.gather [hbm4b:s4+s2], $0x80, v4, vm0, $0xb8;
	[tilespmem:$0x11900] =	vst v63  }
0x30: {  	s23 =	simm.s32 $0x900;
	v3 =	vperm.xlane v3, v2  }
0x31: {  	[tilespmem:s23], [sflag:$0x3] =	stream.indirect_vreg.gather [hbm4b:s6+s2], $0x80, v4, vm0, $0xb8;
	[tilespmem:$0x11900] =	vst v63  }
0x32: {  	s24 =	simm.s32 $0x1100;
	v3 =	vadd.s32 v1, v3  }
0x33: {  	[tilespmem:s24], [sflag:$0x3] =	stream.indirect_vreg.gather [hbm4b:s7+s2], $0x80, v4, vm0, $0xb8;
	[tilespmem:$0x11900] =	vst v63  }
0x34: {  	s22 =	simm.s32 $0x1900  }
0x35: {  	[tilespmem:s22], [sflag:$0x3] =	stream.indirect_vreg.gather [hbm4b:s8+s2], $0x80, v4, vm1, $0xb8;
	[tilespmem:$0x11900] =	vst v63  }
0x36: {  	s23 =	simm.s32 $0x1D00  }
0x37: {  	[tilespmem:s23], [sflag:$0x3] =	stream.indirect_vreg.gather [hbm4b:s4+s2], $0x80, v3, vm0, $0xb8;
	[tilespmem:$0x11900] =	vst v63  }
0x38: {  	s24 =	simm.s32 $0x2500  }
0x39: {  	[tilespmem:s24], [sflag:$0x3] =	stream.indirect_vreg.gather [hbm4b:s6+s2], $0x80, v3, vm0, $0xb8;
	[tilespmem:$0x11900] =	vst v63  }
0x3a: {  	s22 =	simm.s32 $0x2D00  }
0x3b: {  	[tilespmem:s22], [sflag:$0x3] =	stream.indirect_vreg.gather [hbm4b:s7+s2], $0x80, v3, vm0, $0xb8;
	[tilespmem:$0x11900] =	vst v63  }
0x3c: {  	s23 =	simm.s32 $0x3500  }
0x3d: {  	[tilespmem:s23], [sflag:$0x3] =	stream.indirect_vreg.gather [hbm4b:s8+s2], $0x80, v3, vm1, $0xb8;
	[tilespmem:$0x11900] =	vst v63  }
0x3e: {  	v3 =	vld [tilespmem:$0x10];
	_ =	sdelay $0x4  }
0x3f: {  	v62 =	vshrl.u32 v3, $0x3  }
0x40: {  	v4 =	vmul.u32 $0x38, v62  }
0x41: {  	v3 =	vand.u32 $0x7, v3  }
0x42: {  	v3 =	vor.u32 v3, v4  }
0x43: {  	v4 =	vperm.xlane v3, v0;
	_ =	sdelay $0x1  }
0x44: {  	v4 =	vadd.s32 v1, v4;
	_ =	sdelay $0x3  }
0x45: {  	s24 =	simm.s32 $0x3900  }
0x46: {  	[tilespmem:s24], [sflag:$0x3] =	stream.indirect_vreg.gather [hbm4b:s4+s2], $0x80, v4, vm0, $0xb8;
	[tilespmem:$0x11900] =	vst v63  }
0x47: {  	s22 =	simm.s32 $0x4100;
	v3 =	vperm.xlane v3, v2  }
0x48: {  	[tilespmem:s22], [sflag:$0x3] =	stream.indirect_vreg.gather [hbm4b:s6+s2], $0x80, v4, vm0, $0xb8;
	[tilespmem:$0x11900] =	vst v63  }
0x49: {  	s23 =	simm.s32 $0x4900;
	v3 =	vadd.s32 v1, v3  }
0x4a: {  	[tilespmem:s23], [sflag:$0x3] =	stream.indirect_vreg.gather [hbm4b:s7+s2], $0x80, v4, vm0, $0xb8;
	[tilespmem:$0x11900] =	vst v63  }
0x4b: {  	s24 =	simm.s32 $0x5100  }
0x4c: {  	[tilespmem:s24], [sflag:$0x3] =	stream.indirect_vreg.gather [hbm4b:s8+s2], $0x80, v4, vm1, $0xb8;
	[tilespmem:$0x11900] =	vst v63  }
0x4d: {  	s22 =	simm.s32 $0x5500  }
0x4e: {  	[tilespmem:s22], [sflag:$0x3] =	stream.indirect_vreg.gather [hbm4b:s4+s2], $0x80, v3, vm0, $0xb8;
	[tilespmem:$0x11900] =	vst v63  }
0x4f: {  	s23 =	simm.s32 $0x5D00  }
0x50: {  	[tilespmem:s23], [sflag:$0x3] =	stream.indirect_vreg.gather [hbm4b:s6+s2], $0x80, v3, vm0, $0xb8;
	[tilespmem:$0x11900] =	vst v63  }
0x51: {  	s24 =	simm.s32 $0x6500  }
0x52: {  	[tilespmem:s24], [sflag:$0x3] =	stream.indirect_vreg.gather [hbm4b:s7+s2], $0x80, v3, vm0, $0xb8;
	[tilespmem:$0x11900] =	vst v63  }
0x53: {  	s22 =	simm.s32 $0x6D00  }
0x54: {  	[tilespmem:s22], [sflag:$0x3] =	stream.indirect_vreg.gather [hbm4b:s8+s2], $0x80, v3, vm1, $0xb8;
	[tilespmem:$0x11900] =	vst v63  }
0x55: {  	v3 =	vld.msk [tilespmem:$0x20], $0xff;
	_ =	sdelay $0x4  }
0x56: {  	v63 =	vshrl.u32 v3, $0x3  }
0x57: {  	v4 =	vmul.u32 $0x38, v63  }
0x58: {  	v3 =	vand.u32 $0x7, v3  }
0x59: {  	v3 =	vor.u32 v3, v4  }
0x5a: {  	v3 =	vperm.xlane v3, v0;
	_ =	sdelay $0x1  }
0x5b: {  	v3 =	vadd.s32 v1, v3;
	_ =	sdelay $0x3  }
0x5c: {  	s23 =	simm.s32 $0x7100  }
0x5d: {  	[tilespmem:s23], [sflag:$0x3] =	stream.indirect_vreg.gather [hbm4b:s4+s2], $0x80, v3, vm0, $0xb8;
	[tilespmem:$0x11900] =	vst v63  }
0x5e: {  	s24 =	simm.s32 $0x7900  }
0x5f: {  	[tilespmem:s24], [sflag:$0x3] =	stream.indirect_vreg.gather [hbm4b:s6+s2], $0x80, v3, vm0, $0xb8;
	[tilespmem:$0x11900] =	vst v63  }
0x60: {  	s22 =	simm.s32 $0x8100  }
0x61: {  	[tilespmem:s22], [sflag:$0x3] =	stream.indirect_vreg.gather [hbm4b:s7+s2], $0x80, v3, vm0, $0xb8;
	[tilespmem:$0x11900] =	vst v63  }
.Ltmp2:
0x62: {  	s21 =	rddreg [dreg:$0x7];
	s23 =	simm.s32 $0x8900;
	(pc) =	sbr.rel .LBB2_2-.Ltmp2, $4  }
0x63: {  	[tilespmem:s23], [sflag:$0x3] =	stream.indirect_vreg.gather [hbm4b:s8+s2], $0x80, v3, vm1, $0xb8;
	[tilespmem:$0x11900] =	vst v63  }
0x64: {  	s24 =	rddreg [dreg:$0x4];
	s22 =	simm.s32 $0x80  }
0x65: {  	[tilespmem:s22], [sflag:$0x2] =	stream.linear.gather [hbm4b:s24+s2], $0x28, $0x38;
	[tilespmem:$0x11900] =	vst v63  }
0x66: {  	s23 =	simm.s32 $0x0;
	s22 =	rddreg [dreg:$0x6]  }
.LBB2_4:
0x67: {  	_ =	swait.ge [sflag:s19], $0x8C00  }
0x68: {  	[sflag:s19] =	ssyncset.done $0x0  }
0x69: {  	[sflag:s19] =	ssyncadd.s32 $0xFFFF7400  }
.LBB2_5:
0x6a: {  	s24 =	sadd.s32 s23, s11;
	s23 =	sadd.s32 $0x2300, s23  }
0x6b: {  	p0 =	sne.s32 s23, $0x2BC00  }
.Ltmp3:
0x6c: {  	_ = 	snop;
	(pc) =	sbr.rel @!p0 .LBB2_6-.Ltmp3, $3  }
0x6d: {  	_ =	sdelay $0x1  }
0x6e: {  	s22 =	sadd.s32 $0xA, s22;
	s21 =	sadd.s32 $0x50, s21  }
0x6f: {  	[hbm4b:s24+s2] =	stream.linear.scatter [tilespmem:s18], [sflag:$0x6], $0x8C00, $0x38;
	[tilespmem:$0x11900] =	vst v63  }
.LBB2_2:
0x70: {  	_ =	swait.ge [sflag:s13], $0x8C00  }
0x71: {  	[sflag:s13] =	ssyncset.done $0x0  }
0x72: {  	[sflag:s13] =	ssyncadd.s32 $0xFFFF7400  }
0x73: {  	_ =	swait.ge [sflag:s17], $0x28  }
0x74: {  	p0 =	seq.s32 s23, $0x0;
	[sflag:s17] =	ssyncset.done $0x0  }
0x75: {  	s24 =	simm.s32 @!p0 $0x6;
	[sflag:s17] =	ssyncadd.s32 $0xFFFFFFD8  }
0x76: {  	_ =	swait.ge @!p0 [sflag:s24], $0x8C00  }
0x77: {  	[sflag:s24] =	ssyncset.done @!p0 $0x0  }
0x78: {  	[sflag:s24] =	ssyncadd.s32 @!p0 $0xFFFF7400  }
0x79: {  	v3 =	vld [tilespmem:$0x80];
	_ =	sdelay $0x4  }
0x7a: {  	v4 =	vshrl.u32 v3, $0x3  }
0x7b: {  	v4 =	vmul.u32 $0x38, v4  }
0x7c: {  	v3 =	vand.u32 $0x7, v3  }
0x7d: {  	v3 =	vor.u32 v3, v4  }
0x7e: {  	v4 =	vperm.xlane v3, v0;
	_ =	sdelay $0x1  }
0x7f: {  	v4 =	vadd.s32 v1, v4;
	_ =	sdelay $0x4  }
0x80: {  	[tilespmem:s18], [sflag:$0x4] =	stream.indirect_vreg.gather [hbm4b:s4+s2], $0x80, v4, vm0, $0xb8;
	[tilespmem:$0x11900] =	vst v63  }
0x81: {  	v3 =	vperm.xlane v3, v2  }
0x82: {  	[tilespmem:s25], [sflag:$0x4] =	stream.indirect_vreg.gather [hbm4b:s6+s2], $0x80, v4, vm0, $0xb8;
	[tilespmem:$0x11900] =	vst v63  }
0x83: {  	s24 =	simm.s32 $0x9D00;
	v3 =	vadd.s32 v1, v3  }
0x84: {  	[tilespmem:s24], [sflag:$0x4] =	stream.indirect_vreg.gather [hbm4b:s7+s2], $0x80, v4, vm0, $0xb8;
	[tilespmem:$0x11900] =	vst v63  }
0x85: {  	s24 =	simm.s32 $0xA500  }
0x86: {  	[tilespmem:s24], [sflag:$0x4] =	stream.indirect_vreg.gather [hbm4b:s8+s2], $0x80, v4, vm1, $0xb8;
	[tilespmem:$0x11900] =	vst v63  }
0x87: {  	s24 =	simm.s32 $0xA900  }
0x88: {  	[tilespmem:s24], [sflag:$0x4] =	stream.indirect_vreg.gather [hbm4b:s4+s2], $0x80, v3, vm0, $0xb8;
	[tilespmem:$0x11900] =	vst v63  }
0x89: {  	s24 =	simm.s32 $0xB100  }
0x8a: {  	[tilespmem:s24], [sflag:$0x4] =	stream.indirect_vreg.gather [hbm4b:s6+s2], $0x80, v3, vm0, $0xb8;
	[tilespmem:$0x11900] =	vst v63  }
0x8b: {  	s24 =	simm.s32 $0xB900  }
0x8c: {  	[tilespmem:s24], [sflag:$0x4] =	stream.indirect_vreg.gather [hbm4b:s7+s2], $0x80, v3, vm0, $0xb8;
	[tilespmem:$0x11900] =	vst v63  }
0x8d: {  	s24 =	simm.s32 $0xC100  }
0x8e: {  	[tilespmem:s24], [sflag:$0x4] =	stream.indirect_vreg.gather [hbm4b:s8+s2], $0x80, v3, vm1, $0xb8;
	[tilespmem:$0x11900] =	vst v63  }
0x8f: {  	v3 =	vld [tilespmem:$0x90];
	_ =	sdelay $0x4  }
0x90: {  	v62 =	vshrl.u32 v3, $0x3  }
0x91: {  	v4 =	vmul.u32 $0x38, v62  }
0x92: {  	v3 =	vand.u32 $0x7, v3  }
0x93: {  	v3 =	vor.u32 v3, v4  }
0x94: {  	v4 =	vperm.xlane v3, v0;
	_ =	sdelay $0x1  }
0x95: {  	v4 =	vadd.s32 v1, v4;
	_ =	sdelay $0x4  }
0x96: {  	[tilespmem:s26], [sflag:$0x4] =	stream.indirect_vreg.gather [hbm4b:s4+s2], $0x80, v4, vm0, $0xb8;
	[tilespmem:$0x11900] =	vst v63  }
0x97: {  	v3 =	vperm.xlane v3, v2  }
0x98: {  	[tilespmem:s28], [sflag:$0x4] =	stream.indirect_vreg.gather [hbm4b:s6+s2], $0x80, v4, vm0, $0xb8;
	[tilespmem:$0x11900] =	vst v63  }
0x99: {  	v3 =	vadd.s32 v1, v3  }
0x9a: {  	[tilespmem:s29], [sflag:$0x4] =	stream.indirect_vreg.gather [hbm4b:s7+s2], $0x80, v4, vm0, $0xb8;
	[tilespmem:$0x11900] =	vst v63  }
0x9b: {  	_ = 	snop  }
0x9c: {  	[tilespmem:s30], [sflag:$0x4] =	stream.indirect_vreg.gather [hbm4b:s8+s2], $0x80, v4, vm1, $0xb8;
	[tilespmem:$0x11900] =	vst v63  }
0x9d: {  	_ = 	snop  }
0x9e: {  	[tilespmem:s31], [sflag:$0x4] =	stream.indirect_vreg.gather [hbm4b:s4+s2], $0x80, v3, vm0, $0xb8;
	[tilespmem:$0x11900] =	vst v63  }
0x9f: {  	_ = 	snop  }
0xa0: {  	[tilespmem:s1], [sflag:$0x4] =	stream.indirect_vreg.gather [hbm4b:s6+s2], $0x80, v3, vm0, $0xb8;
	[tilespmem:$0x11900] =	vst v63  }
0xa1: {  	_ = 	snop  }
0xa2: {  	[tilespmem:s0], [sflag:$0x4] =	stream.indirect_vreg.gather [hbm4b:s7+s2], $0x80, v3, vm0, $0xb8;
	[tilespmem:$0x11900] =	vst v63  }
0xa3: {  	_ = 	snop  }
0xa4: {  	[tilespmem:s9], [sflag:$0x4] =	stream.indirect_vreg.gather [hbm4b:s8+s2], $0x80, v3, vm1, $0xb8;
	[tilespmem:$0x11900] =	vst v63  }
0xa5: {  	v3 =	vld.msk [tilespmem:$0xA0], $0xff;
	_ =	sdelay $0x4  }
0xa6: {  	v63 =	vshrl.u32 v3, $0x3  }
0xa7: {  	v4 =	vmul.u32 $0x38, v63  }
0xa8: {  	v3 =	vand.u32 $0x7, v3  }
0xa9: {  	v3 =	vor.u32 v3, v4  }
0xaa: {  	v3 =	vperm.xlane v3, v0;
	_ =	sdelay $0x1  }
0xab: {  	v3 =	vadd.s32 v1, v3;
	_ =	sdelay $0x4  }
0xac: {  	[tilespmem:s5], [sflag:$0x4] =	stream.indirect_vreg.gather [hbm4b:s4+s2], $0x80, v3, vm0, $0xb8;
	[tilespmem:$0x11900] =	vst v63  }
0xad: {  	_ = 	snop  }
0xae: {  	[tilespmem:s10], [sflag:$0x4] =	stream.indirect_vreg.gather [hbm4b:s6+s2], $0x80, v3, vm0, $0xb8;
	[tilespmem:$0x11900] =	vst v63  }
0xaf: {  	p0 =	seq.s32 s23, $0x29900  }
0xb0: {  	[tilespmem:s12], [sflag:$0x4] =	stream.indirect_vreg.gather [hbm4b:s7+s2], $0x80, v3, vm0, $0xb8;
	[tilespmem:$0x11900] =	vst v63  }
.Ltmp4:
0xb1: {  	_ = 	snop;
	(pc) =	sbr.rel @p0 .LBB2_4-.Ltmp4, $4  }
0xb2: {  	_ = 	snop  }
0xb3: {  	[tilespmem:s3], [sflag:$0x4] =	stream.indirect_vreg.gather [hbm4b:s8+s2], $0x80, v3, vm1, $0xb8;
	[tilespmem:$0x11900] =	vst v63  }
0xb4: {  	s24 =	sadd.s32 s23, s14  }
0xb5: {  	[hbm4b:s24+s2] =	stream.linear.scatter [tilespmem:s16], [sflag:$0x5], $0x8C00, $0x38;
	[tilespmem:$0x11900] =	vst v63  }
0xb6: {  	s24 =	sshrl.u32 s21, $0x3;
	s25 =	rddreg [dreg:$0x2]  }
0xb7: {  	s24 =	sadd.s32 s25, s24  }
0xb8: {  	[tilespmem:s2], [sflag:$0x1] =	stream.linear.gather [hbm4b:s24+s2], $0x28, $0x38;
	[tilespmem:$0x11900] =	vst v63  }
0xb9: {  	_ =	swait.ge [sflag:s19], $0x8C00  }
0xba: {  	[sflag:s19] =	ssyncset.done $0x0  }
0xbb: {  	[sflag:s19] =	ssyncadd.s32 $0xFFFF7400  }
0xbc: {  	_ =	swait.ge [sflag:s15], $0x28  }
0xbd: {  	[sflag:s15] =	ssyncset.done $0x0  }
0xbe: {  	[sflag:s15] =	ssyncadd.s32 $0xFFFFFFD8  }
0xbf: {  	_ =	swait.ge [sflag:s20], $0x8C00  }
0xc0: {  	[sflag:s20] =	ssyncset.done $0x0  }
0xc1: {  	[sflag:s20] =	ssyncadd.s32 $0xFFFF7400  }
0xc2: {  	v3 =	vld [tilespmem:$0x0];
	_ =	sdelay $0x4  }
0xc3: {  	v4 =	vshrl.u32 v3, $0x3  }
0xc4: {  	v4 =	vmul.u32 $0x38, v4  }
0xc5: {  	v3 =	vand.u32 $0x7, v3  }
0xc6: {  	v3 =	vor.u32 v3, v4  }
0xc7: {  	v4 =	vperm.xlane v3, v0;
	_ =	sdelay $0x1  }
0xc8: {  	v4 =	vadd.s32 v1, v4;
	_ =	sdelay $0x4  }
0xc9: {  	[tilespmem:s16], [sflag:$0x3] =	stream.indirect_vreg.gather [hbm4b:s4+s2], $0x80, v4, vm0, $0xb8;
	[tilespmem:$0x11900] =	vst v63  }
0xca: {  	s24 =	simm.s32 $0x900;
	v3 =	vperm.xlane v3, v2  }
0xcb: {  	[tilespmem:s24], [sflag:$0x3] =	stream.indirect_vreg.gather [hbm4b:s6+s2], $0x80, v4, vm0, $0xb8;
	[tilespmem:$0x11900] =	vst v63  }
0xcc: {  	v3 =	vadd.s32 v1, v3;
	s24 =	simm.s32 $0x1100  }
0xcd: {  	[tilespmem:s24], [sflag:$0x3] =	stream.indirect_vreg.gather [hbm4b:s7+s2], $0x80, v4, vm0, $0xb8;
	[tilespmem:$0x11900] =	vst v63  }
0xce: {  	s24 =	simm.s32 $0x1900  }
0xcf: {  	[tilespmem:s24], [sflag:$0x3] =	stream.indirect_vreg.gather [hbm4b:s8+s2], $0x80, v4, vm1, $0xb8;
	[tilespmem:$0x11900] =	vst v63  }
0xd0: {  	s24 =	simm.s32 $0x1D00  }
0xd1: {  	[tilespmem:s24], [sflag:$0x3] =	stream.indirect_vreg.gather [hbm4b:s4+s2], $0x80, v3, vm0, $0xb8;
	[tilespmem:$0x11900] =	vst v63  }
0xd2: {  	s24 =	simm.s32 $0x2500  }
0xd3: {  	[tilespmem:s24], [sflag:$0x3] =	stream.indirect_vreg.gather [hbm4b:s6+s2], $0x80, v3, vm0, $0xb8;
	[tilespmem:$0x11900] =	vst v63  }
0xd4: {  	s24 =	simm.s32 $0x2D00  }
0xd5: {  	[tilespmem:s24], [sflag:$0x3] =	stream.indirect_vreg.gather [hbm4b:s7+s2], $0x80, v3, vm0, $0xb8;
	[tilespmem:$0x11900] =	vst v63  }
0xd6: {  	s24 =	simm.s32 $0x3500  }
0xd7: {  	[tilespmem:s24], [sflag:$0x3] =	stream.indirect_vreg.gather [hbm4b:s8+s2], $0x80, v3, vm1, $0xb8;
	[tilespmem:$0x11900] =	vst v63  }
0xd8: {  	v3 =	vld [tilespmem:$0x10];
	_ =	sdelay $0x4  }
0xd9: {  	v62 =	vshrl.u32 v3, $0x3  }
0xda: {  	v4 =	vmul.u32 $0x38, v62  }
0xdb: {  	v3 =	vand.u32 $0x7, v3  }
0xdc: {  	v3 =	vor.u32 v3, v4  }
0xdd: {  	v4 =	vperm.xlane v3, v0;
	_ =	sdelay $0x1  }
0xde: {  	v4 =	vadd.s32 v1, v4;
	_ =	sdelay $0x3  }
0xdf: {  	s24 =	simm.s32 $0x3900  }
0xe0: {  	[tilespmem:s24], [sflag:$0x3] =	stream.indirect_vreg.gather [hbm4b:s4+s2], $0x80, v4, vm0, $0xb8;
	[tilespmem:$0x11900] =	vst v63  }
0xe1: {  	v3 =	vperm.xlane v3, v2;
	s24 =	simm.s32 $0x4100  }
0xe2: {  	[tilespmem:s24], [sflag:$0x3] =	stream.indirect_vreg.gather [hbm4b:s6+s2], $0x80, v4, vm0, $0xb8;
	[tilespmem:$0x11900] =	vst v63  }
0xe3: {  	v3 =	vadd.s32 v1, v3;
	s24 =	simm.s32 $0x4900  }
0xe4: {  	[tilespmem:s24], [sflag:$0x3] =	stream.indirect_vreg.gather [hbm4b:s7+s2], $0x80, v4, vm0, $0xb8;
	[tilespmem:$0x11900] =	vst v63  }
0xe5: {  	s24 =	simm.s32 $0x5100  }
0xe6: {  	[tilespmem:s24], [sflag:$0x3] =	stream.indirect_vreg.gather [hbm4b:s8+s2], $0x80, v4, vm1, $0xb8;
	[tilespmem:$0x11900] =	vst v63  }
0xe7: {  	s24 =	simm.s32 $0x5500  }
0xe8: {  	[tilespmem:s24], [sflag:$0x3] =	stream.indirect_vreg.gather [hbm4b:s4+s2], $0x80, v3, vm0, $0xb8;
	[tilespmem:$0x11900] =	vst v63  }
0xe9: {  	s24 =	simm.s32 $0x5D00  }
0xea: {  	[tilespmem:s24], [sflag:$0x3] =	stream.indirect_vreg.gather [hbm4b:s6+s2], $0x80, v3, vm0, $0xb8;
	[tilespmem:$0x11900] =	vst v63  }
0xeb: {  	s24 =	simm.s32 $0x6500  }
0xec: {  	[tilespmem:s24], [sflag:$0x3] =	stream.indirect_vreg.gather [hbm4b:s7+s2], $0x80, v3, vm0, $0xb8;
	[tilespmem:$0x11900] =	vst v63  }
0xed: {  	s24 =	simm.s32 $0x6D00  }
0xee: {  	[tilespmem:s24], [sflag:$0x3] =	stream.indirect_vreg.gather [hbm4b:s8+s2], $0x80, v3, vm1, $0xb8;
	[tilespmem:$0x11900] =	vst v63  }
0xef: {  	v3 =	vld.msk [tilespmem:$0x20], $0xff;
	_ =	sdelay $0x4  }
0xf0: {  	v63 =	vshrl.u32 v3, $0x3  }
0xf1: {  	v4 =	vmul.u32 $0x38, v63  }
0xf2: {  	v3 =	vand.u32 $0x7, v3  }
0xf3: {  	v3 =	vor.u32 v3, v4  }
0xf4: {  	v3 =	vperm.xlane v3, v0;
	_ =	sdelay $0x1  }
0xf5: {  	v3 =	vadd.s32 v1, v3;
	_ =	sdelay $0x3  }
0xf6: {  	s24 =	simm.s32 $0x7100  }
0xf7: {  	[tilespmem:s24], [sflag:$0x3] =	stream.indirect_vreg.gather [hbm4b:s4+s2], $0x80, v3, vm0, $0xb8;
	[tilespmem:$0x11900] =	vst v63  }
0xf8: {  	s24 =	simm.s32 $0x7900  }
0xf9: {  	[tilespmem:s24], [sflag:$0x3] =	stream.indirect_vreg.gather [hbm4b:s6+s2], $0x80, v3, vm0, $0xb8;
	[tilespmem:$0x11900] =	vst v63  }
0xfa: {  	s24 =	simm.s32 $0x8100  }
0xfb: {  	[tilespmem:s24], [sflag:$0x3] =	stream.indirect_vreg.gather [hbm4b:s7+s2], $0x80, v3, vm0, $0xb8;
	[tilespmem:$0x11900] =	vst v63  }
.Ltmp5:
0xfc: {  	_ = 	snop;
	(pc) =	sbr.rel .LBB2_5-.Ltmp5, $4  }
0xfd: {  	s24 =	simm.s32 $0x8900  }
0xfe: {  	[tilespmem:s24], [sflag:$0x3] =	stream.indirect_vreg.gather [hbm4b:s8+s2], $0x80, v3, vm1, $0xb8;
	[tilespmem:$0x11900] =	vst v63  }
0xff: {  	s25 =	simm.s32 $0x9500;
	s24 =	simm.s32 $0x80  }
0x100: {  	[tilespmem:s24], [sflag:$0x2] =	stream.linear.gather [hbm4b:s22+s2], $0x28, $0x38;
	[tilespmem:$0x11900] =	vst v63  }
.LBB2_7:
0x101: {  	_ =	sfence.sel $0x180000  }
0x102: {  	[bflag:$0x0] =	sbarrier.arrive $0xFFFF  }
0x103: {  	_ =	strace $0x90000050  }
0x104: {  	s0 =	stileid.u32;
	[bflag:$0x2] =	sbarrier.arrive $0xFFFF  }
0x105: {  	p0 =	sne.s32 s0, $0x0;
	s0 =	rddreg [dreg:$0x1]  }
0x106: {  	s0 =	sadd.s32 @!p0 $0x100000, s0  }
0x107: {  	[sflag:s0] =	ssyncadd.tile.s32 @!p0 $0x1;
	_ =	shalt  }
.Lfunc_end2:
_tile_overlayer_lowered:
.L_overlay_start_2:
0x108: {  	(tag) =	ssettag $0x2  }
0x109: {  	s0 =	rddreg [dreg:$0x0];
	s2 =	stileid.u32  }
0x10a: {  	s1 =	rddreg [dreg:$0x1];
	p0 =	sne.s32 s2, $0x0  }
0x10b: {  	s3 =	rddreg [dreg:$0x2];
	[bflag:$0x3] =	sbarrier.arrive $0xFFFF;
	s2 =	simm.s32 @!p0 $0x1C07  }
0x10c: {  	[timem:s3], [sflag:s2] =	dma.local @!p0 [hbm:s0], s1  }
0x10d: {  	s0 =	simm.s32 @!p0 $0x7  }
0x10e: {  	_ =	swait.ge @!p0 [sflag:s0], s1  }
0x10f: {  	s1 =	ssub.s32 @!p0 $0x0, s1;
	[sflag:s0] =	ssyncset.done @!p0 $0x0  }
0x110: {  	[sflag:s0] =	ssyncadd.s32 @!p0 s1  }
0x111: {  	[bflag:$0x3] =	sbarrier.arrive $0xFFFF  }
0x112: {  	_ =	shalt  }

</sc_bundles>
